<compile_context>
chip_gen: v7x
topology: tpu7x:2x2x1
jax: 0.10.2.dev20260603
libtpu: 0.0.44.dev20260713+nightly
codegen_flags: <defaults>
</compile_context>

<pallas_src>
import jax
import jax.numpy as jnp
from jax import lax
from jax.experimental import pallas as pl
from jax.experimental.pallas import tpu as pltpu
from jax.experimental.pallas import tpu_sc as plsc

N = 10000
E = 320000
D_IN = 128
HID = 256
B = 200
NPG = 50
K = NPG // 2

_NC = 2
_NS = 16
_EC = 128
_SU = 16
_UPT = 10
_EP = _NS * _UPT * _SU * _EC
_CR = _EP // _EC
_NA = N + 16
_RPT = 640
_ZR = 80

_f32 = jnp.float32


def _mesh():
  return plsc.VectorSubcoreMesh(
      core_axis_name="c", subcore_axis_name="s", num_cores=_NC,
      num_subcores=_NS)


def _fill2d(ref, nrows, ncols, value):
  def row(r, _):
    def col(k, _):
      ref[r, pl.ds(k * 16, 16)] = jnp.full((16,), value, jnp.float32)
      return ()
    lax.fori_loop(0, ncols // 16, col, ())
    return ()
  lax.fori_loop(0, nrows, row, ())


def _zero_acc(acc, zbuf, s):
  row0 = s * _RPT
  nzc = jnp.where(s == _NS - 1, 5, _RPT // _ZR)

  def zc(j, _):
    pltpu.sync_copy(zbuf, acc.at[pl.ds(row0 + j * _ZR, _ZR)])
    return ()
  lax.fori_loop(0, nzc, zc, ())

  @pl.when(s == _NS - 1)
  def _():
    pltpu.sync_copy(zbuf.at[pl.ds(0, 16)], acc.at[pl.ds(N, 16)])


def _dump_acc(acc, out_hbm, jid, s):
  row0 = s * _RPT
  nzc = jnp.where(s == _NS - 1, 5, _RPT // _ZR)

  def dc(j, _):
    r = row0 + j * _ZR
    pltpu.sync_copy(acc.at[pl.ds(r, _ZR)], out_hbm.at[jid, pl.ds(r, _ZR)])
    return ()
  lax.fori_loop(0, nzc, dc, ())


_NCH = E // _EC


def _count_body(h_dst, t_dst, b_dst, b_src, ones1, zer1,
                cnt_h, cnt_t, cnt_bt, cnt_bh,
                idx_v, ones_v, zbuf, acc):
  c = lax.axis_index("c")
  s = lax.axis_index("s")
  row0 = s * _RPT
  nzc = jnp.where(s == _NS - 1, 5, _RPT // _ZR)
  nch = jnp.where(s < _NCH % _NS, _NCH // _NS + 1, _NCH // _NS)

  def grow(buf, nrows):
    r = 1
    while r < nrows:
      step = min(r, nrows - r)
      pltpu.sync_copy(buf.at[pl.ds(0, step)], acc.at[pl.ds(0, step)])
      pltpu.sync_copy(acc.at[pl.ds(0, step)], buf.at[pl.ds(r, step)])
      r += step

  pltpu.sync_copy(ones1, ones_v.at[0])
  grow(ones_v, _EC)
  plsc.subcore_barrier()
  pltpu.sync_copy(zer1, zbuf.at[0])
  grow(zbuf, _ZR)
  plsc.subcore_barrier()

  def run(idx_hbm, out_hbm):
    def zc(j, _):
      pltpu.sync_copy(zbuf, acc.at[pl.ds(row0 + j * _ZR, _ZR)])
      return ()
    lax.fori_loop(0, nzc, zc, ())

    @pl.when(s == _NS - 1)
    def _():
      pltpu.sync_copy(zbuf.at[pl.ds(0, 16)], acc.at[pl.ds(N, 16)])
    plsc.subcore_barrier()

    def step(k, _):
      base = (s + k * _NS) * _EC
      pltpu.sync_copy(idx_hbm.at[pl.ds(base, _EC)], idx_v)
      pltpu.sync_copy(ones_v, acc.at[idx_v], add=True)
      return ()
    lax.fori_loop(0, nch, step, ())
    plsc.subcore_barrier()

    def dc(j, _):
      r = row0 + j * _ZR
      pltpu.sync_copy(acc.at[pl.ds(r, _ZR)], out_hbm.at[pl.ds(r, _ZR)])
      return ()
    lax.fori_loop(0, nzc, dc, ())
    plsc.subcore_barrier()

  @pl.when(c == 0)
  def _():
    run(h_dst, cnt_h)
    run(b_dst, cnt_bt)

  @pl.when(c == 1)
  def _():
    run(t_dst, cnt_t)
    run(b_src, cnt_bh)


def _agg_body(tab, srci, dsti, agg_out,
              sidx2, didx2, rows0, rows1, zbuf, acc, gs0, gs1):
  c = lax.axis_index("c")
  s = lax.axis_index("s")
  rows = (rows0, rows1)
  gsem = (gs0, gs1)

  _fill2d(zbuf, _ZR, D_IN, 0.0)

  def round_(r, _):
    jid = r * _NC + c
    _zero_acc(acc, zbuf, s)
    plsc.subcore_barrier()

    def u_body(u, _):
      base = (s * _UPT + u) * _SU
      pltpu.sync_copy(srci.at[jid, pl.ds(base, _SU)], sidx2)
      pltpu.sync_copy(dsti.at[jid, pl.ds(base, _SU)], didx2)
      cur = pltpu.async_copy(tab.at[sidx2.at[0]], rows[0], gsem[0])
      for j in range(_SU):
        b = j % 2
        if j + 1 < _SU:
          nxt = pltpu.async_copy(tab.at[sidx2.at[j + 1]], rows[1 - b],
                                 gsem[1 - b])
        cur.wait()
        pltpu.sync_copy(rows[b], acc.at[didx2.at[j]], add=True)
        if j + 1 < _SU:
          cur = nxt
      return ()
    lax.fori_loop(0, _UPT, u_body, ())
    plsc.subcore_barrier()

    _dump_acc(acc, agg_out, jid, s)
    plsc.subcore_barrier()
    return ()
  lax.fori_loop(0, 2, round_, ())


def _sc_counts(h_dst, t_dst, b_dst, b_src):
  ones_in = jnp.ones((16,), _f32)
  zer_in = jnp.zeros((16,), _f32)
  out = tuple(jax.ShapeDtypeStruct((N, 16), _f32) for _ in range(4))
  return pl.kernel(
      _count_body,
      out_type=out,
      mesh=_mesh(),
      scratch_types=[
          pltpu.VMEM((_EC,), jnp.int32),
          pltpu.VMEM((_EC, 16), _f32),
          pltpu.VMEM((_ZR, 16), _f32),
          pltpu.VMEM_SHARED((_NA, 16), _f32),
      ],
  )(h_dst, t_dst, b_dst, b_src, ones_in, zer_in)


def _sc_aggs(tab, srci, dsti):
  return pl.kernel(
      _agg_body,
      out_type=jax.ShapeDtypeStruct((4, N, D_IN), _f32),
      mesh=_mesh(),
      scratch_types=[
          pltpu.VMEM((_SU, _EC), jnp.int32),
          pltpu.VMEM((_SU, _EC), jnp.int32),
          pltpu.VMEM((_EC, D_IN), _f32),
          pltpu.VMEM((_EC, D_IN), _f32),
          pltpu.VMEM((_ZR, D_IN), _f32),
          pltpu.VMEM_SHARED((_NA, D_IN), _f32),
          pltpu.SemaphoreType.DMA,
          pltpu.SemaphoreType.DMA,
      ],
  )(tab, srci, dsti)



_BLK = 2000


def _elu(x):
  return jnp.where(x > 0, x, jnp.exp(jnp.minimum(x, 0.0)) - 1.0)


def _prep_body(hx_in, tx_in, ch, ct, cbt, cbh,
               hx_o, tx_o, hs_o, ts_o, dh_o, dt_o, rbt_o, rbh_o):
  hx = _elu(hx_in[...])
  tx = _elu(tx_in[...])
  dh = lax.rsqrt(ch[...] + 1.0)
  dt = lax.rsqrt(ct[...] + 1.0)
  hx_o[...] = hx
  tx_o[...] = tx
  hs_o[...] = hx * dh[:, 0:1]
  ts_o[...] = tx * dt[:, 0:1]
  dh_o[...] = dh
  dt_o[...] = dt
  rbt_o[...] = 1.0 / jnp.maximum(cbt[...], 1.0)
  rbh_o[...] = 1.0 / jnp.maximum(cbh[...], 1.0)


def _tc_prep(h_x, t_x, ch, ct, cbt, cbh):
  g = N // _BLK
  row = lambda i: (i, 0)
  bs128 = pl.BlockSpec((_BLK, D_IN), row)
  bs16 = pl.BlockSpec((_BLK, 16), row)
  return pl.pallas_call(
      _prep_body,
      grid=(g,),
      in_specs=[bs128, bs128, bs16, bs16, bs16, bs16],
      out_specs=[bs128, bs128, bs128, bs128, bs16, bs16, bs16, bs16],
      out_shape=[jax.ShapeDtypeStruct((N, D_IN), _f32)] * 4
      + [jax.ShapeDtypeStruct((N, 16), _f32)] * 4,
  )(h_x, t_x, ch, ct, cbt, cbh)


def _dense_body(x, xs, agg, aggb, dinv, rb, W, bconv, Wl, Wr, bbi, out):
  d = dinv[:, 0:1]
  pre = (agg[0][...] + xs[...]) * d
  rep = jnp.dot(pre, W[...], preferred_element_type=_f32) + bconv[...]
  mean = aggb[0][...] * rb[:, 0:1]
  bi = (jnp.dot(mean, Wl[...], preferred_element_type=_f32)
        + jnp.dot(x[...], Wr[...], preferred_element_type=_f32) + bbi[...])
  out[...] = jnp.concatenate([rep, bi], axis=1)


def _tc_dense(x, xs, AGG, jid_a, jid_b, dinv, rb, W, bconv, Wl, Wr, bbi):
  g = N // _BLK
  row = lambda i: (i, 0)
  full = lambda i: (0, 0)
  bs128 = pl.BlockSpec((_BLK, D_IN), row)
  bs16 = pl.BlockSpec((_BLK, 16), row)
  aspec = pl.BlockSpec((1, _BLK, D_IN), lambda i: (jid_a, i, 0))
  bspec3 = pl.BlockSpec((1, _BLK, D_IN), lambda i: (jid_b, i, 0))
  wspec = pl.BlockSpec((D_IN, D_IN), full)
  bspec = pl.BlockSpec((1, D_IN), full)
  return pl.pallas_call(
      _dense_body,
      grid=(g,),
      in_specs=[bs128, bs128, aspec, bspec3, bs16, bs16,
                wspec, bspec, wspec, wspec, bspec],
      out_specs=pl.BlockSpec((_BLK, HID), row),
      out_shape=jax.ShapeDtypeStruct((N, HID), _f32),
  )(x, xs, AGG, AGG, dinv, rb, W, bconv, Wl, Wr, bbi)


_GB = 40


def _pool_body(hn, p, out):
  h = hn[...]
  score = jnp.sum(h * p[...], axis=2)
  sA = score[:, :, None]
  sB = score[:, None, :]
  ii = lax.broadcasted_iota(jnp.int32, (_GB, NPG, NPG), 1)
  jj = lax.broadcasted_iota(jnp.int32, (_GB, NPG, NPG), 2)
  ahead = (sB > sA) | ((sB == sA) & (jj < ii))
  rank = jnp.sum(ahead.astype(_f32), axis=2)
  w = jnp.where(rank < float(K), jnp.tanh(score), 0.0) * (1.0 / K)
  out[...] = jnp.sum(h * w[:, :, None], axis=1)


def _tc_pool(hn3, p3):
  g = B // _GB
  return pl.pallas_call(
      _pool_body,
      grid=(g,),
      in_specs=[pl.BlockSpec((_GB, NPG, HID), lambda i: (i, 0, 0)),
                pl.BlockSpec((1, 1, HID), lambda i: (0, 0, 0))],
      out_specs=pl.BlockSpec((_GB, HID), lambda i: (i, 0)),
      out_shape=jax.ShapeDtypeStruct((B, HID), _f32),
  )(hn3, p3)


def _pad_reshape(idx, pad_base):
  pad = pad_base + (jnp.arange(_EP - E, dtype=jnp.int32) % 16)
  return jnp.concatenate([idx, pad]).reshape(_CR, _EC)


def kernel(h_x, t_x, h_edge_index, t_edge_index, b_edge_index,
           h_batch, t_batch, W_conv, b_conv, Wl, Wr, b_bi, p_topk):
  h_src, h_dst = h_edge_index[0], h_edge_index[1]
  t_src, t_dst = t_edge_index[0], t_edge_index[1]
  b_src, b_dst = b_edge_index[0], b_edge_index[1]

  DSTI = jnp.stack([_pad_reshape(h_dst, N), _pad_reshape(t_dst, N),
                    _pad_reshape(b_dst, N), _pad_reshape(b_src, N)])
  SRCI = jnp.stack([_pad_reshape(h_src, 0),
                    _pad_reshape(t_src + N, N),
                    _pad_reshape(b_src + 2 * N, 2 * N),
                    _pad_reshape(b_dst + 3 * N, 3 * N)])

  cnt_h, cnt_t, cnt_bt, cnt_bh = _sc_counts(h_dst, t_dst, b_dst, b_src)
  hx, tx, hs, ts, dh, dt, rbt, rbh = _tc_prep(
      h_x, t_x, cnt_h, cnt_t, cnt_bt, cnt_bh)

  TAB = jnp.concatenate([hs, ts, hx, tx], axis=0)
  AGG = _sc_aggs(TAB, SRCI, DSTI)

  bc = b_conv.reshape(1, D_IN)
  bb = b_bi.reshape(1, D_IN)
  h_new = _tc_dense(hx, hs, AGG, 0, 3, dh, rbh, W_conv, bc, Wl, Wr, bb)
  t_new = _tc_dense(tx, ts, AGG, 1, 2, dt, rbt, W_conv, bc, Wl, Wr, bb)

  p3 = (p_topk / (jnp.linalg.norm(p_topk) + 1e-16)).reshape(1, 1, HID)
  h_emb = _tc_pool(h_new.reshape(B, NPG, HID), p3)
  t_emb = _tc_pool(t_new.reshape(B, NPG, HID), p3)
  return (h_new, t_new, h_emb, t_emb)

# --- scband reference (transcript-rebuilt; emitter-appended) ---
"""Pipeline reference for scband-auto-ddi-cell-26018911879252 (READ-ONLY COPY).

The authoritative reference and input builder live on the scoring server;
editing this copy changes nothing except your own understanding.
"""

import jax, jax.numpy as jnp
import numpy as np

N = 10000      # nodes per drug-side graph batch
E = 320000     # edges per graph (and bipartite graph)
D_IN = 128     # in_features
HID = 256      # hidden_dim
B = 200        # number of graphs in batch
NPG = 50       # nodes per graph (N = B * NPG)
RATIO_K = NPG // 2  # topk pooling ratio 0.5


def gcn_conv(x, ei, W, b):
    # GCNConv with self-loops: D^-1/2 (A+I) D^-1/2 X W + b
    src, dst = ei[0], ei[1]
    h = x @ W
    n = x.shape[0]
    deg = jnp.zeros((n,), h.dtype).at[dst].add(1.0) + 1.0  # +1 for self-loop
    dinv = jax.lax.rsqrt(deg)
    coef = dinv[src] * dinv[dst]
    out = jnp.zeros_like(h).at[dst].add(h[src] * coef[:, None])
    out = out + h * (dinv * dinv)[:, None]  # self-loop term
    return out + b


def sage_bi(x_src, x_dst, ei, Wl, Wr, b):
    # bipartite SAGEConv (mean aggregation): W_l * mean_{j in N(i)} x_src_j + W_r * x_dst_i + b
    src, dst = ei[0], ei[1]
    n_dst = x_dst.shape[0]
    agg = jnp.zeros((n_dst, x_src.shape[1]), x_src.dtype).at[dst].add(x_src[src])
    cnt = jnp.zeros((n_dst,), x_src.dtype).at[dst].add(1.0)
    mean = agg / jnp.clip(cnt, 1.0)[:, None]
    return mean @ Wl + x_dst @ Wr + b


def topk_pool(x, p):
    # TopKPooling: score = x.p/||p||, keep top ratio per graph, gate with tanh(score)
    score = (x @ p) / (jnp.linalg.norm(p) + 1e-16)
    sb = score.reshape(B, NPG)
    xb = x.reshape(B, NPG, x.shape[-1])
    vals, idx = jax.lax.top_k(sb, RATIO_K)
    x_sel = jnp.take_along_axis(xb, idx[:, :, None], axis=1)
    return x_sel * jnp.tanh(vals)[:, :, None]


def setup_inputs(seed: int = 0) -> dict:
    key = jax.random.key(seed)
    ks = jax.random.split(key, 12)
    h_x = jax.random.normal(ks[0], (N, D_IN), dtype=jnp.float32)
    t_x = jax.random.normal(ks[1], (N, D_IN), dtype=jnp.float32)
    h_edge_index = jax.random.randint(ks[2], (2, E), 0, N, dtype=jnp.int32)
    t_edge_index = jax.random.randint(ks[3], (2, E), 0, N, dtype=jnp.int32)
    b_edge_index = jax.random.randint(ks[4], (2, E), 0, N, dtype=jnp.int32)
    batch = (jnp.arange(N, dtype=jnp.int32) // NPG)
    # learned parameters
    W_conv = jax.random.normal(ks[5], (D_IN, HID // 2), dtype=jnp.float32) * (1.0 / np.sqrt(D_IN))
    b_conv = jnp.zeros((HID // 2,), dtype=jnp.float32)
    Wl = jax.random.normal(ks[6], (D_IN, HID // 2), dtype=jnp.float32) * (1.0 / np.sqrt(D_IN))
    Wr = jax.random.normal(ks[7], (D_IN, HID // 2), dtype=jnp.float32) * (1.0 / np.sqrt(D_IN))
    b_bi = jnp.zeros((HID // 2,), dtype=jnp.float32)
    p_topk = jax.random.normal(ks[8], (HID,), dtype=jnp.float32)
    return {"h_x": h_x, "t_x": t_x, "h_edge_index": h_edge_index,
            "t_edge_index": t_edge_index, "b_edge_index": b_edge_index,
            "h_batch": batch, "t_batch": batch,
            "W_conv": W_conv, "b_conv": b_conv, "Wl": Wl, "Wr": Wr,
            "b_bi": b_bi, "p_topk": p_topk}


def reference(h_x, t_x, h_edge_index, t_edge_index, b_edge_index,
              h_batch, t_batch, W_conv, b_conv, Wl, Wr, b_bi, p_topk):
    hx = jax.nn.elu(h_x)
    tx = jax.nn.elu(t_x)
    # intra-graph conv (shared weights across h and t sides)
    h_rep = gcn_conv(hx, h_edge_index, W_conv, b_conv)
    t_rep = gcn_conv(tx, t_edge_index, W_conv, b_conv)
    # bipartite conv both directions (shared weights)
    t_bi = sage_bi(hx, tx, b_edge_index, Wl, Wr, b_bi)
    rev = jnp.stack([b_edge_index[1], b_edge_index[0]], axis=0)
    h_bi = sage_bi(tx, hx, rev, Wl, Wr, b_bi)
    h_new = jnp.concatenate([h_rep, h_bi], axis=1)
    t_new = jnp.concatenate([t_rep, t_bi], axis=1)
    # local topk pooling per graph, then global mean pooling
    h_sel = topk_pool(h_new, p_topk)
    t_sel = topk_pool(t_new, p_topk)
    h_emb = h_sel.mean(axis=1)
    t_emb = t_sel.mean(axis=1)
    return (h_new, t_new, h_emb, t_emb)

if __name__ == "__main__":
    import jax
    _d = setup_inputs()
    print(jax.jit(kernel)(*tuple(_d.values())))

</pallas_src>

<mosaic_0001>
#map = affine_map<(d0, d1) -> (0)>
#map1 = affine_map<(d0, d1) -> (0, 0)>
module attributes {stable_mosaic.version = 14 : i64} {
  func.func @_count_body(%arg0: i32, %arg1: i32, %arg2: memref<320000xi32, #tpu.memory_space<hbm>>, %arg3: memref<320000xi32, #tpu.memory_space<hbm>>, %arg4: memref<320000xi32, #tpu.memory_space<hbm>>, %arg5: memref<320000xi32, #tpu.memory_space<hbm>>, %arg6: memref<16xf32, #tpu.memory_space<hbm>>, %arg7: memref<16xf32, #tpu.memory_space<hbm>>, %arg8: memref<10000x16xf32, #tpu.memory_space<hbm>>, %arg9: memref<10000x16xf32, #tpu.memory_space<hbm>>, %arg10: memref<10000x16xf32, #tpu.memory_space<hbm>>, %arg11: memref<10000x16xf32, #tpu.memory_space<hbm>>, %arg12: memref<128xi32, #tpu.memory_space<vmem>>, %arg13: memref<128x16xf32, #tpu.memory_space<vmem>>, %arg14: memref<80x16xf32, #tpu.memory_space<vmem>>, %arg15: memref<10016x16xf32, #tpu.memory_space<vmem_shared>>) attributes {dimension_semantics = [#tpu.dimension_semantics<core_parallel>, #tpu.dimension_semantics<subcore_parallel>], iteration_bounds = array<i64: 2, 16>, scalar_prefetch = 0 : i64, scratch_operands = 4 : i64, tpu.core_type = #tpu.core_type<sc_vector_subcore>, window_params = [{transform_indices = #map}, {transform_indices = #map}, {transform_indices = #map}, {transform_indices = #map}, {transform_indices = #map}, {transform_indices = #map}, {transform_indices = #map1}, {transform_indices = #map1}, {transform_indices = #map1}, {transform_indices = #map1}]} {
    %mul3A = arith.constant 640 : i32
    %mul3A_0 = arith.muli %arg1, %mul3A : i32
    %eq3A = arith.constant 15 : i32
    %eq3A_1 = arith.cmpi eq, %arg1, %eq3A : i32
    %jit3A = arith.constant 5 : i32
    %jit3A_2 = arith.constant 8 : i32
    %select_n3A = arith.select %eq3A_1, %jit3A, %jit3A_2 : i32
    %lt3A = arith.constant 4 : i32
    %lt3A_3 = arith.cmpi slt, %arg1, %lt3A : i32
    %jit3A_4 = arith.constant 157 : i32
    %jit3A_5 = arith.constant 156 : i32
    %select_n3A_6 = arith.select %lt3A_3, %jit3A_4, %jit3A_5 : i32
    %run_scoped3A = arith.constant 0 : i32
    "tpu.region"() ({
      %run_scoped3A_17 = tpu.sem_alloc : memref<!tpu.dma_semaphore, #tpu.memory_space<semaphore_mem>>
      %dma_start3A = arith.constant 0 : i32
      %dma_start3A_18 = tpu.memref_slice %arg13[%run_scoped3A, %dma_start3A] : memref<128x16xf32, #tpu.memory_space<vmem>> -> memref<1x16xf32, #tpu.memory_space<vmem>>
      %dma_start3A_19 = tpu.memref_squeeze %dma_start3A_18 : memref<1x16xf32, #tpu.memory_space<vmem>> -> memref<16xf32, #tpu.memory_space<vmem>>
      %dma_start3A_20 = arith.constant 0 : i32
      %dma_start3A_21 = tpu.memref_slice %arg13[%run_scoped3A, %dma_start3A_20] : memref<128x16xf32, #tpu.memory_space<vmem>> -> memref<1x16xf32, #tpu.memory_space<vmem>>
      %dma_start3A_22 = tpu.memref_squeeze %dma_start3A_21 : memref<1x16xf32, #tpu.memory_space<vmem>> -> memref<16xf32, #tpu.memory_space<vmem>>
      tpu.enqueue_dma source(%arg6 : memref<16xf32, #tpu.memory_space<hbm>>) target(%dma_start3A_22 : memref<16xf32, #tpu.memory_space<vmem>>) target_semaphore(%run_scoped3A_17 : memref<!tpu.dma_semaphore, #tpu.memory_space<semaphore_mem>>)
      %dma_wait3A = arith.constant 0 : i32
      %dma_wait3A_23 = tpu.memref_slice %arg13[%run_scoped3A, %dma_wait3A] : memref<128x16xf32, #tpu.memory_space<vmem>> -> memref<1x16xf32, #tpu.memory_space<vmem>>
      %dma_wait3A_24 = tpu.memref_squeeze %dma_wait3A_23 : memref<1x16xf32, #tpu.memory_space<vmem>> -> memref<16xf32, #tpu.memory_space<vmem>>
      %dma_wait3A_25 = arith.constant 0 : i32
      %dma_wait3A_26 = tpu.memref_slice %arg13[%run_scoped3A, %dma_wait3A_25] : memref<128x16xf32, #tpu.memory_space<vmem>> -> memref<1x16xf32, #tpu.memory_space<vmem>>
      %dma_wait3A_27 = tpu.memref_squeeze %dma_wait3A_26 : memref<1x16xf32, #tpu.memory_space<vmem>> -> memref<16xf32, #tpu.memory_space<vmem>>
      tpu.wait_dma2 semaphore(%run_scoped3A_17 : memref<!tpu.dma_semaphore, #tpu.memory_space<semaphore_mem>>) src(%arg6 : memref<16xf32, #tpu.memory_space<hbm>>) dst(%dma_wait3A_27 : memref<16xf32, #tpu.memory_space<vmem>>)
      tpu.yield
    }) : () -> ()
    "tpu.region"() ({
      %run_scoped3A_17 = tpu.sem_alloc : memref<!tpu.dma_semaphore, #tpu.memory_space<semaphore_mem>>
      %dma_start3A = arith.constant 0 : i32
      %dma_start3A_18 = arith.constant 0 : i32
      %dma_start3A_19 = tpu.memref_slice %arg13[%dma_start3A, %dma_start3A_18] : memref<128x16xf32, #tpu.memory_space<vmem>> -> memref<1x16xf32, #tpu.memory_space<vmem>>
      %dma_start3A_20 = arith.constant 0 : i32
      %dma_start3A_21 = arith.constant 0 : i32
      %dma_start3A_22 = tpu.memref_slice %arg15[%dma_start3A_20, %dma_start3A_21] : memref<10016x16xf32, #tpu.memory_space<vmem_shared>> -> memref<1x16xf32, #tpu.memory_space<vmem_shared>>
      %dma_start3A_23 = arith.constant 0 : i32
      %dma_start3A_24 = arith.constant 0 : i32
      %dma_start3A_25 = tpu.memref_slice %arg15[%dma_start3A_23, %dma_start3A_24] : memref<10016x16xf32, #tpu.memory_space<vmem_shared>> -> memref<1x16xf32, #tpu.memory_space<vmem_shared>>
      %dma_start3A_26 = arith.constant 0 : i32
      %dma_start3A_27 = arith.constant 0 : i32
      %dma_start3A_28 = tpu.memref_slice %arg13[%dma_start3A_26, %dma_start3A_27] : memref<128x16xf32, #tpu.memory_space<vmem>> -> memref<1x16xf32, #tpu.memory_space<vmem>>
      tpu.enqueue_dma source(%dma_start3A_28 : memref<1x16xf32, #tpu.memory_space<vmem>>) target(%dma_start3A_25 : memref<1x16xf32, #tpu.memory_space<vmem_shared>>) target_semaphore(%run_scoped3A_17 : memref<!tpu.dma_semaphore, #tpu.memory_space<semaphore_mem>>)
      %dma_wait3A = arith.constant 0 : i32
      %dma_wait3A_29 = arith.constant 0 : i32
      %dma_wait3A_30 = tpu.memref_slice %arg13[%dma_wait3A, %dma_wait3A_29] : memref<128x16xf32, #tpu.memory_space<vmem>> -> memref<1x16xf32, #tpu.memory_space<vmem>>
      %dma_wait3A_31 = arith.constant 0 : i32
      %dma_wait3A_32 = arith.constant 0 : i32
      %dma_wait3A_33 = tpu.memref_slice %arg15[%dma_wait3A_31, %dma_wait3A_32] : memref<10016x16xf32, #tpu.memory_space<vmem_shared>> -> memref<1x16xf32, #tpu.memory_space<vmem_shared>>
      %dma_wait3A_34 = arith.constant 0 : i32
      %dma_wait3A_35 = arith.constant 0 : i32
      %dma_wait3A_36 = tpu.memref_slice %arg15[%dma_wait3A_34, %dma_wait3A_35] : memref<10016x16xf32, #tpu.memory_space<vmem_shared>> -> memref<1x16xf32, #tpu.memory_space<vmem_shared>>
      %dma_wait3A_37 = arith.constant 0 : i32
      %dma_wait3A_38 = arith.constant 0 : i32
      %dma_wait3A_39 = tpu.memref_slice %arg13[%dma_wait3A_37, %dma_wait3A_38] : memref<128x16xf32, #tpu.memory_space<vmem>> -> memref<1x16xf32, #tpu.memory_space<vmem>>
      tpu.wait_dma2 semaphore(%run_scoped3A_17 : memref<!tpu.dma_semaphore, #tpu.memory_space<semaphore_mem>>) src(%dma_wait3A_39 : memref<1x16xf32, #tpu.memory_space<vmem>>) dst(%dma_wait3A_36 : memref<1x16xf32, #tpu.memory_space<vmem_shared>>)
      tpu.yield
    }) : () -> ()
    "tpu.region"() ({
      %run_scoped3A_17 = tpu.sem_alloc : memref<!tpu.dma_semaphore, #tpu.memory_space<semaphore_mem>>
      %dma_start3A = arith.constant 1 : i32
      %dma_start3A_18 = arith.constant 0 : i32
      %dma_start3A_19 = tpu.memref_slice %arg13[%dma_start3A, %dma_start3A_18] : memref<128x16xf32, #tpu.memory_space<vmem>> -> memref<1x16xf32, #tpu.memory_space<vmem>>
      %dma_start3A_20 = arith.constant 0 : i32
      %dma_start3A_21 = arith.constant 0 : i32
      %dma_start3A_22 = tpu.memref_slice %arg15[%dma_start3A_20, %dma_start3A_21] : memref<10016x16xf32, #tpu.memory_space<vmem_shared>> -> memref<1x16xf32, #tpu.memory_space<vmem_shared>>
      %dma_start3A_23 = arith.constant 1 : i32
      %dma_start3A_24 = arith.constant 0 : i32
      %dma_start3A_25 = tpu.memref_slice %arg13[%dma_start3A_23, %dma_start3A_24] : memref<128x16xf32, #tpu.memory_space<vmem>> -> memref<1x16xf32, #tpu.memory_space<vmem>>
      %dma_start3A_26 = arith.constant 0 : i32
      %dma_start3A_27 = arith.constant 0 : i32
      %dma_start3A_28 = tpu.memref_slice %arg15[%dma_start3A_26, %dma_start3A_27] : memref<10016x16xf32, #tpu.memory_space<vmem_shared>> -> memref<1x16xf32, #tpu.memory_space<vmem_shared>>
      tpu.enqueue_dma source(%dma_start3A_28 : memref<1x16xf32, #tpu.memory_space<vmem_shared>>) target(%dma_start3A_25 : memref<1x16xf32, #tpu.memory_space<vmem>>) target_semaphore(%run_scoped3A_17 : memref<!tpu.dma_semaphore, #tpu.memory_space<semaphore_mem>>)
      %dma_wait3A = arith.constant 1 : i32
      %dma_wait3A_29 = arith.constant 0 : i32
      %dma_wait3A_30 = tpu.memref_slice %arg13[%dma_wait3A, %dma_wait3A_29] : memref<128x16xf32, #tpu.memory_space<vmem>> -> memref<1x16xf32, #tpu.memory_space<vmem>>
      %dma_wait3A_31 = arith.constant 0 : i32
      %dma_wait3A_32 = arith.constant 0 : i32
      %dma_wait3A_33 = tpu.memref_slice %arg15[%dma_wait3A_31, %dma_wait3A_32] : memref<10016x16xf32, #tpu.memory_space<vmem_shared>> -> memref<1x16xf32, #tpu.memory_space<vmem_shared>>
      %dma_wait3A_34 = arith.constant 1 : i32
      %dma_wait3A_35 = arith.constant 0 : i32
      %dma_wait3A_36 = tpu.memref_slice %arg13[%dma_wait3A_34, %dma_wait3A_35] : memref<128x16xf32, #tpu.memory_space<vmem>> -> memref<1x16xf32, #tpu.memory_space<vmem>>
      %dma_wait3A_37 = arith.constant 0 : i32
      %dma_wait3A_38 = arith.constant 0 : i32
      %dma_wait3A_39 = tpu.memref_slice %arg15[%dma_wait3A_37, %dma_wait3A_38] : memref<10016x16xf32, #tpu.memory_space<vmem_shared>> -> memref<1x16xf32, #tpu.memory_space<vmem_shared>>
      tpu.wait_dma2 semaphore(%run_scoped3A_17 : memref<!tpu.dma_semaphore, #tpu.memory_space<semaphore_mem>>) src(%dma_wait3A_39 : memref<1x16xf32, #tpu.memory_space<vmem_shared>>) dst(%dma_wait3A_36 : memref<1x16xf32, #tpu.memory_space<vmem>>)
      tpu.yield
    }) : () -> ()
    "tpu.region"() ({
      %run_scoped3A_17 = tpu.sem_alloc : memref<!tpu.dma_semaphore, #tpu.memory_space<semaphore_mem>>
      %dma_start3A = arith.constant 0 : i32
      %dma_start3A_18 = arith.constant 0 : i32
      %dma_start3A_19 = tpu.memref_slice %arg13[%dma_start3A, %dma_start3A_18] : memref<128x16xf32, #tpu.memory_space<vmem>> -> memref<2x16xf32, #tpu.memory_space<vmem>>
      %dma_start3A_20 = arith.constant 0 : i32
      %dma_start3A_21 = arith.constant 0 : i32
      %dma_start3A_22 = tpu.memref_slice %arg15[%dma_start3A_20, %dma_start3A_21] : memref<10016x16xf32, #tpu.memory_space<vmem_shared>> -> memref<2x16xf32, #tpu.memory_space<vmem_shared>>
      %dma_start3A_23 = arith.constant 0 : i32
      %dma_start3A_24 = arith.constant 0 : i32
      %dma_start3A_25 = tpu.memref_slice %arg15[%dma_start3A_23, %dma_start3A_24] : memref<10016x16xf32, #tpu.memory_space<vmem_shared>> -> memref<2x16xf32, #tpu.memory_space<vmem_shared>>
      %dma_start3A_26 = arith.constant 0 : i32
      %dma_start3A_27 = arith.constant 0 : i32
      %dma_start3A_28 = tpu.memref_slice %arg13[%dma_start3A_26, %dma_start3A_27] : memref<128x16xf32, #tpu.memory_space<vmem>> -> memref<2x16xf32, #tpu.memory_space<vmem>>
      tpu.enqueue_dma source(%dma_start3A_28 : memref<2x16xf32, #tpu.memory_space<vmem>>) target(%dma_start3A_25 : memref<2x16xf32, #tpu.memory_space<vmem_shared>>) target_semaphore(%run_scoped3A_17 : memref<!tpu.dma_semaphore, #tpu.memory_space<semaphore_mem>>)
      %dma_wait3A = arith.constant 0 : i32
      %dma_wait3A_29 = arith.constant 0 : i32
      %dma_wait3A_30 = tpu.memref_slice %arg13[%dma_wait3A, %dma_wait3A_29] : memref<128x16xf32, #tpu.memory_space<vmem>> -> memref<2x16xf32, #tpu.memory_space<vmem>>
      %dma_wait3A_31 = arith.constant 0 : i32
      %dma_wait3A_32 = arith.constant 0 : i32
      %dma_wait3A_33 = tpu.memref_slice %arg15[%dma_wait3A_31, %dma_wait3A_32] : memref<10016x16xf32, #tpu.memory_space<vmem_shared>> -> memref<2x16xf32, #tpu.memory_space<vmem_shared>>
      %dma_wait3A_34 = arith.constant 0 : i32
      %dma_wait3A_35 = arith.constant 0 : i32
      %dma_wait3A_36 = tpu.memref_slice %arg15[%dma_wait3A_34, %dma_wait3A_35] : memref<10016x16xf32, #tpu.memory_space<vmem_shared>> -> memref<2x16xf32, #tpu.memory_space<vmem_shared>>
      %dma_wait3A_37 = arith.constant 0 : i32
      %dma_wait3A_38 = arith.constant 0 : i32
      %dma_wait3A_39 = tpu.memref_slice %arg13[%dma_wait3A_37, %dma_wait3A_38] : memref<128x16xf32, #tpu.memory_space<vmem>> -> memref<2x16xf32, #tpu.memory_space<vmem>>
      tpu.wait_dma2 semaphore(%run_scoped3A_17 : memref<!tpu.dma_semaphore, #tpu.memory_space<semaphore_mem>>) src(%dma_wait3A_39 : memref<2x16xf32, #tpu.memory_space<vmem>>) dst(%dma_wait3A_36 : memref<2x16xf32, #tpu.memory_space<vmem_shared>>)
      tpu.yield
    }) : () -> ()
    "tpu.region"() ({
      %run_scoped3A_17 = tpu.sem_alloc : memref<!tpu.dma_semaphore, #tpu.memory_space<semaphore_mem>>
      %dma_start3A = arith.constant 2 : i32
      %dma_start3A_18 = arith.constant 0 : i32
      %dma_start3A_19 = tpu.memref_slice %arg13[%dma_start3A, %dma_start3A_18] : memref<128x16xf32, #tpu.memory_space<vmem>> -> memref<2x16xf32, #tpu.memory_space<vmem>>
      %dma_start3A_20 = arith.constant 0 : i32
      %dma_start3A_21 = arith.constant 0 : i32
      %dma_start3A_22 = tpu.memref_slice %arg15[%dma_start3A_20, %dma_start3A_21] : memref<10016x16xf32, #tpu.memory_space<vmem_shared>> -> memref<2x16xf32, #tpu.memory_space<vmem_shared>>
      %dma_start3A_23 = arith.constant 2 : i32
      %dma_start3A_24 = arith.constant 0 : i32
      %dma_start3A_25 = tpu.memref_slice %arg13[%dma_start3A_23, %dma_start3A_24] : memref<128x16xf32, #tpu.memory_space<vmem>> -> memref<2x16xf32, #tpu.memory_space<vmem>>
      %dma_start3A_26 = arith.constant 0 : i32
      %dma_start3A_27 = arith.constant 0 : i32
      %dma_start3A_28 = tpu.memref_slice %arg15[%dma_start3A_26, %dma_start3A_27] : memref<10016x16xf32, #tpu.memory_space<vmem_shared>> -> memref<2x16xf32, #tpu.memory_space<vmem_shared>>
      tpu.enqueue_dma source(%dma_start3A_28 : memref<2x16xf32, #tpu.memory_space<vmem_shared>>) target(%dma_start3A_25 : memref<2x16xf32, #tpu.memory_space<vmem>>) target_semaphore(%run_scoped3A_17 : memref<!tpu.dma_semaphore, #tpu.memory_space<semaphore_mem>>)
      %dma_wait3A = arith.constant 2 : i32
      %dma_wait3A_29 = arith.constant 0 : i32
      %dma_wait3A_30 = tpu.memref_slice %arg13[%dma_wait3A, %dma_wait3A_29] : memref<128x16xf32, #tpu.memory_space<vmem>> -> memref<2x16xf32, #tpu.memory_space<vmem>>
      %dma_wait3A_31 = arith.constant 0 : i32
      %dma_wait3A_32 = arith.constant 0 : i32
      %dma_wait3A_33 = tpu.memref_slice %arg15[%dma_wait3A_31, %dma_wait3A_32] : memref<10016x16xf32, #tpu.memory_space<vmem_shared>> -> memref<2x16xf32, #tpu.memory_space<vmem_shared>>
      %dma_wait3A_34 = arith.constant 2 : i32
      %dma_wait3A_35 = arith.constant 0 : i32
      %dma_wait3A_36 = tpu.memref_slice %arg13[%dma_wait3A_34, %dma_wait3A_35] : memref<128x16xf32, #tpu.memory_space<vmem>> -> memref<2x16xf32, #tpu.memory_space<vmem>>
      %dma_wait3A_37 = arith.constant 0 : i32
      %dma_wait3A_38 = arith.constant 0 : i32
      %dma_wait3A_39 = tpu.memref_slice %arg15[%dma_wait3A_37, %dma_wait3A_38] : memref<10016x16xf32, #tpu.memory_space<vmem_shared>> -> memref<2x16xf32, #tpu.memory_space<vmem_shared>>
      tpu.wait_dma2 semaphore(%run_scoped3A_17 : memref<!tpu.dma_semaphore, #tpu.memory_space<semaphore_mem>>) src(%dma_wait3A_39 : memref<2x16xf32, #tpu.memory_space<vmem_shared>>) dst(%dma_wait3A_36 : memref<2x16xf32, #tpu.memory_space<vmem>>)
      tpu.yield
    }) : () -> ()
    "tpu.region"() ({
      %run_scoped3A_17 = tpu.sem_alloc : memref<!tpu.dma_semaphore, #tpu.memory_space<semaphore_mem>>
      %dma_start3A = arith.constant 0 : i32
      %dma_start3A_18 = arith.constant 0 : i32
      %dma_start3A_19 = tpu.memref_slice %arg13[%dma_start3A, %dma_start3A_18] : memref<128x16xf32, #tpu.memory_space<vmem>> -> memref<4x16xf32, #tpu.memory_space<vmem>>
      %dma_start3A_20 = arith.constant 0 : i32
      %dma_start3A_21 = arith.constant 0 : i32
      %dma_start3A_22 = tpu.memref_slice %arg15[%dma_start3A_20, %dma_start3A_21] : memref<10016x16xf32, #tpu.memory_space<vmem_shared>> -> memref<4x16xf32, #tpu.memory_space<vmem_shared>>
      %dma_start3A_23 = arith.constant 0 : i32
      %dma_start3A_24 = arith.constant 0 : i32
      %dma_start3A_25 = tpu.memref_slice %arg15[%dma_start3A_23, %dma_start3A_24] : memref<10016x16xf32, #tpu.memory_space<vmem_shared>> -> memref<4x16xf32, #tpu.memory_space<vmem_shared>>
      %dma_start3A_26 = arith.constant 0 : i32
      %dma_start3A_27 = arith.constant 0 : i32
      %dma_start3A_28 = tpu.memref_slice %arg13[%dma_start3A_26, %dma_start3A_27] : memref<128x16xf32, #tpu.memory_space<vmem>> -> memref<4x16xf32, #tpu.memory_space<vmem>>
      tpu.enqueue_dma source(%dma_start3A_28 : memref<4x16xf32, #tpu.memory_space<vmem>>) target(%dma_start3A_25 : memref<4x16xf32, #tpu.memory_space<vmem_shared>>) target_semaphore(%run_scoped3A_17 : memref<!tpu.dma_semaphore, #tpu.memory_space<semaphore_mem>>)
      %dma_wait3A = arith.constant 0 : i32
      %dma_wait3A_29 = arith.constant 0 : i32
      %dma_wait3A_30 = tpu.memref_slice %arg13[%dma_wait3A, %dma_wait3A_29] : memref<128x16xf32, #tpu.memory_space<vmem>> -> memref<4x16xf32, #tpu.memory_space<vmem>>
      %dma_wait3A_31 = arith.constant 0 : i32
      %dma_wait3A_32 = arith.constant 0 : i32
      %dma_wait3A_33 = tpu.memref_slice %arg15[%dma_wait3A_31, %dma_wait3A_32] : memref<10016x16xf32, #tpu.memory_space<vmem_shared>> -> memref<4x16xf32, #tpu.memory_space<vmem_shared>>
      %dma_wait3A_34 = arith.constant 0 : i32
      %dma_wait3A_35 = arith.constant 0 : i32
      %dma_wait3A_36 = tpu.memref_slice %arg15[%dma_wait3A_34, %dma_wait3A_35] : memref<10016x16xf32, #tpu.memory_space<vmem_shared>> -> memref<4x16xf32, #tpu.memory_space<vmem_shared>>
      %dma_wait3A_37 = arith.constant 0 : i32
      %dma_wait3A_38 = arith.constant 0 : i32
      %dma_wait3A_39 = tpu.memref_slice %arg13[%dma_wait3A_37, %dma_wait3A_38] : memref<128x16xf32, #tpu.memory_space<vmem>> -> memref<4x16xf32, #tpu.memory_space<vmem>>
      tpu.wait_dma2 semaphore(%run_scoped3A_17 : memref<!tpu.dma_semaphore, #tpu.memory_space<semaphore_mem>>) src(%dma_wait3A_39 : memref<4x16xf32, #tpu.memory_space<vmem>>) dst(%dma_wait3A_36 : memref<4x16xf32, #tpu.memory_space<vmem_shared>>)
      tpu.yield
    }) : () -> ()
    "tpu.region"() ({
      %run_scoped3A_17 = tpu.sem_alloc : memref<!tpu.dma_semaphore, #tpu.memory_space<semaphore_mem>>
      %dma_start3A = arith.constant 4 : i32
      %dma_start3A_18 = arith.constant 0 : i32
      %dma_start3A_19 = tpu.memref_slice %arg13[%dma_start3A, %dma_start3A_18] : memref<128x16xf32, #tpu.memory_space<vmem>> -> memref<4x16xf32, #tpu.memory_space<vmem>>
      %dma_start3A_20 = arith.constant 0 : i32
      %dma_start3A_21 = arith.constant 0 : i32
      %dma_start3A_22 = tpu.memref_slice %arg15[%dma_start3A_20, %dma_start3A_21] : memref<10016x16xf32, #tpu.memory_space<vmem_shared>> -> memref<4x16xf32, #tpu.memory_space<vmem_shared>>
      %dma_start3A_23 = arith.constant 4 : i32
      %dma_start3A_24 = arith.constant 0 : i32
      %dma_start3A_25 = tpu.memref_slice %arg13[%dma_start3A_23, %dma_start3A_24] : memref<128x16xf32, #tpu.memory_space<vmem>> -> memref<4x16xf32, #tpu.memory_space<vmem>>
      %dma_start3A_26 = arith.constant 0 : i32
      %dma_start3A_27 = arith.constant 0 : i32
      %dma_start3A_28 = tpu.memref_slice %arg15[%dma_start3A_26, %dma_start3A_27] : memref<10016x16xf32, #tpu.memory_space<vmem_shared>> -> memref<4x16xf32, #tpu.memory_space<vmem_shared>>
      tpu.enqueue_dma source(%dma_start3A_28 : memref<4x16xf32, #tpu.memory_space<vmem_shared>>) target(%dma_start3A_25 : memref<4x16xf32, #tpu.memory_space<vmem>>) target_semaphore(%run_scoped3A_17 : memref<!tpu.dma_semaphore, #tpu.memory_space<semaphore_mem>>)
      %dma_wait3A = arith.constant 4 : i32
      %dma_wait3A_29 = arith.constant 0 : i32
      %dma_wait3A_30 = tpu.memref_slice %arg13[%dma_wait3A, %dma_wait3A_29] : memref<128x16xf32, #tpu.memory_space<vmem>> -> memref<4x16xf32, #tpu.memory_space<vmem>>
      %dma_wait3A_31 = arith.constant 0 : i32
      %dma_wait3A_32 = arith.constant 0 : i32
      %dma_wait3A_33 = tpu.memref_slice %arg15[%dma_wait3A_31, %dma_wait3A_32] : memref<10016x16xf32, #tpu.memory_space<vmem_shared>> -> memref<4x16xf32, #tpu.memory_space<vmem_shared>>
      %dma_wait3A_34 = arith.constant 4 : i32
      %dma_wait3A_35 = arith.constant 0 : i32
      %dma_wait3A_36 = tpu.memref_slice %arg13[%dma_wait3A_34, %dma_wait3A_35] : memref<128x16xf32, #tpu.memory_space<vmem>> -> memref<4x16xf32, #tpu.memory_space<vmem>>
      %dma_wait3A_37 = arith.constant 0 : i32
      %dma_wait3A_38 = arith.constant 0 : i32
      %dma_wait3A_39 = tpu.memref_slice %arg15[%dma_wait3A_37, %dma_wait3A_38] : memref<10016x16xf32, #tpu.memory_space<vmem_shared>> -> memref<4x16xf32, #tpu.memory_space<vmem_shared>>
      tpu.wait_dma2 semaphore(%run_scoped3A_17 : memref<!tpu.dma_semaphore, #tpu.memory_space<semaphore_mem>>) src(%dma_wait3A_39 : memref<4x16xf32, #tpu.memory_space<vmem_shared>>) dst(%dma_wait3A_36 : memref<4x16xf32, #tpu.memory_space<vmem>>)
      tpu.yield
    }) : () -> ()
    "tpu.region"() ({
      %run_scoped3A_17 = tpu.sem_alloc : memref<!tpu.dma_semaphore, #tpu.memory_space<semaphore_mem>>
      %dma_start3A = arith.constant 0 : i32
      %dma_start3A_18 = arith.constant 0 : i32
      %dma_start3A_19 = tpu.memref_slice %arg13[%dma_start3A, %dma_start3A_18] : memref<128x16xf32, #tpu.memory_space<vmem>> -> memref<8x16xf32, #tpu.memory_space<vmem>>
      %dma_start3A_20 = arith.constant 0 : i32
      %dma_start3A_21 = arith.constant 0 : i32
      %dma_start3A_22 = tpu.memref_slice %arg15[%dma_start3A_20, %dma_start3A_21] : memref<10016x16xf32, #tpu.memory_space<vmem_shared>> -> memref<8x16xf32, #tpu.memory_space<vmem_shared>>
      %dma_start3A_23 = arith.constant 0 : i32
      %dma_start3A_24 = arith.constant 0 : i32
      %dma_start3A_25 = tpu.memref_slice %arg15[%dma_start3A_23, %dma_start3A_24] : memref<10016x16xf32, #tpu.memory_space<vmem_shared>> -> memref<8x16xf32, #tpu.memory_space<vmem_shared>>
      %dma_start3A_26 = arith.constant 0 : i32
      %dma_start3A_27 = arith.constant 0 : i32
      %dma_start3A_28 = tpu.memref_slice %arg13[%dma_start3A_26, %dma_start3A_27] : memref<128x16xf32, #tpu.memory_space<vmem>> -> memref<8x16xf32, #tpu.memory_space<vmem>>
      tpu.enqueue_dma source(%dma_start3A_28 : memref<8x16xf32, #tpu.memory_space<vmem>>) target(%dma_start3A_25 : memref<8x16xf32, #tpu.memory_space<vmem_shared>>) target_semaphore(%run_scoped3A_17 : memref<!tpu.dma_semaphore, #tpu.memory_space<semaphore_mem>>)
      %dma_wait3A = arith.constant 0 : i32
      %dma_wait3A_29 = arith.constant 0 : i32
      %dma_wait3A_30 = tpu.memref_slice %arg13[%dma_wait3A, %dma_wait3A_29] : memref<128x16xf32, #tpu.memory_space<vmem>> -> memref<8x16xf32, #tpu.memory_space<vmem>>
      %dma_wait3A_31 = arith.constant 0 : i32
      %dma_wait3A_32 = arith.constant 0 : i32
      %dma_wait3A_33 = tpu.memref_slice %arg15[%dma_wait3A_31, %dma_wait3A_32] : memref<10016x16xf32, #tpu.memory_space<vmem_shared>> -> memref<8x16xf32, #tpu.memory_space<vmem_shared>>
      %dma_wait3A_34 = arith.constant 0 : i32
      %dma_wait3A_35 = arith.constant 0 : i32
      %dma_wait3A_36 = tpu.memref_slice %arg15[%dma_wait3A_34, %dma_wait3A_35] : memref<10016x16xf32, #tpu.memory_space<vmem_shared>> -> memref<8x16xf32, #tpu.memory_space<vmem_shared>>
      %dma_wait3A_37 = arith.constant 0 : i32
      %dma_wait3A_38 = arith.constant 0 : i32
      %dma_wait3A_39 = tpu.memref_slice %arg13[%dma_wait3A_37, %dma_wait3A_38] : memref<128x16xf32, #tpu.memory_space<vmem>> -> memref<8x16xf32, #tpu.memory_space<vmem>>
      tpu.wait_dma2 semaphore(%run_scoped3A_17 : memref<!tpu.dma_semaphore, #tpu.memory_space<semaphore_mem>>) src(%dma_wait3A_39 : memref<8x16xf32, #tpu.memory_space<vmem>>) dst(%dma_wait3A_36 : memref<8x16xf32, #tpu.memory_space<vmem_shared>>)
      tpu.yield
    }) : () -> ()
    "tpu.region"() ({
      %run_scoped3A_17 = tpu.sem_alloc : memref<!tpu.dma_semaphore, #tpu.memory_space<semaphore_mem>>
      %dma_start3A = arith.constant 8 : i32
      %dma_start3A_18 = arith.constant 0 : i32
      %dma_start3A_19 = tpu.memref_slice %arg13[%dma_start3A, %dma_start3A_18] : memref<128x16xf32, #tpu.memory_space<vmem>> -> memref<8x16xf32, #tpu.memory_space<vmem>>
      %dma_start3A_20 = arith.constant 0 : i32
      %dma_start3A_21 = arith.constant 0 : i32
      %dma_start3A_22 = tpu.memref_slice %arg15[%dma_start3A_20, %dma_start3A_21] : memref<10016x16xf32, #tpu.memory_space<vmem_shared>> -> memref<8x16xf32, #tpu.memory_space<vmem_shared>>
      %dma_start3A_23 = arith.constant 8 : i32
      %dma_start3A_24 = arith.constant 0 : i32
      %dma_start3A_25 = tpu.memref_slice %arg13[%dma_start3A_23, %dma_start3A_24] : memref<128x16xf32, #tpu.memory_space<vmem>> -> memref<8x16xf32, #tpu.memory_space<vmem>>
      %dma_start3A_26 = arith.constant 0 : i32
      %dma_start3A_27 = arith.constant 0 : i32
      %dma_start3A_28 = tpu.memref_slice %arg15[%dma_start3A_26, %dma_start3A_27] : memref<10016x16xf32, #tpu.memory_space<vmem_shared>> -> memref<8x16xf32, #tpu.memory_space<vmem_shared>>
      tpu.enqueue_dma source(%dma_start3A_28 : memref<8x16xf32, #tpu.memory_space<vmem_shared>>) target(%dma_start3A_25 : memref<8x16xf32, #tpu.memory_space<vmem>>) target_semaphore(%run_scoped3A_17 : memref<!tpu.dma_semaphore, #tpu.memory_space<semaphore_mem>>)
      %dma_wait3A = arith.constant 8 : i32
      %dma_wait3A_29 = arith.constant 0 : i32
      %dma_wait3A_30 = tpu.memref_slice %arg13[%dma_wait3A, %dma_wait3A_29] : memref<128x16xf32, #tpu.memory_space<vmem>> -> memref<8x16xf32, #tpu.memory_space<vmem>>
      %dma_wait3A_31 = arith.constant 0 : i32
      %dma_wait3A_32 = arith.constant 0 : i32
      %dma_wait3A_33 = tpu.memref_slice %arg15[%dma_wait3A_31, %dma_wait3A_32] : memref<10016x16xf32, #tpu.memory_space<vmem_shared>> -> memref<8x16xf32, #tpu.memory_space<vmem_shared>>
      %dma_wait3A_34 = arith.constant 8 : i32
      %dma_wait3A_35 = arith.constant 0 : i32
      %dma_wait3A_36 = tpu.memref_slice %arg13[%dma_wait3A_34, %dma_wait3A_35] : memref<128x16xf32, #tpu.memory_space<vmem>> -> memref<8x16xf32, #tpu.memory_space<vmem>>
      %dma_wait3A_37 = arith.constant 0 : i32
      %dma_wait3A_38 = arith.constant 0 : i32
      %dma_wait3A_39 = tpu.memref_slice %arg15[%dma_wait3A_37, %dma_wait3A_38] : memref<10016x16xf32, #tpu.memory_space<vmem_shared>> -> memref<8x16xf32, #tpu.memory_space<vmem_shared>>
      tpu.wait_dma2 semaphore(%run_scoped3A_17 : memref<!tpu.dma_semaphore, #tpu.memory_space<semaphore_mem>>) src(%dma_wait3A_39 : memref<8x16xf32, #tpu.memory_space<vmem_shared>>) dst(%dma_wait3A_36 : memref<8x16xf32, #tpu.memory_space<vmem>>)
      tpu.yield
    }) : () -> ()
    "tpu.region"() ({
      %run_scoped3A_17 = tpu.sem_alloc : memref<!tpu.dma_semaphore, #tpu.memory_space<semaphore_mem>>
      %dma_start3A = arith.constant 0 : i32
      %dma_start3A_18 = arith.constant 0 : i32
      %dma_start3A_19 = tpu.memref_slice %arg13[%dma_start3A, %dma_start3A_18] : memref<128x16xf32, #tpu.memory_space<vmem>> -> memref<16x16xf32, #tpu.memory_space<vmem>>
      %dma_start3A_20 = arith.constant 0 : i32
      %dma_start3A_21 = arith.constant 0 : i32
      %dma_start3A_22 = tpu.memref_slice %arg15[%dma_start3A_20, %dma_start3A_21] : memref<10016x16xf32, #tpu.memory_space<vmem_shared>> -> memref<16x16xf32, #tpu.memory_space<vmem_shared>>
      %dma_start3A_23 = arith.constant 0 : i32
      %dma_start3A_24 = arith.constant 0 : i32
      %dma_start3A_25 = tpu.memref_slice %arg15[%dma_start3A_23, %dma_start3A_24] : memref<10016x16xf32, #tpu.memory_space<vmem_shared>> -> memref<16x16xf32, #tpu.memory_space<vmem_shared>>
      %dma_start3A_26 = arith.constant 0 : i32
      %dma_start3A_27 = arith.constant 0 : i32
      %dma_start3A_28 = tpu.memref_slice %arg13[%dma_start3A_26, %dma_start3A_27] : memref<128x16xf32, #tpu.memory_space<vmem>> -> memref<16x16xf32, #tpu.memory_space<vmem>>
      tpu.enqueue_dma source(%dma_start3A_28 : memref<16x16xf32, #tpu.memory_space<vmem>>) target(%dma_start3A_25 : memref<16x16xf32, #tpu.memory_space<vmem_shared>>) target_semaphore(%run_scoped3A_17 : memref<!tpu.dma_semaphore, #tpu.memory_space<semaphore_mem>>)
      %dma_wait3A = arith.constant 0 : i32
      %dma_wait3A_29 = arith.constant 0 : i32
      %dma_wait3A_30 = tpu.memref_slice %arg13[%dma_wait3A, %dma_wait3A_29] : memref<128x16xf32, #tpu.memory_space<vmem>> -> memref<16x16xf32, #tpu.memory_space<vmem>>
      %dma_wait3A_31 = arith.constant 0 : i32
      %dma_wait3A_32 = arith.constant 0 : i32
      %dma_wait3A_33 = tpu.memref_slice %arg15[%dma_wait3A_31, %dma_wait3A_32] : memref<10016x16xf32, #tpu.memory_space<vmem_shared>> -> memref<16x16xf32, #tpu.memory_space<vmem_shared>>
      %dma_wait3A_34 = arith.constant 0 : i32
      %dma_wait3A_35 = arith.constant 0 : i32
      %dma_wait3A_36 = tpu.memref_slice %arg15[%dma_wait3A_34, %dma_wait3A_35] : memref<10016x16xf32, #tpu.memory_space<vmem_shared>> -> memref<16x16xf32, #tpu.memory_space<vmem_shared>>
      %dma_wait3A_37 = arith.constant 0 : i32
      %dma_wait3A_38 = arith.constant 0 : i32
      %dma_wait3A_39 = tpu.memref_slice %arg13[%dma_wait3A_37, %dma_wait3A_38] : memref<128x16xf32, #tpu.memory_space<vmem>> -> memref<16x16xf32, #tpu.memory_space<vmem>>
      tpu.wait_dma2 semaphore(%run_scoped3A_17 : memref<!tpu.dma_semaphore, #tpu.memory_space<semaphore_mem>>) src(%dma_wait3A_39 : memref<16x16xf32, #tpu.memory_space<vmem>>) dst(%dma_wait3A_36 : memref<16x16xf32, #tpu.memory_space<vmem_shared>>)
      tpu.yield
    }) : () -> ()
    "tpu.region"() ({
      %run_scoped3A_17 = tpu.sem_alloc : memref<!tpu.dma_semaphore, #tpu.memory_space<semaphore_mem>>
      %dma_start3A = arith.constant 16 : i32
      %dma_start3A_18 = arith.constant 0 : i32
      %dma_start3A_19 = tpu.memref_slice %arg13[%dma_start3A, %dma_start3A_18] : memref<128x16xf32, #tpu.memory_space<vmem>> -> memref<16x16xf32, #tpu.memory_space<vmem>>
      %dma_start3A_20 = arith.constant 0 : i32
      %dma_start3A_21 = arith.constant 0 : i32
      %dma_start3A_22 = tpu.memref_slice %arg15[%dma_start3A_20, %dma_start3A_21] : memref<10016x16xf32, #tpu.memory_space<vmem_shared>> -> memref<16x16xf32, #tpu.memory_space<vmem_shared>>
      %dma_start3A_23 = arith.constant 16 : i32
      %dma_start3A_24 = arith.constant 0 : i32
      %dma_start3A_25 = tpu.memref_slice %arg13[%dma_start3A_23, %dma_start3A_24] : memref<128x16xf32, #tpu.memory_space<vmem>> -> memref<16x16xf32, #tpu.memory_space<vmem>>
      %dma_start3A_26 = arith.constant 0 : i32
      %dma_start3A_27 = arith.constant 0 : i32
      %dma_start3A_28 = tpu.memref_slice %arg15[%dma_start3A_26, %dma_start3A_27] : memref<10016x16xf32, #tpu.memory_space<vmem_shared>> -> memref<16x16xf32, #tpu.memory_space<vmem_shared>>
      tpu.enqueue_dma source(%dma_start3A_28 : memref<16x16xf32, #tpu.memory_space<vmem_shared>>) target(%dma_start3A_25 : memref<16x16xf32, #tpu.memory_space<vmem>>) target_semaphore(%run_scoped3A_17 : memref<!tpu.dma_semaphore, #tpu.memory_space<semaphore_mem>>)
      %dma_wait3A = arith.constant 16 : i32
      %dma_wait3A_29 = arith.constant 0 : i32
      %dma_wait3A_30 = tpu.memref_slice %arg13[%dma_wait3A, %dma_wait3A_29] : memref<128x16xf32, #tpu.memory_space<vmem>> -> memref<16x16xf32, #tpu.memory_space<vmem>>
      %dma_wait3A_31 = arith.constant 0 : i32
      %dma_wait3A_32 = arith.constant 0 : i32
      %dma_wait3A_33 = tpu.memref_slice %arg15[%dma_wait3A_31, %dma_wait3A_32] : memref<10016x16xf32, #tpu.memory_space<vmem_shared>> -> memref<16x16xf32, #tpu.memory_space<vmem_shared>>
      %dma_wait3A_34 = arith.constant 16 : i32
      %dma_wait3A_35 = arith.constant 0 : i32
      %dma_wait3A_36 = tpu.memref_slice %arg13[%dma_wait3A_34, %dma_wait3A_35] : memref<128x16xf32, #tpu.memory_space<vmem>> -> memref<16x16xf32, #tpu.memory_space<vmem>>
      %dma_wait3A_37 = arith.constant 0 : i32
      %dma_wait3A_38 = arith.constant 0 : i32
      %dma_wait3A_39 = tpu.memref_slice %arg15[%dma_wait3A_37, %dma_wait3A_38] : memref<10016x16xf32, #tpu.memory_space<vmem_shared>> -> memref<16x16xf32, #tpu.memory_space<vmem_shared>>
      tpu.wait_dma2 semaphore(%run_scoped3A_17 : memref<!tpu.dma_semaphore, #tpu.memory_space<semaphore_mem>>) src(%dma_wait3A_39 : memref<16x16xf32, #tpu.memory_space<vmem_shared>>) dst(%dma_wait3A_36 : memref<16x16xf32, #tpu.memory_space<vmem>>)
      tpu.yield
    }) : () -> ()
    "tpu.region"() ({
      %run_scoped3A_17 = tpu.sem_alloc : memref<!tpu.dma_semaphore, #tpu.memory_space<semaphore_mem>>
      %dma_start3A = arith.constant 0 : i32
      %dma_start3A_18 = arith.constant 0 : i32
      %dma_start3A_19 = tpu.memref_slice %arg13[%dma_start3A, %dma_start3A_18] : memref<128x16xf32, #tpu.memory_space<vmem>> -> memref<32x16xf32, #tpu.memory_space<vmem>>
      %dma_start3A_20 = arith.constant 0 : i32
      %dma_start3A_21 = arith.constant 0 : i32
      %dma_start3A_22 = tpu.memref_slice %arg15[%dma_start3A_20, %dma_start3A_21] : memref<10016x16xf32, #tpu.memory_space<vmem_shared>> -> memref<32x16xf32, #tpu.memory_space<vmem_shared>>
      %dma_start3A_23 = arith.constant 0 : i32
      %dma_start3A_24 = arith.constant 0 : i32
      %dma_start3A_25 = tpu.memref_slice %arg15[%dma_start3A_23, %dma_start3A_24] : memref<10016x16xf32, #tpu.memory_space<vmem_shared>> -> memref<32x16xf32, #tpu.memory_space<vmem_shared>>
      %dma_start3A_26 = arith.constant 0 : i32
      %dma_start3A_27 = arith.constant 0 : i32
      %dma_start3A_28 = tpu.memref_slice %arg13[%dma_start3A_26, %dma_start3A_27] : memref<128x16xf32, #tpu.memory_space<vmem>> -> memref<32x16xf32, #tpu.memory_space<vmem>>
      tpu.enqueue_dma source(%dma_start3A_28 : memref<32x16xf32, #tpu.memory_space<vmem>>) target(%dma_start3A_25 : memref<32x16xf32, #tpu.memory_space<vmem_shared>>) target_semaphore(%run_scoped3A_17 : memref<!tpu.dma_semaphore, #tpu.memory_space<semaphore_mem>>)
      %dma_wait3A = arith.constant 0 : i32
      %dma_wait3A_29 = arith.constant 0 : i32
      %dma_wait3A_30 = tpu.memref_slice %arg13[%dma_wait3A, %dma_wait3A_29] : memref<128x16xf32, #tpu.memory_space<vmem>> -> memref<32x16xf32, #tpu.memory_space<vmem>>
      %dma_wait3A_31 = arith.constant 0 : i32
      %dma_wait3A_32 = arith.constant 0 : i32
      %dma_wait3A_33 = tpu.memref_slice %arg15[%dma_wait3A_31, %dma_wait3A_32] : memref<10016x16xf32, #tpu.memory_space<vmem_shared>> -> memref<32x16xf32, #tpu.memory_space<vmem_shared>>
      %dma_wait3A_34 = arith.constant 0 : i32
      %dma_wait3A_35 = arith.constant 0 : i32
      %dma_wait3A_36 = tpu.memref_slice %arg15[%dma_wait3A_34, %dma_wait3A_35] : memref<10016x16xf32, #tpu.memory_space<vmem_shared>> -> memref<32x16xf32, #tpu.memory_space<vmem_shared>>
      %dma_wait3A_37 = arith.constant 0 : i32
      %dma_wait3A_38 = arith.constant 0 : i32
      %dma_wait3A_39 = tpu.memref_slice %arg13[%dma_wait3A_37, %dma_wait3A_38] : memref<128x16xf32, #tpu.memory_space<vmem>> -> memref<32x16xf32, #tpu.memory_space<vmem>>
      tpu.wait_dma2 semaphore(%run_scoped3A_17 : memref<!tpu.dma_semaphore, #tpu.memory_space<semaphore_mem>>) src(%dma_wait3A_39 : memref<32x16xf32, #tpu.memory_space<vmem>>) dst(%dma_wait3A_36 : memref<32x16xf32, #tpu.memory_space<vmem_shared>>)
      tpu.yield
    }) : () -> ()
    "tpu.region"() ({
      %run_scoped3A_17 = tpu.sem_alloc : memref<!tpu.dma_semaphore, #tpu.memory_space<semaphore_mem>>
      %dma_start3A = arith.constant 32 : i32
      %dma_start3A_18 = arith.constant 0 : i32
      %dma_start3A_19 = tpu.memref_slice %arg13[%dma_start3A, %dma_start3A_18] : memref<128x16xf32, #tpu.memory_space<vmem>> -> memref<32x16xf32, #tpu.memory_space<vmem>>
      %dma_start3A_20 = arith.constant 0 : i32
      %dma_start3A_21 = arith.constant 0 : i32
      %dma_start3A_22 = tpu.memref_slice %arg15[%dma_start3A_20, %dma_start3A_21] : memref<10016x16xf32, #tpu.memory_space<vmem_shared>> -> memref<32x16xf32, #tpu.memory_space<vmem_shared>>
      %dma_start3A_23 = arith.constant 32 : i32
      %dma_start3A_24 = arith.constant 0 : i32
      %dma_start3A_25 = tpu.memref_slice %arg13[%dma_start3A_23, %dma_start3A_24] : memref<128x16xf32, #tpu.memory_space<vmem>> -> memref<32x16xf32, #tpu.memory_space<vmem>>
      %dma_start3A_26 = arith.constant 0 : i32
      %dma_start3A_27 = arith.constant 0 : i32
      %dma_start3A_28 = tpu.memref_slice %arg15[%dma_start3A_26, %dma_start3A_27] : memref<10016x16xf32, #tpu.memory_space<vmem_shared>> -> memref<32x16xf32, #tpu.memory_space<vmem_shared>>
      tpu.enqueue_dma source(%dma_start3A_28 : memref<32x16xf32, #tpu.memory_space<vmem_shared>>) target(%dma_start3A_25 : memref<32x16xf32, #tpu.memory_space<vmem>>) target_semaphore(%run_scoped3A_17 : memref<!tpu.dma_semaphore, #tpu.memory_space<semaphore_mem>>)
      %dma_wait3A = arith.constant 32 : i32
      %dma_wait3A_29 = arith.constant 0 : i32
      %dma_wait3A_30 = tpu.memref_slice %arg13[%dma_wait3A, %dma_wait3A_29] : memref<128x16xf32, #tpu.memory_space<vmem>> -> memref<32x16xf32, #tpu.memory_space<vmem>>
      %dma_wait3A_31 = arith.constant 0 : i32
      %dma_wait3A_32 = arith.constant 0 : i32
      %dma_wait3A_33 = tpu.memref_slice %arg15[%dma_wait3A_31, %dma_wait3A_32] : memref<10016x16xf32, #tpu.memory_space<vmem_shared>> -> memref<32x16xf32, #tpu.memory_space<vmem_shared>>
      %dma_wait3A_34 = arith.constant 32 : i32
      %dma_wait3A_35 = arith.constant 0 : i32
      %dma_wait3A_36 = tpu.memref_slice %arg13[%dma_wait3A_34, %dma_wait3A_35] : memref<128x16xf32, #tpu.memory_space<vmem>> -> memref<32x16xf32, #tpu.memory_space<vmem>>
      %dma_wait3A_37 = arith.constant 0 : i32
      %dma_wait3A_38 = arith.constant 0 : i32
      %dma_wait3A_39 = tpu.memref_slice %arg15[%dma_wait3A_37, %dma_wait3A_38] : memref<10016x16xf32, #tpu.memory_space<vmem_shared>> -> memref<32x16xf32, #tpu.memory_space<vmem_shared>>
      tpu.wait_dma2 semaphore(%run_scoped3A_17 : memref<!tpu.dma_semaphore, #tpu.memory_space<semaphore_mem>>) src(%dma_wait3A_39 : memref<32x16xf32, #tpu.memory_space<vmem_shared>>) dst(%dma_wait3A_36 : memref<32x16xf32, #tpu.memory_space<vmem>>)
      tpu.yield
    }) : () -> ()
    "tpu.region"() ({
      %run_scoped3A_17 = tpu.sem_alloc : memref<!tpu.dma_semaphore, #tpu.memory_space<semaphore_mem>>
      %dma_start3A = arith.constant 0 : i32
      %dma_start3A_18 = arith.constant 0 : i32
      %dma_start3A_19 = tpu.memref_slice %arg13[%dma_start3A, %dma_start3A_18] : memref<128x16xf32, #tpu.memory_space<vmem>> -> memref<64x16xf32, #tpu.memory_space<vmem>>
      %dma_start3A_20 = arith.constant 0 : i32
      %dma_start3A_21 = arith.constant 0 : i32
      %dma_start3A_22 = tpu.memref_slice %arg15[%dma_start3A_20, %dma_start3A_21] : memref<10016x16xf32, #tpu.memory_space<vmem_shared>> -> memref<64x16xf32, #tpu.memory_space<vmem_shared>>
      %dma_start3A_23 = arith.constant 0 : i32
      %dma_start3A_24 = arith.constant 0 : i32
      %dma_start3A_25 = tpu.memref_slice %arg15[%dma_start3A_23, %dma_start3A_24] : memref<10016x16xf32, #tpu.memory_space<vmem_shared>> -> memref<64x16xf32, #tpu.memory_space<vmem_shared>>
      %dma_start3A_26 = arith.constant 0 : i32
      %dma_start3A_27 = arith.constant 0 : i32
      %dma_start3A_28 = tpu.memref_slice %arg13[%dma_start3A_26, %dma_start3A_27] : memref<128x16xf32, #tpu.memory_space<vmem>> -> memref<64x16xf32, #tpu.memory_space<vmem>>
      tpu.enqueue_dma source(%dma_start3A_28 : memref<64x16xf32, #tpu.memory_space<vmem>>) target(%dma_start3A_25 : memref<64x16xf32, #tpu.memory_space<vmem_shared>>) target_semaphore(%run_scoped3A_17 : memref<!tpu.dma_semaphore, #tpu.memory_space<semaphore_mem>>)
      %dma_wait3A = arith.constant 0 : i32
      %dma_wait3A_29 = arith.constant 0 : i32
      %dma_wait3A_30 = tpu.memref_slice %arg13[%dma_wait3A, %dma_wait3A_29] : memref<128x16xf32, #tpu.memory_space<vmem>> -> memref<64x16xf32, #tpu.memory_space<vmem>>
      %dma_wait3A_31 = arith.constant 0 : i32
      %dma_wait3A_32 = arith.constant 0 : i32
      %dma_wait3A_33 = tpu.memref_slice %arg15[%dma_wait3A_31, %dma_wait3A_32] : memref<10016x16xf32, #tpu.memory_space<vmem_shared>> -> memref<64x16xf32, #tpu.memory_space<vmem_shared>>
      %dma_wait3A_34 = arith.constant 0 : i32
      %dma_wait3A_35 = arith.constant 0 : i32
      %dma_wait3A_36 = tpu.memref_slice %arg15[%dma_wait3A_34, %dma_wait3A_35] : memref<10016x16xf32, #tpu.memory_space<vmem_shared>> -> memref<64x16xf32, #tpu.memory_space<vmem_shared>>
      %dma_wait3A_37 = arith.constant 0 : i32
      %dma_wait3A_38 = arith.constant 0 : i32
      %dma_wait3A_39 = tpu.memref_slice %arg13[%dma_wait3A_37, %dma_wait3A_38] : memref<128x16xf32, #tpu.memory_space<vmem>> -> memref<64x16xf32, #tpu.memory_space<vmem>>
      tpu.wait_dma2 semaphore(%run_scoped3A_17 : memref<!tpu.dma_semaphore, #tpu.memory_space<semaphore_mem>>) src(%dma_wait3A_39 : memref<64x16xf32, #tpu.memory_space<vmem>>) dst(%dma_wait3A_36 : memref<64x16xf32, #tpu.memory_space<vmem_shared>>)
      tpu.yield
    }) : () -> ()
    "tpu.region"() ({
      %run_scoped3A_17 = tpu.sem_alloc : memref<!tpu.dma_semaphore, #tpu.memory_space<semaphore_mem>>
      %dma_start3A = arith.constant 64 : i32
      %dma_start3A_18 = arith.constant 0 : i32
      %dma_start3A_19 = tpu.memref_slice %arg13[%dma_start3A, %dma_start3A_18] : memref<128x16xf32, #tpu.memory_space<vmem>> -> memref<64x16xf32, #tpu.memory_space<vmem>>
      %dma_start3A_20 = arith.constant 0 : i32
      %dma_start3A_21 = arith.constant 0 : i32
      %dma_start3A_22 = tpu.memref_slice %arg15[%dma_start3A_20, %dma_start3A_21] : memref<10016x16xf32, #tpu.memory_space<vmem_shared>> -> memref<64x16xf32, #tpu.memory_space<vmem_shared>>
      %dma_start3A_23 = arith.constant 64 : i32
      %dma_start3A_24 = arith.constant 0 : i32
      %dma_start3A_25 = tpu.memref_slice %arg13[%dma_start3A_23, %dma_start3A_24] : memref<128x16xf32, #tpu.memory_space<vmem>> -> memref<64x16xf32, #tpu.memory_space<vmem>>
      %dma_start3A_26 = arith.constant 0 : i32
      %dma_start3A_27 = arith.constant 0 : i32
      %dma_start3A_28 = tpu.memref_slice %arg15[%dma_start3A_26, %dma_start3A_27] : memref<10016x16xf32, #tpu.memory_space<vmem_shared>> -> memref<64x16xf32, #tpu.memory_space<vmem_shared>>
      tpu.enqueue_dma source(%dma_start3A_28 : memref<64x16xf32, #tpu.memory_space<vmem_shared>>) target(%dma_start3A_25 : memref<64x16xf32, #tpu.memory_space<vmem>>) target_semaphore(%run_scoped3A_17 : memref<!tpu.dma_semaphore, #tpu.memory_space<semaphore_mem>>)
      %dma_wait3A = arith.constant 64 : i32
      %dma_wait3A_29 = arith.constant 0 : i32
      %dma_wait3A_30 = tpu.memref_slice %arg13[%dma_wait3A, %dma_wait3A_29] : memref<128x16xf32, #tpu.memory_space<vmem>> -> memref<64x16xf32, #tpu.memory_space<vmem>>
      %dma_wait3A_31 = arith.constant 0 : i32
      %dma_wait3A_32 = arith.constant 0 : i32
      %dma_wait3A_33 = tpu.memref_slice %arg15[%dma_wait3A_31, %dma_wait3A_32] : memref<10016x16xf32, #tpu.memory_space<vmem_shared>> -> memref<64x16xf32, #tpu.memory_space<vmem_shared>>
      %dma_wait3A_34 = arith.constant 64 : i32
      %dma_wait3A_35 = arith.constant 0 : i32
      %dma_wait3A_36 = tpu.memref_slice %arg13[%dma_wait3A_34, %dma_wait3A_35] : memref<128x16xf32, #tpu.memory_space<vmem>> -> memref<64x16xf32, #tpu.memory_space<vmem>>
      %dma_wait3A_37 = arith.constant 0 : i32
      %dma_wait3A_38 = arith.constant 0 : i32
      %dma_wait3A_39 = tpu.memref_slice %arg15[%dma_wait3A_37, %dma_wait3A_38] : memref<10016x16xf32, #tpu.memory_space<vmem_shared>> -> memref<64x16xf32, #tpu.memory_space<vmem_shared>>
      tpu.wait_dma2 semaphore(%run_scoped3A_17 : memref<!tpu.dma_semaphore, #tpu.memory_space<semaphore_mem>>) src(%dma_wait3A_39 : memref<64x16xf32, #tpu.memory_space<vmem_shared>>) dst(%dma_wait3A_36 : memref<64x16xf32, #tpu.memory_space<vmem>>)
      tpu.yield
    }) : () -> ()
    %barrier3A = arith.constant 0 : index
    tpu.barrier barrier_id(%barrier3A)
    %run_scoped3A_7 = arith.constant 0 : i32
    "tpu.region"() ({
      %run_scoped3A_17 = tpu.sem_alloc : memref<!tpu.dma_semaphore, #tpu.memory_space<semaphore_mem>>
      %dma_start3A = arith.constant 0 : i32
      %dma_start3A_18 = tpu.memref_slice %arg14[%run_scoped3A_7, %dma_start3A] : memref<80x16xf32, #tpu.memory_space<vmem>> -> memref<1x16xf32, #tpu.memory_space<vmem>>
      %dma_start3A_19 = tpu.memref_squeeze %dma_start3A_18 : memref<1x16xf32, #tpu.memory_space<vmem>> -> memref<16xf32, #tpu.memory_space<vmem>>
      %dma_start3A_20 = arith.constant 0 : i32
      %dma_start3A_21 = tpu.memref_slice %arg14[%run_scoped3A_7, %dma_start3A_20] : memref<80x16xf32, #tpu.memory_space<vmem>> -> memref<1x16xf32, #tpu.memory_space<vmem>>
      %dma_start3A_22 = tpu.memref_squeeze %dma_start3A_21 : memref<1x16xf32, #tpu.memory_space<vmem>> -> memref<16xf32, #tpu.memory_space<vmem>>
      tpu.enqueue_dma source(%arg7 : memref<16xf32, #tpu.memory_space<hbm>>) target(%dma_start3A_22 : memref<16xf32, #tpu.memory_space<vmem>>) target_semaphore(%run_scoped3A_17 : memref<!tpu.dma_semaphore, #tpu.memory_space<semaphore_mem>>)
      %dma_wait3A = arith.constant 0 : i32
      %dma_wait3A_23 = tpu.memref_slice %arg14[%run_scoped3A_7, %dma_wait3A] : memref<80x16xf32, #tpu.memory_space<vmem>> -> memref<1x16xf32, #tpu.memory_space<vmem>>
      %dma_wait3A_24 = tpu.memref_squeeze %dma_wait3A_23 : memref<1x16xf32, #tpu.memory_space<vmem>> -> memref<16xf32, #tpu.memory_space<vmem>>
      %dma_wait3A_25 = arith.constant 0 : i32
      %dma_wait3A_26 = tpu.memref_slice %arg14[%run_scoped3A_7, %dma_wait3A_25] : memref<80x16xf32, #tpu.memory_space<vmem>> -> memref<1x16xf32, #tpu.memory_space<vmem>>
      %dma_wait3A_27 = tpu.memref_squeeze %dma_wait3A_26 : memref<1x16xf32, #tpu.memory_space<vmem>> -> memref<16xf32, #tpu.memory_space<vmem>>
      tpu.wait_dma2 semaphore(%run_scoped3A_17 : memref<!tpu.dma_semaphore, #tpu.memory_space<semaphore_mem>>) src(%arg7 : memref<16xf32, #tpu.memory_space<hbm>>) dst(%dma_wait3A_27 : memref<16xf32, #tpu.memory_space<vmem>>)
      tpu.yield
    }) : () -> ()
    "tpu.region"() ({
      %run_scoped3A_17 = tpu.sem_alloc : memref<!tpu.dma_semaphore, #tpu.memory_space<semaphore_mem>>
      %dma_start3A = arith.constant 0 : i32
      %dma_start3A_18 = arith.constant 0 : i32
      %dma_start3A_19 = tpu.memref_slice %arg14[%dma_start3A, %dma_start3A_18] : memref<80x16xf32, #tpu.memory_space<vmem>> -> memref<1x16xf32, #tpu.memory_space<vmem>>
      %dma_start3A_20 = arith.constant 0 : i32
      %dma_start3A_21 = arith.constant 0 : i32
      %dma_start3A_22 = tpu.memref_slice %arg15[%dma_start3A_20, %dma_start3A_21] : memref<10016x16xf32, #tpu.memory_space<vmem_shared>> -> memref<1x16xf32, #tpu.memory_space<vmem_shared>>
      %dma_start3A_23 = arith.constant 0 : i32
      %dma_start3A_24 = arith.constant 0 : i32
      %dma_start3A_25 = tpu.memref_slice %arg15[%dma_start3A_23, %dma_start3A_24] : memref<10016x16xf32, #tpu.memory_space<vmem_shared>> -> memref<1x16xf32, #tpu.memory_space<vmem_shared>>
      %dma_start3A_26 = arith.constant 0 : i32
      %dma_start3A_27 = arith.constant 0 : i32
      %dma_start3A_28 = tpu.memref_slice %arg14[%dma_start3A_26, %dma_start3A_27] : memref<80x16xf32, #tpu.memory_space<vmem>> -> memref<1x16xf32, #tpu.memory_space<vmem>>
      tpu.enqueue_dma source(%dma_start3A_28 : memref<1x16xf32, #tpu.memory_space<vmem>>) target(%dma_start3A_25 : memref<1x16xf32, #tpu.memory_space<vmem_shared>>) target_semaphore(%run_scoped3A_17 : memref<!tpu.dma_semaphore, #tpu.memory_space<semaphore_mem>>)
      %dma_wait3A = arith.constant 0 : i32
      %dma_wait3A_29 = arith.constant 0 : i32
      %dma_wait3A_30 = tpu.memref_slice %arg14[%dma_wait3A, %dma_wait3A_29] : memref<80x16xf32, #tpu.memory_space<vmem>> -> memref<1x16xf32, #tpu.memory_space<vmem>>
      %dma_wait3A_31 = arith.constant 0 : i32
      %dma_wait3A_32 = arith.constant 0 : i32
      %dma_wait3A_33 = tpu.memref_slice %arg15[%dma_wait3A_31, %dma_wait3A_32] : memref<10016x16xf32, #tpu.memory_space<vmem_shared>> -> memref<1x16xf32, #tpu.memory_space<vmem_shared>>
      %dma_wait3A_34 = arith.constant 0 : i32
      %dma_wait3A_35 = arith.constant 0 : i32
      %dma_wait3A_36 = tpu.memref_slice %arg15[%dma_wait3A_34, %dma_wait3A_35] : memref<10016x16xf32, #tpu.memory_space<vmem_shared>> -> memref<1x16xf32, #tpu.memory_space<vmem_shared>>
      %dma_wait3A_37 = arith.constant 0 : i32
      %dma_wait3A_38 = arith.constant 0 : i32
      %dma_wait3A_39 = tpu.memref_slice %arg14[%dma_wait3A_37, %dma_wait3A_38] : memref<80x16xf32, #tpu.memory_space<vmem>> -> memref<1x16xf32, #tpu.memory_space<vmem>>
      tpu.wait_dma2 semaphore(%run_scoped3A_17 : memref<!tpu.dma_semaphore, #tpu.memory_space<semaphore_mem>>) src(%dma_wait3A_39 : memref<1x16xf32, #tpu.memory_space<vmem>>) dst(%dma_wait3A_36 : memref<1x16xf32, #tpu.memory_space<vmem_shared>>)
      tpu.yield
    }) : () -> ()
    "tpu.region"() ({
      %run_scoped3A_17 = tpu.sem_alloc : memref<!tpu.dma_semaphore, #tpu.memory_space<semaphore_mem>>
      %dma_start3A = arith.constant 1 : i32
      %dma_start3A_18 = arith.constant 0 : i32
      %dma_start3A_19 = tpu.memref_slice %arg14[%dma_start3A, %dma_start3A_18] : memref<80x16xf32, #tpu.memory_space<vmem>> -> memref<1x16xf32, #tpu.memory_space<vmem>>
      %dma_start3A_20 = arith.constant 0 : i32
      %dma_start3A_21 = arith.constant 0 : i32
      %dma_start3A_22 = tpu.memref_slice %arg15[%dma_start3A_20, %dma_start3A_21] : memref<10016x16xf32, #tpu.memory_space<vmem_shared>> -> memref<1x16xf32, #tpu.memory_space<vmem_shared>>
      %dma_start3A_23 = arith.constant 1 : i32
      %dma_start3A_24 = arith.constant 0 : i32
      %dma_start3A_25 = tpu.memref_slice %arg14[%dma_start3A_23, %dma_start3A_24] : memref<80x16xf32, #tpu.memory_space<vmem>> -> memref<1x16xf32, #tpu.memory_space<vmem>>
      %dma_start3A_26 = arith.constant 0 : i32
      %dma_start3A_27 = arith.constant 0 : i32
      %dma_start3A_28 = tpu.memref_slice %arg15[%dma_start3A_26, %dma_start3A_27] : memref<10016x16xf32, #tpu.memory_space<vmem_shared>> -> memref<1x16xf32, #tpu.memory_space<vmem_shared>>
      tpu.enqueue_dma source(%dma_start3A_28 : memref<1x16xf32, #tpu.memory_space<vmem_shared>>) target(%dma_start3A_25 : memref<1x16xf32, #tpu.memory_space<vmem>>) target_semaphore(%run_scoped3A_17 : memref<!tpu.dma_semaphore, #tpu.memory_space<semaphore_mem>>)
      %dma_wait3A = arith.constant 1 : i32
      %dma_wait3A_29 = arith.constant 0 : i32
      %dma_wait3A_30 = tpu.memref_slice %arg14[%dma_wait3A, %dma_wait3A_29] : memref<80x16xf32, #tpu.memory_space<vmem>> -> memref<1x16xf32, #tpu.memory_space<vmem>>
      %dma_wait3A_31 = arith.constant 0 : i32
      %dma_wait3A_32 = arith.constant 0 : i32
      %dma_wait3A_33 = tpu.memref_slice %arg15[%dma_wait3A_31, %dma_wait3A_32] : memref<10016x16xf32, #tpu.memory_space<vmem_shared>> -> memref<1x16xf32, #tpu.memory_space<vmem_shared>>
      %dma_wait3A_34 = arith.constant 1 : i32
      %dma_wait3A_35 = arith.constant 0 : i32
      %dma_wait3A_36 = tpu.memref_slice %arg14[%dma_wait3A_34, %dma_wait3A_35] : memref<80x16xf32, #tpu.memory_space<vmem>> -> memref<1x16xf32, #tpu.memory_space<vmem>>
      %dma_wait3A_37 = arith.constant 0 : i32
      %dma_wait3A_38 = arith.constant 0 : i32
      %dma_wait3A_39 = tpu.memref_slice %arg15[%dma_wait3A_37, %dma_wait3A_38] : memref<10016x16xf32, #tpu.memory_space<vmem_shared>> -> memref<1x16xf32, #tpu.memory_space<vmem_shared>>
      tpu.wait_dma2 semaphore(%run_scoped3A_17 : memref<!tpu.dma_semaphore, #tpu.memory_space<semaphore_mem>>) src(%dma_wait3A_39 : memref<1x16xf32, #tpu.memory_space<vmem_shared>>) dst(%dma_wait3A_36 : memref<1x16xf32, #tpu.memory_space<vmem>>)
      tpu.yield
    }) : () -> ()
    "tpu.region"() ({
      %run_scoped3A_17 = tpu.sem_alloc : memref<!tpu.dma_semaphore, #tpu.memory_space<semaphore_mem>>
      %dma_start3A = arith.constant 0 : i32
      %dma_start3A_18 = arith.constant 0 : i32
      %dma_start3A_19 = tpu.memref_slice %arg14[%dma_start3A, %dma_start3A_18] : memref<80x16xf32, #tpu.memory_space<vmem>> -> memref<2x16xf32, #tpu.memory_space<vmem>>
      %dma_start3A_20 = arith.constant 0 : i32
      %dma_start3A_21 = arith.constant 0 : i32
      %dma_start3A_22 = tpu.memref_slice %arg15[%dma_start3A_20, %dma_start3A_21] : memref<10016x16xf32, #tpu.memory_space<vmem_shared>> -> memref<2x16xf32, #tpu.memory_space<vmem_shared>>
      %dma_start3A_23 = arith.constant 0 : i32
      %dma_start3A_24 = arith.constant 0 : i32
      %dma_start3A_25 = tpu.memref_slice %arg15[%dma_start3A_23, %dma_start3A_24] : memref<10016x16xf32, #tpu.memory_space<vmem_shared>> -> memref<2x16xf32, #tpu.memory_space<vmem_shared>>
      %dma_start3A_26 = arith.constant 0 : i32
      %dma_start3A_27 = arith.constant 0 : i32
      %dma_start3A_28 = tpu.memref_slice %arg14[%dma_start3A_26, %dma_start3A_27] : memref<80x16xf32, #tpu.memory_space<vmem>> -> memref<2x16xf32, #tpu.memory_space<vmem>>
      tpu.enqueue_dma source(%dma_start3A_28 : memref<2x16xf32, #tpu.memory_space<vmem>>) target(%dma_start3A_25 : memref<2x16xf32, #tpu.memory_space<vmem_shared>>) target_semaphore(%run_scoped3A_17 : memref<!tpu.dma_semaphore, #tpu.memory_space<semaphore_mem>>)
      %dma_wait3A = arith.constant 0 : i32
      %dma_wait3A_29 = arith.constant 0 : i32
      %dma_wait3A_30 = tpu.memref_slice %arg14[%dma_wait3A, %dma_wait3A_29] : memref<80x16xf32, #tpu.memory_space<vmem>> -> memref<2x16xf32, #tpu.memory_space<vmem>>
      %dma_wait3A_31 = arith.constant 0 : i32
      %dma_wait3A_32 = arith.constant 0 : i32
      %dma_wait3A_33 = tpu.memref_slice %arg15[%dma_wait3A_31, %dma_wait3A_32] : memref<10016x16xf32, #tpu.memory_space<vmem_shared>> -> memref<2x16xf32, #tpu.memory_space<vmem_shared>>
      %dma_wait3A_34 = arith.constant 0 : i32
      %dma_wait3A_35 = arith.constant 0 : i32
      %dma_wait3A_36 = tpu.memref_slice %arg15[%dma_wait3A_34, %dma_wait3A_35] : memref<10016x16xf32, #tpu.memory_space<vmem_shared>> -> memref<2x16xf32, #tpu.memory_space<vmem_shared>>
      %dma_wait3A_37 = arith.constant 0 : i32
      %dma_wait3A_38 = arith.constant 0 : i32
      %dma_wait3A_39 = tpu.memref_slice %arg14[%dma_wait3A_37, %dma_wait3A_38] : memref<80x16xf32, #tpu.memory_space<vmem>> -> memref<2x16xf32, #tpu.memory_space<vmem>>
      tpu.wait_dma2 semaphore(%run_scoped3A_17 : memref<!tpu.dma_semaphore, #tpu.memory_space<semaphore_mem>>) src(%dma_wait3A_39 : memref<2x16xf32, #tpu.memory_space<vmem>>) dst(%dma_wait3A_36 : memref<2x16xf32, #tpu.memory_space<vmem_shared>>)
      tpu.yield
    }) : () -> ()
    "tpu.region"() ({
      %run_scoped3A_17 = tpu.sem_alloc : memref<!tpu.dma_semaphore, #tpu.memory_space<semaphore_mem>>
      %dma_start3A = arith.constant 2 : i32
      %dma_start3A_18 = arith.constant 0 : i32
      %dma_start3A_19 = tpu.memref_slice %arg14[%dma_start3A, %dma_start3A_18] : memref<80x16xf32, #tpu.memory_space<vmem>> -> memref<2x16xf32, #tpu.memory_space<vmem>>
      %dma_start3A_20 = arith.constant 0 : i32
      %dma_start3A_21 = arith.constant 0 : i32
      %dma_start3A_22 = tpu.memref_slice %arg15[%dma_start3A_20, %dma_start3A_21] : memref<10016x16xf32, #tpu.memory_space<vmem_shared>> -> memref<2x16xf32, #tpu.memory_space<vmem_shared>>
      %dma_start3A_23 = arith.constant 2 : i32
      %dma_start3A_24 = arith.constant 0 : i32
      %dma_start3A_25 = tpu.memref_slice %arg14[%dma_start3A_23, %dma_start3A_24] : memref<80x16xf32, #tpu.memory_space<vmem>> -> memref<2x16xf32, #tpu.memory_space<vmem>>
      %dma_start3A_26 = arith.constant 0 : i32
      %dma_start3A_27 = arith.constant 0 : i32
      %dma_start3A_28 = tpu.memref_slice %arg15[%dma_start3A_26, %dma_start3A_27] : memref<10016x16xf32, #tpu.memory_space<vmem_shared>> -> memref<2x16xf32, #tpu.memory_space<vmem_shared>>
      tpu.enqueue_dma source(%dma_start3A_28 : memref<2x16xf32, #tpu.memory_space<vmem_shared>>) target(%dma_start3A_25 : memref<2x16xf32, #tpu.memory_space<vmem>>) target_semaphore(%run_scoped3A_17 : memref<!tpu.dma_semaphore, #tpu.memory_space<semaphore_mem>>)
      %dma_wait3A = arith.constant 2 : i32
      %dma_wait3A_29 = arith.constant 0 : i32
      %dma_wait3A_30 = tpu.memref_slice %arg14[%dma_wait3A, %dma_wait3A_29] : memref<80x16xf32, #tpu.memory_space<vmem>> -> memref<2x16xf32, #tpu.memory_space<vmem>>
      %dma_wait3A_31 = arith.constant 0 : i32
      %dma_wait3A_32 = arith.constant 0 : i32
      %dma_wait3A_33 = tpu.memref_slice %arg15[%dma_wait3A_31, %dma_wait3A_32] : memref<10016x16xf32, #tpu.memory_space<vmem_shared>> -> memref<2x16xf32, #tpu.memory_space<vmem_shared>>
      %dma_wait3A_34 = arith.constant 2 : i32
      %dma_wait3A_35 = arith.constant 0 : i32
      %dma_wait3A_36 = tpu.memref_slice %arg14[%dma_wait3A_34, %dma_wait3A_35] : memref<80x16xf32, #tpu.memory_space<vmem>> -> memref<2x16xf32, #tpu.memory_space<vmem>>
      %dma_wait3A_37 = arith.constant 0 : i32
      %dma_wait3A_38 = arith.constant 0 : i32
      %dma_wait3A_39 = tpu.memref_slice %arg15[%dma_wait3A_37, %dma_wait3A_38] : memref<10016x16xf32, #tpu.memory_space<vmem_shared>> -> memref<2x16xf32, #tpu.memory_space<vmem_shared>>
      tpu.wait_dma2 semaphore(%run_scoped3A_17 : memref<!tpu.dma_semaphore, #tpu.memory_space<semaphore_mem>>) src(%dma_wait3A_39 : memref<2x16xf32, #tpu.memory_space<vmem_shared>>) dst(%dma_wait3A_36 : memref<2x16xf32, #tpu.memory_space<vmem>>)
      tpu.yield
    }) : () -> ()
    "tpu.region"() ({
      %run_scoped3A_17 = tpu.sem_alloc : memref<!tpu.dma_semaphore, #tpu.memory_space<semaphore_mem>>
      %dma_start3A = arith.constant 0 : i32
      %dma_start3A_18 = arith.constant 0 : i32
      %dma_start3A_19 = tpu.memref_slice %arg14[%dma_start3A, %dma_start3A_18] : memref<80x16xf32, #tpu.memory_space<vmem>> -> memref<4x16xf32, #tpu.memory_space<vmem>>
      %dma_start3A_20 = arith.constant 0 : i32
      %dma_start3A_21 = arith.constant 0 : i32
      %dma_start3A_22 = tpu.memref_slice %arg15[%dma_start3A_20, %dma_start3A_21] : memref<10016x16xf32, #tpu.memory_space<vmem_shared>> -> memref<4x16xf32, #tpu.memory_space<vmem_shared>>
      %dma_start3A_23 = arith.constant 0 : i32
      %dma_start3A_24 = arith.constant 0 : i32
      %dma_start3A_25 = tpu.memref_slice %arg15[%dma_start3A_23, %dma_start3A_24] : memref<10016x16xf32, #tpu.memory_space<vmem_shared>> -> memref<4x16xf32, #tpu.memory_space<vmem_shared>>
      %dma_start3A_26 = arith.constant 0 : i32
      %dma_start3A_27 = arith.constant 0 : i32
      %dma_start3A_28 = tpu.memref_slice %arg14[%dma_start3A_26, %dma_start3A_27] : memref<80x16xf32, #tpu.memory_space<vmem>> -> memref<4x16xf32, #tpu.memory_space<vmem>>
      tpu.enqueue_dma source(%dma_start3A_28 : memref<4x16xf32, #tpu.memory_space<vmem>>) target(%dma_start3A_25 : memref<4x16xf32, #tpu.memory_space<vmem_shared>>) target_semaphore(%run_scoped3A_17 : memref<!tpu.dma_semaphore, #tpu.memory_space<semaphore_mem>>)
      %dma_wait3A = arith.constant 0 : i32
      %dma_wait3A_29 = arith.constant 0 : i32
      %dma_wait3A_30 = tpu.memref_slice %arg14[%dma_wait3A, %dma_wait3A_29] : memref<80x16xf32, #tpu.memory_space<vmem>> -> memref<4x16xf32, #tpu.memory_space<vmem>>
      %dma_wait3A_31 = arith.constant 0 : i32
      %dma_wait3A_32 = arith.constant 0 : i32
      %dma_wait3A_33 = tpu.memref_slice %arg15[%dma_wait3A_31, %dma_wait3A_32] : memref<10016x16xf32, #tpu.memory_space<vmem_shared>> -> memref<4x16xf32, #tpu.memory_space<vmem_shared>>
      %dma_wait3A_34 = arith.constant 0 : i32
      %dma_wait3A_35 = arith.constant 0 : i32
      %dma_wait3A_36 = tpu.memref_slice %arg15[%dma_wait3A_34, %dma_wait3A_35] : memref<10016x16xf32, #tpu.memory_space<vmem_shared>> -> memref<4x16xf32, #tpu.memory_space<vmem_shared>>
      %dma_wait3A_37 = arith.constant 0 : i32
      %dma_wait3A_38 = arith.constant 0 : i32
      %dma_wait3A_39 = tpu.memref_slice %arg14[%dma_wait3A_37, %dma_wait3A_38] : memref<80x16xf32, #tpu.memory_space<vmem>> -> memref<4x16xf32, #tpu.memory_space<vmem>>
      tpu.wait_dma2 semaphore(%run_scoped3A_17 : memref<!tpu.dma_semaphore, #tpu.memory_space<semaphore_mem>>) src(%dma_wait3A_39 : memref<4x16xf32, #tpu.memory_space<vmem>>) dst(%dma_wait3A_36 : memref<4x16xf32, #tpu.memory_space<vmem_shared>>)
      tpu.yield
    }) : () -> ()
    "tpu.region"() ({
      %run_scoped3A_17 = tpu.sem_alloc : memref<!tpu.dma_semaphore, #tpu.memory_space<semaphore_mem>>
      %dma_start3A = arith.constant 4 : i32
      %dma_start3A_18 = arith.constant 0 : i32
      %dma_start3A_19 = tpu.memref_slice %arg14[%dma_start3A, %dma_start3A_18] : memref<80x16xf32, #tpu.memory_space<vmem>> -> memref<4x16xf32, #tpu.memory_space<vmem>>
      %dma_start3A_20 = arith.constant 0 : i32
      %dma_start3A_21 = arith.constant 0 : i32
      %dma_start3A_22 = tpu.memref_slice %arg15[%dma_start3A_20, %dma_start3A_21] : memref<10016x16xf32, #tpu.memory_space<vmem_shared>> -> memref<4x16xf32, #tpu.memory_space<vmem_shared>>
      %dma_start3A_23 = arith.constant 4 : i32
      %dma_start3A_24 = arith.constant 0 : i32
      %dma_start3A_25 = tpu.memref_slice %arg14[%dma_start3A_23, %dma_start3A_24] : memref<80x16xf32, #tpu.memory_space<vmem>> -> memref<4x16xf32, #tpu.memory_space<vmem>>
      %dma_start3A_26 = arith.constant 0 : i32
      %dma_start3A_27 = arith.constant 0 : i32
      %dma_start3A_28 = tpu.memref_slice %arg15[%dma_start3A_26, %dma_start3A_27] : memref<10016x16xf32, #tpu.memory_space<vmem_shared>> -> memref<4x16xf32, #tpu.memory_space<vmem_shared>>
      tpu.enqueue_dma source(%dma_start3A_28 : memref<4x16xf32, #tpu.memory_space<vmem_shared>>) target(%dma_start3A_25 : memref<4x16xf32, #tpu.memory_space<vmem>>) target_semaphore(%run_scoped3A_17 : memref<!tpu.dma_semaphore, #tpu.memory_space<semaphore_mem>>)
      %dma_wait3A = arith.constant 4 : i32
      %dma_wait3A_29 = arith.constant 0 : i32
      %dma_wait3A_30 = tpu.memref_slice %arg14[%dma_wait3A, %dma_wait3A_29] : memref<80x16xf32, #tpu.memory_space<vmem>> -> memref<4x16xf32, #tpu.memory_space<vmem>>
      %dma_wait3A_31 = arith.constant 0 : i32
      %dma_wait3A_32 = arith.constant 0 : i32
      %dma_wait3A_33 = tpu.memref_slice %arg15[%dma_wait3A_31, %dma_wait3A_32] : memref<10016x16xf32, #tpu.memory_space<vmem_shared>> -> memref<4x16xf32, #tpu.memory_space<vmem_shared>>
      %dma_wait3A_34 = arith.constant 4 : i32
      %dma_wait3A_35 = arith.constant 0 : i32
      %dma_wait3A_36 = tpu.memref_slice %arg14[%dma_wait3A_34, %dma_wait3A_35] : memref<80x16xf32, #tpu.memory_space<vmem>> -> memref<4x16xf32, #tpu.memory_space<vmem>>
      %dma_wait3A_37 = arith.constant 0 : i32
      %dma_wait3A_38 = arith.constant 0 : i32
      %dma_wait3A_39 = tpu.memref_slice %arg15[%dma_wait3A_37, %dma_wait3A_38] : memref<10016x16xf32, #tpu.memory_space<vmem_shared>> -> memref<4x16xf32, #tpu.memory_space<vmem_shared>>
      tpu.wait_dma2 semaphore(%run_scoped3A_17 : memref<!tpu.dma_semaphore, #tpu.memory_space<semaphore_mem>>) src(%dma_wait3A_39 : memref<4x16xf32, #tpu.memory_space<vmem_shared>>) dst(%dma_wait3A_36 : memref<4x16xf32, #tpu.memory_space<vmem>>)
      tpu.yield
    }) : () -> ()
    "tpu.region"() ({
      %run_scoped3A_17 = tpu.sem_alloc : memref<!tpu.dma_semaphore, #tpu.memory_space<semaphore_mem>>
      %dma_start3A = arith.constant 0 : i32
      %dma_start3A_18 = arith.constant 0 : i32
      %dma_start3A_19 = tpu.memref_slice %arg14[%dma_start3A, %dma_start3A_18] : memref<80x16xf32, #tpu.memory_space<vmem>> -> memref<8x16xf32, #tpu.memory_space<vmem>>
      %dma_start3A_20 = arith.constant 0 : i32
      %dma_start3A_21 = arith.constant 0 : i32
      %dma_start3A_22 = tpu.memref_slice %arg15[%dma_start3A_20, %dma_start3A_21] : memref<10016x16xf32, #tpu.memory_space<vmem_shared>> -> memref<8x16xf32, #tpu.memory_space<vmem_shared>>
      %dma_start3A_23 = arith.constant 0 : i32
      %dma_start3A_24 = arith.constant 0 : i32
      %dma_start3A_25 = tpu.memref_slice %arg15[%dma_start3A_23, %dma_start3A_24] : memref<10016x16xf32, #tpu.memory_space<vmem_shared>> -> memref<8x16xf32, #tpu.memory_space<vmem_shared>>
      %dma_start3A_26 = arith.constant 0 : i32
      %dma_start3A_27 = arith.constant 0 : i32
      %dma_start3A_28 = tpu.memref_slice %arg14[%dma_start3A_26, %dma_start3A_27] : memref<80x16xf32, #tpu.memory_space<vmem>> -> memref<8x16xf32, #tpu.memory_space<vmem>>
      tpu.enqueue_dma source(%dma_start3A_28 : memref<8x16xf32, #tpu.memory_space<vmem>>) target(%dma_start3A_25 : memref<8x16xf32, #tpu.memory_space<vmem_shared>>) target_semaphore(%run_scoped3A_17 : memref<!tpu.dma_semaphore, #tpu.memory_space<semaphore_mem>>)
      %dma_wait3A = arith.constant 0 : i32
      %dma_wait3A_29 = arith.constant 0 : i32
      %dma_wait3A_30 = tpu.memref_slice %arg14[%dma_wait3A, %dma_wait3A_29] : memref<80x16xf32, #tpu.memory_space<vmem>> -> memref<8x16xf32, #tpu.memory_space<vmem>>
      %dma_wait3A_31 = arith.constant 0 : i32
      %dma_wait3A_32 = arith.constant 0 : i32
      %dma_wait3A_33 = tpu.memref_slice %arg15[%dma_wait3A_31, %dma_wait3A_32] : memref<10016x16xf32, #tpu.memory_space<vmem_shared>> -> memref<8x16xf32, #tpu.memory_space<vmem_shared>>
      %dma_wait3A_34 = arith.constant 0 : i32
      %dma_wait3A_35 = arith.constant 0 : i32
      %dma_wait3A_36 = tpu.memref_slice %arg15[%dma_wait3A_34, %dma_wait3A_35] : memref<10016x16xf32, #tpu.memory_space<vmem_shared>> -> memref<8x16xf32, #tpu.memory_space<vmem_shared>>
      %dma_wait3A_37 = arith.constant 0 : i32
      %dma_wait3A_38 = arith.constant 0 : i32
      %dma_wait3A_39 = tpu.memref_slice %arg14[%dma_wait3A_37, %dma_wait3A_38] : memref<80x16xf32, #tpu.memory_space<vmem>> -> memref<8x16xf32, #tpu.memory_space<vmem>>
      tpu.wait_dma2 semaphore(%run_scoped3A_17 : memref<!tpu.dma_semaphore, #tpu.memory_space<semaphore_mem>>) src(%dma_wait3A_39 : memref<8x16xf32, #tpu.memory_space<vmem>>) dst(%dma_wait3A_36 : memref<8x16xf32, #tpu.memory_space<vmem_shared>>)
      tpu.yield
    }) : () -> ()
    "tpu.region"() ({
      %run_scoped3A_17 = tpu.sem_alloc : memref<!tpu.dma_semaphore, #tpu.memory_space<semaphore_mem>>
      %dma_start3A = arith.constant 8 : i32
      %dma_start3A_18 = arith.constant 0 : i32
      %dma_start3A_19 = tpu.memref_slice %arg14[%dma_start3A, %dma_start3A_18] : memref<80x16xf32, #tpu.memory_space<vmem>> -> memref<8x16xf32, #tpu.memory_space<vmem>>
      %dma_start3A_20 = arith.constant 0 : i32
      %dma_start3A_21 = arith.constant 0 : i32
      %dma_start3A_22 = tpu.memref_slice %arg15[%dma_start3A_20, %dma_start3A_21] : memref<10016x16xf32, #tpu.memory_space<vmem_shared>> -> memref<8x16xf32, #tpu.memory_space<vmem_shared>>
      %dma_start3A_23 = arith.constant 8 : i32
      %dma_start3A_24 = arith.constant 0 : i32
      %dma_start3A_25 = tpu.memref_slice %arg14[%dma_start3A_23, %dma_start3A_24] : memref<80x16xf32, #tpu.memory_space<vmem>> -> memref<8x16xf32, #tpu.memory_space<vmem>>
      %dma_start3A_26 = arith.constant 0 : i32
      %dma_start3A_27 = arith.constant 0 : i32
      %dma_start3A_28 = tpu.memref_slice %arg15[%dma_start3A_26, %dma_start3A_27] : memref<10016x16xf32, #tpu.memory_space<vmem_shared>> -> memref<8x16xf32, #tpu.memory_space<vmem_shared>>
      tpu.enqueue_dma source(%dma_start3A_28 : memref<8x16xf32, #tpu.memory_space<vmem_shared>>) target(%dma_start3A_25 : memref<8x16xf32, #tpu.memory_space<vmem>>) target_semaphore(%run_scoped3A_17 : memref<!tpu.dma_semaphore, #tpu.memory_space<semaphore_mem>>)
      %dma_wait3A = arith.constant 8 : i32
      %dma_wait3A_29 = arith.constant 0 : i32
      %dma_wait3A_30 = tpu.memref_slice %arg14[%dma_wait3A, %dma_wait3A_29] : memref<80x16xf32, #tpu.memory_space<vmem>> -> memref<8x16xf32, #tpu.memory_space<vmem>>
      %dma_wait3A_31 = arith.constant 0 : i32
      %dma_wait3A_32 = arith.constant 0 : i32
      %dma_wait3A_33 = tpu.memref_slice %arg15[%dma_wait3A_31, %dma_wait3A_32] : memref<10016x16xf32, #tpu.memory_space<vmem_shared>> -> memref<8x16xf32, #tpu.memory_space<vmem_shared>>
      %dma_wait3A_34 = arith.constant 8 : i32
      %dma_wait3A_35 = arith.constant 0 : i32
      %dma_wait3A_36 = tpu.memref_slice %arg14[%dma_wait3A_34, %dma_wait3A_35] : memref<80x16xf32, #tpu.memory_space<vmem>> -> memref<8x16xf32, #tpu.memory_space<vmem>>
      %dma_wait3A_37 = arith.constant 0 : i32
      %dma_wait3A_38 = arith.constant 0 : i32
      %dma_wait3A_39 = tpu.memref_slice %arg15[%dma_wait3A_37, %dma_wait3A_38] : memref<10016x16xf32, #tpu.memory_space<vmem_shared>> -> memref<8x16xf32, #tpu.memory_space<vmem_shared>>
      tpu.wait_dma2 semaphore(%run_scoped3A_17 : memref<!tpu.dma_semaphore, #tpu.memory_space<semaphore_mem>>) src(%dma_wait3A_39 : memref<8x16xf32, #tpu.memory_space<vmem_shared>>) dst(%dma_wait3A_36 : memref<8x16xf32, #tpu.memory_space<vmem>>)
      tpu.yield
    }) : () -> ()
    "tpu.region"() ({
      %run_scoped3A_17 = tpu.sem_alloc : memref<!tpu.dma_semaphore, #tpu.memory_space<semaphore_mem>>
      %dma_start3A = arith.constant 0 : i32
      %dma_start3A_18 = arith.constant 0 : i32
      %dma_start3A_19 = tpu.memref_slice %arg14[%dma_start3A, %dma_start3A_18] : memref<80x16xf32, #tpu.memory_space<vmem>> -> memref<16x16xf32, #tpu.memory_space<vmem>>
      %dma_start3A_20 = arith.constant 0 : i32
      %dma_start3A_21 = arith.constant 0 : i32
      %dma_start3A_22 = tpu.memref_slice %arg15[%dma_start3A_20, %dma_start3A_21] : memref<10016x16xf32, #tpu.memory_space<vmem_shared>> -> memref<16x16xf32, #tpu.memory_space<vmem_shared>>
      %dma_start3A_23 = arith.constant 0 : i32
      %dma_start3A_24 = arith.constant 0 : i32
      %dma_start3A_25 = tpu.memref_slice %arg15[%dma_start3A_23, %dma_start3A_24] : memref<10016x16xf32, #tpu.memory_space<vmem_shared>> -> memref<16x16xf32, #tpu.memory_space<vmem_shared>>
      %dma_start3A_26 = arith.constant 0 : i32
      %dma_start3A_27 = arith.constant 0 : i32
      %dma_start3A_28 = tpu.memref_slice %arg14[%dma_start3A_26, %dma_start3A_27] : memref<80x16xf32, #tpu.memory_space<vmem>> -> memref<16x16xf32, #tpu.memory_space<vmem>>
      tpu.enqueue_dma source(%dma_start3A_28 : memref<16x16xf32, #tpu.memory_space<vmem>>) target(%dma_start3A_25 : memref<16x16xf32, #tpu.memory_space<vmem_shared>>) target_semaphore(%run_scoped3A_17 : memref<!tpu.dma_semaphore, #tpu.memory_space<semaphore_mem>>)
      %dma_wait3A = arith.constant 0 : i32
      %dma_wait3A_29 = arith.constant 0 : i32
      %dma_wait3A_30 = tpu.memref_slice %arg14[%dma_wait3A, %dma_wait3A_29] : memref<80x16xf32, #tpu.memory_space<vmem>> -> memref<16x16xf32, #tpu.memory_space<vmem>>
      %dma_wait3A_31 = arith.constant 0 : i32
      %dma_wait3A_32 = arith.constant 0 : i32
      %dma_wait3A_33 = tpu.memref_slice %arg15[%dma_wait3A_31, %dma_wait3A_32] : memref<10016x16xf32, #tpu.memory_space<vmem_shared>> -> memref<16x16xf32, #tpu.memory_space<vmem_shared>>
      %dma_wait3A_34 = arith.constant 0 : i32
      %dma_wait3A_35 = arith.constant 0 : i32
      %dma_wait3A_36 = tpu.memref_slice %arg15[%dma_wait3A_34, %dma_wait3A_35] : memref<10016x16xf32, #tpu.memory_space<vmem_shared>> -> memref<16x16xf32, #tpu.memory_space<vmem_shared>>
      %dma_wait3A_37 = arith.constant 0 : i32
      %dma_wait3A_38 = arith.constant 0 : i32
      %dma_wait3A_39 = tpu.memref_slice %arg14[%dma_wait3A_37, %dma_wait3A_38] : memref<80x16xf32, #tpu.memory_space<vmem>> -> memref<16x16xf32, #tpu.memory_space<vmem>>
      tpu.wait_dma2 semaphore(%run_scoped3A_17 : memref<!tpu.dma_semaphore, #tpu.memory_space<semaphore_mem>>) src(%dma_wait3A_39 : memref<16x16xf32, #tpu.memory_space<vmem>>) dst(%dma_wait3A_36 : memref<16x16xf32, #tpu.memory_space<vmem_shared>>)
      tpu.yield
    }) : () -> ()
    "tpu.region"() ({
      %run_scoped3A_17 = tpu.sem_alloc : memref<!tpu.dma_semaphore, #tpu.memory_space<semaphore_mem>>
      %dma_start3A = arith.constant 16 : i32
      %dma_start3A_18 = arith.constant 0 : i32
      %dma_start3A_19 = tpu.memref_slice %arg14[%dma_start3A, %dma_start3A_18] : memref<80x16xf32, #tpu.memory_space<vmem>> -> memref<16x16xf32, #tpu.memory_space<vmem>>
      %dma_start3A_20 = arith.constant 0 : i32
      %dma_start3A_21 = arith.constant 0 : i32
      %dma_start3A_22 = tpu.memref_slice %arg15[%dma_start3A_20, %dma_start3A_21] : memref<10016x16xf32, #tpu.memory_space<vmem_shared>> -> memref<16x16xf32, #tpu.memory_space<vmem_shared>>
      %dma_start3A_23 = arith.constant 16 : i32
      %dma_start3A_24 = arith.constant 0 : i32
      %dma_start3A_25 = tpu.memref_slice %arg14[%dma_start3A_23, %dma_start3A_24] : memref<80x16xf32, #tpu.memory_space<vmem>> -> memref<16x16xf32, #tpu.memory_space<vmem>>
      %dma_start3A_26 = arith.constant 0 : i32
      %dma_start3A_27 = arith.constant 0 : i32
      %dma_start3A_28 = tpu.memref_slice %arg15[%dma_start3A_26, %dma_start3A_27] : memref<10016x16xf32, #tpu.memory_space<vmem_shared>> -> memref<16x16xf32, #tpu.memory_space<vmem_shared>>
      tpu.enqueue_dma source(%dma_start3A_28 : memref<16x16xf32, #tpu.memory_space<vmem_shared>>) target(%dma_start3A_25 : memref<16x16xf32, #tpu.memory_space<vmem>>) target_semaphore(%run_scoped3A_17 : memref<!tpu.dma_semaphore, #tpu.memory_space<semaphore_mem>>)
      %dma_wait3A = arith.constant 16 : i32
      %dma_wait3A_29 = arith.constant 0 : i32
      %dma_wait3A_30 = tpu.memref_slice %arg14[%dma_wait3A, %dma_wait3A_29] : memref<80x16xf32, #tpu.memory_space<vmem>> -> memref<16x16xf32, #tpu.memory_space<vmem>>
      %dma_wait3A_31 = arith.constant 0 : i32
      %dma_wait3A_32 = arith.constant 0 : i32
      %dma_wait3A_33 = tpu.memref_slice %arg15[%dma_wait3A_31, %dma_wait3A_32] : memref<10016x16xf32, #tpu.memory_space<vmem_shared>> -> memref<16x16xf32, #tpu.memory_space<vmem_shared>>
      %dma_wait3A_34 = arith.constant 16 : i32
      %dma_wait3A_35 = arith.constant 0 : i32
      %dma_wait3A_36 = tpu.memref_slice %arg14[%dma_wait3A_34, %dma_wait3A_35] : memref<80x16xf32, #tpu.memory_space<vmem>> -> memref<16x16xf32, #tpu.memory_space<vmem>>
      %dma_wait3A_37 = arith.constant 0 : i32
      %dma_wait3A_38 = arith.constant 0 : i32
      %dma_wait3A_39 = tpu.memref_slice %arg15[%dma_wait3A_37, %dma_wait3A_38] : memref<10016x16xf32, #tpu.memory_space<vmem_shared>> -> memref<16x16xf32, #tpu.memory_space<vmem_shared>>
      tpu.wait_dma2 semaphore(%run_scoped3A_17 : memref<!tpu.dma_semaphore, #tpu.memory_space<semaphore_mem>>) src(%dma_wait3A_39 : memref<16x16xf32, #tpu.memory_space<vmem_shared>>) dst(%dma_wait3A_36 : memref<16x16xf32, #tpu.memory_space<vmem>>)
      tpu.yield
    }) : () -> ()
    "tpu.region"() ({
      %run_scoped3A_17 = tpu.sem_alloc : memref<!tpu.dma_semaphore, #tpu.memory_space<semaphore_mem>>
      %dma_start3A = arith.constant 0 : i32
      %dma_start3A_18 = arith.constant 0 : i32
      %dma_start3A_19 = tpu.memref_slice %arg14[%dma_start3A, %dma_start3A_18] : memref<80x16xf32, #tpu.memory_space<vmem>> -> memref<32x16xf32, #tpu.memory_space<vmem>>
      %dma_start3A_20 = arith.constant 0 : i32
      %dma_start3A_21 = arith.constant 0 : i32
      %dma_start3A_22 = tpu.memref_slice %arg15[%dma_start3A_20, %dma_start3A_21] : memref<10016x16xf32, #tpu.memory_space<vmem_shared>> -> memref<32x16xf32, #tpu.memory_space<vmem_shared>>
      %dma_start3A_23 = arith.constant 0 : i32
      %dma_start3A_24 = arith.constant 0 : i32
      %dma_start3A_25 = tpu.memref_slice %arg15[%dma_start3A_23, %dma_start3A_24] : memref<10016x16xf32, #tpu.memory_space<vmem_shared>> -> memref<32x16xf32, #tpu.memory_space<vmem_shared>>
      %dma_start3A_26 = arith.constant 0 : i32
      %dma_start3A_27 = arith.constant 0 : i32
      %dma_start3A_28 = tpu.memref_slice %arg14[%dma_start3A_26, %dma_start3A_27] : memref<80x16xf32, #tpu.memory_space<vmem>> -> memref<32x16xf32, #tpu.memory_space<vmem>>
      tpu.enqueue_dma source(%dma_start3A_28 : memref<32x16xf32, #tpu.memory_space<vmem>>) target(%dma_start3A_25 : memref<32x16xf32, #tpu.memory_space<vmem_shared>>) target_semaphore(%run_scoped3A_17 : memref<!tpu.dma_semaphore, #tpu.memory_space<semaphore_mem>>)
      %dma_wait3A = arith.constant 0 : i32
      %dma_wait3A_29 = arith.constant 0 : i32
      %dma_wait3A_30 = tpu.memref_slice %arg14[%dma_wait3A, %dma_wait3A_29] : memref<80x16xf32, #tpu.memory_space<vmem>> -> memref<32x16xf32, #tpu.memory_space<vmem>>
      %dma_wait3A_31 = arith.constant 0 : i32
      %dma_wait3A_32 = arith.constant 0 : i32
      %dma_wait3A_33 = tpu.memref_slice %arg15[%dma_wait3A_31, %dma_wait3A_32] : memref<10016x16xf32, #tpu.memory_space<vmem_shared>> -> memref<32x16xf32, #tpu.memory_space<vmem_shared>>
      %dma_wait3A_34 = arith.constant 0 : i32
      %dma_wait3A_35 = arith.constant 0 : i32
      %dma_wait3A_36 = tpu.memref_slice %arg15[%dma_wait3A_34, %dma_wait3A_35] : memref<10016x16xf32, #tpu.memory_space<vmem_shared>> -> memref<32x16xf32, #tpu.memory_space<vmem_shared>>
      %dma_wait3A_37 = arith.constant 0 : i32
      %dma_wait3A_38 = arith.constant 0 : i32
      %dma_wait3A_39 = tpu.memref_slice %arg14[%dma_wait3A_37, %dma_wait3A_38] : memref<80x16xf32, #tpu.memory_space<vmem>> -> memref<32x16xf32, #tpu.memory_space<vmem>>
      tpu.wait_dma2 semaphore(%run_scoped3A_17 : memref<!tpu.dma_semaphore, #tpu.memory_space<semaphore_mem>>) src(%dma_wait3A_39 : memref<32x16xf32, #tpu.memory_space<vmem>>) dst(%dma_wait3A_36 : memref<32x16xf32, #tpu.memory_space<vmem_shared>>)
      tpu.yield
    }) : () -> ()
    "tpu.region"() ({
      %run_scoped3A_17 = tpu.sem_alloc : memref<!tpu.dma_semaphore, #tpu.memory_space<semaphore_mem>>
      %dma_start3A = arith.constant 32 : i32
      %dma_start3A_18 = arith.constant 0 : i32
      %dma_start3A_19 = tpu.memref_slice %arg14[%dma_start3A, %dma_start3A_18] : memref<80x16xf32, #tpu.memory_space<vmem>> -> memref<32x16xf32, #tpu.memory_space<vmem>>
      %dma_start3A_20 = arith.constant 0 : i32
      %dma_start3A_21 = arith.constant 0 : i32
      %dma_start3A_22 = tpu.memref_slice %arg15[%dma_start3A_20, %dma_start3A_21] : memref<10016x16xf32, #tpu.memory_space<vmem_shared>> -> memref<32x16xf32, #tpu.memory_space<vmem_shared>>
      %dma_start3A_23 = arith.constant 32 : i32
      %dma_start3A_24 = arith.constant 0 : i32
      %dma_start3A_25 = tpu.memref_slice %arg14[%dma_start3A_23, %dma_start3A_24] : memref<80x16xf32, #tpu.memory_space<vmem>> -> memref<32x16xf32, #tpu.memory_space<vmem>>
      %dma_start3A_26 = arith.constant 0 : i32
      %dma_start3A_27 = arith.constant 0 : i32
      %dma_start3A_28 = tpu.memref_slice %arg15[%dma_start3A_26, %dma_start3A_27] : memref<10016x16xf32, #tpu.memory_space<vmem_shared>> -> memref<32x16xf32, #tpu.memory_space<vmem_shared>>
      tpu.enqueue_dma source(%dma_start3A_28 : memref<32x16xf32, #tpu.memory_space<vmem_shared>>) target(%dma_start3A_25 : memref<32x16xf32, #tpu.memory_space<vmem>>) target_semaphore(%run_scoped3A_17 : memref<!tpu.dma_semaphore, #tpu.memory_space<semaphore_mem>>)
      %dma_wait3A = arith.constant 32 : i32
      %dma_wait3A_29 = arith.constant 0 : i32
      %dma_wait3A_30 = tpu.memref_slice %arg14[%dma_wait3A, %dma_wait3A_29] : memref<80x16xf32, #tpu.memory_space<vmem>> -> memref<32x16xf32, #tpu.memory_space<vmem>>
      %dma_wait3A_31 = arith.constant 0 : i32
      %dma_wait3A_32 = arith.constant 0 : i32
      %dma_wait3A_33 = tpu.memref_slice %arg15[%dma_wait3A_31, %dma_wait3A_32] : memref<10016x16xf32, #tpu.memory_space<vmem_shared>> -> memref<32x16xf32, #tpu.memory_space<vmem_shared>>
      %dma_wait3A_34 = arith.constant 32 : i32
      %dma_wait3A_35 = arith.constant 0 : i32
      %dma_wait3A_36 = tpu.memref_slice %arg14[%dma_wait3A_34, %dma_wait3A_35] : memref<80x16xf32, #tpu.memory_space<vmem>> -> memref<32x16xf32, #tpu.memory_space<vmem>>
      %dma_wait3A_37 = arith.constant 0 : i32
      %dma_wait3A_38 = arith.constant 0 : i32
      %dma_wait3A_39 = tpu.memref_slice %arg15[%dma_wait3A_37, %dma_wait3A_38] : memref<10016x16xf32, #tpu.memory_space<vmem_shared>> -> memref<32x16xf32, #tpu.memory_space<vmem_shared>>
      tpu.wait_dma2 semaphore(%run_scoped3A_17 : memref<!tpu.dma_semaphore, #tpu.memory_space<semaphore_mem>>) src(%dma_wait3A_39 : memref<32x16xf32, #tpu.memory_space<vmem_shared>>) dst(%dma_wait3A_36 : memref<32x16xf32, #tpu.memory_space<vmem>>)
      tpu.yield
    }) : () -> ()
    "tpu.region"() ({
      %run_scoped3A_17 = tpu.sem_alloc : memref<!tpu.dma_semaphore, #tpu.memory_space<semaphore_mem>>
      %dma_start3A = arith.constant 0 : i32
      %dma_start3A_18 = arith.constant 0 : i32
      %dma_start3A_19 = tpu.memref_slice %arg14[%dma_start3A, %dma_start3A_18] : memref<80x16xf32, #tpu.memory_space<vmem>> -> memref<16x16xf32, #tpu.memory_space<vmem>>
      %dma_start3A_20 = arith.constant 0 : i32
      %dma_start3A_21 = arith.constant 0 : i32
      %dma_start3A_22 = tpu.memref_slice %arg15[%dma_start3A_20, %dma_start3A_21] : memref<10016x16xf32, #tpu.memory_space<vmem_shared>> -> memref<16x16xf32, #tpu.memory_space<vmem_shared>>
      %dma_start3A_23 = arith.constant 0 : i32
      %dma_start3A_24 = arith.constant 0 : i32
      %dma_start3A_25 = tpu.memref_slice %arg15[%dma_start3A_23, %dma_start3A_24] : memref<10016x16xf32, #tpu.memory_space<vmem_shared>> -> memref<16x16xf32, #tpu.memory_space<vmem_shared>>
      %dma_start3A_26 = arith.constant 0 : i32
      %dma_start3A_27 = arith.constant 0 : i32
      %dma_start3A_28 = tpu.memref_slice %arg14[%dma_start3A_26, %dma_start3A_27] : memref<80x16xf32, #tpu.memory_space<vmem>> -> memref<16x16xf32, #tpu.memory_space<vmem>>
      tpu.enqueue_dma source(%dma_start3A_28 : memref<16x16xf32, #tpu.memory_space<vmem>>) target(%dma_start3A_25 : memref<16x16xf32, #tpu.memory_space<vmem_shared>>) target_semaphore(%run_scoped3A_17 : memref<!tpu.dma_semaphore, #tpu.memory_space<semaphore_mem>>)
      %dma_wait3A = arith.constant 0 : i32
      %dma_wait3A_29 = arith.constant 0 : i32
      %dma_wait3A_30 = tpu.memref_slice %arg14[%dma_wait3A, %dma_wait3A_29] : memref<80x16xf32, #tpu.memory_space<vmem>> -> memref<16x16xf32, #tpu.memory_space<vmem>>
      %dma_wait3A_31 = arith.constant 0 : i32
      %dma_wait3A_32 = arith.constant 0 : i32
      %dma_wait3A_33 = tpu.memref_slice %arg15[%dma_wait3A_31, %dma_wait3A_32] : memref<10016x16xf32, #tpu.memory_space<vmem_shared>> -> memref<16x16xf32, #tpu.memory_space<vmem_shared>>
      %dma_wait3A_34 = arith.constant 0 : i32
      %dma_wait3A_35 = arith.constant 0 : i32
      %dma_wait3A_36 = tpu.memref_slice %arg15[%dma_wait3A_34, %dma_wait3A_35] : memref<10016x16xf32, #tpu.memory_space<vmem_shared>> -> memref<16x16xf32, #tpu.memory_space<vmem_shared>>
      %dma_wait3A_37 = arith.constant 0 : i32
      %dma_wait3A_38 = arith.constant 0 : i32
      %dma_wait3A_39 = tpu.memref_slice %arg14[%dma_wait3A_37, %dma_wait3A_38] : memref<80x16xf32, #tpu.memory_space<vmem>> -> memref<16x16xf32, #tpu.memory_space<vmem>>
      tpu.wait_dma2 semaphore(%run_scoped3A_17 : memref<!tpu.dma_semaphore, #tpu.memory_space<semaphore_mem>>) src(%dma_wait3A_39 : memref<16x16xf32, #tpu.memory_space<vmem>>) dst(%dma_wait3A_36 : memref<16x16xf32, #tpu.memory_space<vmem_shared>>)
      tpu.yield
    }) : () -> ()
    "tpu.region"() ({
      %run_scoped3A_17 = tpu.sem_alloc : memref<!tpu.dma_semaphore, #tpu.memory_space<semaphore_mem>>
      %dma_start3A = arith.constant 64 : i32
      %dma_start3A_18 = arith.constant 0 : i32
      %dma_start3A_19 = tpu.memref_slice %arg14[%dma_start3A, %dma_start3A_18] : memref<80x16xf32, #tpu.memory_space<vmem>> -> memref<16x16xf32, #tpu.memory_space<vmem>>
      %dma_start3A_20 = arith.constant 0 : i32
      %dma_start3A_21 = arith.constant 0 : i32
      %dma_start3A_22 = tpu.memref_slice %arg15[%dma_start3A_20, %dma_start3A_21] : memref<10016x16xf32, #tpu.memory_space<vmem_shared>> -> memref<16x16xf32, #tpu.memory_space<vmem_shared>>
      %dma_start3A_23 = arith.constant 64 : i32
      %dma_start3A_24 = arith.constant 0 : i32
      %dma_start3A_25 = tpu.memref_slice %arg14[%dma_start3A_23, %dma_start3A_24] : memref<80x16xf32, #tpu.memory_space<vmem>> -> memref<16x16xf32, #tpu.memory_space<vmem>>
      %dma_start3A_26 = arith.constant 0 : i32
      %dma_start3A_27 = arith.constant 0 : i32
      %dma_start3A_28 = tpu.memref_slice %arg15[%dma_start3A_26, %dma_start3A_27] : memref<10016x16xf32, #tpu.memory_space<vmem_shared>> -> memref<16x16xf32, #tpu.memory_space<vmem_shared>>
      tpu.enqueue_dma source(%dma_start3A_28 : memref<16x16xf32, #tpu.memory_space<vmem_shared>>) target(%dma_start3A_25 : memref<16x16xf32, #tpu.memory_space<vmem>>) target_semaphore(%run_scoped3A_17 : memref<!tpu.dma_semaphore, #tpu.memory_space<semaphore_mem>>)
      %dma_wait3A = arith.constant 64 : i32
      %dma_wait3A_29 = arith.constant 0 : i32
      %dma_wait3A_30 = tpu.memref_slice %arg14[%dma_wait3A, %dma_wait3A_29] : memref<80x16xf32, #tpu.memory_space<vmem>> -> memref<16x16xf32, #tpu.memory_space<vmem>>
      %dma_wait3A_31 = arith.constant 0 : i32
      %dma_wait3A_32 = arith.constant 0 : i32
      %dma_wait3A_33 = tpu.memref_slice %arg15[%dma_wait3A_31, %dma_wait3A_32] : memref<10016x16xf32, #tpu.memory_space<vmem_shared>> -> memref<16x16xf32, #tpu.memory_space<vmem_shared>>
      %dma_wait3A_34 = arith.constant 64 : i32
      %dma_wait3A_35 = arith.constant 0 : i32
      %dma_wait3A_36 = tpu.memref_slice %arg14[%dma_wait3A_34, %dma_wait3A_35] : memref<80x16xf32, #tpu.memory_space<vmem>> -> memref<16x16xf32, #tpu.memory_space<vmem>>
      %dma_wait3A_37 = arith.constant 0 : i32
      %dma_wait3A_38 = arith.constant 0 : i32
      %dma_wait3A_39 = tpu.memref_slice %arg15[%dma_wait3A_37, %dma_wait3A_38] : memref<10016x16xf32, #tpu.memory_space<vmem_shared>> -> memref<16x16xf32, #tpu.memory_space<vmem_shared>>
      tpu.wait_dma2 semaphore(%run_scoped3A_17 : memref<!tpu.dma_semaphore, #tpu.memory_space<semaphore_mem>>) src(%dma_wait3A_39 : memref<16x16xf32, #tpu.memory_space<vmem_shared>>) dst(%dma_wait3A_36 : memref<16x16xf32, #tpu.memory_space<vmem>>)
      tpu.yield
    }) : () -> ()
    %barrier3A_8 = arith.constant 0 : index
    tpu.barrier barrier_id(%barrier3A_8)
    %eq3A_9 = arith.constant 0 : i32
    %eq3A_10 = arith.cmpi eq, %arg0, %eq3A_9 : i32
    %convert_element_type3A = arith.extui %eq3A_10 : i1 to i32
    %cond3A = arith.constant 0 : i32
    %cond3A_11 = arith.cmpi ne, %convert_element_type3A, %cond3A : i32
    scf.if %cond3A_11 {
      %while3A = arith.constant 0 : i32
      %while3A_17 = arith.subi %select_n3A, %while3A : i32
      %while3A_18 = arith.addi %while3A, %while3A_17 : i32
      %while3A_19 = arith.constant 1 : i32
      %while3A_20 = arith.divsi %while3A_17, %while3A_19 : i32
      %while3A_21 = arith.muli %while3A_20, %while3A_19 : i32
      %while3A_22 = arith.addi %while3A, %while3A_21 : i32
      %while3A_23 = arith.constant 1 : i32
      scf.for %while3A_86 = %while3A to %while3A_22 step %while3A_23  : i32 {
        %mul3A_87 = arith.constant 80 : i32
        %mul3A_88 = arith.muli %while3A_86, %mul3A_87 : i32
        %add3A = arith.addi %mul3A_0, %mul3A_88 : i32
        "tpu.region"() ({
          %run_scoped3A_89 = tpu.sem_alloc : memref<!tpu.dma_semaphore, #tpu.memory_space<semaphore_mem>>
          %dma_start3A = arith.constant 0 : i32
          %dma_start3A_90 = tpu.memref_slice %arg15[%add3A, %dma_start3A] : memref<10016x16xf32, #tpu.memory_space<vmem_shared>> -> memref<80x16xf32, #tpu.memory_space<vmem_shared>>
          %dma_start3A_91 = arith.constant 0 : i32
          %dma_start3A_92 = tpu.memref_slice %arg15[%add3A, %dma_start3A_91] : memref<10016x16xf32, #tpu.memory_space<vmem_shared>> -> memref<80x16xf32, #tpu.memory_space<vmem_shared>>
          tpu.enqueue_dma source(%arg14 : memref<80x16xf32, #tpu.memory_space<vmem>>) target(%dma_start3A_92 : memref<80x16xf32, #tpu.memory_space<vmem_shared>>) target_semaphore(%run_scoped3A_89 : memref<!tpu.dma_semaphore, #tpu.memory_space<semaphore_mem>>)
          %dma_wait3A = arith.constant 0 : i32
          %dma_wait3A_93 = tpu.memref_slice %arg15[%add3A, %dma_wait3A] : memref<10016x16xf32, #tpu.memory_space<vmem_shared>> -> memref<80x16xf32, #tpu.memory_space<vmem_shared>>
          %dma_wait3A_94 = arith.constant 0 : i32
          %dma_wait3A_95 = tpu.memref_slice %arg15[%add3A, %dma_wait3A_94] : memref<10016x16xf32, #tpu.memory_space<vmem_shared>> -> memref<80x16xf32, #tpu.memory_space<vmem_shared>>
          tpu.wait_dma2 semaphore(%run_scoped3A_89 : memref<!tpu.dma_semaphore, #tpu.memory_space<semaphore_mem>>) src(%arg14 : memref<80x16xf32, #tpu.memory_space<vmem>>) dst(%dma_wait3A_95 : memref<80x16xf32, #tpu.memory_space<vmem_shared>>)
          tpu.yield
        }) : () -> ()
      }
      %while3A_24 = arith.constant 1 : i32
      scf.for %while3A_86 = %while3A_22 to %while3A_18 step %while3A_24  : i32 {
        %mul3A_87 = arith.constant 80 : i32
        %mul3A_88 = arith.muli %while3A_86, %mul3A_87 : i32
        %add3A = arith.addi %mul3A_0, %mul3A_88 : i32
        "tpu.region"() ({
          %run_scoped3A_89 = tpu.sem_alloc : memref<!tpu.dma_semaphore, #tpu.memory_space<semaphore_mem>>
          %dma_start3A = arith.constant 0 : i32
          %dma_start3A_90 = tpu.memref_slice %arg15[%add3A, %dma_start3A] : memref<10016x16xf32, #tpu.memory_space<vmem_shared>> -> memref<80x16xf32, #tpu.memory_space<vmem_shared>>
          %dma_start3A_91 = arith.constant 0 : i32
          %dma_start3A_92 = tpu.memref_slice %arg15[%add3A, %dma_start3A_91] : memref<10016x16xf32, #tpu.memory_space<vmem_shared>> -> memref<80x16xf32, #tpu.memory_space<vmem_shared>>
          tpu.enqueue_dma source(%arg14 : memref<80x16xf32, #tpu.memory_space<vmem>>) target(%dma_start3A_92 : memref<80x16xf32, #tpu.memory_space<vmem_shared>>) target_semaphore(%run_scoped3A_89 : memref<!tpu.dma_semaphore, #tpu.memory_space<semaphore_mem>>)
          %dma_wait3A = arith.constant 0 : i32
          %dma_wait3A_93 = tpu.memref_slice %arg15[%add3A, %dma_wait3A] : memref<10016x16xf32, #tpu.memory_space<vmem_shared>> -> memref<80x16xf32, #tpu.memory_space<vmem_shared>>
          %dma_wait3A_94 = arith.constant 0 : i32
          %dma_wait3A_95 = tpu.memref_slice %arg15[%add3A, %dma_wait3A_94] : memref<10016x16xf32, #tpu.memory_space<vmem_shared>> -> memref<80x16xf32, #tpu.memory_space<vmem_shared>>
          tpu.wait_dma2 semaphore(%run_scoped3A_89 : memref<!tpu.dma_semaphore, #tpu.memory_space<semaphore_mem>>) src(%arg14 : memref<80x16xf32, #tpu.memory_space<vmem>>) dst(%dma_wait3A_95 : memref<80x16xf32, #tpu.memory_space<vmem_shared>>)
          tpu.yield
        }) : () -> ()
      }
      %eq3A_25 = arith.constant 15 : i32
      %eq3A_26 = arith.cmpi eq, %arg1, %eq3A_25 : i32
      %convert_element_type3A_27 = arith.extui %eq3A_26 : i1 to i32
      %cond3A_28 = arith.constant 0 : i32
      %cond3A_29 = arith.cmpi ne, %convert_element_type3A_27, %cond3A_28 : i32
      scf.if %cond3A_29 {
        "tpu.region"() ({
          %run_scoped3A_86 = tpu.sem_alloc : memref<!tpu.dma_semaphore, #tpu.memory_space<semaphore_mem>>
          %dma_start3A = arith.constant 0 : i32
          %dma_start3A_87 = arith.constant 0 : i32
          %dma_start3A_88 = tpu.memref_slice %arg14[%dma_start3A, %dma_start3A_87] : memref<80x16xf32, #tpu.memory_space<vmem>> -> memref<16x16xf32, #tpu.memory_space<vmem>>
          %dma_start3A_89 = arith.constant 10000 : i32
          %dma_start3A_90 = arith.constant 0 : i32
          %dma_start3A_91 = tpu.memref_slice %arg15[%dma_start3A_89, %dma_start3A_90] : memref<10016x16xf32, #tpu.memory_space<vmem_shared>> -> memref<16x16xf32, #tpu.memory_space<vmem_shared>>
          %dma_start3A_92 = arith.constant 10000 : i32
          %dma_start3A_93 = arith.constant 0 : i32
          %dma_start3A_94 = tpu.memref_slice %arg15[%dma_start3A_92, %dma_start3A_93] : memref<10016x16xf32, #tpu.memory_space<vmem_shared>> -> memref<16x16xf32, #tpu.memory_space<vmem_shared>>
          %dma_start3A_95 = arith.constant 0 : i32
          %dma_start3A_96 = arith.constant 0 : i32
          %dma_start3A_97 = tpu.memref_slice %arg14[%dma_start3A_95, %dma_start3A_96] : memref<80x16xf32, #tpu.memory_space<vmem>> -> memref<16x16xf32, #tpu.memory_space<vmem>>
          tpu.enqueue_dma source(%dma_start3A_97 : memref<16x16xf32, #tpu.memory_space<vmem>>) target(%dma_start3A_94 : memref<16x16xf32, #tpu.memory_space<vmem_shared>>) target_semaphore(%run_scoped3A_86 : memref<!tpu.dma_semaphore, #tpu.memory_space<semaphore_mem>>)
          %dma_wait3A = arith.constant 0 : i32
          %dma_wait3A_98 = arith.constant 0 : i32
          %dma_wait3A_99 = tpu.memref_slice %arg14[%dma_wait3A, %dma_wait3A_98] : memref<80x16xf32, #tpu.memory_space<vmem>> -> memref<16x16xf32, #tpu.memory_space<vmem>>
          %dma_wait3A_100 = arith.constant 10000 : i32
          %dma_wait3A_101 = arith.constant 0 : i32
          %dma_wait3A_102 = tpu.memref_slice %arg15[%dma_wait3A_100, %dma_wait3A_101] : memref<10016x16xf32, #tpu.memory_space<vmem_shared>> -> memref<16x16xf32, #tpu.memory_space<vmem_shared>>
          %dma_wait3A_103 = arith.constant 10000 : i32
          %dma_wait3A_104 = arith.constant 0 : i32
          %dma_wait3A_105 = tpu.memref_slice %arg15[%dma_wait3A_103, %dma_wait3A_104] : memref<10016x16xf32, #tpu.memory_space<vmem_shared>> -> memref<16x16xf32, #tpu.memory_space<vmem_shared>>
          %dma_wait3A_106 = arith.constant 0 : i32
          %dma_wait3A_107 = arith.constant 0 : i32
          %dma_wait3A_108 = tpu.memref_slice %arg14[%dma_wait3A_106, %dma_wait3A_107] : memref<80x16xf32, #tpu.memory_space<vmem>> -> memref<16x16xf32, #tpu.memory_space<vmem>>
          tpu.wait_dma2 semaphore(%run_scoped3A_86 : memref<!tpu.dma_semaphore, #tpu.memory_space<semaphore_mem>>) src(%dma_wait3A_108 : memref<16x16xf32, #tpu.memory_space<vmem>>) dst(%dma_wait3A_105 : memref<16x16xf32, #tpu.memory_space<vmem_shared>>)
          tpu.yield
        }) : () -> ()
      } else {
      }
      %barrier3A_30 = arith.constant 0 : index
      tpu.barrier barrier_id(%barrier3A_30)
      %while3A_31 = arith.constant 0 : i32
      %while3A_32 = arith.subi %select_n3A_6, %while3A_31 : i32
      %while3A_33 = arith.addi %while3A_31, %while3A_32 : i32
      %while3A_34 = arith.constant 1 : i32
      %while3A_35 = arith.divsi %while3A_32, %while3A_34 : i32
      %while3A_36 = arith.muli %while3A_35, %while3A_34 : i32
      %while3A_37 = arith.addi %while3A_31, %while3A_36 : i32
      %while3A_38 = arith.constant 1 : i32
      scf.for %while3A_86 = %while3A_31 to %while3A_37 step %while3A_38  : i32 {
        %mul3A_87 = arith.constant 16 : i32
        %mul3A_88 = arith.muli %while3A_86, %mul3A_87 : i32
        %add3A = arith.addi %arg1, %mul3A_88 : i32
        %mul3A_89 = arith.constant 128 : i32
        %mul3A_90 = arith.muli %add3A, %mul3A_89 : i32
        "tpu.region"() ({
          %run_scoped3A_91 = tpu.sem_alloc : memref<!tpu.dma_semaphore, #tpu.memory_space<semaphore_mem>>
          %dma_start3A = tpu.memref_slice %arg2[%mul3A_90] : memref<320000xi32, #tpu.memory_space<hbm>> -> memref<128xi32, #tpu.memory_space<hbm>>
          %dma_start3A_92 = tpu.memref_slice %arg2[%mul3A_90] : memref<320000xi32, #tpu.memory_space<hbm>> -> memref<128xi32, #tpu.memory_space<hbm>>
          tpu.enqueue_dma source(%dma_start3A_92 : memref<128xi32, #tpu.memory_space<hbm>>) target(%arg12 : memref<128xi32, #tpu.memory_space<vmem>>) target_semaphore(%run_scoped3A_91 : memref<!tpu.dma_semaphore, #tpu.memory_space<semaphore_mem>>)
          %dma_wait3A = tpu.memref_slice %arg2[%mul3A_90] : memref<320000xi32, #tpu.memory_space<hbm>> -> memref<128xi32, #tpu.memory_space<hbm>>
          %dma_wait3A_93 = tpu.memref_slice %arg2[%mul3A_90] : memref<320000xi32, #tpu.memory_space<hbm>> -> memref<128xi32, #tpu.memory_space<hbm>>
          tpu.wait_dma2 semaphore(%run_scoped3A_91 : memref<!tpu.dma_semaphore, #tpu.memory_space<semaphore_mem>>) src(%dma_wait3A_93 : memref<128xi32, #tpu.memory_space<hbm>>) dst(%arg12 : memref<128xi32, #tpu.memory_space<vmem>>)
          tpu.yield
        }) : () -> ()
        "tpu.region"() ({
          %run_scoped3A_91 = tpu.sem_alloc : memref<!tpu.dma_semaphore, #tpu.memory_space<semaphore_mem>>
          %dma_start3A = arith.constant 0 : i32
          %dma_start3A_92 = arith.constant 0 : i32
          %dma_start3A_93 = tpu.memref_slice %arg15[%dma_start3A, %dma_start3A_92] : memref<10016x16xf32, #tpu.memory_space<vmem_shared>> -> memref<10016x16xf32, #tpu.memory_space<vmem_shared>>
          tpu.enqueue_indirect_dma source(%arg13 : memref<128x16xf32, #tpu.memory_space<vmem>>) target(%dma_start3A_93 : memref<10016x16xf32, #tpu.memory_space<vmem_shared>>) offsets(%arg12 : memref<128xi32, #tpu.memory_space<vmem>>) semaphore(%run_scoped3A_91 : memref<!tpu.dma_semaphore, #tpu.memory_space<semaphore_mem>>) {add = true}
          %dma_wait3A = arith.constant 0 : i32
          %dma_wait3A_94 = arith.constant 0 : i32
          %dma_wait3A_95 = tpu.memref_slice %arg15[%dma_wait3A, %dma_wait3A_94] : memref<10016x16xf32, #tpu.memory_space<vmem_shared>> -> memref<10016x16xf32, #tpu.memory_space<vmem_shared>>
          tpu.wait_indirect_dma semaphore(%run_scoped3A_91 : memref<!tpu.dma_semaphore, #tpu.memory_space<semaphore_mem>>) src(%arg13 : memref<128x16xf32, #tpu.memory_space<vmem>>) dst(%dma_wait3A_95 : memref<10016x16xf32, #tpu.memory_space<vmem_shared>>)
          tpu.yield
        }) : () -> ()
      }
      %while3A_39 = arith.constant 1 : i32
      scf.for %while3A_86 = %while3A_37 to %while3A_33 step %while3A_39  : i32 {
        %mul3A_87 = arith.constant 16 : i32
        %mul3A_88 = arith.muli %while3A_86, %mul3A_87 : i32
        %add3A = arith.addi %arg1, %mul3A_88 : i32
        %mul3A_89 = arith.constant 128 : i32
        %mul3A_90 = arith.muli %add3A, %mul3A_89 : i32
        "tpu.region"() ({
          %run_scoped3A_91 = tpu.sem_alloc : memref<!tpu.dma_semaphore, #tpu.memory_space<semaphore_mem>>
          %dma_start3A = tpu.memref_slice %arg2[%mul3A_90] : memref<320000xi32, #tpu.memory_space<hbm>> -> memref<128xi32, #tpu.memory_space<hbm>>
          %dma_start3A_92 = tpu.memref_slice %arg2[%mul3A_90] : memref<320000xi32, #tpu.memory_space<hbm>> -> memref<128xi32, #tpu.memory_space<hbm>>
          tpu.enqueue_dma source(%dma_start3A_92 : memref<128xi32, #tpu.memory_space<hbm>>) target(%arg12 : memref<128xi32, #tpu.memory_space<vmem>>) target_semaphore(%run_scoped3A_91 : memref<!tpu.dma_semaphore, #tpu.memory_space<semaphore_mem>>)
          %dma_wait3A = tpu.memref_slice %arg2[%mul3A_90] : memref<320000xi32, #tpu.memory_space<hbm>> -> memref<128xi32, #tpu.memory_space<hbm>>
          %dma_wait3A_93 = tpu.memref_slice %arg2[%mul3A_90] : memref<320000xi32, #tpu.memory_space<hbm>> -> memref<128xi32, #tpu.memory_space<hbm>>
          tpu.wait_dma2 semaphore(%run_scoped3A_91 : memref<!tpu.dma_semaphore, #tpu.memory_space<semaphore_mem>>) src(%dma_wait3A_93 : memref<128xi32, #tpu.memory_space<hbm>>) dst(%arg12 : memref<128xi32, #tpu.memory_space<vmem>>)
          tpu.yield
        }) : () -> ()
        "tpu.region"() ({
          %run_scoped3A_91 = tpu.sem_alloc : memref<!tpu.dma_semaphore, #tpu.memory_space<semaphore_mem>>
          %dma_start3A = arith.constant 0 : i32
          %dma_start3A_92 = arith.constant 0 : i32
          %dma_start3A_93 = tpu.memref_slice %arg15[%dma_start3A, %dma_start3A_92] : memref<10016x16xf32, #tpu.memory_space<vmem_shared>> -> memref<10016x16xf32, #tpu.memory_space<vmem_shared>>
          tpu.enqueue_indirect_dma source(%arg13 : memref<128x16xf32, #tpu.memory_space<vmem>>) target(%dma_start3A_93 : memref<10016x16xf32, #tpu.memory_space<vmem_shared>>) offsets(%arg12 : memref<128xi32, #tpu.memory_space<vmem>>) semaphore(%run_scoped3A_91 : memref<!tpu.dma_semaphore, #tpu.memory_space<semaphore_mem>>) {add = true}
          %dma_wait3A = arith.constant 0 : i32
          %dma_wait3A_94 = arith.constant 0 : i32
          %dma_wait3A_95 = tpu.memref_slice %arg15[%dma_wait3A, %dma_wait3A_94] : memref<10016x16xf32, #tpu.memory_space<vmem_shared>> -> memref<10016x16xf32, #tpu.memory_space<vmem_shared>>
          tpu.wait_indirect_dma semaphore(%run_scoped3A_91 : memref<!tpu.dma_semaphore, #tpu.memory_space<semaphore_mem>>) src(%arg13 : memref<128x16xf32, #tpu.memory_space<vmem>>) dst(%dma_wait3A_95 : memref<10016x16xf32, #tpu.memory_space<vmem_shared>>)
          tpu.yield
        }) : () -> ()
      }
      %barrier3A_40 = arith.constant 0 : index
      tpu.barrier barrier_id(%barrier3A_40)
      %while3A_41 = arith.constant 0 : i32
      %while3A_42 = arith.subi %select_n3A, %while3A_41 : i32
      %while3A_43 = arith.addi %while3A_41, %while3A_42 : i32
      %while3A_44 = arith.constant 1 : i32
      %while3A_45 = arith.divsi %while3A_42, %while3A_44 : i32
      %while3A_46 = arith.muli %while3A_45, %while3A_44 : i32
      %while3A_47 = arith.addi %while3A_41, %while3A_46 : i32
      %while3A_48 = arith.constant 1 : i32
      scf.for %while3A_86 = %while3A_41 to %while3A_47 step %while3A_48  : i32 {
        %mul3A_87 = arith.constant 80 : i32
        %mul3A_88 = arith.muli %while3A_86, %mul3A_87 : i32
        %add3A = arith.addi %mul3A_0, %mul3A_88 : i32
        "tpu.region"() ({
          %run_scoped3A_89 = tpu.sem_alloc : memref<!tpu.dma_semaphore, #tpu.memory_space<semaphore_mem>>
          %dma_start3A = arith.constant 0 : i32
          %dma_start3A_90 = tpu.memref_slice %arg8[%add3A, %dma_start3A] : memref<10000x16xf32, #tpu.memory_space<hbm>> -> memref<80x16xf32, #tpu.memory_space<hbm>>
          %dma_start3A_91 = arith.constant 0 : i32
          %dma_start3A_92 = tpu.memref_slice %arg15[%add3A, %dma_start3A_91] : memref<10016x16xf32, #tpu.memory_space<vmem_shared>> -> memref<80x16xf32, #tpu.memory_space<vmem_shared>>
          tpu.enqueue_dma source(%dma_start3A_92 : memref<80x16xf32, #tpu.memory_space<vmem_shared>>) target(%dma_start3A_90 : memref<80x16xf32, #tpu.memory_space<hbm>>) target_semaphore(%run_scoped3A_89 : memref<!tpu.dma_semaphore, #tpu.memory_space<semaphore_mem>>)
          %dma_wait3A = arith.constant 0 : i32
          %dma_wait3A_93 = tpu.memref_slice %arg8[%add3A, %dma_wait3A] : memref<10000x16xf32, #tpu.memory_space<hbm>> -> memref<80x16xf32, #tpu.memory_space<hbm>>
          %dma_wait3A_94 = arith.constant 0 : i32
          %dma_wait3A_95 = tpu.memref_slice %arg15[%add3A, %dma_wait3A_94] : memref<10016x16xf32, #tpu.memory_space<vmem_shared>> -> memref<80x16xf32, #tpu.memory_space<vmem_shared>>
          tpu.wait_dma2 semaphore(%run_scoped3A_89 : memref<!tpu.dma_semaphore, #tpu.memory_space<semaphore_mem>>) src(%dma_wait3A_95 : memref<80x16xf32, #tpu.memory_space<vmem_shared>>) dst(%dma_wait3A_93 : memref<80x16xf32, #tpu.memory_space<hbm>>)
          tpu.yield
        }) : () -> ()
      }
      %while3A_49 = arith.constant 1 : i32
      scf.for %while3A_86 = %while3A_47 to %while3A_43 step %while3A_49  : i32 {
        %mul3A_87 = arith.constant 80 : i32
        %mul3A_88 = arith.muli %while3A_86, %mul3A_87 : i32
        %add3A = arith.addi %mul3A_0, %mul3A_88 : i32
        "tpu.region"() ({
          %run_scoped3A_89 = tpu.sem_alloc : memref<!tpu.dma_semaphore, #tpu.memory_space<semaphore_mem>>
          %dma_start3A = arith.constant 0 : i32
          %dma_start3A_90 = tpu.memref_slice %arg8[%add3A, %dma_start3A] : memref<10000x16xf32, #tpu.memory_space<hbm>> -> memref<80x16xf32, #tpu.memory_space<hbm>>
          %dma_start3A_91 = arith.constant 0 : i32
          %dma_start3A_92 = tpu.memref_slice %arg15[%add3A, %dma_start3A_91] : memref<10016x16xf32, #tpu.memory_space<vmem_shared>> -> memref<80x16xf32, #tpu.memory_space<vmem_shared>>
          tpu.enqueue_dma source(%dma_start3A_92 : memref<80x16xf32, #tpu.memory_space<vmem_shared>>) target(%dma_start3A_90 : memref<80x16xf32, #tpu.memory_space<hbm>>) target_semaphore(%run_scoped3A_89 : memref<!tpu.dma_semaphore, #tpu.memory_space<semaphore_mem>>)
          %dma_wait3A = arith.constant 0 : i32
          %dma_wait3A_93 = tpu.memref_slice %arg8[%add3A, %dma_wait3A] : memref<10000x16xf32, #tpu.memory_space<hbm>> -> memref<80x16xf32, #tpu.memory_space<hbm>>
          %dma_wait3A_94 = arith.constant 0 : i32
          %dma_wait3A_95 = tpu.memref_slice %arg15[%add3A, %dma_wait3A_94] : memref<10016x16xf32, #tpu.memory_space<vmem_shared>> -> memref<80x16xf32, #tpu.memory_space<vmem_shared>>
          tpu.wait_dma2 semaphore(%run_scoped3A_89 : memref<!tpu.dma_semaphore, #tpu.memory_space<semaphore_mem>>) src(%dma_wait3A_95 : memref<80x16xf32, #tpu.memory_space<vmem_shared>>) dst(%dma_wait3A_93 : memref<80x16xf32, #tpu.memory_space<hbm>>)
          tpu.yield
        }) : () -> ()
      }
      %barrier3A_50 = arith.constant 0 : index
      tpu.barrier barrier_id(%barrier3A_50)
      %while3A_51 = arith.constant 0 : i32
      %while3A_52 = arith.subi %select_n3A, %while3A_51 : i32
      %while3A_53 = arith.addi %while3A_51, %while3A_52 : i32
      %while3A_54 = arith.constant 1 : i32
      %while3A_55 = arith.divsi %while3A_52, %while3A_54 : i32
      %while3A_56 = arith.muli %while3A_55, %while3A_54 : i32
      %while3A_57 = arith.addi %while3A_51, %while3A_56 : i32
      %while3A_58 = arith.constant 1 : i32
      scf.for %while3A_86 = %while3A_51 to %while3A_57 step %while3A_58  : i32 {
        %mul3A_87 = arith.constant 80 : i32
        %mul3A_88 = arith.muli %while3A_86, %mul3A_87 : i32
        %add3A = arith.addi %mul3A_0, %mul3A_88 : i32
        "tpu.region"() ({
          %run_scoped3A_89 = tpu.sem_alloc : memref<!tpu.dma_semaphore, #tpu.memory_space<semaphore_mem>>
          %dma_start3A = arith.constant 0 : i32
          %dma_start3A_90 = tpu.memref_slice %arg15[%add3A, %dma_start3A] : memref<10016x16xf32, #tpu.memory_space<vmem_shared>> -> memref<80x16xf32, #tpu.memory_space<vmem_shared>>
          %dma_start3A_91 = arith.constant 0 : i32
          %dma_start3A_92 = tpu.memref_slice %arg15[%add3A, %dma_start3A_91] : memref<10016x16xf32, #tpu.memory_space<vmem_shared>> -> memref<80x16xf32, #tpu.memory_space<vmem_shared>>
          tpu.enqueue_dma source(%arg14 : memref<80x16xf32, #tpu.memory_space<vmem>>) target(%dma_start3A_92 : memref<80x16xf32, #tpu.memory_space<vmem_shared>>) target_semaphore(%run_scoped3A_89 : memref<!tpu.dma_semaphore, #tpu.memory_space<semaphore_mem>>)
          %dma_wait3A = arith.constant 0 : i32
          %dma_wait3A_93 = tpu.memref_slice %arg15[%add3A, %dma_wait3A] : memref<10016x16xf32, #tpu.memory_space<vmem_shared>> -> memref<80x16xf32, #tpu.memory_space<vmem_shared>>
          %dma_wait3A_94 = arith.constant 0 : i32
          %dma_wait3A_95 = tpu.memref_slice %arg15[%add3A, %dma_wait3A_94] : memref<10016x16xf32, #tpu.memory_space<vmem_shared>> -> memref<80x16xf32, #tpu.memory_space<vmem_shared>>
          tpu.wait_dma2 semaphore(%run_scoped3A_89 : memref<!tpu.dma_semaphore, #tpu.memory_space<semaphore_mem>>) src(%arg14 : memref<80x16xf32, #tpu.memory_space<vmem>>) dst(%dma_wait3A_95 : memref<80x16xf32, #tpu.memory_space<vmem_shared>>)
          tpu.yield
        }) : () -> ()
      }
      %while3A_59 = arith.constant 1 : i32
      scf.for %while3A_86 = %while3A_57 to %while3A_53 step %while3A_59  : i32 {
        %mul3A_87 = arith.constant 80 : i32
        %mul3A_88 = arith.muli %while3A_86, %mul3A_87 : i32
        %add3A = arith.addi %mul3A_0, %mul3A_88 : i32
        "tpu.region"() ({
          %run_scoped3A_89 = tpu.sem_alloc : memref<!tpu.dma_semaphore, #tpu.memory_space<semaphore_mem>>
          %dma_start3A = arith.constant 0 : i32
          %dma_start3A_90 = tpu.memref_slice %arg15[%add3A, %dma_start3A] : memref<10016x16xf32, #tpu.memory_space<vmem_shared>> -> memref<80x16xf32, #tpu.memory_space<vmem_shared>>
          %dma_start3A_91 = arith.constant 0 : i32
          %dma_start3A_92 = tpu.memref_slice %arg15[%add3A, %dma_start3A_91] : memref<10016x16xf32, #tpu.memory_space<vmem_shared>> -> memref<80x16xf32, #tpu.memory_space<vmem_shared>>
          tpu.enqueue_dma source(%arg14 : memref<80x16xf32, #tpu.memory_space<vmem>>) target(%dma_start3A_92 : memref<80x16xf32, #tpu.memory_space<vmem_shared>>) target_semaphore(%run_scoped3A_89 : memref<!tpu.dma_semaphore, #tpu.memory_space<semaphore_mem>>)
          %dma_wait3A = arith.constant 0 : i32
          %dma_wait3A_93 = tpu.memref_slice %arg15[%add3A, %dma_wait3A] : memref<10016x16xf32, #tpu.memory_space<vmem_shared>> -> memref<80x16xf32, #tpu.memory_space<vmem_shared>>
          %dma_wait3A_94 = arith.constant 0 : i32
          %dma_wait3A_95 = tpu.memref_slice %arg15[%add3A, %dma_wait3A_94] : memref<10016x16xf32, #tpu.memory_space<vmem_shared>> -> memref<80x16xf32, #tpu.memory_space<vmem_shared>>
          tpu.wait_dma2 semaphore(%run_scoped3A_89 : memref<!tpu.dma_semaphore, #tpu.memory_space<semaphore_mem>>) src(%arg14 : memref<80x16xf32, #tpu.memory_space<vmem>>) dst(%dma_wait3A_95 : memref<80x16xf32, #tpu.memory_space<vmem_shared>>)
          tpu.yield
        }) : () -> ()
      }
      %eq3A_60 = arith.constant 15 : i32
      %eq3A_61 = arith.cmpi eq, %arg1, %eq3A_60 : i32
      %convert_element_type3A_62 = arith.extui %eq3A_61 : i1 to i32
      %cond3A_63 = arith.constant 0 : i32
      %cond3A_64 = arith.cmpi ne, %convert_element_type3A_62, %cond3A_63 : i32
      scf.if %cond3A_64 {
        "tpu.region"() ({
          %run_scoped3A_86 = tpu.sem_alloc : memref<!tpu.dma_semaphore, #tpu.memory_space<semaphore_mem>>
          %dma_start3A = arith.constant 0 : i32
          %dma_start3A_87 = arith.constant 0 : i32
          %dma_start3A_88 = tpu.memref_slice %arg14[%dma_start3A, %dma_start3A_87] : memref<80x16xf32, #tpu.memory_space<vmem>> -> memref<16x16xf32, #tpu.memory_space<vmem>>
          %dma_start3A_89 = arith.constant 10000 : i32
          %dma_start3A_90 = arith.constant 0 : i32
          %dma_start3A_91 = tpu.memref_slice %arg15[%dma_start3A_89, %dma_start3A_90] : memref<10016x16xf32, #tpu.memory_space<vmem_shared>> -> memref<16x16xf32, #tpu.memory_space<vmem_shared>>
          %dma_start3A_92 = arith.constant 10000 : i32
          %dma_start3A_93 = arith.constant 0 : i32
          %dma_start3A_94 = tpu.memref_slice %arg15[%dma_start3A_92, %dma_start3A_93] : memref<10016x16xf32, #tpu.memory_space<vmem_shared>> -> memref<16x16xf32, #tpu.memory_space<vmem_shared>>
          %dma_start3A_95 = arith.constant 0 : i32
          %dma_start3A_96 = arith.constant 0 : i32
          %dma_start3A_97 = tpu.memref_slice %arg14[%dma_start3A_95, %dma_start3A_96] : memref<80x16xf32, #tpu.memory_space<vmem>> -> memref<16x16xf32, #tpu.memory_space<vmem>>
          tpu.enqueue_dma source(%dma_start3A_97 : memref<16x16xf32, #tpu.memory_space<vmem>>) target(%dma_start3A_94 : memref<16x16xf32, #tpu.memory_space<vmem_shared>>) target_semaphore(%run_scoped3A_86 : memref<!tpu.dma_semaphore, #tpu.memory_space<semaphore_mem>>)
          %dma_wait3A = arith.constant 0 : i32
          %dma_wait3A_98 = arith.constant 0 : i32
          %dma_wait3A_99 = tpu.memref_slice %arg14[%dma_wait3A, %dma_wait3A_98] : memref<80x16xf32, #tpu.memory_space<vmem>> -> memref<16x16xf32, #tpu.memory_space<vmem>>
          %dma_wait3A_100 = arith.constant 10000 : i32
          %dma_wait3A_101 = arith.constant 0 : i32
          %dma_wait3A_102 = tpu.memref_slice %arg15[%dma_wait3A_100, %dma_wait3A_101] : memref<10016x16xf32, #tpu.memory_space<vmem_shared>> -> memref<16x16xf32, #tpu.memory_space<vmem_shared>>
          %dma_wait3A_103 = arith.constant 10000 : i32
          %dma_wait3A_104 = arith.constant 0 : i32
          %dma_wait3A_105 = tpu.memref_slice %arg15[%dma_wait3A_103, %dma_wait3A_104] : memref<10016x16xf32, #tpu.memory_space<vmem_shared>> -> memref<16x16xf32, #tpu.memory_space<vmem_shared>>
          %dma_wait3A_106 = arith.constant 0 : i32
          %dma_wait3A_107 = arith.constant 0 : i32
          %dma_wait3A_108 = tpu.memref_slice %arg14[%dma_wait3A_106, %dma_wait3A_107] : memref<80x16xf32, #tpu.memory_space<vmem>> -> memref<16x16xf32, #tpu.memory_space<vmem>>
          tpu.wait_dma2 semaphore(%run_scoped3A_86 : memref<!tpu.dma_semaphore, #tpu.memory_space<semaphore_mem>>) src(%dma_wait3A_108 : memref<16x16xf32, #tpu.memory_space<vmem>>) dst(%dma_wait3A_105 : memref<16x16xf32, #tpu.memory_space<vmem_shared>>)
          tpu.yield
        }) : () -> ()
      } else {
      }
      %barrier3A_65 = arith.constant 0 : index
      tpu.barrier barrier_id(%barrier3A_65)
      %while3A_66 = arith.constant 0 : i32
      %while3A_67 = arith.subi %select_n3A_6, %while3A_66 : i32
      %while3A_68 = arith.addi %while3A_66, %while3A_67 : i32
      %while3A_69 = arith.constant 1 : i32
      %while3A_70 = arith.divsi %while3A_67, %while3A_69 : i32
      %while3A_71 = arith.muli %while3A_70, %while3A_69 : i32
      %while3A_72 = arith.addi %while3A_66, %while3A_71 : i32
      %while3A_73 = arith.constant 1 : i32
      scf.for %while3A_86 = %while3A_66 to %while3A_72 step %while3A_73  : i32 {
        %mul3A_87 = arith.constant 16 : i32
        %mul3A_88 = arith.muli %while3A_86, %mul3A_87 : i32
        %add3A = arith.addi %arg1, %mul3A_88 : i32
        %mul3A_89 = arith.constant 128 : i32
        %mul3A_90 = arith.muli %add3A, %mul3A_89 : i32
        "tpu.region"() ({
          %run_scoped3A_91 = tpu.sem_alloc : memref<!tpu.dma_semaphore, #tpu.memory_space<semaphore_mem>>
          %dma_start3A = tpu.memref_slice %arg4[%mul3A_90] : memref<320000xi32, #tpu.memory_space<hbm>> -> memref<128xi32, #tpu.memory_space<hbm>>
          %dma_start3A_92 = tpu.memref_slice %arg4[%mul3A_90] : memref<320000xi32, #tpu.memory_space<hbm>> -> memref<128xi32, #tpu.memory_space<hbm>>
          tpu.enqueue_dma source(%dma_start3A_92 : memref<128xi32, #tpu.memory_space<hbm>>) target(%arg12 : memref<128xi32, #tpu.memory_space<vmem>>) target_semaphore(%run_scoped3A_91 : memref<!tpu.dma_semaphore, #tpu.memory_space<semaphore_mem>>)
          %dma_wait3A = tpu.memref_slice %arg4[%mul3A_90] : memref<320000xi32, #tpu.memory_space<hbm>> -> memref<128xi32, #tpu.memory_space<hbm>>
          %dma_wait3A_93 = tpu.memref_slice %arg4[%mul3A_90] : memref<320000xi32, #tpu.memory_space<hbm>> -> memref<128xi32, #tpu.memory_space<hbm>>
          tpu.wait_dma2 semaphore(%run_scoped3A_91 : memref<!tpu.dma_semaphore, #tpu.memory_space<semaphore_mem>>) src(%dma_wait3A_93 : memref<128xi32, #tpu.memory_space<hbm>>) dst(%arg12 : memref<128xi32, #tpu.memory_space<vmem>>)
          tpu.yield
        }) : () -> ()
        "tpu.region"() ({
          %run_scoped3A_91 = tpu.sem_alloc : memref<!tpu.dma_semaphore, #tpu.memory_space<semaphore_mem>>
          %dma_start3A = arith.constant 0 : i32
          %dma_start3A_92 = arith.constant 0 : i32
          %dma_start3A_93 = tpu.memref_slice %arg15[%dma_start3A, %dma_start3A_92] : memref<10016x16xf32, #tpu.memory_space<vmem_shared>> -> memref<10016x16xf32, #tpu.memory_space<vmem_shared>>
          tpu.enqueue_indirect_dma source(%arg13 : memref<128x16xf32, #tpu.memory_space<vmem>>) target(%dma_start3A_93 : memref<10016x16xf32, #tpu.memory_space<vmem_shared>>) offsets(%arg12 : memref<128xi32, #tpu.memory_space<vmem>>) semaphore(%run_scoped3A_91 : memref<!tpu.dma_semaphore, #tpu.memory_space<semaphore_mem>>) {add = true}
          %dma_wait3A = arith.constant 0 : i32
          %dma_wait3A_94 = arith.constant 0 : i32
          %dma_wait3A_95 = tpu.memref_slice %arg15[%dma_wait3A, %dma_wait3A_94] : memref<10016x16xf32, #tpu.memory_space<vmem_shared>> -> memref<10016x16xf32, #tpu.memory_space<vmem_shared>>
          tpu.wait_indirect_dma semaphore(%run_scoped3A_91 : memref<!tpu.dma_semaphore, #tpu.memory_space<semaphore_mem>>) src(%arg13 : memref<128x16xf32, #tpu.memory_space<vmem>>) dst(%dma_wait3A_95 : memref<10016x16xf32, #tpu.memory_space<vmem_shared>>)
          tpu.yield
        }) : () -> ()
      }
      %while3A_74 = arith.constant 1 : i32
      scf.for %while3A_86 = %while3A_72 to %while3A_68 step %while3A_74  : i32 {
        %mul3A_87 = arith.constant 16 : i32
        %mul3A_88 = arith.muli %while3A_86, %mul3A_87 : i32
        %add3A = arith.addi %arg1, %mul3A_88 : i32
        %mul3A_89 = arith.constant 128 : i32
        %mul3A_90 = arith.muli %add3A, %mul3A_89 : i32
        "tpu.region"() ({
          %run_scoped3A_91 = tpu.sem_alloc : memref<!tpu.dma_semaphore, #tpu.memory_space<semaphore_mem>>
          %dma_start3A = tpu.memref_slice %arg4[%mul3A_90] : memref<320000xi32, #tpu.memory_space<hbm>> -> memref<128xi32, #tpu.memory_space<hbm>>
          %dma_start3A_92 = tpu.memref_slice %arg4[%mul3A_90] : memref<320000xi32, #tpu.memory_space<hbm>> -> memref<128xi32, #tpu.memory_space<hbm>>
          tpu.enqueue_dma source(%dma_start3A_92 : memref<128xi32, #tpu.memory_space<hbm>>) target(%arg12 : memref<128xi32, #tpu.memory_space<vmem>>) target_semaphore(%run_scoped3A_91 : memref<!tpu.dma_semaphore, #tpu.memory_space<semaphore_mem>>)
          %dma_wait3A = tpu.memref_slice %arg4[%mul3A_90] : memref<320000xi32, #tpu.memory_space<hbm>> -> memref<128xi32, #tpu.memory_space<hbm>>
          %dma_wait3A_93 = tpu.memref_slice %arg4[%mul3A_90] : memref<320000xi32, #tpu.memory_space<hbm>> -> memref<128xi32, #tpu.memory_space<hbm>>
          tpu.wait_dma2 semaphore(%run_scoped3A_91 : memref<!tpu.dma_semaphore, #tpu.memory_space<semaphore_mem>>) src(%dma_wait3A_93 : memref<128xi32, #tpu.memory_space<hbm>>) dst(%arg12 : memref<128xi32, #tpu.memory_space<vmem>>)
          tpu.yield
        }) : () -> ()
        "tpu.region"() ({
          %run_scoped3A_91 = tpu.sem_alloc : memref<!tpu.dma_semaphore, #tpu.memory_space<semaphore_mem>>
          %dma_start3A = arith.constant 0 : i32
          %dma_start3A_92 = arith.constant 0 : i32
          %dma_start3A_93 = tpu.memref_slice %arg15[%dma_start3A, %dma_start3A_92] : memref<10016x16xf32, #tpu.memory_space<vmem_shared>> -> memref<10016x16xf32, #tpu.memory_space<vmem_shared>>
          tpu.enqueue_indirect_dma source(%arg13 : memref<128x16xf32, #tpu.memory_space<vmem>>) target(%dma_start3A_93 : memref<10016x16xf32, #tpu.memory_space<vmem_shared>>) offsets(%arg12 : memref<128xi32, #tpu.memory_space<vmem>>) semaphore(%run_scoped3A_91 : memref<!tpu.dma_semaphore, #tpu.memory_space<semaphore_mem>>) {add = true}
          %dma_wait3A = arith.constant 0 : i32
          %dma_wait3A_94 = arith.constant 0 : i32
          %dma_wait3A_95 = tpu.memref_slice %arg15[%dma_wait3A, %dma_wait3A_94] : memref<10016x16xf32, #tpu.memory_space<vmem_shared>> -> memref<10016x16xf32, #tpu.memory_space<vmem_shared>>
          tpu.wait_indirect_dma semaphore(%run_scoped3A_91 : memref<!tpu.dma_semaphore, #tpu.memory_space<semaphore_mem>>) src(%arg13 : memref<128x16xf32, #tpu.memory_space<vmem>>) dst(%dma_wait3A_95 : memref<10016x16xf32, #tpu.memory_space<vmem_shared>>)
          tpu.yield
        }) : () -> ()
      }
      %barrier3A_75 = arith.constant 0 : index
      tpu.barrier barrier_id(%barrier3A_75)
      %while3A_76 = arith.constant 0 : i32
      %while3A_77 = arith.subi %select_n3A, %while3A_76 : i32
      %while3A_78 = arith.addi %while3A_76, %while3A_77 : i32
      %while3A_79 = arith.constant 1 : i32
      %while3A_80 = arith.divsi %while3A_77, %while3A_79 : i32
      %while3A_81 = arith.muli %while3A_80, %while3A_79 : i32
      %while3A_82 = arith.addi %while3A_76, %while3A_81 : i32
      %while3A_83 = arith.constant 1 : i32
      scf.for %while3A_86 = %while3A_76 to %while3A_82 step %while3A_83  : i32 {
        %mul3A_87 = arith.constant 80 : i32
        %mul3A_88 = arith.muli %while3A_86, %mul3A_87 : i32
        %add3A = arith.addi %mul3A_0, %mul3A_88 : i32
        "tpu.region"() ({
          %run_scoped3A_89 = tpu.sem_alloc : memref<!tpu.dma_semaphore, #tpu.memory_space<semaphore_mem>>
          %dma_start3A = arith.constant 0 : i32
          %dma_start3A_90 = tpu.memref_slice %arg10[%add3A, %dma_start3A] : memref<10000x16xf32, #tpu.memory_space<hbm>> -> memref<80x16xf32, #tpu.memory_space<hbm>>
          %dma_start3A_91 = arith.constant 0 : i32
          %dma_start3A_92 = tpu.memref_slice %arg15[%add3A, %dma_start3A_91] : memref<10016x16xf32, #tpu.memory_space<vmem_shared>> -> memref<80x16xf32, #tpu.memory_space<vmem_shared>>
          tpu.enqueue_dma source(%dma_start3A_92 : memref<80x16xf32, #tpu.memory_space<vmem_shared>>) target(%dma_start3A_90 : memref<80x16xf32, #tpu.memory_space<hbm>>) target_semaphore(%run_scoped3A_89 : memref<!tpu.dma_semaphore, #tpu.memory_space<semaphore_mem>>)
          %dma_wait3A = arith.constant 0 : i32
          %dma_wait3A_93 = tpu.memref_slice %arg10[%add3A, %dma_wait3A] : memref<10000x16xf32, #tpu.memory_space<hbm>> -> memref<80x16xf32, #tpu.memory_space<hbm>>
          %dma_wait3A_94 = arith.constant 0 : i32
          %dma_wait3A_95 = tpu.memref_slice %arg15[%add3A, %dma_wait3A_94] : memref<10016x16xf32, #tpu.memory_space<vmem_shared>> -> memref<80x16xf32, #tpu.memory_space<vmem_shared>>
          tpu.wait_dma2 semaphore(%run_scoped3A_89 : memref<!tpu.dma_semaphore, #tpu.memory_space<semaphore_mem>>) src(%dma_wait3A_95 : memref<80x16xf32, #tpu.memory_space<vmem_shared>>) dst(%dma_wait3A_93 : memref<80x16xf32, #tpu.memory_space<hbm>>)
          tpu.yield
        }) : () -> ()
      }
      %while3A_84 = arith.constant 1 : i32
      scf.for %while3A_86 = %while3A_82 to %while3A_78 step %while3A_84  : i32 {
        %mul3A_87 = arith.constant 80 : i32
        %mul3A_88 = arith.muli %while3A_86, %mul3A_87 : i32
        %add3A = arith.addi %mul3A_0, %mul3A_88 : i32
        "tpu.region"() ({
          %run_scoped3A_89 = tpu.sem_alloc : memref<!tpu.dma_semaphore, #tpu.memory_space<semaphore_mem>>
          %dma_start3A = arith.constant 0 : i32
          %dma_start3A_90 = tpu.memref_slice %arg10[%add3A, %dma_start3A] : memref<10000x16xf32, #tpu.memory_space<hbm>> -> memref<80x16xf32, #tpu.memory_space<hbm>>
          %dma_start3A_91 = arith.constant 0 : i32
          %dma_start3A_92 = tpu.memref_slice %arg15[%add3A, %dma_start3A_91] : memref<10016x16xf32, #tpu.memory_space<vmem_shared>> -> memref<80x16xf32, #tpu.memory_space<vmem_shared>>
          tpu.enqueue_dma source(%dma_start3A_92 : memref<80x16xf32, #tpu.memory_space<vmem_shared>>) target(%dma_start3A_90 : memref<80x16xf32, #tpu.memory_space<hbm>>) target_semaphore(%run_scoped3A_89 : memref<!tpu.dma_semaphore, #tpu.memory_space<semaphore_mem>>)
          %dma_wait3A = arith.constant 0 : i32
          %dma_wait3A_93 = tpu.memref_slice %arg10[%add3A, %dma_wait3A] : memref<10000x16xf32, #tpu.memory_space<hbm>> -> memref<80x16xf32, #tpu.memory_space<hbm>>
          %dma_wait3A_94 = arith.constant 0 : i32
          %dma_wait3A_95 = tpu.memref_slice %arg15[%add3A, %dma_wait3A_94] : memref<10016x16xf32, #tpu.memory_space<vmem_shared>> -> memref<80x16xf32, #tpu.memory_space<vmem_shared>>
          tpu.wait_dma2 semaphore(%run_scoped3A_89 : memref<!tpu.dma_semaphore, #tpu.memory_space<semaphore_mem>>) src(%dma_wait3A_95 : memref<80x16xf32, #tpu.memory_space<vmem_shared>>) dst(%dma_wait3A_93 : memref<80x16xf32, #tpu.memory_space<hbm>>)
          tpu.yield
        }) : () -> ()
      }
      %barrier3A_85 = arith.constant 0 : index
      tpu.barrier barrier_id(%barrier3A_85)
    } else {
    }
    %eq3A_12 = arith.constant 1 : i32
    %eq3A_13 = arith.cmpi eq, %arg0, %eq3A_12 : i32
    %convert_element_type3A_14 = arith.extui %eq3A_13 : i1 to i32
    %cond3A_15 = arith.constant 0 : i32
    %cond3A_16 = arith.cmpi ne, %convert_element_type3A_14, %cond3A_15 : i32
    scf.if %cond3A_16 {
      %while3A = arith.constant 0 : i32
      %while3A_17 = arith.subi %select_n3A, %while3A : i32
      %while3A_18 = arith.addi %while3A, %while3A_17 : i32
      %while3A_19 = arith.constant 1 : i32
      %while3A_20 = arith.divsi %while3A_17, %while3A_19 : i32
      %while3A_21 = arith.muli %while3A_20, %while3A_19 : i32
      %while3A_22 = arith.addi %while3A, %while3A_21 : i32
      %while3A_23 = arith.constant 1 : i32
      scf.for %while3A_86 = %while3A to %while3A_22 step %while3A_23  : i32 {
        %mul3A_87 = arith.constant 80 : i32
        %mul3A_88 = arith.muli %while3A_86, %mul3A_87 : i32
        %add3A = arith.addi %mul3A_0, %mul3A_88 : i32
        "tpu.region"() ({
          %run_scoped3A_89 = tpu.sem_alloc : memref<!tpu.dma_semaphore, #tpu.memory_space<semaphore_mem>>
          %dma_start3A = arith.constant 0 : i32
          %dma_start3A_90 = tpu.memref_slice %arg15[%add3A, %dma_start3A] : memref<10016x16xf32, #tpu.memory_space<vmem_shared>> -> memref<80x16xf32, #tpu.memory_space<vmem_shared>>
          %dma_start3A_91 = arith.constant 0 : i32
          %dma_start3A_92 = tpu.memref_slice %arg15[%add3A, %dma_start3A_91] : memref<10016x16xf32, #tpu.memory_space<vmem_shared>> -> memref<80x16xf32, #tpu.memory_space<vmem_shared>>
          tpu.enqueue_dma source(%arg14 : memref<80x16xf32, #tpu.memory_space<vmem>>) target(%dma_start3A_92 : memref<80x16xf32, #tpu.memory_space<vmem_shared>>) target_semaphore(%run_scoped3A_89 : memref<!tpu.dma_semaphore, #tpu.memory_space<semaphore_mem>>)
          %dma_wait3A = arith.constant 0 : i32
          %dma_wait3A_93 = tpu.memref_slice %arg15[%add3A, %dma_wait3A] : memref<10016x16xf32, #tpu.memory_space<vmem_shared>> -> memref<80x16xf32, #tpu.memory_space<vmem_shared>>
          %dma_wait3A_94 = arith.constant 0 : i32
          %dma_wait3A_95 = tpu.memref_slice %arg15[%add3A, %dma_wait3A_94] : memref<10016x16xf32, #tpu.memory_space<vmem_shared>> -> memref<80x16xf32, #tpu.memory_space<vmem_shared>>
          tpu.wait_dma2 semaphore(%run_scoped3A_89 : memref<!tpu.dma_semaphore, #tpu.memory_space<semaphore_mem>>) src(%arg14 : memref<80x16xf32, #tpu.memory_space<vmem>>) dst(%dma_wait3A_95 : memref<80x16xf32, #tpu.memory_space<vmem_shared>>)
          tpu.yield
        }) : () -> ()
      }
      %while3A_24 = arith.constant 1 : i32
      scf.for %while3A_86 = %while3A_22 to %while3A_18 step %while3A_24  : i32 {
        %mul3A_87 = arith.constant 80 : i32
        %mul3A_88 = arith.muli %while3A_86, %mul3A_87 : i32
        %add3A = arith.addi %mul3A_0, %mul3A_88 : i32
        "tpu.region"() ({
          %run_scoped3A_89 = tpu.sem_alloc : memref<!tpu.dma_semaphore, #tpu.memory_space<semaphore_mem>>
          %dma_start3A = arith.constant 0 : i32
          %dma_start3A_90 = tpu.memref_slice %arg15[%add3A, %dma_start3A] : memref<10016x16xf32, #tpu.memory_space<vmem_shared>> -> memref<80x16xf32, #tpu.memory_space<vmem_shared>>
          %dma_start3A_91 = arith.constant 0 : i32
          %dma_start3A_92 = tpu.memref_slice %arg15[%add3A, %dma_start3A_91] : memref<10016x16xf32, #tpu.memory_space<vmem_shared>> -> memref<80x16xf32, #tpu.memory_space<vmem_shared>>
          tpu.enqueue_dma source(%arg14 : memref<80x16xf32, #tpu.memory_space<vmem>>) target(%dma_start3A_92 : memref<80x16xf32, #tpu.memory_space<vmem_shared>>) target_semaphore(%run_scoped3A_89 : memref<!tpu.dma_semaphore, #tpu.memory_space<semaphore_mem>>)
          %dma_wait3A = arith.constant 0 : i32
          %dma_wait3A_93 = tpu.memref_slice %arg15[%add3A, %dma_wait3A] : memref<10016x16xf32, #tpu.memory_space<vmem_shared>> -> memref<80x16xf32, #tpu.memory_space<vmem_shared>>
          %dma_wait3A_94 = arith.constant 0 : i32
          %dma_wait3A_95 = tpu.memref_slice %arg15[%add3A, %dma_wait3A_94] : memref<10016x16xf32, #tpu.memory_space<vmem_shared>> -> memref<80x16xf32, #tpu.memory_space<vmem_shared>>
          tpu.wait_dma2 semaphore(%run_scoped3A_89 : memref<!tpu.dma_semaphore, #tpu.memory_space<semaphore_mem>>) src(%arg14 : memref<80x16xf32, #tpu.memory_space<vmem>>) dst(%dma_wait3A_95 : memref<80x16xf32, #tpu.memory_space<vmem_shared>>)
          tpu.yield
        }) : () -> ()
      }
      %eq3A_25 = arith.constant 15 : i32
      %eq3A_26 = arith.cmpi eq, %arg1, %eq3A_25 : i32
      %convert_element_type3A_27 = arith.extui %eq3A_26 : i1 to i32
      %cond3A_28 = arith.constant 0 : i32
      %cond3A_29 = arith.cmpi ne, %convert_element_type3A_27, %cond3A_28 : i32
      scf.if %cond3A_29 {
        "tpu.region"() ({
          %run_scoped3A_86 = tpu.sem_alloc : memref<!tpu.dma_semaphore, #tpu.memory_space<semaphore_mem>>
          %dma_start3A = arith.constant 0 : i32
          %dma_start3A_87 = arith.constant 0 : i32
          %dma_start3A_88 = tpu.memref_slice %arg14[%dma_start3A, %dma_start3A_87] : memref<80x16xf32, #tpu.memory_space<vmem>> -> memref<16x16xf32, #tpu.memory_space<vmem>>
          %dma_start3A_89 = arith.constant 10000 : i32
          %dma_start3A_90 = arith.constant 0 : i32
          %dma_start3A_91 = tpu.memref_slice %arg15[%dma_start3A_89, %dma_start3A_90] : memref<10016x16xf32, #tpu.memory_space<vmem_shared>> -> memref<16x16xf32, #tpu.memory_space<vmem_shared>>
          %dma_start3A_92 = arith.constant 10000 : i32
          %dma_start3A_93 = arith.constant 0 : i32
          %dma_start3A_94 = tpu.memref_slice %arg15[%dma_start3A_92, %dma_start3A_93] : memref<10016x16xf32, #tpu.memory_space<vmem_shared>> -> memref<16x16xf32, #tpu.memory_space<vmem_shared>>
          %dma_start3A_95 = arith.constant 0 : i32
          %dma_start3A_96 = arith.constant 0 : i32
          %dma_start3A_97 = tpu.memref_slice %arg14[%dma_start3A_95, %dma_start3A_96] : memref<80x16xf32, #tpu.memory_space<vmem>> -> memref<16x16xf32, #tpu.memory_space<vmem>>
          tpu.enqueue_dma source(%dma_start3A_97 : memref<16x16xf32, #tpu.memory_space<vmem>>) target(%dma_start3A_94 : memref<16x16xf32, #tpu.memory_space<vmem_shared>>) target_semaphore(%run_scoped3A_86 : memref<!tpu.dma_semaphore, #tpu.memory_space<semaphore_mem>>)
          %dma_wait3A = arith.constant 0 : i32
          %dma_wait3A_98 = arith.constant 0 : i32
          %dma_wait3A_99 = tpu.memref_slice %arg14[%dma_wait3A, %dma_wait3A_98] : memref<80x16xf32, #tpu.memory_space<vmem>> -> memref<16x16xf32, #tpu.memory_space<vmem>>
          %dma_wait3A_100 = arith.constant 10000 : i32
          %dma_wait3A_101 = arith.constant 0 : i32
          %dma_wait3A_102 = tpu.memref_slice %arg15[%dma_wait3A_100, %dma_wait3A_101] : memref<10016x16xf32, #tpu.memory_space<vmem_shared>> -> memref<16x16xf32, #tpu.memory_space<vmem_shared>>
          %dma_wait3A_103 = arith.constant 10000 : i32
          %dma_wait3A_104 = arith.constant 0 : i32
          %dma_wait3A_105 = tpu.memref_slice %arg15[%dma_wait3A_103, %dma_wait3A_104] : memref<10016x16xf32, #tpu.memory_space<vmem_shared>> -> memref<16x16xf32, #tpu.memory_space<vmem_shared>>
          %dma_wait3A_106 = arith.constant 0 : i32
          %dma_wait3A_107 = arith.constant 0 : i32
          %dma_wait3A_108 = tpu.memref_slice %arg14[%dma_wait3A_106, %dma_wait3A_107] : memref<80x16xf32, #tpu.memory_space<vmem>> -> memref<16x16xf32, #tpu.memory_space<vmem>>
          tpu.wait_dma2 semaphore(%run_scoped3A_86 : memref<!tpu.dma_semaphore, #tpu.memory_space<semaphore_mem>>) src(%dma_wait3A_108 : memref<16x16xf32, #tpu.memory_space<vmem>>) dst(%dma_wait3A_105 : memref<16x16xf32, #tpu.memory_space<vmem_shared>>)
          tpu.yield
        }) : () -> ()
      } else {
      }
      %barrier3A_30 = arith.constant 0 : index
      tpu.barrier barrier_id(%barrier3A_30)
      %while3A_31 = arith.constant 0 : i32
      %while3A_32 = arith.subi %select_n3A_6, %while3A_31 : i32
      %while3A_33 = arith.addi %while3A_31, %while3A_32 : i32
      %while3A_34 = arith.constant 1 : i32
      %while3A_35 = arith.divsi %while3A_32, %while3A_34 : i32
      %while3A_36 = arith.muli %while3A_35, %while3A_34 : i32
      %while3A_37 = arith.addi %while3A_31, %while3A_36 : i32
      %while3A_38 = arith.constant 1 : i32
      scf.for %while3A_86 = %while3A_31 to %while3A_37 step %while3A_38  : i32 {
        %mul3A_87 = arith.constant 16 : i32
        %mul3A_88 = arith.muli %while3A_86, %mul3A_87 : i32
        %add3A = arith.addi %arg1, %mul3A_88 : i32
        %mul3A_89 = arith.constant 128 : i32
        %mul3A_90 = arith.muli %add3A, %mul3A_89 : i32
        "tpu.region"() ({
          %run_scoped3A_91 = tpu.sem_alloc : memref<!tpu.dma_semaphore, #tpu.memory_space<semaphore_mem>>
          %dma_start3A = tpu.memref_slice %arg3[%mul3A_90] : memref<320000xi32, #tpu.memory_space<hbm>> -> memref<128xi32, #tpu.memory_space<hbm>>
          %dma_start3A_92 = tpu.memref_slice %arg3[%mul3A_90] : memref<320000xi32, #tpu.memory_space<hbm>> -> memref<128xi32, #tpu.memory_space<hbm>>
          tpu.enqueue_dma source(%dma_start3A_92 : memref<128xi32, #tpu.memory_space<hbm>>) target(%arg12 : memref<128xi32, #tpu.memory_space<vmem>>) target_semaphore(%run_scoped3A_91 : memref<!tpu.dma_semaphore, #tpu.memory_space<semaphore_mem>>)
          %dma_wait3A = tpu.memref_slice %arg3[%mul3A_90] : memref<320000xi32, #tpu.memory_space<hbm>> -> memref<128xi32, #tpu.memory_space<hbm>>
          %dma_wait3A_93 = tpu.memref_slice %arg3[%mul3A_90] : memref<320000xi32, #tpu.memory_space<hbm>> -> memref<128xi32, #tpu.memory_space<hbm>>
          tpu.wait_dma2 semaphore(%run_scoped3A_91 : memref<!tpu.dma_semaphore, #tpu.memory_space<semaphore_mem>>) src(%dma_wait3A_93 : memref<128xi32, #tpu.memory_space<hbm>>) dst(%arg12 : memref<128xi32, #tpu.memory_space<vmem>>)
          tpu.yield
        }) : () -> ()
        "tpu.region"() ({
          %run_scoped3A_91 = tpu.sem_alloc : memref<!tpu.dma_semaphore, #tpu.memory_space<semaphore_mem>>
          %dma_start3A = arith.constant 0 : i32
          %dma_start3A_92 = arith.constant 0 : i32
          %dma_start3A_93 = tpu.memref_slice %arg15[%dma_start3A, %dma_start3A_92] : memref<10016x16xf32, #tpu.memory_space<vmem_shared>> -> memref<10016x16xf32, #tpu.memory_space<vmem_shared>>
          tpu.enqueue_indirect_dma source(%arg13 : memref<128x16xf32, #tpu.memory_space<vmem>>) target(%dma_start3A_93 : memref<10016x16xf32, #tpu.memory_space<vmem_shared>>) offsets(%arg12 : memref<128xi32, #tpu.memory_space<vmem>>) semaphore(%run_scoped3A_91 : memref<!tpu.dma_semaphore, #tpu.memory_space<semaphore_mem>>) {add = true}
          %dma_wait3A = arith.constant 0 : i32
          %dma_wait3A_94 = arith.constant 0 : i32
          %dma_wait3A_95 = tpu.memref_slice %arg15[%dma_wait3A, %dma_wait3A_94] : memref<10016x16xf32, #tpu.memory_space<vmem_shared>> -> memref<10016x16xf32, #tpu.memory_space<vmem_shared>>
          tpu.wait_indirect_dma semaphore(%run_scoped3A_91 : memref<!tpu.dma_semaphore, #tpu.memory_space<semaphore_mem>>) src(%arg13 : memref<128x16xf32, #tpu.memory_space<vmem>>) dst(%dma_wait3A_95 : memref<10016x16xf32, #tpu.memory_space<vmem_shared>>)
          tpu.yield
        }) : () -> ()
      }
      %while3A_39 = arith.constant 1 : i32
      scf.for %while3A_86 = %while3A_37 to %while3A_33 step %while3A_39  : i32 {
        %mul3A_87 = arith.constant 16 : i32
        %mul3A_88 = arith.muli %while3A_86, %mul3A_87 : i32
        %add3A = arith.addi %arg1, %mul3A_88 : i32
        %mul3A_89 = arith.constant 128 : i32
        %mul3A_90 = arith.muli %add3A, %mul3A_89 : i32
        "tpu.region"() ({
          %run_scoped3A_91 = tpu.sem_alloc : memref<!tpu.dma_semaphore, #tpu.memory_space<semaphore_mem>>
          %dma_start3A = tpu.memref_slice %arg3[%mul3A_90] : memref<320000xi32, #tpu.memory_space<hbm>> -> memref<128xi32, #tpu.memory_space<hbm>>
          %dma_start3A_92 = tpu.memref_slice %arg3[%mul3A_90] : memref<320000xi32, #tpu.memory_space<hbm>> -> memref<128xi32, #tpu.memory_space<hbm>>
          tpu.enqueue_dma source(%dma_start3A_92 : memref<128xi32, #tpu.memory_space<hbm>>) target(%arg12 : memref<128xi32, #tpu.memory_space<vmem>>) target_semaphore(%run_scoped3A_91 : memref<!tpu.dma_semaphore, #tpu.memory_space<semaphore_mem>>)
          %dma_wait3A = tpu.memref_slice %arg3[%mul3A_90] : memref<320000xi32, #tpu.memory_space<hbm>> -> memref<128xi32, #tpu.memory_space<hbm>>
          %dma_wait3A_93 = tpu.memref_slice %arg3[%mul3A_90] : memref<320000xi32, #tpu.memory_space<hbm>> -> memref<128xi32, #tpu.memory_space<hbm>>
          tpu.wait_dma2 semaphore(%run_scoped3A_91 : memref<!tpu.dma_semaphore, #tpu.memory_space<semaphore_mem>>) src(%dma_wait3A_93 : memref<128xi32, #tpu.memory_space<hbm>>) dst(%arg12 : memref<128xi32, #tpu.memory_space<vmem>>)
          tpu.yield
        }) : () -> ()
        "tpu.region"() ({
          %run_scoped3A_91 = tpu.sem_alloc : memref<!tpu.dma_semaphore, #tpu.memory_space<semaphore_mem>>
          %dma_start3A = arith.constant 0 : i32
          %dma_start3A_92 = arith.constant 0 : i32
          %dma_start3A_93 = tpu.memref_slice %arg15[%dma_start3A, %dma_start3A_92] : memref<10016x16xf32, #tpu.memory_space<vmem_shared>> -> memref<10016x16xf32, #tpu.memory_space<vmem_shared>>
          tpu.enqueue_indirect_dma source(%arg13 : memref<128x16xf32, #tpu.memory_space<vmem>>) target(%dma_start3A_93 : memref<10016x16xf32, #tpu.memory_space<vmem_shared>>) offsets(%arg12 : memref<128xi32, #tpu.memory_space<vmem>>) semaphore(%run_scoped3A_91 : memref<!tpu.dma_semaphore, #tpu.memory_space<semaphore_mem>>) {add = true}
          %dma_wait3A = arith.constant 0 : i32
          %dma_wait3A_94 = arith.constant 0 : i32
          %dma_wait3A_95 = tpu.memref_slice %arg15[%dma_wait3A, %dma_wait3A_94] : memref<10016x16xf32, #tpu.memory_space<vmem_shared>> -> memref<10016x16xf32, #tpu.memory_space<vmem_shared>>
          tpu.wait_indirect_dma semaphore(%run_scoped3A_91 : memref<!tpu.dma_semaphore, #tpu.memory_space<semaphore_mem>>) src(%arg13 : memref<128x16xf32, #tpu.memory_space<vmem>>) dst(%dma_wait3A_95 : memref<10016x16xf32, #tpu.memory_space<vmem_shared>>)
          tpu.yield
        }) : () -> ()
      }
      %barrier3A_40 = arith.constant 0 : index
      tpu.barrier barrier_id(%barrier3A_40)
      %while3A_41 = arith.constant 0 : i32
      %while3A_42 = arith.subi %select_n3A, %while3A_41 : i32
      %while3A_43 = arith.addi %while3A_41, %while3A_42 : i32
      %while3A_44 = arith.constant 1 : i32
      %while3A_45 = arith.divsi %while3A_42, %while3A_44 : i32
      %while3A_46 = arith.muli %while3A_45, %while3A_44 : i32
      %while3A_47 = arith.addi %while3A_41, %while3A_46 : i32
      %while3A_48 = arith.constant 1 : i32
      scf.for %while3A_86 = %while3A_41 to %while3A_47 step %while3A_48  : i32 {
        %mul3A_87 = arith.constant 80 : i32
        %mul3A_88 = arith.muli %while3A_86, %mul3A_87 : i32
        %add3A = arith.addi %mul3A_0, %mul3A_88 : i32
        "tpu.region"() ({
          %run_scoped3A_89 = tpu.sem_alloc : memref<!tpu.dma_semaphore, #tpu.memory_space<semaphore_mem>>
          %dma_start3A = arith.constant 0 : i32
          %dma_start3A_90 = tpu.memref_slice %arg9[%add3A, %dma_start3A] : memref<10000x16xf32, #tpu.memory_space<hbm>> -> memref<80x16xf32, #tpu.memory_space<hbm>>
          %dma_start3A_91 = arith.constant 0 : i32
          %dma_start3A_92 = tpu.memref_slice %arg15[%add3A, %dma_start3A_91] : memref<10016x16xf32, #tpu.memory_space<vmem_shared>> -> memref<80x16xf32, #tpu.memory_space<vmem_shared>>
          tpu.enqueue_dma source(%dma_start3A_92 : memref<80x16xf32, #tpu.memory_space<vmem_shared>>) target(%dma_start3A_90 : memref<80x16xf32, #tpu.memory_space<hbm>>) target_semaphore(%run_scoped3A_89 : memref<!tpu.dma_semaphore, #tpu.memory_space<semaphore_mem>>)
          %dma_wait3A = arith.constant 0 : i32
          %dma_wait3A_93 = tpu.memref_slice %arg9[%add3A, %dma_wait3A] : memref<10000x16xf32, #tpu.memory_space<hbm>> -> memref<80x16xf32, #tpu.memory_space<hbm>>
          %dma_wait3A_94 = arith.constant 0 : i32
          %dma_wait3A_95 = tpu.memref_slice %arg15[%add3A, %dma_wait3A_94] : memref<10016x16xf32, #tpu.memory_space<vmem_shared>> -> memref<80x16xf32, #tpu.memory_space<vmem_shared>>
          tpu.wait_dma2 semaphore(%run_scoped3A_89 : memref<!tpu.dma_semaphore, #tpu.memory_space<semaphore_mem>>) src(%dma_wait3A_95 : memref<80x16xf32, #tpu.memory_space<vmem_shared>>) dst(%dma_wait3A_93 : memref<80x16xf32, #tpu.memory_space<hbm>>)
          tpu.yield
        }) : () -> ()
      }
      %while3A_49 = arith.constant 1 : i32
      scf.for %while3A_86 = %while3A_47 to %while3A_43 step %while3A_49  : i32 {
        %mul3A_87 = arith.constant 80 : i32
        %mul3A_88 = arith.muli %while3A_86, %mul3A_87 : i32
        %add3A = arith.addi %mul3A_0, %mul3A_88 : i32
        "tpu.region"() ({
          %run_scoped3A_89 = tpu.sem_alloc : memref<!tpu.dma_semaphore, #tpu.memory_space<semaphore_mem>>
          %dma_start3A = arith.constant 0 : i32
          %dma_start3A_90 = tpu.memref_slice %arg9[%add3A, %dma_start3A] : memref<10000x16xf32, #tpu.memory_space<hbm>> -> memref<80x16xf32, #tpu.memory_space<hbm>>
          %dma_start3A_91 = arith.constant 0 : i32
          %dma_start3A_92 = tpu.memref_slice %arg15[%add3A, %dma_start3A_91] : memref<10016x16xf32, #tpu.memory_space<vmem_shared>> -> memref<80x16xf32, #tpu.memory_space<vmem_shared>>
          tpu.enqueue_dma source(%dma_start3A_92 : memref<80x16xf32, #tpu.memory_space<vmem_shared>>) target(%dma_start3A_90 : memref<80x16xf32, #tpu.memory_space<hbm>>) target_semaphore(%run_scoped3A_89 : memref<!tpu.dma_semaphore, #tpu.memory_space<semaphore_mem>>)
          %dma_wait3A = arith.constant 0 : i32
          %dma_wait3A_93 = tpu.memref_slice %arg9[%add3A, %dma_wait3A] : memref<10000x16xf32, #tpu.memory_space<hbm>> -> memref<80x16xf32, #tpu.memory_space<hbm>>
          %dma_wait3A_94 = arith.constant 0 : i32
          %dma_wait3A_95 = tpu.memref_slice %arg15[%add3A, %dma_wait3A_94] : memref<10016x16xf32, #tpu.memory_space<vmem_shared>> -> memref<80x16xf32, #tpu.memory_space<vmem_shared>>
          tpu.wait_dma2 semaphore(%run_scoped3A_89 : memref<!tpu.dma_semaphore, #tpu.memory_space<semaphore_mem>>) src(%dma_wait3A_95 : memref<80x16xf32, #tpu.memory_space<vmem_shared>>) dst(%dma_wait3A_93 : memref<80x16xf32, #tpu.memory_space<hbm>>)
          tpu.yield
        }) : () -> ()
      }
      %barrier3A_50 = arith.constant 0 : index
      tpu.barrier barrier_id(%barrier3A_50)
      %while3A_51 = arith.constant 0 : i32
      %while3A_52 = arith.subi %select_n3A, %while3A_51 : i32
      %while3A_53 = arith.addi %while3A_51, %while3A_52 : i32
      %while3A_54 = arith.constant 1 : i32
      %while3A_55 = arith.divsi %while3A_52, %while3A_54 : i32
      %while3A_56 = arith.muli %while3A_55, %while3A_54 : i32
      %while3A_57 = arith.addi %while3A_51, %while3A_56 : i32
      %while3A_58 = arith.constant 1 : i32
      scf.for %while3A_86 = %while3A_51 to %while3A_57 step %while3A_58  : i32 {
        %mul3A_87 = arith.constant 80 : i32
        %mul3A_88 = arith.muli %while3A_86, %mul3A_87 : i32
        %add3A = arith.addi %mul3A_0, %mul3A_88 : i32
        "tpu.region"() ({
          %run_scoped3A_89 = tpu.sem_alloc : memref<!tpu.dma_semaphore, #tpu.memory_space<semaphore_mem>>
          %dma_start3A = arith.constant 0 : i32
          %dma_start3A_90 = tpu.memref_slice %arg15[%add3A, %dma_start3A] : memref<10016x16xf32, #tpu.memory_space<vmem_shared>> -> memref<80x16xf32, #tpu.memory_space<vmem_shared>>
          %dma_start3A_91 = arith.constant 0 : i32
          %dma_start3A_92 = tpu.memref_slice %arg15[%add3A, %dma_start3A_91] : memref<10016x16xf32, #tpu.memory_space<vmem_shared>> -> memref<80x16xf32, #tpu.memory_space<vmem_shared>>
          tpu.enqueue_dma source(%arg14 : memref<80x16xf32, #tpu.memory_space<vmem>>) target(%dma_start3A_92 : memref<80x16xf32, #tpu.memory_space<vmem_shared>>) target_semaphore(%run_scoped3A_89 : memref<!tpu.dma_semaphore, #tpu.memory_space<semaphore_mem>>)
          %dma_wait3A = arith.constant 0 : i32
          %dma_wait3A_93 = tpu.memref_slice %arg15[%add3A, %dma_wait3A] : memref<10016x16xf32, #tpu.memory_space<vmem_shared>> -> memref<80x16xf32, #tpu.memory_space<vmem_shared>>
          %dma_wait3A_94 = arith.constant 0 : i32
          %dma_wait3A_95 = tpu.memref_slice %arg15[%add3A, %dma_wait3A_94] : memref<10016x16xf32, #tpu.memory_space<vmem_shared>> -> memref<80x16xf32, #tpu.memory_space<vmem_shared>>
          tpu.wait_dma2 semaphore(%run_scoped3A_89 : memref<!tpu.dma_semaphore, #tpu.memory_space<semaphore_mem>>) src(%arg14 : memref<80x16xf32, #tpu.memory_space<vmem>>) dst(%dma_wait3A_95 : memref<80x16xf32, #tpu.memory_space<vmem_shared>>)
          tpu.yield
        }) : () -> ()
      }
      %while3A_59 = arith.constant 1 : i32
      scf.for %while3A_86 = %while3A_57 to %while3A_53 step %while3A_59  : i32 {
        %mul3A_87 = arith.constant 80 : i32
        %mul3A_88 = arith.muli %while3A_86, %mul3A_87 : i32
        %add3A = arith.addi %mul3A_0, %mul3A_88 : i32
        "tpu.region"() ({
          %run_scoped3A_89 = tpu.sem_alloc : memref<!tpu.dma_semaphore, #tpu.memory_space<semaphore_mem>>
          %dma_start3A = arith.constant 0 : i32
          %dma_start3A_90 = tpu.memref_slice %arg15[%add3A, %dma_start3A] : memref<10016x16xf32, #tpu.memory_space<vmem_shared>> -> memref<80x16xf32, #tpu.memory_space<vmem_shared>>
          %dma_start3A_91 = arith.constant 0 : i32
          %dma_start3A_92 = tpu.memref_slice %arg15[%add3A, %dma_start3A_91] : memref<10016x16xf32, #tpu.memory_space<vmem_shared>> -> memref<80x16xf32, #tpu.memory_space<vmem_shared>>
          tpu.enqueue_dma source(%arg14 : memref<80x16xf32, #tpu.memory_space<vmem>>) target(%dma_start3A_92 : memref<80x16xf32, #tpu.memory_space<vmem_shared>>) target_semaphore(%run_scoped3A_89 : memref<!tpu.dma_semaphore, #tpu.memory_space<semaphore_mem>>)
          %dma_wait3A = arith.constant 0 : i32
          %dma_wait3A_93 = tpu.memref_slice %arg15[%add3A, %dma_wait3A] : memref<10016x16xf32, #tpu.memory_space<vmem_shared>> -> memref<80x16xf32, #tpu.memory_space<vmem_shared>>
          %dma_wait3A_94 = arith.constant 0 : i32
          %dma_wait3A_95 = tpu.memref_slice %arg15[%add3A, %dma_wait3A_94] : memref<10016x16xf32, #tpu.memory_space<vmem_shared>> -> memref<80x16xf32, #tpu.memory_space<vmem_shared>>
          tpu.wait_dma2 semaphore(%run_scoped3A_89 : memref<!tpu.dma_semaphore, #tpu.memory_space<semaphore_mem>>) src(%arg14 : memref<80x16xf32, #tpu.memory_space<vmem>>) dst(%dma_wait3A_95 : memref<80x16xf32, #tpu.memory_space<vmem_shared>>)
          tpu.yield
        }) : () -> ()
      }
      %eq3A_60 = arith.constant 15 : i32
      %eq3A_61 = arith.cmpi eq, %arg1, %eq3A_60 : i32
      %convert_element_type3A_62 = arith.extui %eq3A_61 : i1 to i32
      %cond3A_63 = arith.constant 0 : i32
      %cond3A_64 = arith.cmpi ne, %convert_element_type3A_62, %cond3A_63 : i32
      scf.if %cond3A_64 {
        "tpu.region"() ({
          %run_scoped3A_86 = tpu.sem_alloc : memref<!tpu.dma_semaphore, #tpu.memory_space<semaphore_mem>>
          %dma_start3A = arith.constant 0 : i32
          %dma_start3A_87 = arith.constant 0 : i32
          %dma_start3A_88 = tpu.memref_slice %arg14[%dma_start3A, %dma_start3A_87] : memref<80x16xf32, #tpu.memory_space<vmem>> -> memref<16x16xf32, #tpu.memory_space<vmem>>
          %dma_start3A_89 = arith.constant 10000 : i32
          %dma_start3A_90 = arith.constant 0 : i32
          %dma_start3A_91 = tpu.memref_slice %arg15[%dma_start3A_89, %dma_start3A_90] : memref<10016x16xf32, #tpu.memory_space<vmem_shared>> -> memref<16x16xf32, #tpu.memory_space<vmem_shared>>
          %dma_start3A_92 = arith.constant 10000 : i32
          %dma_start3A_93 = arith.constant 0 : i32
          %dma_start3A_94 = tpu.memref_slice %arg15[%dma_start3A_92, %dma_start3A_93] : memref<10016x16xf32, #tpu.memory_space<vmem_shared>> -> memref<16x16xf32, #tpu.memory_space<vmem_shared>>
          %dma_start3A_95 = arith.constant 0 : i32
          %dma_start3A_96 = arith.constant 0 : i32
          %dma_start3A_97 = tpu.memref_slice %arg14[%dma_start3A_95, %dma_start3A_96] : memref<80x16xf32, #tpu.memory_space<vmem>> -> memref<16x16xf32, #tpu.memory_space<vmem>>
          tpu.enqueue_dma source(%dma_start3A_97 : memref<16x16xf32, #tpu.memory_space<vmem>>) target(%dma_start3A_94 : memref<16x16xf32, #tpu.memory_space<vmem_shared>>) target_semaphore(%run_scoped3A_86 : memref<!tpu.dma_semaphore, #tpu.memory_space<semaphore_mem>>)
          %dma_wait3A = arith.constant 0 : i32
          %dma_wait3A_98 = arith.constant 0 : i32
          %dma_wait3A_99 = tpu.memref_slice %arg14[%dma_wait3A, %dma_wait3A_98] : memref<80x16xf32, #tpu.memory_space<vmem>> -> memref<16x16xf32, #tpu.memory_space<vmem>>
          %dma_wait3A_100 = arith.constant 10000 : i32
          %dma_wait3A_101 = arith.constant 0 : i32
          %dma_wait3A_102 = tpu.memref_slice %arg15[%dma_wait3A_100, %dma_wait3A_101] : memref<10016x16xf32, #tpu.memory_space<vmem_shared>> -> memref<16x16xf32, #tpu.memory_space<vmem_shared>>
          %dma_wait3A_103 = arith.constant 10000 : i32
          %dma_wait3A_104 = arith.constant 0 : i32
          %dma_wait3A_105 = tpu.memref_slice %arg15[%dma_wait3A_103, %dma_wait3A_104] : memref<10016x16xf32, #tpu.memory_space<vmem_shared>> -> memref<16x16xf32, #tpu.memory_space<vmem_shared>>
          %dma_wait3A_106 = arith.constant 0 : i32
          %dma_wait3A_107 = arith.constant 0 : i32
          %dma_wait3A_108 = tpu.memref_slice %arg14[%dma_wait3A_106, %dma_wait3A_107] : memref<80x16xf32, #tpu.memory_space<vmem>> -> memref<16x16xf32, #tpu.memory_space<vmem>>
          tpu.wait_dma2 semaphore(%run_scoped3A_86 : memref<!tpu.dma_semaphore, #tpu.memory_space<semaphore_mem>>) src(%dma_wait3A_108 : memref<16x16xf32, #tpu.memory_space<vmem>>) dst(%dma_wait3A_105 : memref<16x16xf32, #tpu.memory_space<vmem_shared>>)
          tpu.yield
        }) : () -> ()
      } else {
      }
      %barrier3A_65 = arith.constant 0 : index
      tpu.barrier barrier_id(%barrier3A_65)
      %while3A_66 = arith.constant 0 : i32
      %while3A_67 = arith.subi %select_n3A_6, %while3A_66 : i32
      %while3A_68 = arith.addi %while3A_66, %while3A_67 : i32
      %while3A_69 = arith.constant 1 : i32
      %while3A_70 = arith.divsi %while3A_67, %while3A_69 : i32
      %while3A_71 = arith.muli %while3A_70, %while3A_69 : i32
      %while3A_72 = arith.addi %while3A_66, %while3A_71 : i32
      %while3A_73 = arith.constant 1 : i32
      scf.for %while3A_86 = %while3A_66 to %while3A_72 step %while3A_73  : i32 {
        %mul3A_87 = arith.constant 16 : i32
        %mul3A_88 = arith.muli %while3A_86, %mul3A_87 : i32
        %add3A = arith.addi %arg1, %mul3A_88 : i32
        %mul3A_89 = arith.constant 128 : i32
        %mul3A_90 = arith.muli %add3A, %mul3A_89 : i32
        "tpu.region"() ({
          %run_scoped3A_91 = tpu.sem_alloc : memref<!tpu.dma_semaphore, #tpu.memory_space<semaphore_mem>>
          %dma_start3A = tpu.memref_slice %arg5[%mul3A_90] : memref<320000xi32, #tpu.memory_space<hbm>> -> memref<128xi32, #tpu.memory_space<hbm>>
          %dma_start3A_92 = tpu.memref_slice %arg5[%mul3A_90] : memref<320000xi32, #tpu.memory_space<hbm>> -> memref<128xi32, #tpu.memory_space<hbm>>
          tpu.enqueue_dma source(%dma_start3A_92 : memref<128xi32, #tpu.memory_space<hbm>>) target(%arg12 : memref<128xi32, #tpu.memory_space<vmem>>) target_semaphore(%run_scoped3A_91 : memref<!tpu.dma_semaphore, #tpu.memory_space<semaphore_mem>>)
          %dma_wait3A = tpu.memref_slice %arg5[%mul3A_90] : memref<320000xi32, #tpu.memory_space<hbm>> -> memref<128xi32, #tpu.memory_space<hbm>>
          %dma_wait3A_93 = tpu.memref_slice %arg5[%mul3A_90] : memref<320000xi32, #tpu.memory_space<hbm>> -> memref<128xi32, #tpu.memory_space<hbm>>
          tpu.wait_dma2 semaphore(%run_scoped3A_91 : memref<!tpu.dma_semaphore, #tpu.memory_space<semaphore_mem>>) src(%dma_wait3A_93 : memref<128xi32, #tpu.memory_space<hbm>>) dst(%arg12 : memref<128xi32, #tpu.memory_space<vmem>>)
          tpu.yield
        }) : () -> ()
        "tpu.region"() ({
          %run_scoped3A_91 = tpu.sem_alloc : memref<!tpu.dma_semaphore, #tpu.memory_space<semaphore_mem>>
          %dma_start3A = arith.constant 0 : i32
          %dma_start3A_92 = arith.constant 0 : i32
          %dma_start3A_93 = tpu.memref_slice %arg15[%dma_start3A, %dma_start3A_92] : memref<10016x16xf32, #tpu.memory_space<vmem_shared>> -> memref<10016x16xf32, #tpu.memory_space<vmem_shared>>
          tpu.enqueue_indirect_dma source(%arg13 : memref<128x16xf32, #tpu.memory_space<vmem>>) target(%dma_start3A_93 : memref<10016x16xf32, #tpu.memory_space<vmem_shared>>) offsets(%arg12 : memref<128xi32, #tpu.memory_space<vmem>>) semaphore(%run_scoped3A_91 : memref<!tpu.dma_semaphore, #tpu.memory_space<semaphore_mem>>) {add = true}
          %dma_wait3A = arith.constant 0 : i32
          %dma_wait3A_94 = arith.constant 0 : i32
          %dma_wait3A_95 = tpu.memref_slice %arg15[%dma_wait3A, %dma_wait3A_94] : memref<10016x16xf32, #tpu.memory_space<vmem_shared>> -> memref<10016x16xf32, #tpu.memory_space<vmem_shared>>
          tpu.wait_indirect_dma semaphore(%run_scoped3A_91 : memref<!tpu.dma_semaphore, #tpu.memory_space<semaphore_mem>>) src(%arg13 : memref<128x16xf32, #tpu.memory_space<vmem>>) dst(%dma_wait3A_95 : memref<10016x16xf32, #tpu.memory_space<vmem_shared>>)
          tpu.yield
        }) : () -> ()
      }
      %while3A_74 = arith.constant 1 : i32
      scf.for %while3A_86 = %while3A_72 to %while3A_68 step %while3A_74  : i32 {
        %mul3A_87 = arith.constant 16 : i32
        %mul3A_88 = arith.muli %while3A_86, %mul3A_87 : i32
        %add3A = arith.addi %arg1, %mul3A_88 : i32
        %mul3A_89 = arith.constant 128 : i32
        %mul3A_90 = arith.muli %add3A, %mul3A_89 : i32
        "tpu.region"() ({
          %run_scoped3A_91 = tpu.sem_alloc : memref<!tpu.dma_semaphore, #tpu.memory_space<semaphore_mem>>
          %dma_start3A = tpu.memref_slice %arg5[%mul3A_90] : memref<320000xi32, #tpu.memory_space<hbm>> -> memref<128xi32, #tpu.memory_space<hbm>>
          %dma_start3A_92 = tpu.memref_slice %arg5[%mul3A_90] : memref<320000xi32, #tpu.memory_space<hbm>> -> memref<128xi32, #tpu.memory_space<hbm>>
          tpu.enqueue_dma source(%dma_start3A_92 : memref<128xi32, #tpu.memory_space<hbm>>) target(%arg12 : memref<128xi32, #tpu.memory_space<vmem>>) target_semaphore(%run_scoped3A_91 : memref<!tpu.dma_semaphore, #tpu.memory_space<semaphore_mem>>)
          %dma_wait3A = tpu.memref_slice %arg5[%mul3A_90] : memref<320000xi32, #tpu.memory_space<hbm>> -> memref<128xi32, #tpu.memory_space<hbm>>
          %dma_wait3A_93 = tpu.memref_slice %arg5[%mul3A_90] : memref<320000xi32, #tpu.memory_space<hbm>> -> memref<128xi32, #tpu.memory_space<hbm>>
          tpu.wait_dma2 semaphore(%run_scoped3A_91 : memref<!tpu.dma_semaphore, #tpu.memory_space<semaphore_mem>>) src(%dma_wait3A_93 : memref<128xi32, #tpu.memory_space<hbm>>) dst(%arg12 : memref<128xi32, #tpu.memory_space<vmem>>)
          tpu.yield
        }) : () -> ()
        "tpu.region"() ({
          %run_scoped3A_91 = tpu.sem_alloc : memref<!tpu.dma_semaphore, #tpu.memory_space<semaphore_mem>>
          %dma_start3A = arith.constant 0 : i32
          %dma_start3A_92 = arith.constant 0 : i32
          %dma_start3A_93 = tpu.memref_slice %arg15[%dma_start3A, %dma_start3A_92] : memref<10016x16xf32, #tpu.memory_space<vmem_shared>> -> memref<10016x16xf32, #tpu.memory_space<vmem_shared>>
          tpu.enqueue_indirect_dma source(%arg13 : memref<128x16xf32, #tpu.memory_space<vmem>>) target(%dma_start3A_93 : memref<10016x16xf32, #tpu.memory_space<vmem_shared>>) offsets(%arg12 : memref<128xi32, #tpu.memory_space<vmem>>) semaphore(%run_scoped3A_91 : memref<!tpu.dma_semaphore, #tpu.memory_space<semaphore_mem>>) {add = true}
          %dma_wait3A = arith.constant 0 : i32
          %dma_wait3A_94 = arith.constant 0 : i32
          %dma_wait3A_95 = tpu.memref_slice %arg15[%dma_wait3A, %dma_wait3A_94] : memref<10016x16xf32, #tpu.memory_space<vmem_shared>> -> memref<10016x16xf32, #tpu.memory_space<vmem_shared>>
          tpu.wait_indirect_dma semaphore(%run_scoped3A_91 : memref<!tpu.dma_semaphore, #tpu.memory_space<semaphore_mem>>) src(%arg13 : memref<128x16xf32, #tpu.memory_space<vmem>>) dst(%dma_wait3A_95 : memref<10016x16xf32, #tpu.memory_space<vmem_shared>>)
          tpu.yield
        }) : () -> ()
      }
      %barrier3A_75 = arith.constant 0 : index
      tpu.barrier barrier_id(%barrier3A_75)
      %while3A_76 = arith.constant 0 : i32
      %while3A_77 = arith.subi %select_n3A, %while3A_76 : i32
      %while3A_78 = arith.addi %while3A_76, %while3A_77 : i32
      %while3A_79 = arith.constant 1 : i32
      %while3A_80 = arith.divsi %while3A_77, %while3A_79 : i32
      %while3A_81 = arith.muli %while3A_80, %while3A_79 : i32
      %while3A_82 = arith.addi %while3A_76, %while3A_81 : i32
      %while3A_83 = arith.constant 1 : i32
      scf.for %while3A_86 = %while3A_76 to %while3A_82 step %while3A_83  : i32 {
        %mul3A_87 = arith.constant 80 : i32
        %mul3A_88 = arith.muli %while3A_86, %mul3A_87 : i32
        %add3A = arith.addi %mul3A_0, %mul3A_88 : i32
        "tpu.region"() ({
          %run_scoped3A_89 = tpu.sem_alloc : memref<!tpu.dma_semaphore, #tpu.memory_space<semaphore_mem>>
          %dma_start3A = arith.constant 0 : i32
          %dma_start3A_90 = tpu.memref_slice %arg11[%add3A, %dma_start3A] : memref<10000x16xf32, #tpu.memory_space<hbm>> -> memref<80x16xf32, #tpu.memory_space<hbm>>
          %dma_start3A_91 = arith.constant 0 : i32
          %dma_start3A_92 = tpu.memref_slice %arg15[%add3A, %dma_start3A_91] : memref<10016x16xf32, #tpu.memory_space<vmem_shared>> -> memref<80x16xf32, #tpu.memory_space<vmem_shared>>
          tpu.enqueue_dma source(%dma_start3A_92 : memref<80x16xf32, #tpu.memory_space<vmem_shared>>) target(%dma_start3A_90 : memref<80x16xf32, #tpu.memory_space<hbm>>) target_semaphore(%run_scoped3A_89 : memref<!tpu.dma_semaphore, #tpu.memory_space<semaphore_mem>>)
          %dma_wait3A = arith.constant 0 : i32
          %dma_wait3A_93 = tpu.memref_slice %arg11[%add3A, %dma_wait3A] : memref<10000x16xf32, #tpu.memory_space<hbm>> -> memref<80x16xf32, #tpu.memory_space<hbm>>
          %dma_wait3A_94 = arith.constant 0 : i32
          %dma_wait3A_95 = tpu.memref_slice %arg15[%add3A, %dma_wait3A_94] : memref<10016x16xf32, #tpu.memory_space<vmem_shared>> -> memref<80x16xf32, #tpu.memory_space<vmem_shared>>
          tpu.wait_dma2 semaphore(%run_scoped3A_89 : memref<!tpu.dma_semaphore, #tpu.memory_space<semaphore_mem>>) src(%dma_wait3A_95 : memref<80x16xf32, #tpu.memory_space<vmem_shared>>) dst(%dma_wait3A_93 : memref<80x16xf32, #tpu.memory_space<hbm>>)
          tpu.yield
        }) : () -> ()
      }
      %while3A_84 = arith.constant 1 : i32
      scf.for %while3A_86 = %while3A_82 to %while3A_78 step %while3A_84  : i32 {
        %mul3A_87 = arith.constant 80 : i32
        %mul3A_88 = arith.muli %while3A_86, %mul3A_87 : i32
        %add3A = arith.addi %mul3A_0, %mul3A_88 : i32
        "tpu.region"() ({
          %run_scoped3A_89 = tpu.sem_alloc : memref<!tpu.dma_semaphore, #tpu.memory_space<semaphore_mem>>
          %dma_start3A = arith.constant 0 : i32
          %dma_start3A_90 = tpu.memref_slice %arg11[%add3A, %dma_start3A] : memref<10000x16xf32, #tpu.memory_space<hbm>> -> memref<80x16xf32, #tpu.memory_space<hbm>>
          %dma_start3A_91 = arith.constant 0 : i32
          %dma_start3A_92 = tpu.memref_slice %arg15[%add3A, %dma_start3A_91] : memref<10016x16xf32, #tpu.memory_space<vmem_shared>> -> memref<80x16xf32, #tpu.memory_space<vmem_shared>>
          tpu.enqueue_dma source(%dma_start3A_92 : memref<80x16xf32, #tpu.memory_space<vmem_shared>>) target(%dma_start3A_90 : memref<80x16xf32, #tpu.memory_space<hbm>>) target_semaphore(%run_scoped3A_89 : memref<!tpu.dma_semaphore, #tpu.memory_space<semaphore_mem>>)
          %dma_wait3A = arith.constant 0 : i32
          %dma_wait3A_93 = tpu.memref_slice %arg11[%add3A, %dma_wait3A] : memref<10000x16xf32, #tpu.memory_space<hbm>> -> memref<80x16xf32, #tpu.memory_space<hbm>>
          %dma_wait3A_94 = arith.constant 0 : i32
          %dma_wait3A_95 = tpu.memref_slice %arg15[%add3A, %dma_wait3A_94] : memref<10016x16xf32, #tpu.memory_space<vmem_shared>> -> memref<80x16xf32, #tpu.memory_space<vmem_shared>>
          tpu.wait_dma2 semaphore(%run_scoped3A_89 : memref<!tpu.dma_semaphore, #tpu.memory_space<semaphore_mem>>) src(%dma_wait3A_95 : memref<80x16xf32, #tpu.memory_space<vmem_shared>>) dst(%dma_wait3A_93 : memref<80x16xf32, #tpu.memory_space<hbm>>)
          tpu.yield
        }) : () -> ()
      }
      %barrier3A_85 = arith.constant 0 : index
      tpu.barrier barrier_id(%barrier3A_85)
    } else {
    }
    return
  }
}

#map = affine_map<(d0, d1) -> (0, 0)>
#map1 = affine_map<(d0, d1) -> (0, 0, 0)>
module attributes {stable_mosaic.version = 14 : i64} {
  func.func @_agg_body(%arg0: i32, %arg1: i32, %arg2: memref<40000x128xf32, #tpu.memory_space<hbm>>, %arg3: memref<4x2560x128xi32, #tpu.memory_space<hbm>>, %arg4: memref<4x2560x128xi32, #tpu.memory_space<hbm>>, %arg5: memref<4x10000x128xf32, #tpu.memory_space<hbm>>, %arg6: memref<16x128xi32, #tpu.memory_space<vmem>>, %arg7: memref<16x128xi32, #tpu.memory_space<vmem>>, %arg8: memref<128x128xf32, #tpu.memory_space<vmem>>, %arg9: memref<128x128xf32, #tpu.memory_space<vmem>>, %arg10: memref<80x128xf32, #tpu.memory_space<vmem>>, %arg11: memref<10016x128xf32, #tpu.memory_space<vmem_shared>>, %arg12: memref<!tpu.dma_semaphore, #tpu.memory_space<semaphore_mem>>, %arg13: memref<!tpu.dma_semaphore, #tpu.memory_space<semaphore_mem>>) attributes {dimension_semantics = [#tpu.dimension_semantics<core_parallel>, #tpu.dimension_semantics<subcore_parallel>], iteration_bounds = array<i64: 2, 16>, scalar_prefetch = 0 : i64, scratch_operands = 8 : i64, tpu.core_type = #tpu.core_type<sc_vector_subcore>, window_params = [{transform_indices = #map}, {transform_indices = #map1}, {transform_indices = #map1}, {transform_indices = #map1}]} {
    %scan3A = arith.constant 0 : i32
    %scan3A_0 = arith.constant 80 : i32
    %scan3A_1 = arith.addi %scan3A, %scan3A_0 : i32
    %scan3A_2 = arith.constant 1 : i32
    scf.for %scan3A_9 = %scan3A to %scan3A_1 step %scan3A_2  : i32 {
      %scan3A_10 = arith.constant 0 : i32
      %scan3A_11 = arith.constant 8 : i32
      %scan3A_12 = arith.addi %scan3A_10, %scan3A_11 : i32
      %scan3A_13 = arith.constant 1 : i32
      scf.for %scan3A_15 = %scan3A_10 to %scan3A_12 step %scan3A_13  : i32 {
        %broadcast_in_dim3A = arith.constant 0.000000e+00 : f32
        %broadcast_in_dim3A_16 = vector.broadcast %broadcast_in_dim3A : f32 to vector<16xf32>
        %mul3A = arith.constant 16 : i32
        %mul3A_17 = arith.muli %scan3A_15, %mul3A : i32
        %swap3A = arith.index_cast %scan3A_9 : i32 to index
        %swap3A_18 = arith.index_cast %mul3A_17 : i32 to index
        %swap3A_19 = tpu.vector_load %arg10[%swap3A, %swap3A_18] {strides = array<i32>} : memref<80x128xf32, #tpu.memory_space<vmem>>, vector<1x16xf32>,
        %swap3A_20 = vector.shape_cast %swap3A_19 : vector<1x16xf32> to vector<16xf32>
        %swap3A_21 = vector.shape_cast %broadcast_in_dim3A_16 : vector<16xf32> to vector<1x16xf32>
        tpu.vector_store %arg10[%swap3A, %swap3A_18], %swap3A_21 {strides = array<i32>} : memref<80x128xf32, #tpu.memory_space<vmem>>, vector<1x16xf32>,
      }
      %scan3A_14 = arith.constant 8 : i32
    }
    %scan3A_3 = arith.constant 80 : i32
    %scan3A_4 = arith.constant 0 : i32
    %scan3A_5 = arith.constant 2 : i32
    %scan3A_6 = arith.addi %scan3A_4, %scan3A_5 : i32
    %scan3A_7 = arith.constant 1 : i32
    scf.for %scan3A_9 = %scan3A_4 to %scan3A_6 step %scan3A_7  : i32 {
      %mul3A = arith.constant 2 : i32
      %mul3A_10 = arith.muli %scan3A_9, %mul3A : i32
      %add3A = arith.addi %mul3A_10, %arg0 : i32
      %mul3A_11 = arith.constant 640 : i32
      %mul3A_12 = arith.muli %arg1, %mul3A_11 : i32
      %eq3A = arith.constant 15 : i32
      %eq3A_13 = arith.cmpi eq, %arg1, %eq3A : i32
      %jit3A = arith.constant 5 : i32
      %jit3A_14 = arith.constant 8 : i32
      %select_n3A = arith.select %eq3A_13, %jit3A, %jit3A_14 : i32
      %while3A = arith.constant 0 : i32
      %while3A_15 = arith.subi %select_n3A, %while3A : i32
      %while3A_16 = arith.addi %while3A, %while3A_15 : i32
      %while3A_17 = arith.constant 1 : i32
      %while3A_18 = arith.divsi %while3A_15, %while3A_17 : i32
      %while3A_19 = arith.muli %while3A_18, %while3A_17 : i32
      %while3A_20 = arith.addi %while3A, %while3A_19 : i32
      %while3A_21 = arith.constant 1 : i32
      scf.for %while3A_49 = %while3A to %while3A_20 step %while3A_21  : i32 {
        %mul3A_50 = arith.constant 80 : i32
        %mul3A_51 = arith.muli %while3A_49, %mul3A_50 : i32
        %add3A_52 = arith.addi %mul3A_12, %mul3A_51 : i32
        "tpu.region"() ({
          %run_scoped3A = tpu.sem_alloc : memref<!tpu.dma_semaphore, #tpu.memory_space<semaphore_mem>>
          %dma_start3A = arith.constant 0 : i32
          %dma_start3A_53 = tpu.memref_slice %arg11[%add3A_52, %dma_start3A] : memref<10016x128xf32, #tpu.memory_space<vmem_shared>> -> memref<80x128xf32, #tpu.memory_space<vmem_shared>>
          %dma_start3A_54 = arith.constant 0 : i32
          %dma_start3A_55 = tpu.memref_slice %arg11[%add3A_52, %dma_start3A_54] : memref<10016x128xf32, #tpu.memory_space<vmem_shared>> -> memref<80x128xf32, #tpu.memory_space<vmem_shared>>
          tpu.enqueue_dma source(%arg10 : memref<80x128xf32, #tpu.memory_space<vmem>>) target(%dma_start3A_55 : memref<80x128xf32, #tpu.memory_space<vmem_shared>>) target_semaphore(%run_scoped3A : memref<!tpu.dma_semaphore, #tpu.memory_space<semaphore_mem>>)
          %dma_wait3A = arith.constant 0 : i32
          %dma_wait3A_56 = tpu.memref_slice %arg11[%add3A_52, %dma_wait3A] : memref<10016x128xf32, #tpu.memory_space<vmem_shared>> -> memref<80x128xf32, #tpu.memory_space<vmem_shared>>
          %dma_wait3A_57 = arith.constant 0 : i32
          %dma_wait3A_58 = tpu.memref_slice %arg11[%add3A_52, %dma_wait3A_57] : memref<10016x128xf32, #tpu.memory_space<vmem_shared>> -> memref<80x128xf32, #tpu.memory_space<vmem_shared>>
          tpu.wait_dma2 semaphore(%run_scoped3A : memref<!tpu.dma_semaphore, #tpu.memory_space<semaphore_mem>>) src(%arg10 : memref<80x128xf32, #tpu.memory_space<vmem>>) dst(%dma_wait3A_58 : memref<80x128xf32, #tpu.memory_space<vmem_shared>>)
          tpu.yield
        }) : () -> ()
      }
      %while3A_22 = arith.constant 1 : i32
      scf.for %while3A_49 = %while3A_20 to %while3A_16 step %while3A_22  : i32 {
        %mul3A_50 = arith.constant 80 : i32
        %mul3A_51 = arith.muli %while3A_49, %mul3A_50 : i32
        %add3A_52 = arith.addi %mul3A_12, %mul3A_51 : i32
        "tpu.region"() ({
          %run_scoped3A = tpu.sem_alloc : memref<!tpu.dma_semaphore, #tpu.memory_space<semaphore_mem>>
          %dma_start3A = arith.constant 0 : i32
          %dma_start3A_53 = tpu.memref_slice %arg11[%add3A_52, %dma_start3A] : memref<10016x128xf32, #tpu.memory_space<vmem_shared>> -> memref<80x128xf32, #tpu.memory_space<vmem_shared>>
          %dma_start3A_54 = arith.constant 0 : i32
          %dma_start3A_55 = tpu.memref_slice %arg11[%add3A_52, %dma_start3A_54] : memref<10016x128xf32, #tpu.memory_space<vmem_shared>> -> memref<80x128xf32, #tpu.memory_space<vmem_shared>>
          tpu.enqueue_dma source(%arg10 : memref<80x128xf32, #tpu.memory_space<vmem>>) target(%dma_start3A_55 : memref<80x128xf32, #tpu.memory_space<vmem_shared>>) target_semaphore(%run_scoped3A : memref<!tpu.dma_semaphore, #tpu.memory_space<semaphore_mem>>)
          %dma_wait3A = arith.constant 0 : i32
          %dma_wait3A_56 = tpu.memref_slice %arg11[%add3A_52, %dma_wait3A] : memref<10016x128xf32, #tpu.memory_space<vmem_shared>> -> memref<80x128xf32, #tpu.memory_space<vmem_shared>>
          %dma_wait3A_57 = arith.constant 0 : i32
          %dma_wait3A_58 = tpu.memref_slice %arg11[%add3A_52, %dma_wait3A_57] : memref<10016x128xf32, #tpu.memory_space<vmem_shared>> -> memref<80x128xf32, #tpu.memory_space<vmem_shared>>
          tpu.wait_dma2 semaphore(%run_scoped3A : memref<!tpu.dma_semaphore, #tpu.memory_space<semaphore_mem>>) src(%arg10 : memref<80x128xf32, #tpu.memory_space<vmem>>) dst(%dma_wait3A_58 : memref<80x128xf32, #tpu.memory_space<vmem_shared>>)
          tpu.yield
        }) : () -> ()
      }
      %eq3A_23 = arith.constant 15 : i32
      %eq3A_24 = arith.cmpi eq, %arg1, %eq3A_23 : i32
      %convert_element_type3A = arith.extui %eq3A_24 : i1 to i32
      %cond3A = arith.constant 0 : i32
      %cond3A_25 = arith.cmpi ne, %convert_element_type3A, %cond3A : i32
      scf.if %cond3A_25 {
        "tpu.region"() ({
          %run_scoped3A = tpu.sem_alloc : memref<!tpu.dma_semaphore, #tpu.memory_space<semaphore_mem>>
          %dma_start3A = arith.constant 0 : i32
          %dma_start3A_49 = arith.constant 0 : i32
          %dma_start3A_50 = tpu.memref_slice %arg10[%dma_start3A, %dma_start3A_49] : memref<80x128xf32, #tpu.memory_space<vmem>> -> memref<16x128xf32, #tpu.memory_space<vmem>>
          %dma_start3A_51 = arith.constant 10000 : i32
          %dma_start3A_52 = arith.constant 0 : i32
          %dma_start3A_53 = tpu.memref_slice %arg11[%dma_start3A_51, %dma_start3A_52] : memref<10016x128xf32, #tpu.memory_space<vmem_shared>> -> memref<16x128xf32, #tpu.memory_space<vmem_shared>>
          %dma_start3A_54 = arith.constant 10000 : i32
          %dma_start3A_55 = arith.constant 0 : i32
          %dma_start3A_56 = tpu.memref_slice %arg11[%dma_start3A_54, %dma_start3A_55] : memref<10016x128xf32, #tpu.memory_space<vmem_shared>> -> memref<16x128xf32, #tpu.memory_space<vmem_shared>>
          %dma_start3A_57 = arith.constant 0 : i32
          %dma_start3A_58 = arith.constant 0 : i32
          %dma_start3A_59 = tpu.memref_slice %arg10[%dma_start3A_57, %dma_start3A_58] : memref<80x128xf32, #tpu.memory_space<vmem>> -> memref<16x128xf32, #tpu.memory_space<vmem>>
          tpu.enqueue_dma source(%dma_start3A_59 : memref<16x128xf32, #tpu.memory_space<vmem>>) target(%dma_start3A_56 : memref<16x128xf32, #tpu.memory_space<vmem_shared>>) target_semaphore(%run_scoped3A : memref<!tpu.dma_semaphore, #tpu.memory_space<semaphore_mem>>)
          %dma_wait3A = arith.constant 0 : i32
          %dma_wait3A_60 = arith.constant 0 : i32
          %dma_wait3A_61 = tpu.memref_slice %arg10[%dma_wait3A, %dma_wait3A_60] : memref<80x128xf32, #tpu.memory_space<vmem>> -> memref<16x128xf32, #tpu.memory_space<vmem>>
          %dma_wait3A_62 = arith.constant 10000 : i32
          %dma_wait3A_63 = arith.constant 0 : i32
          %dma_wait3A_64 = tpu.memref_slice %arg11[%dma_wait3A_62, %dma_wait3A_63] : memref<10016x128xf32, #tpu.memory_space<vmem_shared>> -> memref<16x128xf32, #tpu.memory_space<vmem_shared>>
          %dma_wait3A_65 = arith.constant 10000 : i32
          %dma_wait3A_66 = arith.constant 0 : i32
          %dma_wait3A_67 = tpu.memref_slice %arg11[%dma_wait3A_65, %dma_wait3A_66] : memref<10016x128xf32, #tpu.memory_space<vmem_shared>> -> memref<16x128xf32, #tpu.memory_space<vmem_shared>>
          %dma_wait3A_68 = arith.constant 0 : i32
          %dma_wait3A_69 = arith.constant 0 : i32
          %dma_wait3A_70 = tpu.memref_slice %arg10[%dma_wait3A_68, %dma_wait3A_69] : memref<80x128xf32, #tpu.memory_space<vmem>> -> memref<16x128xf32, #tpu.memory_space<vmem>>
          tpu.wait_dma2 semaphore(%run_scoped3A : memref<!tpu.dma_semaphore, #tpu.memory_space<semaphore_mem>>) src(%dma_wait3A_70 : memref<16x128xf32, #tpu.memory_space<vmem>>) dst(%dma_wait3A_67 : memref<16x128xf32, #tpu.memory_space<vmem_shared>>)
          tpu.yield
        }) : () -> ()
      } else {
      }
      %barrier3A = arith.constant 0 : index
      tpu.barrier barrier_id(%barrier3A)
      %scan3A_26 = arith.constant 0 : i32
      %scan3A_27 = arith.constant 10 : i32
      %scan3A_28 = arith.addi %scan3A_26, %scan3A_27 : i32
      %scan3A_29 = arith.constant 1 : i32
      scf.for %scan3A_49 = %scan3A_26 to %scan3A_28 step %scan3A_29  : i32 {
        %mul3A_50 = arith.constant 10 : i32
        %mul3A_51 = arith.muli %arg1, %mul3A_50 : i32
        %add3A_52 = arith.addi %mul3A_51, %scan3A_49 : i32
        %mul3A_53 = arith.constant 16 : i32
        %mul3A_54 = arith.muli %add3A_52, %mul3A_53 : i32
        "tpu.region"() ({
          %run_scoped3A_292 = tpu.sem_alloc : memref<!tpu.dma_semaphore, #tpu.memory_space<semaphore_mem>>
          %dma_start3A_293 = arith.constant 0 : i32
          %dma_start3A_294 = tpu.memref_slice %arg3[%add3A, %mul3A_54, %dma_start3A_293] : memref<4x2560x128xi32, #tpu.memory_space<hbm>> -> memref<1x16x128xi32, #tpu.memory_space<hbm>>
          %dma_start3A_295 = tpu.memref_squeeze %dma_start3A_294 : memref<1x16x128xi32, #tpu.memory_space<hbm>> -> memref<16x128xi32, #tpu.memory_space<hbm>>
          %dma_start3A_296 = arith.constant 0 : i32
          %dma_start3A_297 = tpu.memref_slice %arg3[%add3A, %mul3A_54, %dma_start3A_296] : memref<4x2560x128xi32, #tpu.memory_space<hbm>> -> memref<1x16x128xi32, #tpu.memory_space<hbm>>
          %dma_start3A_298 = tpu.memref_squeeze %dma_start3A_297 : memref<1x16x128xi32, #tpu.memory_space<hbm>> -> memref<16x128xi32, #tpu.memory_space<hbm>>
          tpu.enqueue_dma source(%dma_start3A_298 : memref<16x128xi32, #tpu.memory_space<hbm>>) target(%arg6 : memref<16x128xi32, #tpu.memory_space<vmem>>) target_semaphore(%run_scoped3A_292 : memref<!tpu.dma_semaphore, #tpu.memory_space<semaphore_mem>>)
          %dma_wait3A_299 = arith.constant 0 : i32
          %dma_wait3A_300 = tpu.memref_slice %arg3[%add3A, %mul3A_54, %dma_wait3A_299] : memref<4x2560x128xi32, #tpu.memory_space<hbm>> -> memref<1x16x128xi32, #tpu.memory_space<hbm>>
          %dma_wait3A_301 = tpu.memref_squeeze %dma_wait3A_300 : memref<1x16x128xi32, #tpu.memory_space<hbm>> -> memref<16x128xi32, #tpu.memory_space<hbm>>
          %dma_wait3A_302 = arith.constant 0 : i32
          %dma_wait3A_303 = tpu.memref_slice %arg3[%add3A, %mul3A_54, %dma_wait3A_302] : memref<4x2560x128xi32, #tpu.memory_space<hbm>> -> memref<1x16x128xi32, #tpu.memory_space<hbm>>
          %dma_wait3A_304 = tpu.memref_squeeze %dma_wait3A_303 : memref<1x16x128xi32, #tpu.memory_space<hbm>> -> memref<16x128xi32, #tpu.memory_space<hbm>>
          tpu.wait_dma2 semaphore(%run_scoped3A_292 : memref<!tpu.dma_semaphore, #tpu.memory_space<semaphore_mem>>) src(%dma_wait3A_304 : memref<16x128xi32, #tpu.memory_space<hbm>>) dst(%arg6 : memref<16x128xi32, #tpu.memory_space<vmem>>)
          tpu.yield
        }) : () -> ()
        "tpu.region"() ({
          %run_scoped3A_292 = tpu.sem_alloc : memref<!tpu.dma_semaphore, #tpu.memory_space<semaphore_mem>>
          %dma_start3A_293 = arith.constant 0 : i32
          %dma_start3A_294 = tpu.memref_slice %arg4[%add3A, %mul3A_54, %dma_start3A_293] : memref<4x2560x128xi32, #tpu.memory_space<hbm>> -> memref<1x16x128xi32, #tpu.memory_space<hbm>>
          %dma_start3A_295 = tpu.memref_squeeze %dma_start3A_294 : memref<1x16x128xi32, #tpu.memory_space<hbm>> -> memref<16x128xi32, #tpu.memory_space<hbm>>
          %dma_start3A_296 = arith.constant 0 : i32
          %dma_start3A_297 = tpu.memref_slice %arg4[%add3A, %mul3A_54, %dma_start3A_296] : memref<4x2560x128xi32, #tpu.memory_space<hbm>> -> memref<1x16x128xi32, #tpu.memory_space<hbm>>
          %dma_start3A_298 = tpu.memref_squeeze %dma_start3A_297 : memref<1x16x128xi32, #tpu.memory_space<hbm>> -> memref<16x128xi32, #tpu.memory_space<hbm>>
          tpu.enqueue_dma source(%dma_start3A_298 : memref<16x128xi32, #tpu.memory_space<hbm>>) target(%arg7 : memref<16x128xi32, #tpu.memory_space<vmem>>) target_semaphore(%run_scoped3A_292 : memref<!tpu.dma_semaphore, #tpu.memory_space<semaphore_mem>>)
          %dma_wait3A_299 = arith.constant 0 : i32
          %dma_wait3A_300 = tpu.memref_slice %arg4[%add3A, %mul3A_54, %dma_wait3A_299] : memref<4x2560x128xi32, #tpu.memory_space<hbm>> -> memref<1x16x128xi32, #tpu.memory_space<hbm>>
          %dma_wait3A_301 = tpu.memref_squeeze %dma_wait3A_300 : memref<1x16x128xi32, #tpu.memory_space<hbm>> -> memref<16x128xi32, #tpu.memory_space<hbm>>
          %dma_wait3A_302 = arith.constant 0 : i32
          %dma_wait3A_303 = tpu.memref_slice %arg4[%add3A, %mul3A_54, %dma_wait3A_302] : memref<4x2560x128xi32, #tpu.memory_space<hbm>> -> memref<1x16x128xi32, #tpu.memory_space<hbm>>
          %dma_wait3A_304 = tpu.memref_squeeze %dma_wait3A_303 : memref<1x16x128xi32, #tpu.memory_space<hbm>> -> memref<16x128xi32, #tpu.memory_space<hbm>>
          tpu.wait_dma2 semaphore(%run_scoped3A_292 : memref<!tpu.dma_semaphore, #tpu.memory_space<semaphore_mem>>) src(%dma_wait3A_304 : memref<16x128xi32, #tpu.memory_space<hbm>>) dst(%arg7 : memref<16x128xi32, #tpu.memory_space<vmem>>)
          tpu.yield
        }) : () -> ()
        %dma_start3A = arith.constant 0 : i32
        %dma_start3A_55 = arith.constant 0 : i32
        %dma_start3A_56 = tpu.memref_slice %arg6[%dma_start3A, %dma_start3A_55] : memref<16x128xi32, #tpu.memory_space<vmem>> -> memref<1x128xi32, #tpu.memory_space<vmem>>
        %dma_start3A_57 = tpu.memref_squeeze %dma_start3A_56 : memref<1x128xi32, #tpu.memory_space<vmem>> -> memref<128xi32, #tpu.memory_space<vmem>>
        %dma_start3A_58 = arith.constant 0 : i32
        %dma_start3A_59 = arith.constant 0 : i32
        %dma_start3A_60 = tpu.memref_slice %arg2[%dma_start3A_58, %dma_start3A_59] : memref<40000x128xf32, #tpu.memory_space<hbm>> -> memref<40000x128xf32, #tpu.memory_space<hbm>>
        tpu.enqueue_indirect_dma source(%dma_start3A_60 : memref<40000x128xf32, #tpu.memory_space<hbm>>) target(%arg8 : memref<128x128xf32, #tpu.memory_space<vmem>>) offsets(%dma_start3A_57 : memref<128xi32, #tpu.memory_space<vmem>>) semaphore(%arg12 : memref<!tpu.dma_semaphore, #tpu.memory_space<semaphore_mem>>)
        %dma_start3A_61 = arith.constant 1 : i32
        %dma_start3A_62 = arith.constant 0 : i32
        %dma_start3A_63 = tpu.memref_slice %arg6[%dma_start3A_61, %dma_start3A_62] : memref<16x128xi32, #tpu.memory_space<vmem>> -> memref<1x128xi32, #tpu.memory_space<vmem>>
        %dma_start3A_64 = tpu.memref_squeeze %dma_start3A_63 : memref<1x128xi32, #tpu.memory_space<vmem>> -> memref<128xi32, #tpu.memory_space<vmem>>
        %dma_start3A_65 = arith.constant 0 : i32
        %dma_start3A_66 = arith.constant 0 : i32
        %dma_start3A_67 = tpu.memref_slice %arg2[%dma_start3A_65, %dma_start3A_66] : memref<40000x128xf32, #tpu.memory_space<hbm>> -> memref<40000x128xf32, #tpu.memory_space<hbm>>
        tpu.enqueue_indirect_dma source(%dma_start3A_67 : memref<40000x128xf32, #tpu.memory_space<hbm>>) target(%arg9 : memref<128x128xf32, #tpu.memory_space<vmem>>) offsets(%dma_start3A_64 : memref<128xi32, #tpu.memory_space<vmem>>) semaphore(%arg13 : memref<!tpu.dma_semaphore, #tpu.memory_space<semaphore_mem>>)
        %dma_wait3A = arith.constant 0 : i32
        %dma_wait3A_68 = arith.constant 0 : i32
        %dma_wait3A_69 = tpu.memref_slice %arg6[%dma_wait3A, %dma_wait3A_68] : memref<16x128xi32, #tpu.memory_space<vmem>> -> memref<1x128xi32, #tpu.memory_space<vmem>>
        %dma_wait3A_70 = tpu.memref_squeeze %dma_wait3A_69 : memref<1x128xi32, #tpu.memory_space<vmem>> -> memref<128xi32, #tpu.memory_space<vmem>>
        %dma_wait3A_71 = arith.constant 0 : i32
        %dma_wait3A_72 = arith.constant 0 : i32
        %dma_wait3A_73 = tpu.memref_slice %arg2[%dma_wait3A_71, %dma_wait3A_72] : memref<40000x128xf32, #tpu.memory_space<hbm>> -> memref<40000x128xf32, #tpu.memory_space<hbm>>
        tpu.wait_indirect_dma semaphore(%arg12 : memref<!tpu.dma_semaphore, #tpu.memory_space<semaphore_mem>>) src(%dma_wait3A_73 : memref<40000x128xf32, #tpu.memory_space<hbm>>) dst(%arg8 : memref<128x128xf32, #tpu.memory_space<vmem>>)
        %run_scoped3A = arith.constant 0 : i32
        "tpu.region"() ({
          %run_scoped3A_292 = tpu.sem_alloc : memref<!tpu.dma_semaphore, #tpu.memory_space<semaphore_mem>>
          %dma_start3A_293 = arith.constant 0 : i32
          %dma_start3A_294 = tpu.memref_slice %arg7[%run_scoped3A, %dma_start3A_293] : memref<16x128xi32, #tpu.memory_space<vmem>> -> memref<1x128xi32, #tpu.memory_space<vmem>>
          %dma_start3A_295 = tpu.memref_squeeze %dma_start3A_294 : memref<1x128xi32, #tpu.memory_space<vmem>> -> memref<128xi32, #tpu.memory_space<vmem>>
          %dma_start3A_296 = arith.constant 0 : i32
          %dma_start3A_297 = arith.constant 0 : i32
          %dma_start3A_298 = tpu.memref_slice %arg11[%dma_start3A_296, %dma_start3A_297] : memref<10016x128xf32, #tpu.memory_space<vmem_shared>> -> memref<10016x128xf32, #tpu.memory_space<vmem_shared>>
          tpu.enqueue_indirect_dma source(%arg8 : memref<128x128xf32, #tpu.memory_space<vmem>>) target(%dma_start3A_298 : memref<10016x128xf32, #tpu.memory_space<vmem_shared>>) offsets(%dma_start3A_295 : memref<128xi32, #tpu.memory_space<vmem>>) semaphore(%run_scoped3A_292 : memref<!tpu.dma_semaphore, #tpu.memory_space<semaphore_mem>>) {add = true}
          %dma_wait3A_299 = arith.constant 0 : i32
          %dma_wait3A_300 = tpu.memref_slice %arg7[%run_scoped3A, %dma_wait3A_299] : memref<16x128xi32, #tpu.memory_space<vmem>> -> memref<1x128xi32, #tpu.memory_space<vmem>>
          %dma_wait3A_301 = tpu.memref_squeeze %dma_wait3A_300 : memref<1x128xi32, #tpu.memory_space<vmem>> -> memref<128xi32, #tpu.memory_space<vmem>>
          %dma_wait3A_302 = arith.constant 0 : i32
          %dma_wait3A_303 = arith.constant 0 : i32
          %dma_wait3A_304 = tpu.memref_slice %arg11[%dma_wait3A_302, %dma_wait3A_303] : memref<10016x128xf32, #tpu.memory_space<vmem_shared>> -> memref<10016x128xf32, #tpu.memory_space<vmem_shared>>
          tpu.wait_indirect_dma semaphore(%run_scoped3A_292 : memref<!tpu.dma_semaphore, #tpu.memory_space<semaphore_mem>>) src(%arg8 : memref<128x128xf32, #tpu.memory_space<vmem>>) dst(%dma_wait3A_304 : memref<10016x128xf32, #tpu.memory_space<vmem_shared>>)
          tpu.yield
        }) : () -> ()
        %dma_start3A_74 = arith.constant 2 : i32
        %dma_start3A_75 = arith.constant 0 : i32
        %dma_start3A_76 = tpu.memref_slice %arg6[%dma_start3A_74, %dma_start3A_75] : memref<16x128xi32, #tpu.memory_space<vmem>> -> memref<1x128xi32, #tpu.memory_space<vmem>>
        %dma_start3A_77 = tpu.memref_squeeze %dma_start3A_76 : memref<1x128xi32, #tpu.memory_space<vmem>> -> memref<128xi32, #tpu.memory_space<vmem>>
        %dma_start3A_78 = arith.constant 0 : i32
        %dma_start3A_79 = arith.constant 0 : i32
        %dma_start3A_80 = tpu.memref_slice %arg2[%dma_start3A_78, %dma_start3A_79] : memref<40000x128xf32, #tpu.memory_space<hbm>> -> memref<40000x128xf32, #tpu.memory_space<hbm>>
        tpu.enqueue_indirect_dma source(%dma_start3A_80 : memref<40000x128xf32, #tpu.memory_space<hbm>>) target(%arg8 : memref<128x128xf32, #tpu.memory_space<vmem>>) offsets(%dma_start3A_77 : memref<128xi32, #tpu.memory_space<vmem>>) semaphore(%arg12 : memref<!tpu.dma_semaphore, #tpu.memory_space<semaphore_mem>>)
        %dma_wait3A_81 = arith.constant 1 : i32
        %dma_wait3A_82 = arith.constant 0 : i32
        %dma_wait3A_83 = tpu.memref_slice %arg6[%dma_wait3A_81, %dma_wait3A_82] : memref<16x128xi32, #tpu.memory_space<vmem>> -> memref<1x128xi32, #tpu.memory_space<vmem>>
        %dma_wait3A_84 = tpu.memref_squeeze %dma_wait3A_83 : memref<1x128xi32, #tpu.memory_space<vmem>> -> memref<128xi32, #tpu.memory_space<vmem>>
        %dma_wait3A_85 = arith.constant 0 : i32
        %dma_wait3A_86 = arith.constant 0 : i32
        %dma_wait3A_87 = tpu.memref_slice %arg2[%dma_wait3A_85, %dma_wait3A_86] : memref<40000x128xf32, #tpu.memory_space<hbm>> -> memref<40000x128xf32, #tpu.memory_space<hbm>>
        tpu.wait_indirect_dma semaphore(%arg13 : memref<!tpu.dma_semaphore, #tpu.memory_space<semaphore_mem>>) src(%dma_wait3A_87 : memref<40000x128xf32, #tpu.memory_space<hbm>>) dst(%arg9 : memref<128x128xf32, #tpu.memory_space<vmem>>)
        %run_scoped3A_88 = arith.constant 1 : i32
        "tpu.region"() ({
          %run_scoped3A_292 = tpu.sem_alloc : memref<!tpu.dma_semaphore, #tpu.memory_space<semaphore_mem>>
          %dma_start3A_293 = arith.constant 0 : i32
          %dma_start3A_294 = tpu.memref_slice %arg7[%run_scoped3A_88, %dma_start3A_293] : memref<16x128xi32, #tpu.memory_space<vmem>> -> memref<1x128xi32, #tpu.memory_space<vmem>>
          %dma_start3A_295 = tpu.memref_squeeze %dma_start3A_294 : memref<1x128xi32, #tpu.memory_space<vmem>> -> memref<128xi32, #tpu.memory_space<vmem>>
          %dma_start3A_296 = arith.constant 0 : i32
          %dma_start3A_297 = arith.constant 0 : i32
          %dma_start3A_298 = tpu.memref_slice %arg11[%dma_start3A_296, %dma_start3A_297] : memref<10016x128xf32, #tpu.memory_space<vmem_shared>> -> memref<10016x128xf32, #tpu.memory_space<vmem_shared>>
          tpu.enqueue_indirect_dma source(%arg9 : memref<128x128xf32, #tpu.memory_space<vmem>>) target(%dma_start3A_298 : memref<10016x128xf32, #tpu.memory_space<vmem_shared>>) offsets(%dma_start3A_295 : memref<128xi32, #tpu.memory_space<vmem>>) semaphore(%run_scoped3A_292 : memref<!tpu.dma_semaphore, #tpu.memory_space<semaphore_mem>>) {add = true}
          %dma_wait3A_299 = arith.constant 0 : i32
          %dma_wait3A_300 = tpu.memref_slice %arg7[%run_scoped3A_88, %dma_wait3A_299] : memref<16x128xi32, #tpu.memory_space<vmem>> -> memref<1x128xi32, #tpu.memory_space<vmem>>
          %dma_wait3A_301 = tpu.memref_squeeze %dma_wait3A_300 : memref<1x128xi32, #tpu.memory_space<vmem>> -> memref<128xi32, #tpu.memory_space<vmem>>
          %dma_wait3A_302 = arith.constant 0 : i32
          %dma_wait3A_303 = arith.constant 0 : i32
          %dma_wait3A_304 = tpu.memref_slice %arg11[%dma_wait3A_302, %dma_wait3A_303] : memref<10016x128xf32, #tpu.memory_space<vmem_shared>> -> memref<10016x128xf32, #tpu.memory_space<vmem_shared>>
          tpu.wait_indirect_dma semaphore(%run_scoped3A_292 : memref<!tpu.dma_semaphore, #tpu.memory_space<semaphore_mem>>) src(%arg9 : memref<128x128xf32, #tpu.memory_space<vmem>>) dst(%dma_wait3A_304 : memref<10016x128xf32, #tpu.memory_space<vmem_shared>>)
          tpu.yield
        }) : () -> ()
        %dma_start3A_89 = arith.constant 3 : i32
        %dma_start3A_90 = arith.constant 0 : i32
        %dma_start3A_91 = tpu.memref_slice %arg6[%dma_start3A_89, %dma_start3A_90] : memref<16x128xi32, #tpu.memory_space<vmem>> -> memref<1x128xi32, #tpu.memory_space<vmem>>
        %dma_start3A_92 = tpu.memref_squeeze %dma_start3A_91 : memref<1x128xi32, #tpu.memory_space<vmem>> -> memref<128xi32, #tpu.memory_space<vmem>>
        %dma_start3A_93 = arith.constant 0 : i32
        %dma_start3A_94 = arith.constant 0 : i32
        %dma_start3A_95 = tpu.memref_slice %arg2[%dma_start3A_93, %dma_start3A_94] : memref<40000x128xf32, #tpu.memory_space<hbm>> -> memref<40000x128xf32, #tpu.memory_space<hbm>>
        tpu.enqueue_indirect_dma source(%dma_start3A_95 : memref<40000x128xf32, #tpu.memory_space<hbm>>) target(%arg9 : memref<128x128xf32, #tpu.memory_space<vmem>>) offsets(%dma_start3A_92 : memref<128xi32, #tpu.memory_space<vmem>>) semaphore(%arg13 : memref<!tpu.dma_semaphore, #tpu.memory_space<semaphore_mem>>)
        %dma_wait3A_96 = arith.constant 2 : i32
        %dma_wait3A_97 = arith.constant 0 : i32
        %dma_wait3A_98 = tpu.memref_slice %arg6[%dma_wait3A_96, %dma_wait3A_97] : memref<16x128xi32, #tpu.memory_space<vmem>> -> memref<1x128xi32, #tpu.memory_space<vmem>>
        %dma_wait3A_99 = tpu.memref_squeeze %dma_wait3A_98 : memref<1x128xi32, #tpu.memory_space<vmem>> -> memref<128xi32, #tpu.memory_space<vmem>>
        %dma_wait3A_100 = arith.constant 0 : i32
        %dma_wait3A_101 = arith.constant 0 : i32
        %dma_wait3A_102 = tpu.memref_slice %arg2[%dma_wait3A_100, %dma_wait3A_101] : memref<40000x128xf32, #tpu.memory_space<hbm>> -> memref<40000x128xf32, #tpu.memory_space<hbm>>
        tpu.wait_indirect_dma semaphore(%arg12 : memref<!tpu.dma_semaphore, #tpu.memory_space<semaphore_mem>>) src(%dma_wait3A_102 : memref<40000x128xf32, #tpu.memory_space<hbm>>) dst(%arg8 : memref<128x128xf32, #tpu.memory_space<vmem>>)
        %run_scoped3A_103 = arith.constant 2 : i32
        "tpu.region"() ({
          %run_scoped3A_292 = tpu.sem_alloc : memref<!tpu.dma_semaphore, #tpu.memory_space<semaphore_mem>>
          %dma_start3A_293 = arith.constant 0 : i32
          %dma_start3A_294 = tpu.memref_slice %arg7[%run_scoped3A_103, %dma_start3A_293] : memref<16x128xi32, #tpu.memory_space<vmem>> -> memref<1x128xi32, #tpu.memory_space<vmem>>
          %dma_start3A_295 = tpu.memref_squeeze %dma_start3A_294 : memref<1x128xi32, #tpu.memory_space<vmem>> -> memref<128xi32, #tpu.memory_space<vmem>>
          %dma_start3A_296 = arith.constant 0 : i32
          %dma_start3A_297 = arith.constant 0 : i32
          %dma_start3A_298 = tpu.memref_slice %arg11[%dma_start3A_296, %dma_start3A_297] : memref<10016x128xf32, #tpu.memory_space<vmem_shared>> -> memref<10016x128xf32, #tpu.memory_space<vmem_shared>>
          tpu.enqueue_indirect_dma source(%arg8 : memref<128x128xf32, #tpu.memory_space<vmem>>) target(%dma_start3A_298 : memref<10016x128xf32, #tpu.memory_space<vmem_shared>>) offsets(%dma_start3A_295 : memref<128xi32, #tpu.memory_space<vmem>>) semaphore(%run_scoped3A_292 : memref<!tpu.dma_semaphore, #tpu.memory_space<semaphore_mem>>) {add = true}
          %dma_wait3A_299 = arith.constant 0 : i32
          %dma_wait3A_300 = tpu.memref_slice %arg7[%run_scoped3A_103, %dma_wait3A_299] : memref<16x128xi32, #tpu.memory_space<vmem>> -> memref<1x128xi32, #tpu.memory_space<vmem>>
          %dma_wait3A_301 = tpu.memref_squeeze %dma_wait3A_300 : memref<1x128xi32, #tpu.memory_space<vmem>> -> memref<128xi32, #tpu.memory_space<vmem>>
          %dma_wait3A_302 = arith.constant 0 : i32
          %dma_wait3A_303 = arith.constant 0 : i32
          %dma_wait3A_304 = tpu.memref_slice %arg11[%dma_wait3A_302, %dma_wait3A_303] : memref<10016x128xf32, #tpu.memory_space<vmem_shared>> -> memref<10016x128xf32, #tpu.memory_space<vmem_shared>>
          tpu.wait_indirect_dma semaphore(%run_scoped3A_292 : memref<!tpu.dma_semaphore, #tpu.memory_space<semaphore_mem>>) src(%arg8 : memref<128x128xf32, #tpu.memory_space<vmem>>) dst(%dma_wait3A_304 : memref<10016x128xf32, #tpu.memory_space<vmem_shared>>)
          tpu.yield
        }) : () -> ()
        %dma_start3A_104 = arith.constant 4 : i32
        %dma_start3A_105 = arith.constant 0 : i32
        %dma_start3A_106 = tpu.memref_slice %arg6[%dma_start3A_104, %dma_start3A_105] : memref<16x128xi32, #tpu.memory_space<vmem>> -> memref<1x128xi32, #tpu.memory_space<vmem>>
        %dma_start3A_107 = tpu.memref_squeeze %dma_start3A_106 : memref<1x128xi32, #tpu.memory_space<vmem>> -> memref<128xi32, #tpu.memory_space<vmem>>
        %dma_start3A_108 = arith.constant 0 : i32
        %dma_start3A_109 = arith.constant 0 : i32
        %dma_start3A_110 = tpu.memref_slice %arg2[%dma_start3A_108, %dma_start3A_109] : memref<40000x128xf32, #tpu.memory_space<hbm>> -> memref<40000x128xf32, #tpu.memory_space<hbm>>
        tpu.enqueue_indirect_dma source(%dma_start3A_110 : memref<40000x128xf32, #tpu.memory_space<hbm>>) target(%arg8 : memref<128x128xf32, #tpu.memory_space<vmem>>) offsets(%dma_start3A_107 : memref<128xi32, #tpu.memory_space<vmem>>) semaphore(%arg12 : memref<!tpu.dma_semaphore, #tpu.memory_space<semaphore_mem>>)
        %dma_wait3A_111 = arith.constant 3 : i32
        %dma_wait3A_112 = arith.constant 0 : i32
        %dma_wait3A_113 = tpu.memref_slice %arg6[%dma_wait3A_111, %dma_wait3A_112] : memref<16x128xi32, #tpu.memory_space<vmem>> -> memref<1x128xi32, #tpu.memory_space<vmem>>
        %dma_wait3A_114 = tpu.memref_squeeze %dma_wait3A_113 : memref<1x128xi32, #tpu.memory_space<vmem>> -> memref<128xi32, #tpu.memory_space<vmem>>
        %dma_wait3A_115 = arith.constant 0 : i32
        %dma_wait3A_116 = arith.constant 0 : i32
        %dma_wait3A_117 = tpu.memref_slice %arg2[%dma_wait3A_115, %dma_wait3A_116] : memref<40000x128xf32, #tpu.memory_space<hbm>> -> memref<40000x128xf32, #tpu.memory_space<hbm>>
        tpu.wait_indirect_dma semaphore(%arg13 : memref<!tpu.dma_semaphore, #tpu.memory_space<semaphore_mem>>) src(%dma_wait3A_117 : memref<40000x128xf32, #tpu.memory_space<hbm>>) dst(%arg9 : memref<128x128xf32, #tpu.memory_space<vmem>>)
        %run_scoped3A_118 = arith.constant 3 : i32
        "tpu.region"() ({
          %run_scoped3A_292 = tpu.sem_alloc : memref<!tpu.dma_semaphore, #tpu.memory_space<semaphore_mem>>
          %dma_start3A_293 = arith.constant 0 : i32
          %dma_start3A_294 = tpu.memref_slice %arg7[%run_scoped3A_118, %dma_start3A_293] : memref<16x128xi32, #tpu.memory_space<vmem>> -> memref<1x128xi32, #tpu.memory_space<vmem>>
          %dma_start3A_295 = tpu.memref_squeeze %dma_start3A_294 : memref<1x128xi32, #tpu.memory_space<vmem>> -> memref<128xi32, #tpu.memory_space<vmem>>
          %dma_start3A_296 = arith.constant 0 : i32
          %dma_start3A_297 = arith.constant 0 : i32
          %dma_start3A_298 = tpu.memref_slice %arg11[%dma_start3A_296, %dma_start3A_297] : memref<10016x128xf32, #tpu.memory_space<vmem_shared>> -> memref<10016x128xf32, #tpu.memory_space<vmem_shared>>
          tpu.enqueue_indirect_dma source(%arg9 : memref<128x128xf32, #tpu.memory_space<vmem>>) target(%dma_start3A_298 : memref<10016x128xf32, #tpu.memory_space<vmem_shared>>) offsets(%dma_start3A_295 : memref<128xi32, #tpu.memory_space<vmem>>) semaphore(%run_scoped3A_292 : memref<!tpu.dma_semaphore, #tpu.memory_space<semaphore_mem>>) {add = true}
          %dma_wait3A_299 = arith.constant 0 : i32
          %dma_wait3A_300 = tpu.memref_slice %arg7[%run_scoped3A_118, %dma_wait3A_299] : memref<16x128xi32, #tpu.memory_space<vmem>> -> memref<1x128xi32, #tpu.memory_space<vmem>>
          %dma_wait3A_301 = tpu.memref_squeeze %dma_wait3A_300 : memref<1x128xi32, #tpu.memory_space<vmem>> -> memref<128xi32, #tpu.memory_space<vmem>>
          %dma_wait3A_302 = arith.constant 0 : i32
          %dma_wait3A_303 = arith.constant 0 : i32
          %dma_wait3A_304 = tpu.memref_slice %arg11[%dma_wait3A_302, %dma_wait3A_303] : memref<10016x128xf32, #tpu.memory_space<vmem_shared>> -> memref<10016x128xf32, #tpu.memory_space<vmem_shared>>
          tpu.wait_indirect_dma semaphore(%run_scoped3A_292 : memref<!tpu.dma_semaphore, #tpu.memory_space<semaphore_mem>>) src(%arg9 : memref<128x128xf32, #tpu.memory_space<vmem>>) dst(%dma_wait3A_304 : memref<10016x128xf32, #tpu.memory_space<vmem_shared>>)
          tpu.yield
        }) : () -> ()
        %dma_start3A_119 = arith.constant 5 : i32
        %dma_start3A_120 = arith.constant 0 : i32
        %dma_start3A_121 = tpu.memref_slice %arg6[%dma_start3A_119, %dma_start3A_120] : memref<16x128xi32, #tpu.memory_space<vmem>> -> memref<1x128xi32, #tpu.memory_space<vmem>>
        %dma_start3A_122 = tpu.memref_squeeze %dma_start3A_121 : memref<1x128xi32, #tpu.memory_space<vmem>> -> memref<128xi32, #tpu.memory_space<vmem>>
        %dma_start3A_123 = arith.constant 0 : i32
        %dma_start3A_124 = arith.constant 0 : i32
        %dma_start3A_125 = tpu.memref_slice %arg2[%dma_start3A_123, %dma_start3A_124] : memref<40000x128xf32, #tpu.memory_space<hbm>> -> memref<40000x128xf32, #tpu.memory_space<hbm>>
        tpu.enqueue_indirect_dma source(%dma_start3A_125 : memref<40000x128xf32, #tpu.memory_space<hbm>>) target(%arg9 : memref<128x128xf32, #tpu.memory_space<vmem>>) offsets(%dma_start3A_122 : memref<128xi32, #tpu.memory_space<vmem>>) semaphore(%arg13 : memref<!tpu.dma_semaphore, #tpu.memory_space<semaphore_mem>>)
        %dma_wait3A_126 = arith.constant 4 : i32
        %dma_wait3A_127 = arith.constant 0 : i32
        %dma_wait3A_128 = tpu.memref_slice %arg6[%dma_wait3A_126, %dma_wait3A_127] : memref<16x128xi32, #tpu.memory_space<vmem>> -> memref<1x128xi32, #tpu.memory_space<vmem>>
        %dma_wait3A_129 = tpu.memref_squeeze %dma_wait3A_128 : memref<1x128xi32, #tpu.memory_space<vmem>> -> memref<128xi32, #tpu.memory_space<vmem>>
        %dma_wait3A_130 = arith.constant 0 : i32
        %dma_wait3A_131 = arith.constant 0 : i32
        %dma_wait3A_132 = tpu.memref_slice %arg2[%dma_wait3A_130, %dma_wait3A_131] : memref<40000x128xf32, #tpu.memory_space<hbm>> -> memref<40000x128xf32, #tpu.memory_space<hbm>>
        tpu.wait_indirect_dma semaphore(%arg12 : memref<!tpu.dma_semaphore, #tpu.memory_space<semaphore_mem>>) src(%dma_wait3A_132 : memref<40000x128xf32, #tpu.memory_space<hbm>>) dst(%arg8 : memref<128x128xf32, #tpu.memory_space<vmem>>)
        %run_scoped3A_133 = arith.constant 4 : i32
        "tpu.region"() ({
          %run_scoped3A_292 = tpu.sem_alloc : memref<!tpu.dma_semaphore, #tpu.memory_space<semaphore_mem>>
          %dma_start3A_293 = arith.constant 0 : i32
          %dma_start3A_294 = tpu.memref_slice %arg7[%run_scoped3A_133, %dma_start3A_293] : memref<16x128xi32, #tpu.memory_space<vmem>> -> memref<1x128xi32, #tpu.memory_space<vmem>>
          %dma_start3A_295 = tpu.memref_squeeze %dma_start3A_294 : memref<1x128xi32, #tpu.memory_space<vmem>> -> memref<128xi32, #tpu.memory_space<vmem>>
          %dma_start3A_296 = arith.constant 0 : i32
          %dma_start3A_297 = arith.constant 0 : i32
          %dma_start3A_298 = tpu.memref_slice %arg11[%dma_start3A_296, %dma_start3A_297] : memref<10016x128xf32, #tpu.memory_space<vmem_shared>> -> memref<10016x128xf32, #tpu.memory_space<vmem_shared>>
          tpu.enqueue_indirect_dma source(%arg8 : memref<128x128xf32, #tpu.memory_space<vmem>>) target(%dma_start3A_298 : memref<10016x128xf32, #tpu.memory_space<vmem_shared>>) offsets(%dma_start3A_295 : memref<128xi32, #tpu.memory_space<vmem>>) semaphore(%run_scoped3A_292 : memref<!tpu.dma_semaphore, #tpu.memory_space<semaphore_mem>>) {add = true}
          %dma_wait3A_299 = arith.constant 0 : i32
          %dma_wait3A_300 = tpu.memref_slice %arg7[%run_scoped3A_133, %dma_wait3A_299] : memref<16x128xi32, #tpu.memory_space<vmem>> -> memref<1x128xi32, #tpu.memory_space<vmem>>
          %dma_wait3A_301 = tpu.memref_squeeze %dma_wait3A_300 : memref<1x128xi32, #tpu.memory_space<vmem>> -> memref<128xi32, #tpu.memory_space<vmem>>
          %dma_wait3A_302 = arith.constant 0 : i32
          %dma_wait3A_303 = arith.constant 0 : i32
          %dma_wait3A_304 = tpu.memref_slice %arg11[%dma_wait3A_302, %dma_wait3A_303] : memref<10016x128xf32, #tpu.memory_space<vmem_shared>> -> memref<10016x128xf32, #tpu.memory_space<vmem_shared>>
          tpu.wait_indirect_dma semaphore(%run_scoped3A_292 : memref<!tpu.dma_semaphore, #tpu.memory_space<semaphore_mem>>) src(%arg8 : memref<128x128xf32, #tpu.memory_space<vmem>>) dst(%dma_wait3A_304 : memref<10016x128xf32, #tpu.memory_space<vmem_shared>>)
          tpu.yield
        }) : () -> ()
        %dma_start3A_134 = arith.constant 6 : i32
        %dma_start3A_135 = arith.constant 0 : i32
        %dma_start3A_136 = tpu.memref_slice %arg6[%dma_start3A_134, %dma_start3A_135] : memref<16x128xi32, #tpu.memory_space<vmem>> -> memref<1x128xi32, #tpu.memory_space<vmem>>
        %dma_start3A_137 = tpu.memref_squeeze %dma_start3A_136 : memref<1x128xi32, #tpu.memory_space<vmem>> -> memref<128xi32, #tpu.memory_space<vmem>>
        %dma_start3A_138 = arith.constant 0 : i32
        %dma_start3A_139 = arith.constant 0 : i32
        %dma_start3A_140 = tpu.memref_slice %arg2[%dma_start3A_138, %dma_start3A_139] : memref<40000x128xf32, #tpu.memory_space<hbm>> -> memref<40000x128xf32, #tpu.memory_space<hbm>>
        tpu.enqueue_indirect_dma source(%dma_start3A_140 : memref<40000x128xf32, #tpu.memory_space<hbm>>) target(%arg8 : memref<128x128xf32, #tpu.memory_space<vmem>>) offsets(%dma_start3A_137 : memref<128xi32, #tpu.memory_space<vmem>>) semaphore(%arg12 : memref<!tpu.dma_semaphore, #tpu.memory_space<semaphore_mem>>)
        %dma_wait3A_141 = arith.constant 5 : i32
        %dma_wait3A_142 = arith.constant 0 : i32
        %dma_wait3A_143 = tpu.memref_slice %arg6[%dma_wait3A_141, %dma_wait3A_142] : memref<16x128xi32, #tpu.memory_space<vmem>> -> memref<1x128xi32, #tpu.memory_space<vmem>>
        %dma_wait3A_144 = tpu.memref_squeeze %dma_wait3A_143 : memref<1x128xi32, #tpu.memory_space<vmem>> -> memref<128xi32, #tpu.memory_space<vmem>>
        %dma_wait3A_145 = arith.constant 0 : i32
        %dma_wait3A_146 = arith.constant 0 : i32
        %dma_wait3A_147 = tpu.memref_slice %arg2[%dma_wait3A_145, %dma_wait3A_146] : memref<40000x128xf32, #tpu.memory_space<hbm>> -> memref<40000x128xf32, #tpu.memory_space<hbm>>
        tpu.wait_indirect_dma semaphore(%arg13 : memref<!tpu.dma_semaphore, #tpu.memory_space<semaphore_mem>>) src(%dma_wait3A_147 : memref<40000x128xf32, #tpu.memory_space<hbm>>) dst(%arg9 : memref<128x128xf32, #tpu.memory_space<vmem>>)
        %run_scoped3A_148 = arith.constant 5 : i32
        "tpu.region"() ({
          %run_scoped3A_292 = tpu.sem_alloc : memref<!tpu.dma_semaphore, #tpu.memory_space<semaphore_mem>>
          %dma_start3A_293 = arith.constant 0 : i32
          %dma_start3A_294 = tpu.memref_slice %arg7[%run_scoped3A_148, %dma_start3A_293] : memref<16x128xi32, #tpu.memory_space<vmem>> -> memref<1x128xi32, #tpu.memory_space<vmem>>
          %dma_start3A_295 = tpu.memref_squeeze %dma_start3A_294 : memref<1x128xi32, #tpu.memory_space<vmem>> -> memref<128xi32, #tpu.memory_space<vmem>>
          %dma_start3A_296 = arith.constant 0 : i32
          %dma_start3A_297 = arith.constant 0 : i32
          %dma_start3A_298 = tpu.memref_slice %arg11[%dma_start3A_296, %dma_start3A_297] : memref<10016x128xf32, #tpu.memory_space<vmem_shared>> -> memref<10016x128xf32, #tpu.memory_space<vmem_shared>>
          tpu.enqueue_indirect_dma source(%arg9 : memref<128x128xf32, #tpu.memory_space<vmem>>) target(%dma_start3A_298 : memref<10016x128xf32, #tpu.memory_space<vmem_shared>>) offsets(%dma_start3A_295 : memref<128xi32, #tpu.memory_space<vmem>>) semaphore(%run_scoped3A_292 : memref<!tpu.dma_semaphore, #tpu.memory_space<semaphore_mem>>) {add = true}
          %dma_wait3A_299 = arith.constant 0 : i32
          %dma_wait3A_300 = tpu.memref_slice %arg7[%run_scoped3A_148, %dma_wait3A_299] : memref<16x128xi32, #tpu.memory_space<vmem>> -> memref<1x128xi32, #tpu.memory_space<vmem>>
          %dma_wait3A_301 = tpu.memref_squeeze %dma_wait3A_300 : memref<1x128xi32, #tpu.memory_space<vmem>> -> memref<128xi32, #tpu.memory_space<vmem>>
          %dma_wait3A_302 = arith.constant 0 : i32
          %dma_wait3A_303 = arith.constant 0 : i32
          %dma_wait3A_304 = tpu.memref_slice %arg11[%dma_wait3A_302, %dma_wait3A_303] : memref<10016x128xf32, #tpu.memory_space<vmem_shared>> -> memref<10016x128xf32, #tpu.memory_space<vmem_shared>>
          tpu.wait_indirect_dma semaphore(%run_scoped3A_292 : memref<!tpu.dma_semaphore, #tpu.memory_space<semaphore_mem>>) src(%arg9 : memref<128x128xf32, #tpu.memory_space<vmem>>) dst(%dma_wait3A_304 : memref<10016x128xf32, #tpu.memory_space<vmem_shared>>)
          tpu.yield
        }) : () -> ()
        %dma_start3A_149 = arith.constant 7 : i32
        %dma_start3A_150 = arith.constant 0 : i32
        %dma_start3A_151 = tpu.memref_slice %arg6[%dma_start3A_149, %dma_start3A_150] : memref<16x128xi32, #tpu.memory_space<vmem>> -> memref<1x128xi32, #tpu.memory_space<vmem>>
        %dma_start3A_152 = tpu.memref_squeeze %dma_start3A_151 : memref<1x128xi32, #tpu.memory_space<vmem>> -> memref<128xi32, #tpu.memory_space<vmem>>
        %dma_start3A_153 = arith.constant 0 : i32
        %dma_start3A_154 = arith.constant 0 : i32
        %dma_start3A_155 = tpu.memref_slice %arg2[%dma_start3A_153, %dma_start3A_154] : memref<40000x128xf32, #tpu.memory_space<hbm>> -> memref<40000x128xf32, #tpu.memory_space<hbm>>
        tpu.enqueue_indirect_dma source(%dma_start3A_155 : memref<40000x128xf32, #tpu.memory_space<hbm>>) target(%arg9 : memref<128x128xf32, #tpu.memory_space<vmem>>) offsets(%dma_start3A_152 : memref<128xi32, #tpu.memory_space<vmem>>) semaphore(%arg13 : memref<!tpu.dma_semaphore, #tpu.memory_space<semaphore_mem>>)
        %dma_wait3A_156 = arith.constant 6 : i32
        %dma_wait3A_157 = arith.constant 0 : i32
        %dma_wait3A_158 = tpu.memref_slice %arg6[%dma_wait3A_156, %dma_wait3A_157] : memref<16x128xi32, #tpu.memory_space<vmem>> -> memref<1x128xi32, #tpu.memory_space<vmem>>
        %dma_wait3A_159 = tpu.memref_squeeze %dma_wait3A_158 : memref<1x128xi32, #tpu.memory_space<vmem>> -> memref<128xi32, #tpu.memory_space<vmem>>
        %dma_wait3A_160 = arith.constant 0 : i32
        %dma_wait3A_161 = arith.constant 0 : i32
        %dma_wait3A_162 = tpu.memref_slice %arg2[%dma_wait3A_160, %dma_wait3A_161] : memref<40000x128xf32, #tpu.memory_space<hbm>> -> memref<40000x128xf32, #tpu.memory_space<hbm>>
        tpu.wait_indirect_dma semaphore(%arg12 : memref<!tpu.dma_semaphore, #tpu.memory_space<semaphore_mem>>) src(%dma_wait3A_162 : memref<40000x128xf32, #tpu.memory_space<hbm>>) dst(%arg8 : memref<128x128xf32, #tpu.memory_space<vmem>>)
        %run_scoped3A_163 = arith.constant 6 : i32
        "tpu.region"() ({
          %run_scoped3A_292 = tpu.sem_alloc : memref<!tpu.dma_semaphore, #tpu.memory_space<semaphore_mem>>
          %dma_start3A_293 = arith.constant 0 : i32
          %dma_start3A_294 = tpu.memref_slice %arg7[%run_scoped3A_163, %dma_start3A_293] : memref<16x128xi32, #tpu.memory_space<vmem>> -> memref<1x128xi32, #tpu.memory_space<vmem>>
          %dma_start3A_295 = tpu.memref_squeeze %dma_start3A_294 : memref<1x128xi32, #tpu.memory_space<vmem>> -> memref<128xi32, #tpu.memory_space<vmem>>
          %dma_start3A_296 = arith.constant 0 : i32
          %dma_start3A_297 = arith.constant 0 : i32
          %dma_start3A_298 = tpu.memref_slice %arg11[%dma_start3A_296, %dma_start3A_297] : memref<10016x128xf32, #tpu.memory_space<vmem_shared>> -> memref<10016x128xf32, #tpu.memory_space<vmem_shared>>
          tpu.enqueue_indirect_dma source(%arg8 : memref<128x128xf32, #tpu.memory_space<vmem>>) target(%dma_start3A_298 : memref<10016x128xf32, #tpu.memory_space<vmem_shared>>) offsets(%dma_start3A_295 : memref<128xi32, #tpu.memory_space<vmem>>) semaphore(%run_scoped3A_292 : memref<!tpu.dma_semaphore, #tpu.memory_space<semaphore_mem>>) {add = true}
          %dma_wait3A_299 = arith.constant 0 : i32
          %dma_wait3A_300 = tpu.memref_slice %arg7[%run_scoped3A_163, %dma_wait3A_299] : memref<16x128xi32, #tpu.memory_space<vmem>> -> memref<1x128xi32, #tpu.memory_space<vmem>>
          %dma_wait3A_301 = tpu.memref_squeeze %dma_wait3A_300 : memref<1x128xi32, #tpu.memory_space<vmem>> -> memref<128xi32, #tpu.memory_space<vmem>>
          %dma_wait3A_302 = arith.constant 0 : i32
          %dma_wait3A_303 = arith.constant 0 : i32
          %dma_wait3A_304 = tpu.memref_slice %arg11[%dma_wait3A_302, %dma_wait3A_303] : memref<10016x128xf32, #tpu.memory_space<vmem_shared>> -> memref<10016x128xf32, #tpu.memory_space<vmem_shared>>
          tpu.wait_indirect_dma semaphore(%run_scoped3A_292 : memref<!tpu.dma_semaphore, #tpu.memory_space<semaphore_mem>>) src(%arg8 : memref<128x128xf32, #tpu.memory_space<vmem>>) dst(%dma_wait3A_304 : memref<10016x128xf32, #tpu.memory_space<vmem_shared>>)
          tpu.yield
        }) : () -> ()
        %dma_start3A_164 = arith.constant 8 : i32
        %dma_start3A_165 = arith.constant 0 : i32
        %dma_start3A_166 = tpu.memref_slice %arg6[%dma_start3A_164, %dma_start3A_165] : memref<16x128xi32, #tpu.memory_space<vmem>> -> memref<1x128xi32, #tpu.memory_space<vmem>>
        %dma_start3A_167 = tpu.memref_squeeze %dma_start3A_166 : memref<1x128xi32, #tpu.memory_space<vmem>> -> memref<128xi32, #tpu.memory_space<vmem>>
        %dma_start3A_168 = arith.constant 0 : i32
        %dma_start3A_169 = arith.constant 0 : i32
        %dma_start3A_170 = tpu.memref_slice %arg2[%dma_start3A_168, %dma_start3A_169] : memref<40000x128xf32, #tpu.memory_space<hbm>> -> memref<40000x128xf32, #tpu.memory_space<hbm>>
        tpu.enqueue_indirect_dma source(%dma_start3A_170 : memref<40000x128xf32, #tpu.memory_space<hbm>>) target(%arg8 : memref<128x128xf32, #tpu.memory_space<vmem>>) offsets(%dma_start3A_167 : memref<128xi32, #tpu.memory_space<vmem>>) semaphore(%arg12 : memref<!tpu.dma_semaphore, #tpu.memory_space<semaphore_mem>>)
        %dma_wait3A_171 = arith.constant 7 : i32
        %dma_wait3A_172 = arith.constant 0 : i32
        %dma_wait3A_173 = tpu.memref_slice %arg6[%dma_wait3A_171, %dma_wait3A_172] : memref<16x128xi32, #tpu.memory_space<vmem>> -> memref<1x128xi32, #tpu.memory_space<vmem>>
        %dma_wait3A_174 = tpu.memref_squeeze %dma_wait3A_173 : memref<1x128xi32, #tpu.memory_space<vmem>> -> memref<128xi32, #tpu.memory_space<vmem>>
        %dma_wait3A_175 = arith.constant 0 : i32
        %dma_wait3A_176 = arith.constant 0 : i32
        %dma_wait3A_177 = tpu.memref_slice %arg2[%dma_wait3A_175, %dma_wait3A_176] : memref<40000x128xf32, #tpu.memory_space<hbm>> -> memref<40000x128xf32, #tpu.memory_space<hbm>>
        tpu.wait_indirect_dma semaphore(%arg13 : memref<!tpu.dma_semaphore, #tpu.memory_space<semaphore_mem>>) src(%dma_wait3A_177 : memref<40000x128xf32, #tpu.memory_space<hbm>>) dst(%arg9 : memref<128x128xf32, #tpu.memory_space<vmem>>)
        %run_scoped3A_178 = arith.constant 7 : i32
        "tpu.region"() ({
          %run_scoped3A_292 = tpu.sem_alloc : memref<!tpu.dma_semaphore, #tpu.memory_space<semaphore_mem>>
          %dma_start3A_293 = arith.constant 0 : i32
          %dma_start3A_294 = tpu.memref_slice %arg7[%run_scoped3A_178, %dma_start3A_293] : memref<16x128xi32, #tpu.memory_space<vmem>> -> memref<1x128xi32, #tpu.memory_space<vmem>>
          %dma_start3A_295 = tpu.memref_squeeze %dma_start3A_294 : memref<1x128xi32, #tpu.memory_space<vmem>> -> memref<128xi32, #tpu.memory_space<vmem>>
          %dma_start3A_296 = arith.constant 0 : i32
          %dma_start3A_297 = arith.constant 0 : i32
          %dma_start3A_298 = tpu.memref_slice %arg11[%dma_start3A_296, %dma_start3A_297] : memref<10016x128xf32, #tpu.memory_space<vmem_shared>> -> memref<10016x128xf32, #tpu.memory_space<vmem_shared>>
          tpu.enqueue_indirect_dma source(%arg9 : memref<128x128xf32, #tpu.memory_space<vmem>>) target(%dma_start3A_298 : memref<10016x128xf32, #tpu.memory_space<vmem_shared>>) offsets(%dma_start3A_295 : memref<128xi32, #tpu.memory_space<vmem>>) semaphore(%run_scoped3A_292 : memref<!tpu.dma_semaphore, #tpu.memory_space<semaphore_mem>>) {add = true}
          %dma_wait3A_299 = arith.constant 0 : i32
          %dma_wait3A_300 = tpu.memref_slice %arg7[%run_scoped3A_178, %dma_wait3A_299] : memref<16x128xi32, #tpu.memory_space<vmem>> -> memref<1x128xi32, #tpu.memory_space<vmem>>
          %dma_wait3A_301 = tpu.memref_squeeze %dma_wait3A_300 : memref<1x128xi32, #tpu.memory_space<vmem>> -> memref<128xi32, #tpu.memory_space<vmem>>
          %dma_wait3A_302 = arith.constant 0 : i32
          %dma_wait3A_303 = arith.constant 0 : i32
          %dma_wait3A_304 = tpu.memref_slice %arg11[%dma_wait3A_302, %dma_wait3A_303] : memref<10016x128xf32, #tpu.memory_space<vmem_shared>> -> memref<10016x128xf32, #tpu.memory_space<vmem_shared>>
          tpu.wait_indirect_dma semaphore(%run_scoped3A_292 : memref<!tpu.dma_semaphore, #tpu.memory_space<semaphore_mem>>) src(%arg9 : memref<128x128xf32, #tpu.memory_space<vmem>>) dst(%dma_wait3A_304 : memref<10016x128xf32, #tpu.memory_space<vmem_shared>>)
          tpu.yield
        }) : () -> ()
        %dma_start3A_179 = arith.constant 9 : i32
        %dma_start3A_180 = arith.constant 0 : i32
        %dma_start3A_181 = tpu.memref_slice %arg6[%dma_start3A_179, %dma_start3A_180] : memref<16x128xi32, #tpu.memory_space<vmem>> -> memref<1x128xi32, #tpu.memory_space<vmem>>
        %dma_start3A_182 = tpu.memref_squeeze %dma_start3A_181 : memref<1x128xi32, #tpu.memory_space<vmem>> -> memref<128xi32, #tpu.memory_space<vmem>>
        %dma_start3A_183 = arith.constant 0 : i32
        %dma_start3A_184 = arith.constant 0 : i32
        %dma_start3A_185 = tpu.memref_slice %arg2[%dma_start3A_183, %dma_start3A_184] : memref<40000x128xf32, #tpu.memory_space<hbm>> -> memref<40000x128xf32, #tpu.memory_space<hbm>>
        tpu.enqueue_indirect_dma source(%dma_start3A_185 : memref<40000x128xf32, #tpu.memory_space<hbm>>) target(%arg9 : memref<128x128xf32, #tpu.memory_space<vmem>>) offsets(%dma_start3A_182 : memref<128xi32, #tpu.memory_space<vmem>>) semaphore(%arg13 : memref<!tpu.dma_semaphore, #tpu.memory_space<semaphore_mem>>)
        %dma_wait3A_186 = arith.constant 8 : i32
        %dma_wait3A_187 = arith.constant 0 : i32
        %dma_wait3A_188 = tpu.memref_slice %arg6[%dma_wait3A_186, %dma_wait3A_187] : memref<16x128xi32, #tpu.memory_space<vmem>> -> memref<1x128xi32, #tpu.memory_space<vmem>>
        %dma_wait3A_189 = tpu.memref_squeeze %dma_wait3A_188 : memref<1x128xi32, #tpu.memory_space<vmem>> -> memref<128xi32, #tpu.memory_space<vmem>>
        %dma_wait3A_190 = arith.constant 0 : i32
        %dma_wait3A_191 = arith.constant 0 : i32
        %dma_wait3A_192 = tpu.memref_slice %arg2[%dma_wait3A_190, %dma_wait3A_191] : memref<40000x128xf32, #tpu.memory_space<hbm>> -> memref<40000x128xf32, #tpu.memory_space<hbm>>
        tpu.wait_indirect_dma semaphore(%arg12 : memref<!tpu.dma_semaphore, #tpu.memory_space<semaphore_mem>>) src(%dma_wait3A_192 : memref<40000x128xf32, #tpu.memory_space<hbm>>) dst(%arg8 : memref<128x128xf32, #tpu.memory_space<vmem>>)
        %run_scoped3A_193 = arith.constant 8 : i32
        "tpu.region"() ({
          %run_scoped3A_292 = tpu.sem_alloc : memref<!tpu.dma_semaphore, #tpu.memory_space<semaphore_mem>>
          %dma_start3A_293 = arith.constant 0 : i32
          %dma_start3A_294 = tpu.memref_slice %arg7[%run_scoped3A_193, %dma_start3A_293] : memref<16x128xi32, #tpu.memory_space<vmem>> -> memref<1x128xi32, #tpu.memory_space<vmem>>
          %dma_start3A_295 = tpu.memref_squeeze %dma_start3A_294 : memref<1x128xi32, #tpu.memory_space<vmem>> -> memref<128xi32, #tpu.memory_space<vmem>>
          %dma_start3A_296 = arith.constant 0 : i32
          %dma_start3A_297 = arith.constant 0 : i32
          %dma_start3A_298 = tpu.memref_slice %arg11[%dma_start3A_296, %dma_start3A_297] : memref<10016x128xf32, #tpu.memory_space<vmem_shared>> -> memref<10016x128xf32, #tpu.memory_space<vmem_shared>>
          tpu.enqueue_indirect_dma source(%arg8 : memref<128x128xf32, #tpu.memory_space<vmem>>) target(%dma_start3A_298 : memref<10016x128xf32, #tpu.memory_space<vmem_shared>>) offsets(%dma_start3A_295 : memref<128xi32, #tpu.memory_space<vmem>>) semaphore(%run_scoped3A_292 : memref<!tpu.dma_semaphore, #tpu.memory_space<semaphore_mem>>) {add = true}
          %dma_wait3A_299 = arith.constant 0 : i32
          %dma_wait3A_300 = tpu.memref_slice %arg7[%run_scoped3A_193, %dma_wait3A_299] : memref<16x128xi32, #tpu.memory_space<vmem>> -> memref<1x128xi32, #tpu.memory_space<vmem>>
          %dma_wait3A_301 = tpu.memref_squeeze %dma_wait3A_300 : memref<1x128xi32, #tpu.memory_space<vmem>> -> memref<128xi32, #tpu.memory_space<vmem>>
          %dma_wait3A_302 = arith.constant 0 : i32
          %dma_wait3A_303 = arith.constant 0 : i32
          %dma_wait3A_304 = tpu.memref_slice %arg11[%dma_wait3A_302, %dma_wait3A_303] : memref<10016x128xf32, #tpu.memory_space<vmem_shared>> -> memref<10016x128xf32, #tpu.memory_space<vmem_shared>>
          tpu.wait_indirect_dma semaphore(%run_scoped3A_292 : memref<!tpu.dma_semaphore, #tpu.memory_space<semaphore_mem>>) src(%arg8 : memref<128x128xf32, #tpu.memory_space<vmem>>) dst(%dma_wait3A_304 : memref<10016x128xf32, #tpu.memory_space<vmem_shared>>)
          tpu.yield
        }) : () -> ()
        %dma_start3A_194 = arith.constant 10 : i32
        %dma_start3A_195 = arith.constant 0 : i32
        %dma_start3A_196 = tpu.memref_slice %arg6[%dma_start3A_194, %dma_start3A_195] : memref<16x128xi32, #tpu.memory_space<vmem>> -> memref<1x128xi32, #tpu.memory_space<vmem>>
        %dma_start3A_197 = tpu.memref_squeeze %dma_start3A_196 : memref<1x128xi32, #tpu.memory_space<vmem>> -> memref<128xi32, #tpu.memory_space<vmem>>
        %dma_start3A_198 = arith.constant 0 : i32
        %dma_start3A_199 = arith.constant 0 : i32
        %dma_start3A_200 = tpu.memref_slice %arg2[%dma_start3A_198, %dma_start3A_199] : memref<40000x128xf32, #tpu.memory_space<hbm>> -> memref<40000x128xf32, #tpu.memory_space<hbm>>
        tpu.enqueue_indirect_dma source(%dma_start3A_200 : memref<40000x128xf32, #tpu.memory_space<hbm>>) target(%arg8 : memref<128x128xf32, #tpu.memory_space<vmem>>) offsets(%dma_start3A_197 : memref<128xi32, #tpu.memory_space<vmem>>) semaphore(%arg12 : memref<!tpu.dma_semaphore, #tpu.memory_space<semaphore_mem>>)
        %dma_wait3A_201 = arith.constant 9 : i32
        %dma_wait3A_202 = arith.constant 0 : i32
        %dma_wait3A_203 = tpu.memref_slice %arg6[%dma_wait3A_201, %dma_wait3A_202] : memref<16x128xi32, #tpu.memory_space<vmem>> -> memref<1x128xi32, #tpu.memory_space<vmem>>
        %dma_wait3A_204 = tpu.memref_squeeze %dma_wait3A_203 : memref<1x128xi32, #tpu.memory_space<vmem>> -> memref<128xi32, #tpu.memory_space<vmem>>
        %dma_wait3A_205 = arith.constant 0 : i32
        %dma_wait3A_206 = arith.constant 0 : i32
        %dma_wait3A_207 = tpu.memref_slice %arg2[%dma_wait3A_205, %dma_wait3A_206] : memref<40000x128xf32, #tpu.memory_space<hbm>> -> memref<40000x128xf32, #tpu.memory_space<hbm>>
        tpu.wait_indirect_dma semaphore(%arg13 : memref<!tpu.dma_semaphore, #tpu.memory_space<semaphore_mem>>) src(%dma_wait3A_207 : memref<40000x128xf32, #tpu.memory_space<hbm>>) dst(%arg9 : memref<128x128xf32, #tpu.memory_space<vmem>>)
        %run_scoped3A_208 = arith.constant 9 : i32
        "tpu.region"() ({
          %run_scoped3A_292 = tpu.sem_alloc : memref<!tpu.dma_semaphore, #tpu.memory_space<semaphore_mem>>
          %dma_start3A_293 = arith.constant 0 : i32
          %dma_start3A_294 = tpu.memref_slice %arg7[%run_scoped3A_208, %dma_start3A_293] : memref<16x128xi32, #tpu.memory_space<vmem>> -> memref<1x128xi32, #tpu.memory_space<vmem>>
          %dma_start3A_295 = tpu.memref_squeeze %dma_start3A_294 : memref<1x128xi32, #tpu.memory_space<vmem>> -> memref<128xi32, #tpu.memory_space<vmem>>
          %dma_start3A_296 = arith.constant 0 : i32
          %dma_start3A_297 = arith.constant 0 : i32
          %dma_start3A_298 = tpu.memref_slice %arg11[%dma_start3A_296, %dma_start3A_297] : memref<10016x128xf32, #tpu.memory_space<vmem_shared>> -> memref<10016x128xf32, #tpu.memory_space<vmem_shared>>
          tpu.enqueue_indirect_dma source(%arg9 : memref<128x128xf32, #tpu.memory_space<vmem>>) target(%dma_start3A_298 : memref<10016x128xf32, #tpu.memory_space<vmem_shared>>) offsets(%dma_start3A_295 : memref<128xi32, #tpu.memory_space<vmem>>) semaphore(%run_scoped3A_292 : memref<!tpu.dma_semaphore, #tpu.memory_space<semaphore_mem>>) {add = true}
          %dma_wait3A_299 = arith.constant 0 : i32
          %dma_wait3A_300 = tpu.memref_slice %arg7[%run_scoped3A_208, %dma_wait3A_299] : memref<16x128xi32, #tpu.memory_space<vmem>> -> memref<1x128xi32, #tpu.memory_space<vmem>>
          %dma_wait3A_301 = tpu.memref_squeeze %dma_wait3A_300 : memref<1x128xi32, #tpu.memory_space<vmem>> -> memref<128xi32, #tpu.memory_space<vmem>>
          %dma_wait3A_302 = arith.constant 0 : i32
          %dma_wait3A_303 = arith.constant 0 : i32
          %dma_wait3A_304 = tpu.memref_slice %arg11[%dma_wait3A_302, %dma_wait3A_303] : memref<10016x128xf32, #tpu.memory_space<vmem_shared>> -> memref<10016x128xf32, #tpu.memory_space<vmem_shared>>
          tpu.wait_indirect_dma semaphore(%run_scoped3A_292 : memref<!tpu.dma_semaphore, #tpu.memory_space<semaphore_mem>>) src(%arg9 : memref<128x128xf32, #tpu.memory_space<vmem>>) dst(%dma_wait3A_304 : memref<10016x128xf32, #tpu.memory_space<vmem_shared>>)
          tpu.yield
        }) : () -> ()
        %dma_start3A_209 = arith.constant 11 : i32
        %dma_start3A_210 = arith.constant 0 : i32
        %dma_start3A_211 = tpu.memref_slice %arg6[%dma_start3A_209, %dma_start3A_210] : memref<16x128xi32, #tpu.memory_space<vmem>> -> memref<1x128xi32, #tpu.memory_space<vmem>>
        %dma_start3A_212 = tpu.memref_squeeze %dma_start3A_211 : memref<1x128xi32, #tpu.memory_space<vmem>> -> memref<128xi32, #tpu.memory_space<vmem>>
        %dma_start3A_213 = arith.constant 0 : i32
        %dma_start3A_214 = arith.constant 0 : i32
        %dma_start3A_215 = tpu.memref_slice %arg2[%dma_start3A_213, %dma_start3A_214] : memref<40000x128xf32, #tpu.memory_space<hbm>> -> memref<40000x128xf32, #tpu.memory_space<hbm>>
        tpu.enqueue_indirect_dma source(%dma_start3A_215 : memref<40000x128xf32, #tpu.memory_space<hbm>>) target(%arg9 : memref<128x128xf32, #tpu.memory_space<vmem>>) offsets(%dma_start3A_212 : memref<128xi32, #tpu.memory_space<vmem>>) semaphore(%arg13 : memref<!tpu.dma_semaphore, #tpu.memory_space<semaphore_mem>>)
        %dma_wait3A_216 = arith.constant 10 : i32
        %dma_wait3A_217 = arith.constant 0 : i32
        %dma_wait3A_218 = tpu.memref_slice %arg6[%dma_wait3A_216, %dma_wait3A_217] : memref<16x128xi32, #tpu.memory_space<vmem>> -> memref<1x128xi32, #tpu.memory_space<vmem>>
        %dma_wait3A_219 = tpu.memref_squeeze %dma_wait3A_218 : memref<1x128xi32, #tpu.memory_space<vmem>> -> memref<128xi32, #tpu.memory_space<vmem>>
        %dma_wait3A_220 = arith.constant 0 : i32
        %dma_wait3A_221 = arith.constant 0 : i32
        %dma_wait3A_222 = tpu.memref_slice %arg2[%dma_wait3A_220, %dma_wait3A_221] : memref<40000x128xf32, #tpu.memory_space<hbm>> -> memref<40000x128xf32, #tpu.memory_space<hbm>>
        tpu.wait_indirect_dma semaphore(%arg12 : memref<!tpu.dma_semaphore, #tpu.memory_space<semaphore_mem>>) src(%dma_wait3A_222 : memref<40000x128xf32, #tpu.memory_space<hbm>>) dst(%arg8 : memref<128x128xf32, #tpu.memory_space<vmem>>)
        %run_scoped3A_223 = arith.constant 10 : i32
        "tpu.region"() ({
          %run_scoped3A_292 = tpu.sem_alloc : memref<!tpu.dma_semaphore, #tpu.memory_space<semaphore_mem>>
          %dma_start3A_293 = arith.constant 0 : i32
          %dma_start3A_294 = tpu.memref_slice %arg7[%run_scoped3A_223, %dma_start3A_293] : memref<16x128xi32, #tpu.memory_space<vmem>> -> memref<1x128xi32, #tpu.memory_space<vmem>>
          %dma_start3A_295 = tpu.memref_squeeze %dma_start3A_294 : memref<1x128xi32, #tpu.memory_space<vmem>> -> memref<128xi32, #tpu.memory_space<vmem>>
          %dma_start3A_296 = arith.constant 0 : i32
          %dma_start3A_297 = arith.constant 0 : i32
          %dma_start3A_298 = tpu.memref_slice %arg11[%dma_start3A_296, %dma_start3A_297] : memref<10016x128xf32, #tpu.memory_space<vmem_shared>> -> memref<10016x128xf32, #tpu.memory_space<vmem_shared>>
          tpu.enqueue_indirect_dma source(%arg8 : memref<128x128xf32, #tpu.memory_space<vmem>>) target(%dma_start3A_298 : memref<10016x128xf32, #tpu.memory_space<vmem_shared>>) offsets(%dma_start3A_295 : memref<128xi32, #tpu.memory_space<vmem>>) semaphore(%run_scoped3A_292 : memref<!tpu.dma_semaphore, #tpu.memory_space<semaphore_mem>>) {add = true}
          %dma_wait3A_299 = arith.constant 0 : i32
          %dma_wait3A_300 = tpu.memref_slice %arg7[%run_scoped3A_223, %dma_wait3A_299] : memref<16x128xi32, #tpu.memory_space<vmem>> -> memref<1x128xi32, #tpu.memory_space<vmem>>
          %dma_wait3A_301 = tpu.memref_squeeze %dma_wait3A_300 : memref<1x128xi32, #tpu.memory_space<vmem>> -> memref<128xi32, #tpu.memory_space<vmem>>
          %dma_wait3A_302 = arith.constant 0 : i32
          %dma_wait3A_303 = arith.constant 0 : i32
          %dma_wait3A_304 = tpu.memref_slice %arg11[%dma_wait3A_302, %dma_wait3A_303] : memref<10016x128xf32, #tpu.memory_space<vmem_shared>> -> memref<10016x128xf32, #tpu.memory_space<vmem_shared>>
          tpu.wait_indirect_dma semaphore(%run_scoped3A_292 : memref<!tpu.dma_semaphore, #tpu.memory_space<semaphore_mem>>) src(%arg8 : memref<128x128xf32, #tpu.memory_space<vmem>>) dst(%dma_wait3A_304 : memref<10016x128xf32, #tpu.memory_space<vmem_shared>>)
          tpu.yield
        }) : () -> ()
        %dma_start3A_224 = arith.constant 12 : i32
        %dma_start3A_225 = arith.constant 0 : i32
        %dma_start3A_226 = tpu.memref_slice %arg6[%dma_start3A_224, %dma_start3A_225] : memref<16x128xi32, #tpu.memory_space<vmem>> -> memref<1x128xi32, #tpu.memory_space<vmem>>
        %dma_start3A_227 = tpu.memref_squeeze %dma_start3A_226 : memref<1x128xi32, #tpu.memory_space<vmem>> -> memref<128xi32, #tpu.memory_space<vmem>>
        %dma_start3A_228 = arith.constant 0 : i32
        %dma_start3A_229 = arith.constant 0 : i32
        %dma_start3A_230 = tpu.memref_slice %arg2[%dma_start3A_228, %dma_start3A_229] : memref<40000x128xf32, #tpu.memory_space<hbm>> -> memref<40000x128xf32, #tpu.memory_space<hbm>>
        tpu.enqueue_indirect_dma source(%dma_start3A_230 : memref<40000x128xf32, #tpu.memory_space<hbm>>) target(%arg8 : memref<128x128xf32, #tpu.memory_space<vmem>>) offsets(%dma_start3A_227 : memref<128xi32, #tpu.memory_space<vmem>>) semaphore(%arg12 : memref<!tpu.dma_semaphore, #tpu.memory_space<semaphore_mem>>)
        %dma_wait3A_231 = arith.constant 11 : i32
        %dma_wait3A_232 = arith.constant 0 : i32
        %dma_wait3A_233 = tpu.memref_slice %arg6[%dma_wait3A_231, %dma_wait3A_232] : memref<16x128xi32, #tpu.memory_space<vmem>> -> memref<1x128xi32, #tpu.memory_space<vmem>>
        %dma_wait3A_234 = tpu.memref_squeeze %dma_wait3A_233 : memref<1x128xi32, #tpu.memory_space<vmem>> -> memref<128xi32, #tpu.memory_space<vmem>>
        %dma_wait3A_235 = arith.constant 0 : i32
        %dma_wait3A_236 = arith.constant 0 : i32
        %dma_wait3A_237 = tpu.memref_slice %arg2[%dma_wait3A_235, %dma_wait3A_236] : memref<40000x128xf32, #tpu.memory_space<hbm>> -> memref<40000x128xf32, #tpu.memory_space<hbm>>
        tpu.wait_indirect_dma semaphore(%arg13 : memref<!tpu.dma_semaphore, #tpu.memory_space<semaphore_mem>>) src(%dma_wait3A_237 : memref<40000x128xf32, #tpu.memory_space<hbm>>) dst(%arg9 : memref<128x128xf32, #tpu.memory_space<vmem>>)
        %run_scoped3A_238 = arith.constant 11 : i32
        "tpu.region"() ({
          %run_scoped3A_292 = tpu.sem_alloc : memref<!tpu.dma_semaphore, #tpu.memory_space<semaphore_mem>>
          %dma_start3A_293 = arith.constant 0 : i32
          %dma_start3A_294 = tpu.memref_slice %arg7[%run_scoped3A_238, %dma_start3A_293] : memref<16x128xi32, #tpu.memory_space<vmem>> -> memref<1x128xi32, #tpu.memory_space<vmem>>
          %dma_start3A_295 = tpu.memref_squeeze %dma_start3A_294 : memref<1x128xi32, #tpu.memory_space<vmem>> -> memref<128xi32, #tpu.memory_space<vmem>>
          %dma_start3A_296 = arith.constant 0 : i32
          %dma_start3A_297 = arith.constant 0 : i32
          %dma_start3A_298 = tpu.memref_slice %arg11[%dma_start3A_296, %dma_start3A_297] : memref<10016x128xf32, #tpu.memory_space<vmem_shared>> -> memref<10016x128xf32, #tpu.memory_space<vmem_shared>>
          tpu.enqueue_indirect_dma source(%arg9 : memref<128x128xf32, #tpu.memory_space<vmem>>) target(%dma_start3A_298 : memref<10016x128xf32, #tpu.memory_space<vmem_shared>>) offsets(%dma_start3A_295 : memref<128xi32, #tpu.memory_space<vmem>>) semaphore(%run_scoped3A_292 : memref<!tpu.dma_semaphore, #tpu.memory_space<semaphore_mem>>) {add = true}
          %dma_wait3A_299 = arith.constant 0 : i32
          %dma_wait3A_300 = tpu.memref_slice %arg7[%run_scoped3A_238, %dma_wait3A_299] : memref<16x128xi32, #tpu.memory_space<vmem>> -> memref<1x128xi32, #tpu.memory_space<vmem>>
          %dma_wait3A_301 = tpu.memref_squeeze %dma_wait3A_300 : memref<1x128xi32, #tpu.memory_space<vmem>> -> memref<128xi32, #tpu.memory_space<vmem>>
          %dma_wait3A_302 = arith.constant 0 : i32
          %dma_wait3A_303 = arith.constant 0 : i32
          %dma_wait3A_304 = tpu.memref_slice %arg11[%dma_wait3A_302, %dma_wait3A_303] : memref<10016x128xf32, #tpu.memory_space<vmem_shared>> -> memref<10016x128xf32, #tpu.memory_space<vmem_shared>>
          tpu.wait_indirect_dma semaphore(%run_scoped3A_292 : memref<!tpu.dma_semaphore, #tpu.memory_space<semaphore_mem>>) src(%arg9 : memref<128x128xf32, #tpu.memory_space<vmem>>) dst(%dma_wait3A_304 : memref<10016x128xf32, #tpu.memory_space<vmem_shared>>)
          tpu.yield
        }) : () -> ()
        %dma_start3A_239 = arith.constant 13 : i32
        %dma_start3A_240 = arith.constant 0 : i32
        %dma_start3A_241 = tpu.memref_slice %arg6[%dma_start3A_239, %dma_start3A_240] : memref<16x128xi32, #tpu.memory_space<vmem>> -> memref<1x128xi32, #tpu.memory_space<vmem>>
        %dma_start3A_242 = tpu.memref_squeeze %dma_start3A_241 : memref<1x128xi32, #tpu.memory_space<vmem>> -> memref<128xi32, #tpu.memory_space<vmem>>
        %dma_start3A_243 = arith.constant 0 : i32
        %dma_start3A_244 = arith.constant 0 : i32
        %dma_start3A_245 = tpu.memref_slice %arg2[%dma_start3A_243, %dma_start3A_244] : memref<40000x128xf32, #tpu.memory_space<hbm>> -> memref<40000x128xf32, #tpu.memory_space<hbm>>
        tpu.enqueue_indirect_dma source(%dma_start3A_245 : memref<40000x128xf32, #tpu.memory_space<hbm>>) target(%arg9 : memref<128x128xf32, #tpu.memory_space<vmem>>) offsets(%dma_start3A_242 : memref<128xi32, #tpu.memory_space<vmem>>) semaphore(%arg13 : memref<!tpu.dma_semaphore, #tpu.memory_space<semaphore_mem>>)
        %dma_wait3A_246 = arith.constant 12 : i32
        %dma_wait3A_247 = arith.constant 0 : i32
        %dma_wait3A_248 = tpu.memref_slice %arg6[%dma_wait3A_246, %dma_wait3A_247] : memref<16x128xi32, #tpu.memory_space<vmem>> -> memref<1x128xi32, #tpu.memory_space<vmem>>
        %dma_wait3A_249 = tpu.memref_squeeze %dma_wait3A_248 : memref<1x128xi32, #tpu.memory_space<vmem>> -> memref<128xi32, #tpu.memory_space<vmem>>
        %dma_wait3A_250 = arith.constant 0 : i32
        %dma_wait3A_251 = arith.constant 0 : i32
        %dma_wait3A_252 = tpu.memref_slice %arg2[%dma_wait3A_250, %dma_wait3A_251] : memref<40000x128xf32, #tpu.memory_space<hbm>> -> memref<40000x128xf32, #tpu.memory_space<hbm>>
        tpu.wait_indirect_dma semaphore(%arg12 : memref<!tpu.dma_semaphore, #tpu.memory_space<semaphore_mem>>) src(%dma_wait3A_252 : memref<40000x128xf32, #tpu.memory_space<hbm>>) dst(%arg8 : memref<128x128xf32, #tpu.memory_space<vmem>>)
        %run_scoped3A_253 = arith.constant 12 : i32
        "tpu.region"() ({
          %run_scoped3A_292 = tpu.sem_alloc : memref<!tpu.dma_semaphore, #tpu.memory_space<semaphore_mem>>
          %dma_start3A_293 = arith.constant 0 : i32
          %dma_start3A_294 = tpu.memref_slice %arg7[%run_scoped3A_253, %dma_start3A_293] : memref<16x128xi32, #tpu.memory_space<vmem>> -> memref<1x128xi32, #tpu.memory_space<vmem>>
          %dma_start3A_295 = tpu.memref_squeeze %dma_start3A_294 : memref<1x128xi32, #tpu.memory_space<vmem>> -> memref<128xi32, #tpu.memory_space<vmem>>
          %dma_start3A_296 = arith.constant 0 : i32
          %dma_start3A_297 = arith.constant 0 : i32
          %dma_start3A_298 = tpu.memref_slice %arg11[%dma_start3A_296, %dma_start3A_297] : memref<10016x128xf32, #tpu.memory_space<vmem_shared>> -> memref<10016x128xf32, #tpu.memory_space<vmem_shared>>
          tpu.enqueue_indirect_dma source(%arg8 : memref<128x128xf32, #tpu.memory_space<vmem>>) target(%dma_start3A_298 : memref<10016x128xf32, #tpu.memory_space<vmem_shared>>) offsets(%dma_start3A_295 : memref<128xi32, #tpu.memory_space<vmem>>) semaphore(%run_scoped3A_292 : memref<!tpu.dma_semaphore, #tpu.memory_space<semaphore_mem>>) {add = true}
          %dma_wait3A_299 = arith.constant 0 : i32
          %dma_wait3A_300 = tpu.memref_slice %arg7[%run_scoped3A_253, %dma_wait3A_299] : memref<16x128xi32, #tpu.memory_space<vmem>> -> memref<1x128xi32, #tpu.memory_space<vmem>>
          %dma_wait3A_301 = tpu.memref_squeeze %dma_wait3A_300 : memref<1x128xi32, #tpu.memory_space<vmem>> -> memref<128xi32, #tpu.memory_space<vmem>>
          %dma_wait3A_302 = arith.constant 0 : i32
          %dma_wait3A_303 = arith.constant 0 : i32
          %dma_wait3A_304 = tpu.memref_slice %arg11[%dma_wait3A_302, %dma_wait3A_303] : memref<10016x128xf32, #tpu.memory_space<vmem_shared>> -> memref<10016x128xf32, #tpu.memory_space<vmem_shared>>
          tpu.wait_indirect_dma semaphore(%run_scoped3A_292 : memref<!tpu.dma_semaphore, #tpu.memory_space<semaphore_mem>>) src(%arg8 : memref<128x128xf32, #tpu.memory_space<vmem>>) dst(%dma_wait3A_304 : memref<10016x128xf32, #tpu.memory_space<vmem_shared>>)
          tpu.yield
        }) : () -> ()
        %dma_start3A_254 = arith.constant 14 : i32
        %dma_start3A_255 = arith.constant 0 : i32
        %dma_start3A_256 = tpu.memref_slice %arg6[%dma_start3A_254, %dma_start3A_255] : memref<16x128xi32, #tpu.memory_space<vmem>> -> memref<1x128xi32, #tpu.memory_space<vmem>>
        %dma_start3A_257 = tpu.memref_squeeze %dma_start3A_256 : memref<1x128xi32, #tpu.memory_space<vmem>> -> memref<128xi32, #tpu.memory_space<vmem>>
        %dma_start3A_258 = arith.constant 0 : i32
        %dma_start3A_259 = arith.constant 0 : i32
        %dma_start3A_260 = tpu.memref_slice %arg2[%dma_start3A_258, %dma_start3A_259] : memref<40000x128xf32, #tpu.memory_space<hbm>> -> memref<40000x128xf32, #tpu.memory_space<hbm>>
        tpu.enqueue_indirect_dma source(%dma_start3A_260 : memref<40000x128xf32, #tpu.memory_space<hbm>>) target(%arg8 : memref<128x128xf32, #tpu.memory_space<vmem>>) offsets(%dma_start3A_257 : memref<128xi32, #tpu.memory_space<vmem>>) semaphore(%arg12 : memref<!tpu.dma_semaphore, #tpu.memory_space<semaphore_mem>>)
        %dma_wait3A_261 = arith.constant 13 : i32
        %dma_wait3A_262 = arith.constant 0 : i32
        %dma_wait3A_263 = tpu.memref_slice %arg6[%dma_wait3A_261, %dma_wait3A_262] : memref<16x128xi32, #tpu.memory_space<vmem>> -> memref<1x128xi32, #tpu.memory_space<vmem>>
        %dma_wait3A_264 = tpu.memref_squeeze %dma_wait3A_263 : memref<1x128xi32, #tpu.memory_space<vmem>> -> memref<128xi32, #tpu.memory_space<vmem>>
        %dma_wait3A_265 = arith.constant 0 : i32
        %dma_wait3A_266 = arith.constant 0 : i32
        %dma_wait3A_267 = tpu.memref_slice %arg2[%dma_wait3A_265, %dma_wait3A_266] : memref<40000x128xf32, #tpu.memory_space<hbm>> -> memref<40000x128xf32, #tpu.memory_space<hbm>>
        tpu.wait_indirect_dma semaphore(%arg13 : memref<!tpu.dma_semaphore, #tpu.memory_space<semaphore_mem>>) src(%dma_wait3A_267 : memref<40000x128xf32, #tpu.memory_space<hbm>>) dst(%arg9 : memref<128x128xf32, #tpu.memory_space<vmem>>)
        %run_scoped3A_268 = arith.constant 13 : i32
        "tpu.region"() ({
          %run_scoped3A_292 = tpu.sem_alloc : memref<!tpu.dma_semaphore, #tpu.memory_space<semaphore_mem>>
          %dma_start3A_293 = arith.constant 0 : i32
          %dma_start3A_294 = tpu.memref_slice %arg7[%run_scoped3A_268, %dma_start3A_293] : memref<16x128xi32, #tpu.memory_space<vmem>> -> memref<1x128xi32, #tpu.memory_space<vmem>>
          %dma_start3A_295 = tpu.memref_squeeze %dma_start3A_294 : memref<1x128xi32, #tpu.memory_space<vmem>> -> memref<128xi32, #tpu.memory_space<vmem>>
          %dma_start3A_296 = arith.constant 0 : i32
          %dma_start3A_297 = arith.constant 0 : i32
          %dma_start3A_298 = tpu.memref_slice %arg11[%dma_start3A_296, %dma_start3A_297] : memref<10016x128xf32, #tpu.memory_space<vmem_shared>> -> memref<10016x128xf32, #tpu.memory_space<vmem_shared>>
          tpu.enqueue_indirect_dma source(%arg9 : memref<128x128xf32, #tpu.memory_space<vmem>>) target(%dma_start3A_298 : memref<10016x128xf32, #tpu.memory_space<vmem_shared>>) offsets(%dma_start3A_295 : memref<128xi32, #tpu.memory_space<vmem>>) semaphore(%run_scoped3A_292 : memref<!tpu.dma_semaphore, #tpu.memory_space<semaphore_mem>>) {add = true}
          %dma_wait3A_299 = arith.constant 0 : i32
          %dma_wait3A_300 = tpu.memref_slice %arg7[%run_scoped3A_268, %dma_wait3A_299] : memref<16x128xi32, #tpu.memory_space<vmem>> -> memref<1x128xi32, #tpu.memory_space<vmem>>
          %dma_wait3A_301 = tpu.memref_squeeze %dma_wait3A_300 : memref<1x128xi32, #tpu.memory_space<vmem>> -> memref<128xi32, #tpu.memory_space<vmem>>
          %dma_wait3A_302 = arith.constant 0 : i32
          %dma_wait3A_303 = arith.constant 0 : i32
          %dma_wait3A_304 = tpu.memref_slice %arg11[%dma_wait3A_302, %dma_wait3A_303] : memref<10016x128xf32, #tpu.memory_space<vmem_shared>> -> memref<10016x128xf32, #tpu.memory_space<vmem_shared>>
          tpu.wait_indirect_dma semaphore(%run_scoped3A_292 : memref<!tpu.dma_semaphore, #tpu.memory_space<semaphore_mem>>) src(%arg9 : memref<128x128xf32, #tpu.memory_space<vmem>>) dst(%dma_wait3A_304 : memref<10016x128xf32, #tpu.memory_space<vmem_shared>>)
          tpu.yield
        }) : () -> ()
        %dma_start3A_269 = arith.constant 15 : i32
        %dma_start3A_270 = arith.constant 0 : i32
        %dma_start3A_271 = tpu.memref_slice %arg6[%dma_start3A_269, %dma_start3A_270] : memref<16x128xi32, #tpu.memory_space<vmem>> -> memref<1x128xi32, #tpu.memory_space<vmem>>
        %dma_start3A_272 = tpu.memref_squeeze %dma_start3A_271 : memref<1x128xi32, #tpu.memory_space<vmem>> -> memref<128xi32, #tpu.memory_space<vmem>>
        %dma_start3A_273 = arith.constant 0 : i32
        %dma_start3A_274 = arith.constant 0 : i32
        %dma_start3A_275 = tpu.memref_slice %arg2[%dma_start3A_273, %dma_start3A_274] : memref<40000x128xf32, #tpu.memory_space<hbm>> -> memref<40000x128xf32, #tpu.memory_space<hbm>>
        tpu.enqueue_indirect_dma source(%dma_start3A_275 : memref<40000x128xf32, #tpu.memory_space<hbm>>) target(%arg9 : memref<128x128xf32, #tpu.memory_space<vmem>>) offsets(%dma_start3A_272 : memref<128xi32, #tpu.memory_space<vmem>>) semaphore(%arg13 : memref<!tpu.dma_semaphore, #tpu.memory_space<semaphore_mem>>)
        %dma_wait3A_276 = arith.constant 14 : i32
        %dma_wait3A_277 = arith.constant 0 : i32
        %dma_wait3A_278 = tpu.memref_slice %arg6[%dma_wait3A_276, %dma_wait3A_277] : memref<16x128xi32, #tpu.memory_space<vmem>> -> memref<1x128xi32, #tpu.memory_space<vmem>>
        %dma_wait3A_279 = tpu.memref_squeeze %dma_wait3A_278 : memref<1x128xi32, #tpu.memory_space<vmem>> -> memref<128xi32, #tpu.memory_space<vmem>>
        %dma_wait3A_280 = arith.constant 0 : i32
        %dma_wait3A_281 = arith.constant 0 : i32
        %dma_wait3A_282 = tpu.memref_slice %arg2[%dma_wait3A_280, %dma_wait3A_281] : memref<40000x128xf32, #tpu.memory_space<hbm>> -> memref<40000x128xf32, #tpu.memory_space<hbm>>
        tpu.wait_indirect_dma semaphore(%arg12 : memref<!tpu.dma_semaphore, #tpu.memory_space<semaphore_mem>>) src(%dma_wait3A_282 : memref<40000x128xf32, #tpu.memory_space<hbm>>) dst(%arg8 : memref<128x128xf32, #tpu.memory_space<vmem>>)
        %run_scoped3A_283 = arith.constant 14 : i32
        "tpu.region"() ({
          %run_scoped3A_292 = tpu.sem_alloc : memref<!tpu.dma_semaphore, #tpu.memory_space<semaphore_mem>>
          %dma_start3A_293 = arith.constant 0 : i32
          %dma_start3A_294 = tpu.memref_slice %arg7[%run_scoped3A_283, %dma_start3A_293] : memref<16x128xi32, #tpu.memory_space<vmem>> -> memref<1x128xi32, #tpu.memory_space<vmem>>
          %dma_start3A_295 = tpu.memref_squeeze %dma_start3A_294 : memref<1x128xi32, #tpu.memory_space<vmem>> -> memref<128xi32, #tpu.memory_space<vmem>>
          %dma_start3A_296 = arith.constant 0 : i32
          %dma_start3A_297 = arith.constant 0 : i32
          %dma_start3A_298 = tpu.memref_slice %arg11[%dma_start3A_296, %dma_start3A_297] : memref<10016x128xf32, #tpu.memory_space<vmem_shared>> -> memref<10016x128xf32, #tpu.memory_space<vmem_shared>>
          tpu.enqueue_indirect_dma source(%arg8 : memref<128x128xf32, #tpu.memory_space<vmem>>) target(%dma_start3A_298 : memref<10016x128xf32, #tpu.memory_space<vmem_shared>>) offsets(%dma_start3A_295 : memref<128xi32, #tpu.memory_space<vmem>>) semaphore(%run_scoped3A_292 : memref<!tpu.dma_semaphore, #tpu.memory_space<semaphore_mem>>) {add = true}
          %dma_wait3A_299 = arith.constant 0 : i32
          %dma_wait3A_300 = tpu.memref_slice %arg7[%run_scoped3A_283, %dma_wait3A_299] : memref<16x128xi32, #tpu.memory_space<vmem>> -> memref<1x128xi32, #tpu.memory_space<vmem>>
          %dma_wait3A_301 = tpu.memref_squeeze %dma_wait3A_300 : memref<1x128xi32, #tpu.memory_space<vmem>> -> memref<128xi32, #tpu.memory_space<vmem>>
          %dma_wait3A_302 = arith.constant 0 : i32
          %dma_wait3A_303 = arith.constant 0 : i32
          %dma_wait3A_304 = tpu.memref_slice %arg11[%dma_wait3A_302, %dma_wait3A_303] : memref<10016x128xf32, #tpu.memory_space<vmem_shared>> -> memref<10016x128xf32, #tpu.memory_space<vmem_shared>>
          tpu.wait_indirect_dma semaphore(%run_scoped3A_292 : memref<!tpu.dma_semaphore, #tpu.memory_space<semaphore_mem>>) src(%arg8 : memref<128x128xf32, #tpu.memory_space<vmem>>) dst(%dma_wait3A_304 : memref<10016x128xf32, #tpu.memory_space<vmem_shared>>)
          tpu.yield
        }) : () -> ()
        %dma_wait3A_284 = arith.constant 15 : i32
        %dma_wait3A_285 = arith.constant 0 : i32
        %dma_wait3A_286 = tpu.memref_slice %arg6[%dma_wait3A_284, %dma_wait3A_285] : memref<16x128xi32, #tpu.memory_space<vmem>> -> memref<1x128xi32, #tpu.memory_space<vmem>>
        %dma_wait3A_287 = tpu.memref_squeeze %dma_wait3A_286 : memref<1x128xi32, #tpu.memory_space<vmem>> -> memref<128xi32, #tpu.memory_space<vmem>>
        %dma_wait3A_288 = arith.constant 0 : i32
        %dma_wait3A_289 = arith.constant 0 : i32
        %dma_wait3A_290 = tpu.memref_slice %arg2[%dma_wait3A_288, %dma_wait3A_289] : memref<40000x128xf32, #tpu.memory_space<hbm>> -> memref<40000x128xf32, #tpu.memory_space<hbm>>
        tpu.wait_indirect_dma semaphore(%arg13 : memref<!tpu.dma_semaphore, #tpu.memory_space<semaphore_mem>>) src(%dma_wait3A_290 : memref<40000x128xf32, #tpu.memory_space<hbm>>) dst(%arg9 : memref<128x128xf32, #tpu.memory_space<vmem>>)
        %run_scoped3A_291 = arith.constant 15 : i32
        "tpu.region"() ({
          %run_scoped3A_292 = tpu.sem_alloc : memref<!tpu.dma_semaphore, #tpu.memory_space<semaphore_mem>>
          %dma_start3A_293 = arith.constant 0 : i32
          %dma_start3A_294 = tpu.memref_slice %arg7[%run_scoped3A_291, %dma_start3A_293] : memref<16x128xi32, #tpu.memory_space<vmem>> -> memref<1x128xi32, #tpu.memory_space<vmem>>
          %dma_start3A_295 = tpu.memref_squeeze %dma_start3A_294 : memref<1x128xi32, #tpu.memory_space<vmem>> -> memref<128xi32, #tpu.memory_space<vmem>>
          %dma_start3A_296 = arith.constant 0 : i32
          %dma_start3A_297 = arith.constant 0 : i32
          %dma_start3A_298 = tpu.memref_slice %arg11[%dma_start3A_296, %dma_start3A_297] : memref<10016x128xf32, #tpu.memory_space<vmem_shared>> -> memref<10016x128xf32, #tpu.memory_space<vmem_shared>>
          tpu.enqueue_indirect_dma source(%arg9 : memref<128x128xf32, #tpu.memory_space<vmem>>) target(%dma_start3A_298 : memref<10016x128xf32, #tpu.memory_space<vmem_shared>>) offsets(%dma_start3A_295 : memref<128xi32, #tpu.memory_space<vmem>>) semaphore(%run_scoped3A_292 : memref<!tpu.dma_semaphore, #tpu.memory_space<semaphore_mem>>) {add = true}
          %dma_wait3A_299 = arith.constant 0 : i32
          %dma_wait3A_300 = tpu.memref_slice %arg7[%run_scoped3A_291, %dma_wait3A_299] : memref<16x128xi32, #tpu.memory_space<vmem>> -> memref<1x128xi32, #tpu.memory_space<vmem>>
          %dma_wait3A_301 = tpu.memref_squeeze %dma_wait3A_300 : memref<1x128xi32, #tpu.memory_space<vmem>> -> memref<128xi32, #tpu.memory_space<vmem>>
          %dma_wait3A_302 = arith.constant 0 : i32
          %dma_wait3A_303 = arith.constant 0 : i32
          %dma_wait3A_304 = tpu.memref_slice %arg11[%dma_wait3A_302, %dma_wait3A_303] : memref<10016x128xf32, #tpu.memory_space<vmem_shared>> -> memref<10016x128xf32, #tpu.memory_space<vmem_shared>>
          tpu.wait_indirect_dma semaphore(%run_scoped3A_292 : memref<!tpu.dma_semaphore, #tpu.memory_space<semaphore_mem>>) src(%arg9 : memref<128x128xf32, #tpu.memory_space<vmem>>) dst(%dma_wait3A_304 : memref<10016x128xf32, #tpu.memory_space<vmem_shared>>)
          tpu.yield
        }) : () -> ()
      }
      %scan3A_30 = arith.constant 10 : i32
      %barrier3A_31 = arith.constant 0 : index
      tpu.barrier barrier_id(%barrier3A_31)
      %mul3A_32 = arith.constant 640 : i32
      %mul3A_33 = arith.muli %arg1, %mul3A_32 : i32
      %eq3A_34 = arith.constant 15 : i32
      %eq3A_35 = arith.cmpi eq, %arg1, %eq3A_34 : i32
      %jit3A_36 = arith.constant 5 : i32
      %jit3A_37 = arith.constant 8 : i32
      %select_n3A_38 = arith.select %eq3A_35, %jit3A_36, %jit3A_37 : i32
      %while3A_39 = arith.constant 0 : i32
      %while3A_40 = arith.subi %select_n3A_38, %while3A_39 : i32
      %while3A_41 = arith.addi %while3A_39, %while3A_40 : i32
      %while3A_42 = arith.constant 1 : i32
      %while3A_43 = arith.divsi %while3A_40, %while3A_42 : i32
      %while3A_44 = arith.muli %while3A_43, %while3A_42 : i32
      %while3A_45 = arith.addi %while3A_39, %while3A_44 : i32
      %while3A_46 = arith.constant 1 : i32
      scf.for %while3A_49 = %while3A_39 to %while3A_45 step %while3A_46  : i32 {
        %mul3A_50 = arith.constant 80 : i32
        %mul3A_51 = arith.muli %while3A_49, %mul3A_50 : i32
        %add3A_52 = arith.addi %mul3A_33, %mul3A_51 : i32
        "tpu.region"() ({
          %run_scoped3A = tpu.sem_alloc : memref<!tpu.dma_semaphore, #tpu.memory_space<semaphore_mem>>
          %dma_start3A = arith.constant 0 : i32
          %dma_start3A_53 = tpu.memref_slice %arg5[%add3A, %add3A_52, %dma_start3A] : memref<4x10000x128xf32, #tpu.memory_space<hbm>> -> memref<1x80x128xf32, #tpu.memory_space<hbm>>
          %dma_start3A_54 = tpu.memref_squeeze %dma_start3A_53 : memref<1x80x128xf32, #tpu.memory_space<hbm>> -> memref<80x128xf32, #tpu.memory_space<hbm>>
          %dma_start3A_55 = arith.constant 0 : i32
          %dma_start3A_56 = tpu.memref_slice %arg11[%add3A_52, %dma_start3A_55] : memref<10016x128xf32, #tpu.memory_space<vmem_shared>> -> memref<80x128xf32, #tpu.memory_space<vmem_shared>>
          tpu.enqueue_dma source(%dma_start3A_56 : memref<80x128xf32, #tpu.memory_space<vmem_shared>>) target(%dma_start3A_54 : memref<80x128xf32, #tpu.memory_space<hbm>>) target_semaphore(%run_scoped3A : memref<!tpu.dma_semaphore, #tpu.memory_space<semaphore_mem>>)
          %dma_wait3A = arith.constant 0 : i32
          %dma_wait3A_57 = tpu.memref_slice %arg5[%add3A, %add3A_52, %dma_wait3A] : memref<4x10000x128xf32, #tpu.memory_space<hbm>> -> memref<1x80x128xf32, #tpu.memory_space<hbm>>
          %dma_wait3A_58 = tpu.memref_squeeze %dma_wait3A_57 : memref<1x80x128xf32, #tpu.memory_space<hbm>> -> memref<80x128xf32, #tpu.memory_space<hbm>>
          %dma_wait3A_59 = arith.constant 0 : i32
          %dma_wait3A_60 = tpu.memref_slice %arg11[%add3A_52, %dma_wait3A_59] : memref<10016x128xf32, #tpu.memory_space<vmem_shared>> -> memref<80x128xf32, #tpu.memory_space<vmem_shared>>
          tpu.wait_dma2 semaphore(%run_scoped3A : memref<!tpu.dma_semaphore, #tpu.memory_space<semaphore_mem>>) src(%dma_wait3A_60 : memref<80x128xf32, #tpu.memory_space<vmem_shared>>) dst(%dma_wait3A_58 : memref<80x128xf32, #tpu.memory_space<hbm>>)
          tpu.yield
        }) : () -> ()
      }
      %while3A_47 = arith.constant 1 : i32
      scf.for %while3A_49 = %while3A_45 to %while3A_41 step %while3A_47  : i32 {
        %mul3A_50 = arith.constant 80 : i32
        %mul3A_51 = arith.muli %while3A_49, %mul3A_50 : i32
        %add3A_52 = arith.addi %mul3A_33, %mul3A_51 : i32
        "tpu.region"() ({
          %run_scoped3A = tpu.sem_alloc : memref<!tpu.dma_semaphore, #tpu.memory_space<semaphore_mem>>
          %dma_start3A = arith.constant 0 : i32
          %dma_start3A_53 = tpu.memref_slice %arg5[%add3A, %add3A_52, %dma_start3A] : memref<4x10000x128xf32, #tpu.memory_space<hbm>> -> memref<1x80x128xf32, #tpu.memory_space<hbm>>
          %dma_start3A_54 = tpu.memref_squeeze %dma_start3A_53 : memref<1x80x128xf32, #tpu.memory_space<hbm>> -> memref<80x128xf32, #tpu.memory_space<hbm>>
          %dma_start3A_55 = arith.constant 0 : i32
          %dma_start3A_56 = tpu.memref_slice %arg11[%add3A_52, %dma_start3A_55] : memref<10016x128xf32, #tpu.memory_space<vmem_shared>> -> memref<80x128xf32, #tpu.memory_space<vmem_shared>>
          tpu.enqueue_dma source(%dma_start3A_56 : memref<80x128xf32, #tpu.memory_space<vmem_shared>>) target(%dma_start3A_54 : memref<80x128xf32, #tpu.memory_space<hbm>>) target_semaphore(%run_scoped3A : memref<!tpu.dma_semaphore, #tpu.memory_space<semaphore_mem>>)
          %dma_wait3A = arith.constant 0 : i32
          %dma_wait3A_57 = tpu.memref_slice %arg5[%add3A, %add3A_52, %dma_wait3A] : memref<4x10000x128xf32, #tpu.memory_space<hbm>> -> memref<1x80x128xf32, #tpu.memory_space<hbm>>
          %dma_wait3A_58 = tpu.memref_squeeze %dma_wait3A_57 : memref<1x80x128xf32, #tpu.memory_space<hbm>> -> memref<80x128xf32, #tpu.memory_space<hbm>>
          %dma_wait3A_59 = arith.constant 0 : i32
          %dma_wait3A_60 = tpu.memref_slice %arg11[%add3A_52, %dma_wait3A_59] : memref<10016x128xf32, #tpu.memory_space<vmem_shared>> -> memref<80x128xf32, #tpu.memory_space<vmem_shared>>
          tpu.wait_dma2 semaphore(%run_scoped3A : memref<!tpu.dma_semaphore, #tpu.memory_space<semaphore_mem>>) src(%dma_wait3A_60 : memref<80x128xf32, #tpu.memory_space<vmem_shared>>) dst(%dma_wait3A_58 : memref<80x128xf32, #tpu.memory_space<hbm>>)
          tpu.yield
        }) : () -> ()
      }
      %barrier3A_48 = arith.constant 0 : index
      tpu.barrier barrier_id(%barrier3A_48)
    }
    %scan3A_8 = arith.constant 2 : i32
    return
  }
}

module attributes {stable_mosaic.version = 14 : i64} {
  func.func @_prep_body(%arg0: i32, %arg1: memref<2000x128xf32, #tpu.memory_space<vmem>>, %arg2: memref<2000x128xf32, #tpu.memory_space<vmem>>, %arg3: memref<2000x16xf32, #tpu.memory_space<vmem>>, %arg4: memref<2000x16xf32, #tpu.memory_space<vmem>>, %arg5: memref<2000x16xf32, #tpu.memory_space<vmem>>, %arg6: memref<2000x16xf32, #tpu.memory_space<vmem>>, %arg7: memref<2000x128xf32, #tpu.memory_space<vmem>>, %arg8: memref<2000x128xf32, #tpu.memory_space<vmem>>, %arg9: memref<2000x128xf32, #tpu.memory_space<vmem>>, %arg10: memref<2000x128xf32, #tpu.memory_space<vmem>>, %arg11: memref<2000x16xf32, #tpu.memory_space<vmem>>, %arg12: memref<2000x16xf32, #tpu.memory_space<vmem>>, %arg13: memref<2000x16xf32, #tpu.memory_space<vmem>>, %arg14: memref<2000x16xf32, #tpu.memory_space<vmem>>) attributes {dimension_semantics = [#tpu.dimension_semantics<arbitrary>], iteration_bounds = array<i64: 5>, scalar_prefetch = 0 : i64, scratch_operands = 0 : i64, tpu.core_type = #tpu.core_type<tc>, window_params = [{transform_indices = @transform_0, window_bounds = array<i64: 2000, 128>}, {transform_indices = @transform_1, window_bounds = array<i64: 2000, 128>}, {transform_indices = @transform_2, window_bounds = array<i64: 2000, 16>}, {transform_indices = @transform_3, window_bounds = array<i64: 2000, 16>}, {transform_indices = @transform_4, window_bounds = array<i64: 2000, 16>}, {transform_indices = @transform_5, window_bounds = array<i64: 2000, 16>}, {transform_indices = @transform_6, window_bounds = array<i64: 2000, 128>}, {transform_indices = @transform_7, window_bounds = array<i64: 2000, 128>}, {transform_indices = @transform_8, window_bounds = array<i64: 2000, 128>}, {transform_indices = @transform_9, window_bounds = array<i64: 2000, 128>}, {transform_indices = @transform_10, window_bounds = array<i64: 2000, 16>}, {transform_indices = @transform_11, window_bounds = array<i64: 2000, 16>}, {transform_indices = @transform_12, window_bounds = array<i64: 2000, 16>}, {transform_indices = @transform_13, window_bounds = array<i64: 2000, 16>}]} {
    %get3A = arith.constant 0 : index
    %get3A_0 = arith.constant 0 : index
    %get3A_1 = vector.load %arg1[%get3A, %get3A_0] : memref<2000x128xf32, #tpu.memory_space<vmem>>, vector<2000x128xf32>
    %gt3A = arith.constant 0.000000e+00 : f32
    %gt3A_2 = vector.broadcast %gt3A : f32 to vector<2000x128xf32>
    %gt3A_3 = arith.cmpf ogt, %get3A_1, %gt3A_2 : vector<2000x128xf32>
    %min3A = arith.constant 0.000000e+00 : f32
    %min3A_4 = vector.broadcast %min3A : f32 to vector<2000x128xf32>
    %min3A_5 = arith.minimumf %get3A_1, %min3A_4 : vector<2000x128xf32>
    %exp3A = math.exp %min3A_5 : vector<2000x128xf32>
    %sub3A = arith.constant 1.000000e+00 : f32
    %sub3A_6 = vector.broadcast %sub3A : f32 to vector<2000x128xf32>
    %sub3A_7 = arith.subf %exp3A, %sub3A_6 : vector<2000x128xf32>
    %select_n3A = arith.select %gt3A_3, %get3A_1, %sub3A_7 : vector<2000x128xi1>, vector<2000x128xf32>
    %get3A_8 = arith.constant 0 : index
    %get3A_9 = arith.constant 0 : index
    %get3A_10 = vector.load %arg2[%get3A_8, %get3A_9] : memref<2000x128xf32, #tpu.memory_space<vmem>>, vector<2000x128xf32>
    %gt3A_11 = arith.constant 0.000000e+00 : f32
    %gt3A_12 = vector.broadcast %gt3A_11 : f32 to vector<2000x128xf32>
    %gt3A_13 = arith.cmpf ogt, %get3A_10, %gt3A_12 : vector<2000x128xf32>
    %min3A_14 = arith.constant 0.000000e+00 : f32
    %min3A_15 = vector.broadcast %min3A_14 : f32 to vector<2000x128xf32>
    %min3A_16 = arith.minimumf %get3A_10, %min3A_15 : vector<2000x128xf32>
    %exp3A_17 = math.exp %min3A_16 : vector<2000x128xf32>
    %sub3A_18 = arith.constant 1.000000e+00 : f32
    %sub3A_19 = vector.broadcast %sub3A_18 : f32 to vector<2000x128xf32>
    %sub3A_20 = arith.subf %exp3A_17, %sub3A_19 : vector<2000x128xf32>
    %select_n3A_21 = arith.select %gt3A_13, %get3A_10, %sub3A_20 : vector<2000x128xi1>, vector<2000x128xf32>
    %get3A_22 = arith.constant 0 : index
    %get3A_23 = arith.constant 0 : index
    %get3A_24 = vector.load %arg3[%get3A_22, %get3A_23] : memref<2000x16xf32, #tpu.memory_space<vmem>>, vector<2000x16xf32>
    %add3A = arith.constant 1.000000e+00 : f32
    %add3A_25 = vector.broadcast %add3A : f32 to vector<2000x16xf32>
    %add3A_26 = arith.addf %get3A_24, %add3A_25 : vector<2000x16xf32>
    %rsqrt3A = math.rsqrt %add3A_26 : vector<2000x16xf32>
    %get3A_27 = arith.constant 0 : index
    %get3A_28 = arith.constant 0 : index
    %get3A_29 = vector.load %arg4[%get3A_27, %get3A_28] : memref<2000x16xf32, #tpu.memory_space<vmem>>, vector<2000x16xf32>
    %add3A_30 = arith.constant 1.000000e+00 : f32
    %add3A_31 = vector.broadcast %add3A_30 : f32 to vector<2000x16xf32>
    %add3A_32 = arith.addf %get3A_29, %add3A_31 : vector<2000x16xf32>
    %rsqrt3A_33 = math.rsqrt %add3A_32 : vector<2000x16xf32>
    %swap3A = arith.constant 0 : index
    %swap3A_34 = arith.constant 0 : index
    %swap3A_35 = vector.load %arg7[%swap3A, %swap3A_34] : memref<2000x128xf32, #tpu.memory_space<vmem>>, vector<2000x128xf32>
    tpu.vector_store %arg7[%swap3A, %swap3A_34], %select_n3A {strides = array<i32>} : memref<2000x128xf32, #tpu.memory_space<vmem>>, vector<2000x128xf32>,
    %swap3A_36 = arith.constant 0 : index
    %swap3A_37 = arith.constant 0 : index
    %swap3A_38 = vector.load %arg8[%swap3A_36, %swap3A_37] : memref<2000x128xf32, #tpu.memory_space<vmem>>, vector<2000x128xf32>
    tpu.vector_store %arg8[%swap3A_36, %swap3A_37], %select_n3A_21 {strides = array<i32>} : memref<2000x128xf32, #tpu.memory_space<vmem>>, vector<2000x128xf32>,
    %slice3A = vector.extract_strided_slice %rsqrt3A {offsets = [0, 0], sizes = [2000, 1], strides = [1, 1]} : vector<2000x16xf32> to vector<2000x1xf32>
    %mul3A = vector.broadcast %slice3A : vector<2000x1xf32> to vector<2000x128xf32>
    %mul3A_39 = arith.mulf %select_n3A, %mul3A : vector<2000x128xf32>
    %swap3A_40 = arith.constant 0 : index
    %swap3A_41 = arith.constant 0 : index
    %swap3A_42 = vector.load %arg9[%swap3A_40, %swap3A_41] : memref<2000x128xf32, #tpu.memory_space<vmem>>, vector<2000x128xf32>
    tpu.vector_store %arg9[%swap3A_40, %swap3A_41], %mul3A_39 {strides = array<i32>} : memref<2000x128xf32, #tpu.memory_space<vmem>>, vector<2000x128xf32>,
    %slice3A_43 = vector.extract_strided_slice %rsqrt3A_33 {offsets = [0, 0], sizes = [2000, 1], strides = [1, 1]} : vector<2000x16xf32> to vector<2000x1xf32>
    %mul3A_44 = vector.broadcast %slice3A_43 : vector<2000x1xf32> to vector<2000x128xf32>
    %mul3A_45 = arith.mulf %select_n3A_21, %mul3A_44 : vector<2000x128xf32>
    %swap3A_46 = arith.constant 0 : index
    %swap3A_47 = arith.constant 0 : index
    %swap3A_48 = vector.load %arg10[%swap3A_46, %swap3A_47] : memref<2000x128xf32, #tpu.memory_space<vmem>>, vector<2000x128xf32>
    tpu.vector_store %arg10[%swap3A_46, %swap3A_47], %mul3A_45 {strides = array<i32>} : memref<2000x128xf32, #tpu.memory_space<vmem>>, vector<2000x128xf32>,
    %swap3A_49 = arith.constant 0 : index
    %swap3A_50 = arith.constant 0 : index
    %swap3A_51 = vector.load %arg11[%swap3A_49, %swap3A_50] : memref<2000x16xf32, #tpu.memory_space<vmem>>, vector<2000x16xf32>
    tpu.vector_store %arg11[%swap3A_49, %swap3A_50], %rsqrt3A {strides = array<i32>} : memref<2000x16xf32, #tpu.memory_space<vmem>>, vector<2000x16xf32>,
    %swap3A_52 = arith.constant 0 : index
    %swap3A_53 = arith.constant 0 : index
    %swap3A_54 = vector.load %arg12[%swap3A_52, %swap3A_53] : memref<2000x16xf32, #tpu.memory_space<vmem>>, vector<2000x16xf32>
    tpu.vector_store %arg12[%swap3A_52, %swap3A_53], %rsqrt3A_33 {strides = array<i32>} : memref<2000x16xf32, #tpu.memory_space<vmem>>, vector<2000x16xf32>,
    %get3A_55 = arith.constant 0 : index
    %get3A_56 = arith.constant 0 : index
    %get3A_57 = vector.load %arg5[%get3A_55, %get3A_56] : memref<2000x16xf32, #tpu.memory_space<vmem>>, vector<2000x16xf32>
    %max3A = arith.constant 1.000000e+00 : f32
    %max3A_58 = vector.broadcast %max3A : f32 to vector<2000x16xf32>
    %max3A_59 = arith.maximumf %get3A_57, %max3A_58 : vector<2000x16xf32>
    %div3A = arith.constant 1.000000e+00 : f32
    %div3A_60 = vector.broadcast %div3A : f32 to vector<2000x16xf32>
    %div3A_61 = arith.divf %div3A_60, %max3A_59 : vector<2000x16xf32>
    %swap3A_62 = arith.constant 0 : index
    %swap3A_63 = arith.constant 0 : index
    %swap3A_64 = vector.load %arg13[%swap3A_62, %swap3A_63] : memref<2000x16xf32, #tpu.memory_space<vmem>>, vector<2000x16xf32>
    tpu.vector_store %arg13[%swap3A_62, %swap3A_63], %div3A_61 {strides = array<i32>} : memref<2000x16xf32, #tpu.memory_space<vmem>>, vector<2000x16xf32>,
    %get3A_65 = arith.constant 0 : index
    %get3A_66 = arith.constant 0 : index
    %get3A_67 = vector.load %arg6[%get3A_65, %get3A_66] : memref<2000x16xf32, #tpu.memory_space<vmem>>, vector<2000x16xf32>
    %max3A_68 = arith.constant 1.000000e+00 : f32
    %max3A_69 = vector.broadcast %max3A_68 : f32 to vector<2000x16xf32>
    %max3A_70 = arith.maximumf %get3A_67, %max3A_69 : vector<2000x16xf32>
    %div3A_71 = arith.constant 1.000000e+00 : f32
    %div3A_72 = vector.broadcast %div3A_71 : f32 to vector<2000x16xf32>
    %div3A_73 = arith.divf %div3A_72, %max3A_70 : vector<2000x16xf32>
    %swap3A_74 = arith.constant 0 : index
    %swap3A_75 = arith.constant 0 : index
    %swap3A_76 = vector.load %arg14[%swap3A_74, %swap3A_75] : memref<2000x16xf32, #tpu.memory_space<vmem>>, vector<2000x16xf32>
    tpu.vector_store %arg14[%swap3A_74, %swap3A_75], %div3A_73 {strides = array<i32>} : memref<2000x16xf32, #tpu.memory_space<vmem>>, vector<2000x16xf32>,
    return
  }
  func.func @transform_0(%arg0: i32) -> (i32, i32) {
    %c0_i32 = arith.constant 0 : i32
    %c0_i32_0 = arith.constant 0 : i32
    return %arg0, %c0_i32 : i32, i32
  }
  func.func @transform_1(%arg0: i32) -> (i32, i32) {
    %c0_i32 = arith.constant 0 : i32
    %c0_i32_0 = arith.constant 0 : i32
    return %arg0, %c0_i32 : i32, i32
  }
  func.func @transform_2(%arg0: i32) -> (i32, i32) {
    %c0_i32 = arith.constant 0 : i32
    %c0_i32_0 = arith.constant 0 : i32
    return %arg0, %c0_i32 : i32, i32
  }
  func.func @transform_3(%arg0: i32) -> (i32, i32) {
    %c0_i32 = arith.constant 0 : i32
    %c0_i32_0 = arith.constant 0 : i32
    return %arg0, %c0_i32 : i32, i32
  }
  func.func @transform_4(%arg0: i32) -> (i32, i32) {
    %c0_i32 = arith.constant 0 : i32
    %c0_i32_0 = arith.constant 0 : i32
    return %arg0, %c0_i32 : i32, i32
  }
  func.func @transform_5(%arg0: i32) -> (i32, i32) {
    %c0_i32 = arith.constant 0 : i32
    %c0_i32_0 = arith.constant 0 : i32
    return %arg0, %c0_i32 : i32, i32
  }
  func.func @transform_6(%arg0: i32) -> (i32, i32) {
    %c0_i32 = arith.constant 0 : i32
    %c0_i32_0 = arith.constant 0 : i32
    return %arg0, %c0_i32 : i32, i32
  }
  func.func @transform_7(%arg0: i32) -> (i32, i32) {
    %c0_i32 = arith.constant 0 : i32
    %c0_i32_0 = arith.constant 0 : i32
    return %arg0, %c0_i32 : i32, i32
  }
  func.func @transform_8(%arg0: i32) -> (i32, i32) {
    %c0_i32 = arith.constant 0 : i32
    %c0_i32_0 = arith.constant 0 : i32
    return %arg0, %c0_i32 : i32, i32
  }
  func.func @transform_9(%arg0: i32) -> (i32, i32) {
    %c0_i32 = arith.constant 0 : i32
    %c0_i32_0 = arith.constant 0 : i32
    return %arg0, %c0_i32 : i32, i32
  }
  func.func @transform_10(%arg0: i32) -> (i32, i32) {
    %c0_i32 = arith.constant 0 : i32
    %c0_i32_0 = arith.constant 0 : i32
    return %arg0, %c0_i32 : i32, i32
  }
  func.func @transform_11(%arg0: i32) -> (i32, i32) {
    %c0_i32 = arith.constant 0 : i32
    %c0_i32_0 = arith.constant 0 : i32
    return %arg0, %c0_i32 : i32, i32
  }
  func.func @transform_12(%arg0: i32) -> (i32, i32) {
    %c0_i32 = arith.constant 0 : i32
    %c0_i32_0 = arith.constant 0 : i32
    return %arg0, %c0_i32 : i32, i32
  }
  func.func @transform_13(%arg0: i32) -> (i32, i32) {
    %c0_i32 = arith.constant 0 : i32
    %c0_i32_0 = arith.constant 0 : i32
    return %arg0, %c0_i32 : i32, i32
  }
}

module attributes {stable_mosaic.version = 14 : i64} {
  func.func @_dense_body(%arg0: i32, %arg1: memref<2000x128xf32, #tpu.memory_space<vmem>>, %arg2: memref<2000x128xf32, #tpu.memory_space<vmem>>, %arg3: memref<1x2000x128xf32, #tpu.memory_space<vmem>>, %arg4: memref<1x2000x128xf32, #tpu.memory_space<vmem>>, %arg5: memref<2000x16xf32, #tpu.memory_space<vmem>>, %arg6: memref<2000x16xf32, #tpu.memory_space<vmem>>, %arg7: memref<128x128xf32, #tpu.memory_space<vmem>>, %arg8: memref<1x128xf32, #tpu.memory_space<vmem>>, %arg9: memref<128x128xf32, #tpu.memory_space<vmem>>, %arg10: memref<128x128xf32, #tpu.memory_space<vmem>>, %arg11: memref<1x128xf32, #tpu.memory_space<vmem>>, %arg12: memref<2000x256xf32, #tpu.memory_space<vmem>>) attributes {dimension_semantics = [#tpu.dimension_semantics<arbitrary>], iteration_bounds = array<i64: 5>, scalar_prefetch = 0 : i64, scratch_operands = 0 : i64, tpu.core_type = #tpu.core_type<tc>, window_params = [{transform_indices = @transform_0, window_bounds = array<i64: 2000, 128>}, {transform_indices = @transform_1, window_bounds = array<i64: 2000, 128>}, {transform_indices = @transform_2, window_bounds = array<i64: 1, 2000, 128>}, {transform_indices = @transform_3, window_bounds = array<i64: 1, 2000, 128>}, {transform_indices = @transform_4, window_bounds = array<i64: 2000, 16>}, {transform_indices = @transform_5, window_bounds = array<i64: 2000, 16>}, {pipeline_mode = #tpu.pipeline_mode<synchronous>, transform_indices = @transform_6, window_bounds = array<i64: 128, 128>}, {pipeline_mode = #tpu.pipeline_mode<synchronous>, transform_indices = @transform_7, window_bounds = array<i64: 1, 128>}, {pipeline_mode = #tpu.pipeline_mode<synchronous>, transform_indices = @transform_8, window_bounds = array<i64: 128, 128>}, {pipeline_mode = #tpu.pipeline_mode<synchronous>, transform_indices = @transform_9, window_bounds = array<i64: 128, 128>}, {pipeline_mode = #tpu.pipeline_mode<synchronous>, transform_indices = @transform_10, window_bounds = array<i64: 1, 128>}, {transform_indices = @transform_11, window_bounds = array<i64: 2000, 256>}]} {
    %get3A = arith.constant 0 : index
    %get3A_0 = arith.constant 0 : index
    %get3A_1 = vector.load %arg5[%get3A, %get3A_0] : memref<2000x16xf32, #tpu.memory_space<vmem>>, vector<2000x1xf32>
    %get3A_2 = arith.constant 0 : index
    %get3A_3 = arith.constant 0 : index
    %get3A_4 = arith.constant 0 : index
    %get3A_5 = vector.load %arg3[%get3A_2, %get3A_3, %get3A_4] : memref<1x2000x128xf32, #tpu.memory_space<vmem>>, vector<1x2000x128xf32>
    %get3A_6 = vector.shape_cast %get3A_5 : vector<1x2000x128xf32> to vector<2000x128xf32>
    %get3A_7 = arith.constant 0 : index
    %get3A_8 = arith.constant 0 : index
    %get3A_9 = vector.load %arg2[%get3A_7, %get3A_8] : memref<2000x128xf32, #tpu.memory_space<vmem>>, vector<2000x128xf32>
    %add3A = arith.addf %get3A_6, %get3A_9 : vector<2000x128xf32>
    %mul3A = vector.broadcast %get3A_1 : vector<2000x1xf32> to vector<2000x128xf32>
    %mul3A_10 = arith.mulf %add3A, %mul3A : vector<2000x128xf32>
    %get3A_11 = arith.constant 0 : index
    %get3A_12 = arith.constant 0 : index
    %get3A_13 = vector.load %arg7[%get3A_11, %get3A_12] : memref<128x128xf32, #tpu.memory_space<vmem>>, vector<128x128xf32>
    %dot_general3A = arith.constant dense<0.000000e+00> : vector<2000x128xf32>
    %dot_general3A_14 = tpu.matmul %mul3A_10, %get3A_13, %dot_general3A {dimension_numbers = #tpu.dot_dimension_numbers<[1], [0], [0], [1], [0, 0, 1, 1], [], []>, transpose_lhs_hint = false} : vector<2000x128xf32>, vector<128x128xf32>, vector<2000x128xf32> -> vector<2000x128xf32>
    %get3A_15 = arith.constant 0 : index
    %get3A_16 = arith.constant 0 : index
    %get3A_17 = vector.load %arg8[%get3A_15, %get3A_16] : memref<1x128xf32, #tpu.memory_space<vmem>>, vector<1x128xf32>
    %add3A_18 = vector.broadcast %get3A_17 : vector<1x128xf32> to vector<2000x128xf32>
    %add3A_19 = arith.addf %dot_general3A_14, %add3A_18 : vector<2000x128xf32>
    %get3A_20 = arith.constant 0 : index
    %get3A_21 = arith.constant 0 : index
    %get3A_22 = arith.constant 0 : index
    %get3A_23 = vector.load %arg4[%get3A_20, %get3A_21, %get3A_22] : memref<1x2000x128xf32, #tpu.memory_space<vmem>>, vector<1x2000x128xf32>
    %get3A_24 = vector.shape_cast %get3A_23 : vector<1x2000x128xf32> to vector<2000x128xf32>
    %get3A_25 = arith.constant 0 : index
    %get3A_26 = arith.constant 0 : index
    %get3A_27 = vector.load %arg6[%get3A_25, %get3A_26] : memref<2000x16xf32, #tpu.memory_space<vmem>>, vector<2000x1xf32>
    %mul3A_28 = vector.broadcast %get3A_27 : vector<2000x1xf32> to vector<2000x128xf32>
    %mul3A_29 = arith.mulf %get3A_24, %mul3A_28 : vector<2000x128xf32>
    %get3A_30 = arith.constant 0 : index
    %get3A_31 = arith.constant 0 : index
    %get3A_32 = vector.load %arg9[%get3A_30, %get3A_31] : memref<128x128xf32, #tpu.memory_space<vmem>>, vector<128x128xf32>
    %dot_general3A_33 = arith.constant dense<0.000000e+00> : vector<2000x128xf32>
    %dot_general3A_34 = tpu.matmul %mul3A_29, %get3A_32, %dot_general3A_33 {dimension_numbers = #tpu.dot_dimension_numbers<[1], [0], [0], [1], [0, 0, 1, 1], [], []>, transpose_lhs_hint = false} : vector<2000x128xf32>, vector<128x128xf32>, vector<2000x128xf32> -> vector<2000x128xf32>
    %get3A_35 = arith.constant 0 : index
    %get3A_36 = arith.constant 0 : index
    %get3A_37 = vector.load %arg1[%get3A_35, %get3A_36] : memref<2000x128xf32, #tpu.memory_space<vmem>>, vector<2000x128xf32>
    %get3A_38 = arith.constant 0 : index
    %get3A_39 = arith.constant 0 : index
    %get3A_40 = vector.load %arg10[%get3A_38, %get3A_39] : memref<128x128xf32, #tpu.memory_space<vmem>>, vector<128x128xf32>
    %dot_general3A_41 = arith.constant dense<0.000000e+00> : vector<2000x128xf32>
    %dot_general3A_42 = tpu.matmul %get3A_37, %get3A_40, %dot_general3A_41 {dimension_numbers = #tpu.dot_dimension_numbers<[1], [0], [0], [1], [0, 0, 1, 1], [], []>, transpose_lhs_hint = false} : vector<2000x128xf32>, vector<128x128xf32>, vector<2000x128xf32> -> vector<2000x128xf32>
    %add3A_43 = arith.addf %dot_general3A_34, %dot_general3A_42 : vector<2000x128xf32>
    %get3A_44 = arith.constant 0 : index
    %get3A_45 = arith.constant 0 : index
    %get3A_46 = vector.load %arg11[%get3A_44, %get3A_45] : memref<1x128xf32, #tpu.memory_space<vmem>>, vector<1x128xf32>
    %add3A_47 = vector.broadcast %get3A_46 : vector<1x128xf32> to vector<2000x128xf32>
    %add3A_48 = arith.addf %add3A_43, %add3A_47 : vector<2000x128xf32>
    %concatenate3A = tpu.concatenate %add3A_19, %add3A_48 in 1 : vector<2000x128xf32>, vector<2000x128xf32> -> vector<2000x256xf32>
    %swap3A = arith.constant 0 : index
    %swap3A_49 = arith.constant 0 : index
    %swap3A_50 = vector.load %arg12[%swap3A, %swap3A_49] : memref<2000x256xf32, #tpu.memory_space<vmem>>, vector<2000x256xf32>
    tpu.vector_store %arg12[%swap3A, %swap3A_49], %concatenate3A {strides = array<i32>} : memref<2000x256xf32, #tpu.memory_space<vmem>>, vector<2000x256xf32>,
    return
  }
  func.func @transform_0(%arg0: i32) -> (i32, i32) {
    %c0_i32 = arith.constant 0 : i32
    %c0_i32_0 = arith.constant 0 : i32
    return %arg0, %c0_i32 : i32, i32
  }
  func.func @transform_1(%arg0: i32) -> (i32, i32) {
    %c0_i32 = arith.constant 0 : i32
    %c0_i32_0 = arith.constant 0 : i32
    return %arg0, %c0_i32 : i32, i32
  }
  func.func @transform_2(%arg0: i32) -> (i32, i32, i32) {
    %c1_i32 = arith.constant 1 : i32
    %c0_i32 = arith.constant 0 : i32
    %c0_i32_0 = arith.constant 0 : i32
    return %c1_i32, %arg0, %c0_i32 : i32, i32, i32
  }
  func.func @transform_3(%arg0: i32) -> (i32, i32, i32) {
    %c2_i32 = arith.constant 2 : i32
    %c0_i32 = arith.constant 0 : i32
    %c0_i32_0 = arith.constant 0 : i32
    return %c2_i32, %arg0, %c0_i32 : i32, i32, i32
  }
  func.func @transform_4(%arg0: i32) -> (i32, i32) {
    %c0_i32 = arith.constant 0 : i32
    %c0_i32_0 = arith.constant 0 : i32
    return %arg0, %c0_i32 : i32, i32
  }
  func.func @transform_5(%arg0: i32) -> (i32, i32) {
    %c0_i32 = arith.constant 0 : i32
    %c0_i32_0 = arith.constant 0 : i32
    return %arg0, %c0_i32 : i32, i32
  }
  func.func @transform_6(%arg0: i32) -> (i32, i32) {
    %c0_i32 = arith.constant 0 : i32
    %c0_i32_0 = arith.constant 0 : i32
    %c0_i32_1 = arith.constant 0 : i32
    return %c0_i32, %c0_i32_0 : i32, i32
  }
  func.func @transform_7(%arg0: i32) -> (i32, i32) {
    %c0_i32 = arith.constant 0 : i32
    %c0_i32_0 = arith.constant 0 : i32
    %c0_i32_1 = arith.constant 0 : i32
    return %c0_i32, %c0_i32_0 : i32, i32
  }
  func.func @transform_8(%arg0: i32) -> (i32, i32) {
    %c0_i32 = arith.constant 0 : i32
    %c0_i32_0 = arith.constant 0 : i32
    %c0_i32_1 = arith.constant 0 : i32
    return %c0_i32, %c0_i32_0 : i32, i32
  }
  func.func @transform_9(%arg0: i32) -> (i32, i32) {
    %c0_i32 = arith.constant 0 : i32
    %c0_i32_0 = arith.constant 0 : i32
    %c0_i32_1 = arith.constant 0 : i32
    return %c0_i32, %c0_i32_0 : i32, i32
  }
  func.func @transform_10(%arg0: i32) -> (i32, i32) {
    %c0_i32 = arith.constant 0 : i32
    %c0_i32_0 = arith.constant 0 : i32
    %c0_i32_1 = arith.constant 0 : i32
    return %c0_i32, %c0_i32_0 : i32, i32
  }
  func.func @transform_11(%arg0: i32) -> (i32, i32) {
    %c0_i32 = arith.constant 0 : i32
    %c0_i32_0 = arith.constant 0 : i32
    return %arg0, %c0_i32 : i32, i32
  }
}

module attributes {stable_mosaic.version = 14 : i64} {
  func.func @_dense_body(%arg0: i32, %arg1: memref<2000x128xf32, #tpu.memory_space<vmem>>, %arg2: memref<2000x128xf32, #tpu.memory_space<vmem>>, %arg3: memref<1x2000x128xf32, #tpu.memory_space<vmem>>, %arg4: memref<1x2000x128xf32, #tpu.memory_space<vmem>>, %arg5: memref<2000x16xf32, #tpu.memory_space<vmem>>, %arg6: memref<2000x16xf32, #tpu.memory_space<vmem>>, %arg7: memref<128x128xf32, #tpu.memory_space<vmem>>, %arg8: memref<1x128xf32, #tpu.memory_space<vmem>>, %arg9: memref<128x128xf32, #tpu.memory_space<vmem>>, %arg10: memref<128x128xf32, #tpu.memory_space<vmem>>, %arg11: memref<1x128xf32, #tpu.memory_space<vmem>>, %arg12: memref<2000x256xf32, #tpu.memory_space<vmem>>) attributes {dimension_semantics = [#tpu.dimension_semantics<arbitrary>], iteration_bounds = array<i64: 5>, scalar_prefetch = 0 : i64, scratch_operands = 0 : i64, tpu.core_type = #tpu.core_type<tc>, window_params = [{transform_indices = @transform_0, window_bounds = array<i64: 2000, 128>}, {transform_indices = @transform_1, window_bounds = array<i64: 2000, 128>}, {transform_indices = @transform_2, window_bounds = array<i64: 1, 2000, 128>}, {transform_indices = @transform_3, window_bounds = array<i64: 1, 2000, 128>}, {transform_indices = @transform_4, window_bounds = array<i64: 2000, 16>}, {transform_indices = @transform_5, window_bounds = array<i64: 2000, 16>}, {pipeline_mode = #tpu.pipeline_mode<synchronous>, transform_indices = @transform_6, window_bounds = array<i64: 128, 128>}, {pipeline_mode = #tpu.pipeline_mode<synchronous>, transform_indices = @transform_7, window_bounds = array<i64: 1, 128>}, {pipeline_mode = #tpu.pipeline_mode<synchronous>, transform_indices = @transform_8, window_bounds = array<i64: 128, 128>}, {pipeline_mode = #tpu.pipeline_mode<synchronous>, transform_indices = @transform_9, window_bounds = array<i64: 128, 128>}, {pipeline_mode = #tpu.pipeline_mode<synchronous>, transform_indices = @transform_10, window_bounds = array<i64: 1, 128>}, {transform_indices = @transform_11, window_bounds = array<i64: 2000, 256>}]} {
    %get3A = arith.constant 0 : index
    %get3A_0 = arith.constant 0 : index
    %get3A_1 = vector.load %arg5[%get3A, %get3A_0] : memref<2000x16xf32, #tpu.memory_space<vmem>>, vector<2000x1xf32>
    %get3A_2 = arith.constant 0 : index
    %get3A_3 = arith.constant 0 : index
    %get3A_4 = arith.constant 0 : index
    %get3A_5 = vector.load %arg3[%get3A_2, %get3A_3, %get3A_4] : memref<1x2000x128xf32, #tpu.memory_space<vmem>>, vector<1x2000x128xf32>
    %get3A_6 = vector.shape_cast %get3A_5 : vector<1x2000x128xf32> to vector<2000x128xf32>
    %get3A_7 = arith.constant 0 : index
    %get3A_8 = arith.constant 0 : index
    %get3A_9 = vector.load %arg2[%get3A_7, %get3A_8] : memref<2000x128xf32, #tpu.memory_space<vmem>>, vector<2000x128xf32>
    %add3A = arith.addf %get3A_6, %get3A_9 : vector<2000x128xf32>
    %mul3A = vector.broadcast %get3A_1 : vector<2000x1xf32> to vector<2000x128xf32>
    %mul3A_10 = arith.mulf %add3A, %mul3A : vector<2000x128xf32>
    %get3A_11 = arith.constant 0 : index
    %get3A_12 = arith.constant 0 : index
    %get3A_13 = vector.load %arg7[%get3A_11, %get3A_12] : memref<128x128xf32, #tpu.memory_space<vmem>>, vector<128x128xf32>
    %dot_general3A = arith.constant dense<0.000000e+00> : vector<2000x128xf32>
    %dot_general3A_14 = tpu.matmul %mul3A_10, %get3A_13, %dot_general3A {dimension_numbers = #tpu.dot_dimension_numbers<[1], [0], [0], [1], [0, 0, 1, 1], [], []>, transpose_lhs_hint = false} : vector<2000x128xf32>, vector<128x128xf32>, vector<2000x128xf32> -> vector<2000x128xf32>
    %get3A_15 = arith.constant 0 : index
    %get3A_16 = arith.constant 0 : index
    %get3A_17 = vector.load %arg8[%get3A_15, %get3A_16] : memref<1x128xf32, #tpu.memory_space<vmem>>, vector<1x128xf32>
    %add3A_18 = vector.broadcast %get3A_17 : vector<1x128xf32> to vector<2000x128xf32>
    %add3A_19 = arith.addf %dot_general3A_14, %add3A_18 : vector<2000x128xf32>
    %get3A_20 = arith.constant 0 : index
    %get3A_21 = arith.constant 0 : index
    %get3A_22 = arith.constant 0 : index
    %get3A_23 = vector.load %arg4[%get3A_20, %get3A_21, %get3A_22] : memref<1x2000x128xf32, #tpu.memory_space<vmem>>, vector<1x2000x128xf32>
    %get3A_24 = vector.shape_cast %get3A_23 : vector<1x2000x128xf32> to vector<2000x128xf32>
    %get3A_25 = arith.constant 0 : index
    %get3A_26 = arith.constant 0 : index
    %get3A_27 = vector.load %arg6[%get3A_25, %get3A_26] : memref<2000x16xf32, #tpu.memory_space<vmem>>, vector<2000x1xf32>
    %mul3A_28 = vector.broadcast %get3A_27 : vector<2000x1xf32> to vector<2000x128xf32>
    %mul3A_29 = arith.mulf %get3A_24, %mul3A_28 : vector<2000x128xf32>
    %get3A_30 = arith.constant 0 : index
    %get3A_31 = arith.constant 0 : index
    %get3A_32 = vector.load %arg9[%get3A_30, %get3A_31] : memref<128x128xf32, #tpu.memory_space<vmem>>, vector<128x128xf32>
    %dot_general3A_33 = arith.constant dense<0.000000e+00> : vector<2000x128xf32>
    %dot_general3A_34 = tpu.matmul %mul3A_29, %get3A_32, %dot_general3A_33 {dimension_numbers = #tpu.dot_dimension_numbers<[1], [0], [0], [1], [0, 0, 1, 1], [], []>, transpose_lhs_hint = false} : vector<2000x128xf32>, vector<128x128xf32>, vector<2000x128xf32> -> vector<2000x128xf32>
    %get3A_35 = arith.constant 0 : index
    %get3A_36 = arith.constant 0 : index
    %get3A_37 = vector.load %arg1[%get3A_35, %get3A_36] : memref<2000x128xf32, #tpu.memory_space<vmem>>, vector<2000x128xf32>
    %get3A_38 = arith.constant 0 : index
    %get3A_39 = arith.constant 0 : index
    %get3A_40 = vector.load %arg10[%get3A_38, %get3A_39] : memref<128x128xf32, #tpu.memory_space<vmem>>, vector<128x128xf32>
    %dot_general3A_41 = arith.constant dense<0.000000e+00> : vector<2000x128xf32>
    %dot_general3A_42 = tpu.matmul %get3A_37, %get3A_40, %dot_general3A_41 {dimension_numbers = #tpu.dot_dimension_numbers<[1], [0], [0], [1], [0, 0, 1, 1], [], []>, transpose_lhs_hint = false} : vector<2000x128xf32>, vector<128x128xf32>, vector<2000x128xf32> -> vector<2000x128xf32>
    %add3A_43 = arith.addf %dot_general3A_34, %dot_general3A_42 : vector<2000x128xf32>
    %get3A_44 = arith.constant 0 : index
    %get3A_45 = arith.constant 0 : index
    %get3A_46 = vector.load %arg11[%get3A_44, %get3A_45] : memref<1x128xf32, #tpu.memory_space<vmem>>, vector<1x128xf32>
    %add3A_47 = vector.broadcast %get3A_46 : vector<1x128xf32> to vector<2000x128xf32>
    %add3A_48 = arith.addf %add3A_43, %add3A_47 : vector<2000x128xf32>
    %concatenate3A = tpu.concatenate %add3A_19, %add3A_48 in 1 : vector<2000x128xf32>, vector<2000x128xf32> -> vector<2000x256xf32>
    %swap3A = arith.constant 0 : index
    %swap3A_49 = arith.constant 0 : index
    %swap3A_50 = vector.load %arg12[%swap3A, %swap3A_49] : memref<2000x256xf32, #tpu.memory_space<vmem>>, vector<2000x256xf32>
    tpu.vector_store %arg12[%swap3A, %swap3A_49], %concatenate3A {strides = array<i32>} : memref<2000x256xf32, #tpu.memory_space<vmem>>, vector<2000x256xf32>,
    return
  }
  func.func @transform_0(%arg0: i32) -> (i32, i32) {
    %c0_i32 = arith.constant 0 : i32
    %c0_i32_0 = arith.constant 0 : i32
    return %arg0, %c0_i32 : i32, i32
  }
  func.func @transform_1(%arg0: i32) -> (i32, i32) {
    %c0_i32 = arith.constant 0 : i32
    %c0_i32_0 = arith.constant 0 : i32
    return %arg0, %c0_i32 : i32, i32
  }
  func.func @transform_2(%arg0: i32) -> (i32, i32, i32) {
    %c0_i32 = arith.constant 0 : i32
    %c0_i32_0 = arith.constant 0 : i32
    %c0_i32_1 = arith.constant 0 : i32
    return %c0_i32, %arg0, %c0_i32_0 : i32, i32, i32
  }
  func.func @transform_3(%arg0: i32) -> (i32, i32, i32) {
    %c3_i32 = arith.constant 3 : i32
    %c0_i32 = arith.constant 0 : i32
    %c0_i32_0 = arith.constant 0 : i32
    return %c3_i32, %arg0, %c0_i32 : i32, i32, i32
  }
  func.func @transform_4(%arg0: i32) -> (i32, i32) {
    %c0_i32 = arith.constant 0 : i32
    %c0_i32_0 = arith.constant 0 : i32
    return %arg0, %c0_i32 : i32, i32
  }
  func.func @transform_5(%arg0: i32) -> (i32, i32) {
    %c0_i32 = arith.constant 0 : i32
    %c0_i32_0 = arith.constant 0 : i32
    return %arg0, %c0_i32 : i32, i32
  }
  func.func @transform_6(%arg0: i32) -> (i32, i32) {
    %c0_i32 = arith.constant 0 : i32
    %c0_i32_0 = arith.constant 0 : i32
    %c0_i32_1 = arith.constant 0 : i32
    return %c0_i32, %c0_i32_0 : i32, i32
  }
  func.func @transform_7(%arg0: i32) -> (i32, i32) {
    %c0_i32 = arith.constant 0 : i32
    %c0_i32_0 = arith.constant 0 : i32
    %c0_i32_1 = arith.constant 0 : i32
    return %c0_i32, %c0_i32_0 : i32, i32
  }
  func.func @transform_8(%arg0: i32) -> (i32, i32) {
    %c0_i32 = arith.constant 0 : i32
    %c0_i32_0 = arith.constant 0 : i32
    %c0_i32_1 = arith.constant 0 : i32
    return %c0_i32, %c0_i32_0 : i32, i32
  }
  func.func @transform_9(%arg0: i32) -> (i32, i32) {
    %c0_i32 = arith.constant 0 : i32
    %c0_i32_0 = arith.constant 0 : i32
    %c0_i32_1 = arith.constant 0 : i32
    return %c0_i32, %c0_i32_0 : i32, i32
  }
  func.func @transform_10(%arg0: i32) -> (i32, i32) {
    %c0_i32 = arith.constant 0 : i32
    %c0_i32_0 = arith.constant 0 : i32
    %c0_i32_1 = arith.constant 0 : i32
    return %c0_i32, %c0_i32_0 : i32, i32
  }
  func.func @transform_11(%arg0: i32) -> (i32, i32) {
    %c0_i32 = arith.constant 0 : i32
    %c0_i32_0 = arith.constant 0 : i32
    return %arg0, %c0_i32 : i32, i32
  }
}

module attributes {stable_mosaic.version = 14 : i64} {
  func.func @_pool_body(%arg0: i32, %arg1: memref<40x50x256xf32, #tpu.memory_space<vmem>>, %arg2: memref<1x1x256xf32, #tpu.memory_space<vmem>>, %arg3: memref<40x256xf32, #tpu.memory_space<vmem>>) attributes {dimension_semantics = [#tpu.dimension_semantics<arbitrary>], iteration_bounds = array<i64: 5>, scalar_prefetch = 0 : i64, scratch_operands = 0 : i64, tpu.core_type = #tpu.core_type<tc>, window_params = [{transform_indices = @transform_0, window_bounds = array<i64: 40, 50, 256>}, {pipeline_mode = #tpu.pipeline_mode<synchronous>, transform_indices = @transform_1, window_bounds = array<i64: 1, 1, 256>}, {transform_indices = @transform_2, window_bounds = array<i64: 40, 256>}]} {
    %get3A = arith.constant 0 : index
    %get3A_0 = arith.constant 0 : index
    %get3A_1 = arith.constant 0 : index
    %get3A_2 = vector.load %arg1[%get3A, %get3A_0, %get3A_1] : memref<40x50x256xf32, #tpu.memory_space<vmem>>, vector<40x50x256xf32>
    %get3A_3 = arith.constant 0 : index
    %get3A_4 = arith.constant 0 : index
    %get3A_5 = arith.constant 0 : index
    %get3A_6 = vector.load %arg2[%get3A_3, %get3A_4, %get3A_5] : memref<1x1x256xf32, #tpu.memory_space<vmem>>, vector<1x1x256xf32>
    %mul3A = vector.broadcast %get3A_6 : vector<1x1x256xf32> to vector<40x50x256xf32>
    %mul3A_7 = arith.mulf %get3A_2, %mul3A : vector<40x50x256xf32>
    %reduce_sum3A = arith.constant dense<0.000000e+00> : vector<40x50xf32>
    %reduce_sum3A_8 = vector.multi_reduction <add>, %mul3A_7, %reduce_sum3A [2] : vector<40x50x256xf32> to vector<40x50xf32>
    %broadcast_in_dim3A = vector.shape_cast %reduce_sum3A_8 : vector<40x50xf32> to vector<40x50x1xf32>
    %broadcast_in_dim3A_9 = vector.shape_cast %reduce_sum3A_8 : vector<40x50xf32> to vector<40x1x50xf32>
    %iota3A = tpu.iota {dimensions = array<i32: 1>} : vector<40x50x50xi32>
    %iota3A_10 = tpu.iota {dimensions = array<i32: 2>} : vector<40x50x50xi32>
    %gt3A = vector.broadcast %broadcast_in_dim3A_9 : vector<40x1x50xf32> to vector<40x50x50xf32>
    %gt3A_11 = vector.broadcast %broadcast_in_dim3A : vector<40x50x1xf32> to vector<40x50x50xf32>
    %gt3A_12 = arith.cmpf ogt, %gt3A, %gt3A_11 : vector<40x50x50xf32>
    %eq3A = vector.broadcast %broadcast_in_dim3A_9 : vector<40x1x50xf32> to vector<40x50x50xf32>
    %eq3A_13 = vector.broadcast %broadcast_in_dim3A : vector<40x50x1xf32> to vector<40x50x50xf32>
    %eq3A_14 = arith.cmpf oeq, %eq3A, %eq3A_13 : vector<40x50x50xf32>
    %lt3A = arith.cmpi slt, %iota3A_10, %iota3A : vector<40x50x50xi32>
    %and3A = arith.andi %eq3A_14, %lt3A : vector<40x50x50xi1>
    %or3A = arith.ori %gt3A_12, %and3A : vector<40x50x50xi1>
    %convert_element_type3A = arith.extui %or3A : vector<40x50x50xi1> to vector<40x50x50xi32>
    %convert_element_type3A_15 = arith.sitofp %convert_element_type3A : vector<40x50x50xi32> to vector<40x50x50xf32>
    %reduce_sum3A_16 = arith.constant dense<0.000000e+00> : vector<40x50xf32>
    %reduce_sum3A_17 = vector.multi_reduction <add>, %convert_element_type3A_15, %reduce_sum3A_16 [2] : vector<40x50x50xf32> to vector<40x50xf32>
    %lt3A_18 = arith.constant 2.500000e+01 : f32
    %lt3A_19 = vector.broadcast %lt3A_18 : f32 to vector<40x50xf32>
    %lt3A_20 = arith.cmpf olt, %reduce_sum3A_17, %lt3A_19 : vector<40x50xf32>
    %tanh3A = math.tanh %reduce_sum3A_8 : vector<40x50xf32>
    %jit3A = arith.constant 0.000000e+00 : f32
    %broadcast_in_dim3A_21 = vector.broadcast %jit3A : f32 to vector<40x50xf32>
    %select_n3A = arith.select %lt3A_20, %tanh3A, %broadcast_in_dim3A_21 : vector<40x50xi1>, vector<40x50xf32>
    %mul3A_22 = arith.constant 4.000000e-02 : f32
    %mul3A_23 = vector.broadcast %mul3A_22 : f32 to vector<40x50xf32>
    %mul3A_24 = arith.mulf %select_n3A, %mul3A_23 : vector<40x50xf32>
    %broadcast_in_dim3A_25 = vector.shape_cast %mul3A_24 : vector<40x50xf32> to vector<40x50x1xf32>
    %mul3A_26 = vector.broadcast %broadcast_in_dim3A_25 : vector<40x50x1xf32> to vector<40x50x256xf32>
    %mul3A_27 = arith.mulf %get3A_2, %mul3A_26 : vector<40x50x256xf32>
    %reduce_sum3A_28 = arith.constant dense<0.000000e+00> : vector<40x256xf32>
    %reduce_sum3A_29 = vector.multi_reduction <add>, %mul3A_27, %reduce_sum3A_28 [1] : vector<40x50x256xf32> to vector<40x256xf32>
    %swap3A = arith.constant 0 : index
    %swap3A_30 = arith.constant 0 : index
    %swap3A_31 = vector.load %arg3[%swap3A, %swap3A_30] : memref<40x256xf32, #tpu.memory_space<vmem>>, vector<40x256xf32>
    tpu.vector_store %arg3[%swap3A, %swap3A_30], %reduce_sum3A_29 {strides = array<i32>} : memref<40x256xf32, #tpu.memory_space<vmem>>, vector<40x256xf32>,
    return
  }
  func.func @transform_0(%arg0: i32) -> (i32, i32, i32) {
    %c0_i32 = arith.constant 0 : i32
    %c0_i32_0 = arith.constant 0 : i32
    %c0_i32_1 = arith.constant 0 : i32
    return %arg0, %c0_i32, %c0_i32_0 : i32, i32, i32
  }
  func.func @transform_1(%arg0: i32) -> (i32, i32, i32) {
    %c0_i32 = arith.constant 0 : i32
    %c0_i32_0 = arith.constant 0 : i32
    %c0_i32_1 = arith.constant 0 : i32
    %c0_i32_2 = arith.constant 0 : i32
    return %c0_i32, %c0_i32_0, %c0_i32_1 : i32, i32, i32
  }
  func.func @transform_2(%arg0: i32) -> (i32, i32) {
    %c0_i32 = arith.constant 0 : i32
    %c0_i32_0 = arith.constant 0 : i32
    return %arg0, %c0_i32 : i32, i32
  }
}

</mosaic_0001>

<sc_bundles>
// kernel: kernel.12.cloned.1.call-start
scs
__scs_entry_jumppad:
0x0: {  	(pc) =	sbr.rel $0x88, $3  }
0x1: {  	(tag) =	ssettag $0x0;
	lr =	simm.s32 $0x1  }
0x2: {  	[smem:$0x3F96] =	sst lr;
	_ =	strace $0xD0000000  }
0x3: {  	_ = 	snop  }
0x4: {  	_ = 	snop  }
0x5: {  	_ = 	snop  }
0x6: {  	_ = 	snop  }
0x7: {  	_ = 	snop  }
__scs_overlays_trampoline_lowered:
0x8: {  	[smem:$0x3FA5] =	sst s0  }
0x9: {  	[smem:$0x3FA6] =	sst s1  }
0xa: {  	[smem:$0x3FA7] =	sst s2  }
0xb: {  	[smem:$0x3FA8] =	sst s3  }
0xc: {  	[smem:$0x3FA9] =	sst s4  }
0xd: {  	[smem:$0x3FAA] =	sst s5  }
0xe: {  	[smem:$0x3FAB] =	sst s6  }
0xf: {  	[smem:$0x3FAC] =	sst s7  }
0x10: {  	[smem:$0x3FAD] =	sst s8  }
0x11: {  	[smem:$0x3FAE] =	sst s9;
	s0 =	simm.s32 @!p0 $0x0  }
0x12: {  	s1 =	sld [smem:$0x3F94];
	s0 =	simm.s32 @p0 $0x1  }
0x13: {  	[smem:$0x3FAF] =	sst s0;
	s0 =	simm.s32 @!p1 $0x0  }
0x14: {  	s2 =	sld [smem:$0x3F93];
	s0 =	simm.s32 @p1 $0x1  }
0x15: {  	[smem:$0x3FB0] =	sst s0;
	s0 =	simm.s32 @!p2 $0x0  }
0x16: {  	s3 =	sld [smem:$0x3FDB];
	s0 =	simm.s32 @p2 $0x1  }
0x17: {  	s4 =	simm.s32 $0x1BF5;
	[smem:$0x3FB2] =	sst s0  }
0x18: {  	s0 =	sld [smem:$0x3F95];
	_ =	swait.ge [sflag:s4], $0x0  }
0x19: {  	s7 =	sld [smem:$0x3F96]  }
0x1a: {  	s8 =	sadd.s32 $0xFFFFE003, lr  }
0x1b: {  	s9 =	sadd.s32 $0xFFFFFEF7, lr;
	s5 =	simm.s32 $0xFFFFFFFF;
	p2 =	slt.u32 s8, $0xFFFFF086  }
0x1c: {  	p1 =	slt.u32 s9, $0xF7A;
	s5 =	simm.s32 @!p2 $0x0  }
0x1d: {  	s5 =	simm.s32 @p1 $0x1;
	p0 =	seq.s32 s7, s2  }
0x1e: {  	s7 =	smul.u32 @!p0 $0xF7A, s2;
	p2 =	seq.s32 @!p0 s5, $0x0  }
0x1f: {  	s9 =	smul.u32 $0xF7A, s1;
	s8 =	simm.s32 @!p0 $0x1BF5;
	p2 =	por !p2, p0  }
0x20: {  	[sflag:s8] =	ssyncset.s32 @!p0 $0xFFFFF086;
	s6 =	sadd.s32 @!p0 s3, s7;
	s7 =	simm.s32 @!p0 $0x108  }
0x21: {  	s3 =	sadd.s32 s3, s9;
	s6 =	sadd.s32 @!p0 $0x88, s6;
	s7 =	simm.s32 @p2 $0x1082  }
0x22: {  	[simem:s7], [sflag:s8] =	dma.local @!p0 [hbm:s6], $0xF7A  }
0x23: {  	s9 =	sor.u32 $0xD0000000, s2;
	s6 =	simm.s32 $0x108;
	_ =	swait.ge @!p0 [sflag:s8], $0x0  }
0x24: {  	s3 =	sadd.s32 $0x88, s3;
	s6 =	simm.s32 @!p1 $0x1082;
	[sflag:s4] =	ssyncset.s32 $0xFFFFF086  }
0x25: {  	[simem:s6], [sflag:s4] =	dma.local [hbm:s3], $0xF7A  }
0x26: {  	[smem:$0x3F96] =	sst s1;
	(tag) =	ssettag s2;
	_ =	strace s9  }
0x27: {  	s1 =	sld [smem:$0x3FA6]  }
0x28: {  	s2 =	sld [smem:$0x3FA7]  }
0x29: {  	s4 =	sld [smem:$0x3FA9]  }
0x2a: {  	p0 =	seq.s32 s5, $0x0;
	s5 =	sld [smem:$0x3FAA]  }
0x2b: {  	s6 =	sld [smem:$0x3FAB]  }
0x2c: {  	s7 =	sld [smem:$0x3FAC]  }
0x2d: {  	s3 =	simm.s32 $0x108;
	s8 =	sld [smem:$0x3FAD]  }
0x2e: {  	s3 =	simm.s32 @!p0 $0x1082;
	s9 =	sld [smem:$0x3FAE]  }
0x2f: {  	lr =	sadd.s32 s0, s3;
	s0 =	sld [smem:$0x3FA5]  }
0x30: {  	s3 =	sld [smem:$0x3FA8]  }
0x31: {  	[smem:$0x3FB1] =	sst s10  }
0x32: {  	s10 =	sld [smem:$0x3FAF];
	_ =	sdelay $0x3  }
0x33: {  	p0 =	seq.s32 s10, $0x1;
	s10 =	sld [smem:$0x3FB1];
	_ =	sdelay $0x3  }
0x34: {  	[smem:$0x3FB1] =	sst s10  }
0x35: {  	s10 =	sld [smem:$0x3FB0];
	_ =	sdelay $0x3  }
0x36: {  	p1 =	seq.s32 s10, $0x1;
	s10 =	sld [smem:$0x3FB1];
	_ =	sdelay $0x3  }
0x37: {  	[smem:$0x3FB1] =	sst s10  }
0x38: {  	s10 =	sld [smem:$0x3FB2]  }
0x39: {  	_ = 	snop;
	(pc) =	sbr.ind lr, $3  }
0x3a: {  	_ = 	snop  }
0x3b: {  	_ = 	snop  }
0x3c: {  	p2 =	seq.s32 s10, $0x1;
	s10 =	sld [smem:$0x3FB1]  }
0x3d: {  	_ =	shalt  }
0x3e: {  	_ =	shalt  }
0x3f: {  	_ =	shalt  }
0x40: {  	_ =	shalt  }
0x41: {  	_ =	shalt  }
0x42: {  	_ =	shalt  }
0x43: {  	_ =	shalt  }
0x44: {  	_ =	shalt  }
0x45: {  	_ =	shalt  }
0x46: {  	_ =	shalt  }
0x47: {  	_ =	shalt  }
0x48: {  	_ =	shalt  }
0x49: {  	_ =	shalt  }
0x4a: {  	_ =	shalt  }
0x4b: {  	_ =	shalt  }
0x4c: {  	_ =	shalt  }
0x4d: {  	_ =	shalt  }
0x4e: {  	_ =	shalt  }
0x4f: {  	_ =	shalt  }
0x50: {  	_ =	shalt  }
0x51: {  	_ =	shalt  }
0x52: {  	_ =	shalt  }
0x53: {  	_ =	shalt  }
0x54: {  	_ =	shalt  }
0x55: {  	_ =	shalt  }
0x56: {  	_ =	shalt  }
0x57: {  	_ =	shalt  }
0x58: {  	_ =	shalt  }
0x59: {  	_ =	shalt  }
0x5a: {  	_ =	shalt  }
0x5b: {  	_ =	shalt  }
0x5c: {  	_ =	shalt  }
0x5d: {  	_ =	shalt  }
0x5e: {  	_ =	shalt  }
0x5f: {  	_ =	shalt  }
0x60: {  	_ =	shalt  }
0x61: {  	_ =	shalt  }
0x62: {  	_ =	shalt  }
0x63: {  	_ =	shalt  }
0x64: {  	_ =	shalt  }
0x65: {  	_ =	shalt  }
0x66: {  	_ =	shalt  }
0x67: {  	_ =	shalt  }
0x68: {  	_ =	shalt  }
0x69: {  	_ =	shalt  }
0x6a: {  	_ =	shalt  }
0x6b: {  	_ =	shalt  }
0x6c: {  	_ =	shalt  }
0x6d: {  	_ =	shalt  }
0x6e: {  	_ =	shalt  }
0x6f: {  	_ =	shalt  }
0x70: {  	_ =	shalt  }
0x71: {  	_ =	shalt  }
0x72: {  	_ =	shalt  }
0x73: {  	_ =	shalt  }
0x74: {  	_ =	shalt  }
0x75: {  	_ =	shalt  }
0x76: {  	_ =	shalt  }
0x77: {  	_ =	shalt  }
0x78: {  	_ =	shalt  }
0x79: {  	_ =	shalt  }
0x7a: {  	_ =	shalt  }
0x7b: {  	_ =	shalt  }
0x7c: {  	_ =	shalt  }
0x7d: {  	_ =	shalt  }
0x7e: {  	_ =	shalt  }
0x7f: {  	_ =	shalt  }
0x80: {  	_ =	shalt  }
0x81: {  	_ =	shalt  }
0x82: {  	_ =	shalt  }
0x83: {  	_ =	shalt  }
0x84: {  	_ =	shalt  }
0x85: {  	_ =	shalt  }
0x86: {  	_ =	shalt  }
0x87: {  	_ =	shalt  }
.Lfunc_end0:
.L_simem_size_0:
called_computation.1_lowered:
.L_overlay_start_0:
0x88: {  	s2 =	sld [smem:$0x3FD9]  }
0x89: {  	s3 =	sld [smem:$0x3FFE];
	_ =	sdelay $0x1  }
0x8a: {  	s1 =	srdreg.scid  }
0x8b: {  	s0 =	sand.u32 $0x1, s1  }
0x8c: {  	s14 =	sshll.u32 s0, $0xA;
	s2 =	sadd.s32 s3, s2  }
0x8d: {  	s2 =	sadd.s32 s2, s14  }
0x8e: {  	[smem:$0x3FBD] =	sst s2  }
0x8f: {  	_ = 	snop  }
0x90: {  	s2 =	sld [smem:$0x3FD0];
	_ =	sdelay $0x2  }
0x91: {  	s15 =	simm.s32 $0xA;
	s4 =	simm.s32 $0x10  }
0x92: {  	[smem:s4], [sflag:s15] =	dma.local [hbm:s2], $0x1  }
0x93: {  	_ =	swait.eq [sflag:s15], $0x1  }
0x94: {  	[sflag:s15] =	ssyncset.done $0x0  }
0x95: {  	s16 =	sld [smem:$0x10];
	[sflag:s15] =	ssyncadd.s32 $0xFFFFFFFF  }
0x96: {  	s17 =	sld [smem:$0x11];
	(tm) =	ssettm $0x1  }
0x97: {  	s18 =	sld [smem:$0x3FFB];
	_ =	sdelay $0x3  }
0x98: {  	_ =	strace s18  }
0x99: {  	s4 =	sld [smem:$0x3FFC];
	_ =	sdelay $0x3  }
0x9a: {  	_ =	strace s4  }
0x9b: {  	s4 =	sld [smem:$0x3FFD];
	_ =	sdelay $0x3  }
0x9c: {  	_ =	strace s4  }
0x9d: {  	_ =	strace $0x8FFFFFFF  }
0x9e: {  	s19 =	sld [smem:$0x3FDB];
	_ =	sdelay $0x1  }
0x9f: {  	s5 =	simm.s32 $_scs_section_size  }
0xa0: {  	s6 =	simm.s32 $_size__tile_overlayer_lowered;
	s7 =	simm.s32 $_tile_overlayer_lowered  }
0xa1: {  	s22 =	simm.s32 $0x1BFF;
	s21 =	sshll.u32 s7, $0x1;
	s4 =	sadd.s32 s5, s19  }
0xa2: {  	s8 =	simm.s32 $0x0;
	s20 =	sshll.u32 s6, $0x1;
	s6 =	sadd.s32 s21, s4  }
0xa3: {  	[timem:s8], [sflag:s22] =	dma.local [hbm:s6], s20  }
0xa4: {  	_ =	swait.ge [sflag:s22], s20  }
0xa5: {  	s5 =	ssub.s32 $0x0, s20;
	[sflag:s22] =	ssyncset.done $0x0  }
0xa6: {  	[sflag:s22] =	ssyncadd.s32 s5;
	_ =	sdelay $0x1  }
0xa7: {  	s23 =	simm.s32 $0x1B8B  }
0xa8: {  	_ =	swait.ge [sflag:s23], $0x1  }
0xa9: {  	[sflag:s23] =	ssyncset.done $0x0  }
0xaa: {  	s25 =	simm.s32 $0x1B8E;
	s24 =	sld [smem:$0x3FFE];
	[sflag:s23] =	ssyncadd.s32 $0xFFFFFFFF  }
0xab: {  	s26 =	simm.s32 $execute0_lowered;
	[smem:$0x3FD2] =	sst s25  }
0xac: {  	s6 =	sshll.u32 s26, $0x1;
	_ =	strace $0x80000049;
	[dreg:$0x1] =	wrdreg $0xFFFFFFFF  }
0xad: {  	s28 =	simm.s32 $_size_execute0_lowered;
	s4 =	sadd.s32 s4, s6;
	[dreg:$0x0] =	wrdreg $0x0  }
0xae: {  	s6 =	sshll.u32 s28, $0x1;
	[dreg:$0x2] =	wrdreg s4  }
0xaf: {  	[dreg:$0x3] =	wrdreg s6  }
0xb0: {  	[dreg:$0x4] =	wrdreg $0xC0  }
0xb1: {  	_ =	task [dreg:s8], $0x5FFFF  }
0xb2: {  	[dreg:$0x1] =	wrdreg $0xFFFFFFFF  }
0xb3: {  	[dreg:$0x0] =	wrdreg $0x60  }
0xb4: {  	[dreg:$0x2] =	wrdreg s24  }
0xb5: {  	[dreg:$0x3] =	wrdreg s17  }
0xb6: {  	[dreg:$0x4] =	wrdreg s16  }
0xb7: {  	[dreg:$0x5] =	wrdreg $0xB8000  }
0xb8: {  	[dreg:$0x6] =	wrdreg $0x9  }
0xb9: {  	_ =	task.clear_ibuf [dreg:s8], $0x7FFFF;
	_ =	strace $0x90000049  }
0xba: {  	s29 =	simm.s32 $0x9;
	_ =	strace $0x8000004B  }
0xbb: {  	_ =	swait.ge [sflag:s29], $0x1  }
0xbc: {  	[sflag:s29] =	ssyncadd.s32 $0xFFFFFFFF  }
0xbd: {  	_ =	strace $0x9000004B  }
0xbe: {  	_ =	sfence  }
0xbf: {  	s30 =	sld [smem:$0x0];
	_ =	sdelay $0x2  }
0xc0: {  	s31 =	sshll.u32 s1, $0xD;
	s1 =	sshrl.u32 s1, $0x2  }
0xc1: {  	s3 =	sand.u32 $0x4000, s31;
	s1 =	sadd.s32 s1, s30  }
0xc2: {  	s0 =	sor.u32 s3, s0;
	s1 =	sshll.u32 s1, $0x11  }
0xc3: {  	s0 =	sor.u32 s1, s0  }
0xc4: {  	s0 =	sadd.s32 $0x8F2B, s0  }
0xc5: {  	[sflag:s0] =	ssyncadd.remote.s32 $0x1  }
0xc6: {  	_ =	sfence.sel $0xFFFF  }
0xc7: {  	[dreg:$0x0] =	wrdreg $0xFFFFFFFF;
	(pc) =	sbr.abs _section_cstart, $3  }
0xc8: {  	[dreg:$0x1] =	wrdreg $0xFFFFFFFF  }
0xc9: {  	_ =	task.clear_ibuf [dreg:s8], $0x2FFFF;
	_ =	strace $0x9FFFFFFF  }
0xca: {  	(tm) =	ssettm $0x7FFFFFFF  }
0xcb: {  	_ =	shalt  }
tec
execute0_lowered:
.L_overlay_start_1:
0x0: {  	(tag) =	ssettag $0x1  }
0x1: {  	s0 =	rddreg [dreg:$0x0]  }
0x2: {  	s3 =	rddreg [dreg:$0x3];
	s4 =	simm.s32 $0x0  }
0x3: {  	s1 =	srdreg.scid;
	s2 =	stileid.u32;
	s15 =	simm.s32 $0x5  }
0x4: {  	s10 =	simm.s32 $0x100;
	s11 =	simm.s32 $0x880;
	s12 =	simm.s32 $0x180  }
0x5: {  	s14 =	simm.s32 $0x900;
	s17 =	simm.s32 $0x200;
	s23 =	simm.s32 $0x9000  }
0x6: {  	s18 =	simm.s32 $0x980;
	[smem:$0x7FF] =	sst s4;
	s1 =	sand.u32 $0x1, s1  }
0x7: {  	s5 =	sadd.s32 $0x138800, s3;
	_ =	strace $0x8000004A;
	[dreg:$0x13] =	wrdreg s1  }
0x8: {  	s19 =	simm.s32 $0x280;
	s20 =	simm.s32 $0xA00;
	[dreg:$0x15] =	wrdreg s5  }
0x9: {  	s21 =	simm.s32 $0x300;
	s22 =	simm.s32 $0xA80;
	[dreg:$0x7] =	wrdreg s10  }
0xa: {  	s25 =	simm.s32 $0x380;
	s26 =	simm.s32 $0xB00;
	[dreg:$0x8] =	wrdreg s11  }
0xb: {  	s28 =	simm.s32 $0x500;
	s29 =	simm.s32 $0xC80;
	[dreg:$0x9] =	wrdreg s12  }
0xc: {  	s30 =	simm.s32 $0x580;
	s31 =	simm.s32 $0xD00;
	[dreg:$0xa] =	wrdreg s14  }
0xd: {  	s6 =	sadd.s32 $0x13BA00, s0;
	s9 =	smul.u32 $0x50000, s2;
	[dreg:$0xb] =	wrdreg s17  }
0xe: {  	s8 =	sadd.s32 $0x1D7E00, s0;
	s13 =	smul.u32 $0x5000, s2;
	[dreg:$0xc] =	wrdreg s18  }
0xf: {  	p0 =	seq.s32 s2, $0xF;
	s16 =	smul.u32 $0x14000, s2;
	[dreg:$0xd] =	wrdreg s19  }
0x10: {  	s7 =	ssub.s32 $0x2, s1;
	s15 =	simm.s32 @!p0 $0x8;
	[dreg:$0xe] =	wrdreg s20  }
0x11: {  	p0 =	sne.s32 s2, $0xF;
	s17 =	simm.s32 $0x800;
	[dreg:$0xf] =	wrdreg s21  }
0x12: {  	s18 =	simm.s32 $0x80;
	s19 =	simm.s32 $0x1000;
	[dreg:$0x10] =	wrdreg s22  }
0x13: {  	s20 =	simm.s32 $0x5000;
	[dreg:$0x11] =	wrdreg s25;
	s21 =	simm.s32 $0x1  }
0x14: {  	s22 =	simm.s32 $0x2;
	[dreg:$0x12] =	wrdreg s26;
	s26 =	simm.s32 $0xC00  }
0x15: {  	s11 =	simm.s32 $0xD80;
	s2 =	simm.s32 $0xE00;
	s5 =	simm.s32 $0x700  }
0x16: {  	s10 =	simm.s32 $0x780;
	s14 =	simm.s32 $0xF80;
	[dreg:$0x18] =	wrdreg s13  }
0x17: {  	s12 =	simm.s32 $0x0;
	s1 =	sshrl.u32 s7, $0x1;
	[dreg:$0x19] =	wrdreg s16  }
0x18: {  	s16 =	simm.s32 $0x3;
	s13 =	simm.s32 $0xF00;
	s0 =	ssub.s32 s7, s1  }
0x19: {  	[dreg:$0x14] =	wrdreg s15;
	s1 =	sshrl.u32 s9, $0x2;
	s0 =	smax.u32 s0, $0x1  }
0x1a: {  	s7 =	simm.s32 $0xE80;
	s24 =	sadd.s32 s1, s3;
	[dreg:$0x16] =	wrdreg s0  }
0x1b: {  	v0 =	vimm.f32 $0.0e+00;
	s1 =	simm.s32 $0x680;
	s0 =	simm.s32 $0x600;
	[dreg:$0x17] =	wrdreg s24  }
.LBB2_1:
0x1c: {  	[dreg:$0x1a] =	wrdreg s12;
	s9 =	simm.s32 $0x70;
	s12 =	simm.s32 $0x3C0  }
.LBB2_2:
0x1d: {  	p1 =	sne.s32 s12, $0x9FC0;
	[tilespmem:s9+$0x9000] =	vst v0  }
0x1e: {  	[tilespmem:s9+$0x8F90] =	vst v0  }
0x1f: {  	[tilespmem:s9+$0x8FA0] =	vst v0  }
.Ltmp0:
0x20: {  	[tilespmem:s9+$0x8FB0] =	vst v0;
	(pc) =	sbr.rel @p1 .LBB2_2-.Ltmp0, $4  }
0x21: {  	[tilespmem:s9+$0x8FC0] =	vst v0  }
0x22: {  	[tilespmem:s9+$0x8FD0] =	vst v0  }
0x23: {  	[tilespmem:s9+$0x8FE0] =	vst v0  }
0x24: {  	[tilespmem:s9+$0x8FF0] =	vst v0;
	s9 =	sshra.s32 s12, $0x2;
	s12 =	sadd.s32 $0x200, s12  }
0x25: {  	[tilespmem:s9+$0x9000] =	vst v0  }
0x26: {  	[tilespmem:s9+$0x8F90] =	vst v0  }
0x27: {  	[tilespmem:s9+$0x8FA0] =	vst v0  }
0x28: {  	[tilespmem:s9+$0x8FB0] =	vst v0  }
0x29: {  	[tilespmem:s9+$0x8FC0] =	vst v0  }
0x2a: {  	[tilespmem:s9+$0x8FD0] =	vst v0  }
0x2b: {  	[tilespmem:s9+$0x8FE0] =	vst v0  }
0x2c: {  	[tilespmem:s9+$0x8FF0] =	vst v0;
	s9 =	simm.s32 $0x0;
	p3 =	por $0x1, $0x1  }
.LBB2_4:
0x2d: {  	p2 =	sne.s32 s15, $0x1  }
.Ltmp1:
0x2e: {  	_ = 	snop;
	(pc) =	sbr.rel @!p2 .LBB2_6-.Ltmp1, $4  }
0x2f: {  	_ = 	snop  }
0x30: {  	[spmem:s24] =	stream.linear.scatter [tilespmem:s23], [sflag:$0x3], $0x2800, $0x38;
	[tilespmem:$0x1F100] =	vst v63  }
0x31: {  	p1 =	por p3, p3;
	_ =	swait.ge [sflag:s16], $0x2800  }
0x32: {  	s12 =	sadd.s32 $0xFFFFFFFF, s15;
	s15 =	smov.u32 s24;
	[sflag:s16] =	ssyncset.done $0x0  }
.LBB2_5:
0x33: {  	p3 =	sne.s32 s12, $0x1;
	[sflag:s16] =	ssyncadd.s32 $0xFFFFD800;
	s15 =	sadd.s32 $0x2800, s15  }
.Ltmp2:
0x34: {  	s12 =	sadd.s32 $0xFFFFFFFF, s12;
	(pc) =	sbr.rel @p3 .LBB2_5-.Ltmp2, $4  }
0x35: {  	_ = 	snop  }
0x36: {  	[spmem:s15] =	stream.linear.scatter [tilespmem:s23], [sflag:$0x3], $0x2800, $0x38;
	[tilespmem:$0x1F100] =	vst v63  }
0x37: {  	_ =	swait.ge [sflag:s16], $0x2800  }
0x38: {  	[sflag:s16] =	ssyncset.done $0x0  }
.LBB2_6:
0x39: {  	s15 =	rddreg [dreg:$0x15]  }
0x3a: {  	[sflag:s16] =	ssyncadd.s32 $0xFFFFD800;
	s12 =	simm.s32 @!p0 $0x9000;
	s24 =	rddreg [dreg:$0x13]  }
0x3b: {  	[spmem:s15] =	stream.linear.scatter @!p0 [tilespmem:s12], [sflag:$0x3], $0x800, $0x38;
	[tilespmem:$0x1F100] =	vst v63  }
0x3c: {  	s12 =	sadd.s32 s9, s24  }
0x3d: {  	s9 =	simm.s32 @!p0 $0x3;
	[dreg:$0x1b] =	wrdreg s12  }
0x3e: {  	_ =	swait.ge @!p0 [sflag:s9], $0x800  }
0x3f: {  	s12 =	smul.u32 $0x50000, s12;
	[sflag:s9] =	ssyncset.done @!p0 $0x0  }
0x40: {  	s25 =	rddreg [dreg:$0x18];
	[sflag:s9] =	ssyncadd.s32 @!p0 $0xFFFFF800  }
0x41: {  	s12 =	sadd.s32 s12, s25;
	[bflag:$0x0] =	sbarrier.arrive $0xFFFF  }
0x42: {  	s23 =	sshrl.u32 s12, $0x3;
	s24 =	rddreg [dreg:$0x1]  }
0x43: {  	s25 =	rddreg [dreg:$0x2];
	s12 =	sadd.s32 s23, s24  }
0x44: {  	[dreg:$0x6] =	wrdreg s12  }
0x45: {  	s9 =	sadd.s32 s23, s25;
	s12 =	rddreg [dreg:$0x6]  }
0x46: {  	[dreg:$0x5] =	wrdreg s9;
	s12 =	sadd.s32 $0x0, s12  }
0x47: {  	[tilespmem:s4], [sflag:$0x3] =	stream.linear.gather [hbm4b:s12+s4], $0x800, $0x38;
	[tilespmem:$0x1F100] =	vst v63  }
0x48: {  	_ =	swait.ge [sflag:s16], $0x800  }
0x49: {  	s15 =	rddreg [dreg:$0x5];
	[sflag:s16] =	ssyncset.done $0x0  }
0x4a: {  	[sflag:s16] =	ssyncadd.s32 $0xFFFFF800;
	s9 =	sadd.s32 $0x0, s15  }
0x4b: {  	[tilespmem:s17], [sflag:$0x3] =	stream.linear.gather [hbm4b:s9+s4], $0x800, $0x38;
	[tilespmem:$0x1F100] =	vst v63  }
0x4c: {  	_ =	swait.ge [sflag:s16], $0x800  }
0x4d: {  	[sflag:s16] =	ssyncset.done $0x0  }
0x4e: {  	[sflag:s16] =	ssyncadd.s32 $0xFFFFF800  }
0x4f: {  	[tilespmem:s19], [sflag:$0x1] =	stream.indirect.gather [hbm4b:s6+s18], $0x80, s4, s18, $0xb8;
	[tilespmem:$0x1F100] =	vst v63  }
0x50: {  	_ = 	snop  }
0x51: {  	[tilespmem:s20], [sflag:$0x2] =	stream.indirect.gather [hbm4b:s6+s18], $0x80, s18, s18, $0xb8;
	[tilespmem:$0x1F100] =	vst v63  }
0x52: {  	_ =	swait.ge [sflag:s21], $0x4000  }
0x53: {  	[sflag:s21] =	ssyncset.done $0x0  }
0x54: {  	[sflag:s21] =	ssyncadd.s32 $0xFFFFC000  }
0x55: {  	[spmem:s3] =	stream.indirect.scatter.add.f32 [tilespmem:s19], [sflag:$0x3], $0x80, s17, s18, $0xb8;
	[tilespmem:$0x1F100] =	vst v63  }
0x56: {  	_ =	swait.ge [sflag:s16], $0x4000  }
0x57: {  	[sflag:s16] =	ssyncset.done $0x0  }
0x58: {  	s23 =	rddreg [dreg:$0x7];
	[sflag:s16] =	ssyncadd.s32 $0xFFFFC000  }
0x59: {  	[tilespmem:s19], [sflag:$0x1] =	stream.indirect.gather [hbm4b:s6+s18], $0x80, s23, s18, $0xb8;
	[tilespmem:$0x1F100] =	vst v63  }
0x5a: {  	_ =	swait.ge [sflag:s22], $0x4000  }
0x5b: {  	[sflag:s22] =	ssyncset.done $0x0  }
0x5c: {  	s24 =	rddreg [dreg:$0x8];
	[sflag:s22] =	ssyncadd.s32 $0xFFFFC000  }
0x5d: {  	[spmem:s3] =	stream.indirect.scatter.add.f32 [tilespmem:s20], [sflag:$0x3], $0x80, s24, s18, $0xb8;
	[tilespmem:$0x1F100] =	vst v63  }
0x5e: {  	_ =	swait.ge [sflag:s16], $0x4000  }
0x5f: {  	[sflag:s16] =	ssyncset.done $0x0  }
0x60: {  	s25 =	rddreg [dreg:$0x9];
	[sflag:s16] =	ssyncadd.s32 $0xFFFFC000  }
0x61: {  	[tilespmem:s20], [sflag:$0x2] =	stream.indirect.gather [hbm4b:s6+s18], $0x80, s25, s18, $0xb8;
	[tilespmem:$0x1F100] =	vst v63  }
0x62: {  	_ =	swait.ge [sflag:s21], $0x4000  }
0x63: {  	[sflag:s21] =	ssyncset.done $0x0  }
0x64: {  	s12 =	rddreg [dreg:$0xa];
	[sflag:s21] =	ssyncadd.s32 $0xFFFFC000  }
0x65: {  	[spmem:s3] =	stream.indirect.scatter.add.f32 [tilespmem:s19], [sflag:$0x3], $0x80, s12, s18, $0xb8;
	[tilespmem:$0x1F100] =	vst v63  }
0x66: {  	_ =	swait.ge [sflag:s16], $0x4000  }
0x67: {  	[sflag:s16] =	ssyncset.done $0x0  }
0x68: {  	s15 =	rddreg [dreg:$0xb];
	[sflag:s16] =	ssyncadd.s32 $0xFFFFC000  }
0x69: {  	[tilespmem:s19], [sflag:$0x1] =	stream.indirect.gather [hbm4b:s6+s18], $0x80, s15, s18, $0xb8;
	[tilespmem:$0x1F100] =	vst v63  }
0x6a: {  	_ =	swait.ge [sflag:s22], $0x4000  }
0x6b: {  	[sflag:s22] =	ssyncset.done $0x0  }
0x6c: {  	s23 =	rddreg [dreg:$0xc];
	[sflag:s22] =	ssyncadd.s32 $0xFFFFC000  }
0x6d: {  	[spmem:s3] =	stream.indirect.scatter.add.f32 [tilespmem:s20], [sflag:$0x3], $0x80, s23, s18, $0xb8;
	[tilespmem:$0x1F100] =	vst v63  }
0x6e: {  	_ =	swait.ge [sflag:s16], $0x4000  }
0x6f: {  	[sflag:s16] =	ssyncset.done $0x0  }
0x70: {  	s24 =	rddreg [dreg:$0xd];
	[sflag:s16] =	ssyncadd.s32 $0xFFFFC000  }
0x71: {  	[tilespmem:s20], [sflag:$0x2] =	stream.indirect.gather [hbm4b:s6+s18], $0x80, s24, s18, $0xb8;
	[tilespmem:$0x1F100] =	vst v63  }
0x72: {  	_ =	swait.ge [sflag:s21], $0x4000  }
0x73: {  	[sflag:s21] =	ssyncset.done $0x0  }
0x74: {  	s25 =	rddreg [dreg:$0xe];
	[sflag:s21] =	ssyncadd.s32 $0xFFFFC000  }
0x75: {  	[spmem:s3] =	stream.indirect.scatter.add.f32 [tilespmem:s19], [sflag:$0x3], $0x80, s25, s18, $0xb8;
	[tilespmem:$0x1F100] =	vst v63  }
0x76: {  	_ =	swait.ge [sflag:s16], $0x4000  }
0x77: {  	[sflag:s16] =	ssyncset.done $0x0  }
0x78: {  	s12 =	rddreg [dreg:$0xf];
	[sflag:s16] =	ssyncadd.s32 $0xFFFFC000  }
0x79: {  	[tilespmem:s19], [sflag:$0x1] =	stream.indirect.gather [hbm4b:s6+s18], $0x80, s12, s18, $0xb8;
	[tilespmem:$0x1F100] =	vst v63  }
0x7a: {  	_ =	swait.ge [sflag:s22], $0x4000  }
0x7b: {  	[sflag:s22] =	ssyncset.done $0x0  }
0x7c: {  	s15 =	rddreg [dreg:$0x10];
	[sflag:s22] =	ssyncadd.s32 $0xFFFFC000  }
0x7d: {  	[spmem:s3] =	stream.indirect.scatter.add.f32 [tilespmem:s20], [sflag:$0x3], $0x80, s15, s18, $0xb8;
	[tilespmem:$0x1F100] =	vst v63  }
0x7e: {  	_ =	swait.ge [sflag:s16], $0x4000  }
0x7f: {  	[sflag:s16] =	ssyncset.done $0x0  }
0x80: {  	s23 =	rddreg [dreg:$0x11];
	[sflag:s16] =	ssyncadd.s32 $0xFFFFC000  }
0x81: {  	[tilespmem:s20], [sflag:$0x2] =	stream.indirect.gather [hbm4b:s6+s18], $0x80, s23, s18, $0xb8;
	[tilespmem:$0x1F100] =	vst v63  }
0x82: {  	_ =	swait.ge [sflag:s21], $0x4000  }
0x83: {  	[sflag:s21] =	ssyncset.done $0x0  }
0x84: {  	s24 =	rddreg [dreg:$0x12];
	[sflag:s21] =	ssyncadd.s32 $0xFFFFC000  }
0x85: {  	[spmem:s3] =	stream.indirect.scatter.add.f32 [tilespmem:s19], [sflag:$0x3], $0x80, s24, s18, $0xb8;
	[tilespmem:$0x1F100] =	vst v63  }
0x86: {  	_ =	swait.ge [sflag:s16], $0x4000  }
0x87: {  	[sflag:s16] =	ssyncset.done $0x0  }
0x88: {  	s25 =	simm.s32 $0x400;
	[sflag:s16] =	ssyncadd.s32 $0xFFFFC000  }
0x89: {  	[tilespmem:s19], [sflag:$0x1] =	stream.indirect.gather [hbm4b:s6+s18], $0x80, s25, s18, $0xb8;
	[tilespmem:$0x1F100] =	vst v63  }
0x8a: {  	_ =	swait.ge [sflag:s22], $0x4000  }
0x8b: {  	[sflag:s22] =	ssyncset.done $0x0  }
0x8c: {  	s24 =	simm.s32 $0xB80;
	[sflag:s22] =	ssyncadd.s32 $0xFFFFC000  }
0x8d: {  	[spmem:s3] =	stream.indirect.scatter.add.f32 [tilespmem:s20], [sflag:$0x3], $0x80, s24, s18, $0xb8;
	[tilespmem:$0x1F100] =	vst v63  }
0x8e: {  	_ =	swait.ge [sflag:s16], $0x4000  }
0x8f: {  	[sflag:s16] =	ssyncset.done $0x0  }
0x90: {  	s25 =	simm.s32 $0x480;
	[sflag:s16] =	ssyncadd.s32 $0xFFFFC000  }
0x91: {  	[tilespmem:s20], [sflag:$0x2] =	stream.indirect.gather [hbm4b:s6+s18], $0x80, s25, s18, $0xb8;
	[tilespmem:$0x1F100] =	vst v63  }
0x92: {  	_ =	swait.ge [sflag:s21], $0x4000  }
0x93: {  	[sflag:s21] =	ssyncset.done $0x0  }
0x94: {  	[sflag:s21] =	ssyncadd.s32 $0xFFFFC000  }
0x95: {  	[spmem:s3] =	stream.indirect.scatter.add.f32 [tilespmem:s19], [sflag:$0x3], $0x80, s26, s18, $0xb8;
	[tilespmem:$0x1F100] =	vst v63  }
0x96: {  	_ =	swait.ge [sflag:s16], $0x4000  }
0x97: {  	[sflag:s16] =	ssyncset.done $0x0  }
0x98: {  	[sflag:s16] =	ssyncadd.s32 $0xFFFFC000  }
0x99: {  	[tilespmem:s19], [sflag:$0x1] =	stream.indirect.gather [hbm4b:s6+s18], $0x80, s28, s18, $0xb8;
	[tilespmem:$0x1F100] =	vst v63  }
0x9a: {  	_ =	swait.ge [sflag:s22], $0x4000  }
0x9b: {  	[sflag:s22] =	ssyncset.done $0x0  }
0x9c: {  	[sflag:s22] =	ssyncadd.s32 $0xFFFFC000  }
0x9d: {  	[spmem:s3] =	stream.indirect.scatter.add.f32 [tilespmem:s20], [sflag:$0x3], $0x80, s29, s18, $0xb8;
	[tilespmem:$0x1F100] =	vst v63  }
0x9e: {  	_ =	swait.ge [sflag:s16], $0x4000  }
0x9f: {  	[sflag:s16] =	ssyncset.done $0x0  }
0xa0: {  	[sflag:s16] =	ssyncadd.s32 $0xFFFFC000  }
0xa1: {  	[tilespmem:s20], [sflag:$0x2] =	stream.indirect.gather [hbm4b:s6+s18], $0x80, s30, s18, $0xb8;
	[tilespmem:$0x1F100] =	vst v63  }
0xa2: {  	_ =	swait.ge [sflag:s21], $0x4000  }
0xa3: {  	[sflag:s21] =	ssyncset.done $0x0  }
0xa4: {  	[sflag:s21] =	ssyncadd.s32 $0xFFFFC000  }
0xa5: {  	[spmem:s3] =	stream.indirect.scatter.add.f32 [tilespmem:s19], [sflag:$0x3], $0x80, s31, s18, $0xb8;
	[tilespmem:$0x1F100] =	vst v63  }
0xa6: {  	_ =	swait.ge [sflag:s16], $0x4000  }
0xa7: {  	[sflag:s16] =	ssyncset.done $0x0  }
0xa8: {  	[sflag:s16] =	ssyncadd.s32 $0xFFFFC000  }
0xa9: {  	[tilespmem:s19], [sflag:$0x1] =	stream.indirect.gather [hbm4b:s6+s18], $0x80, s0, s18, $0xb8;
	[tilespmem:$0x1F100] =	vst v63  }
0xaa: {  	_ =	swait.ge [sflag:s22], $0x4000  }
0xab: {  	[sflag:s22] =	ssyncset.done $0x0  }
0xac: {  	[sflag:s22] =	ssyncadd.s32 $0xFFFFC000  }
0xad: {  	[spmem:s3] =	stream.indirect.scatter.add.f32 [tilespmem:s20], [sflag:$0x3], $0x80, s11, s18, $0xb8;
	[tilespmem:$0x1F100] =	vst v63  }
0xae: {  	_ =	swait.ge [sflag:s16], $0x4000  }
0xaf: {  	[sflag:s16] =	ssyncset.done $0x0  }
0xb0: {  	[sflag:s16] =	ssyncadd.s32 $0xFFFFC000  }
0xb1: {  	[tilespmem:s20], [sflag:$0x2] =	stream.indirect.gather [hbm4b:s6+s18], $0x80, s1, s18, $0xb8;
	[tilespmem:$0x1F100] =	vst v63  }
0xb2: {  	_ =	swait.ge [sflag:s21], $0x4000  }
0xb3: {  	[sflag:s21] =	ssyncset.done $0x0  }
0xb4: {  	[sflag:s21] =	ssyncadd.s32 $0xFFFFC000  }
0xb5: {  	[spmem:s3] =	stream.indirect.scatter.add.f32 [tilespmem:s19], [sflag:$0x3], $0x80, s2, s18, $0xb8;
	[tilespmem:$0x1F100] =	vst v63  }
0xb6: {  	_ =	swait.ge [sflag:s16], $0x4000  }
0xb7: {  	[sflag:s16] =	ssyncset.done $0x0  }
0xb8: {  	[sflag:s16] =	ssyncadd.s32 $0xFFFFC000  }
0xb9: {  	[tilespmem:s19], [sflag:$0x1] =	stream.indirect.gather [hbm4b:s6+s18], $0x80, s5, s18, $0xb8;
	[tilespmem:$0x1F100] =	vst v63  }
0xba: {  	_ =	swait.ge [sflag:s22], $0x4000  }
0xbb: {  	[sflag:s22] =	ssyncset.done $0x0  }
0xbc: {  	[sflag:s22] =	ssyncadd.s32 $0xFFFFC000  }
0xbd: {  	[spmem:s3] =	stream.indirect.scatter.add.f32 [tilespmem:s20], [sflag:$0x3], $0x80, s7, s18, $0xb8;
	[tilespmem:$0x1F100] =	vst v63  }
0xbe: {  	_ =	swait.ge [sflag:s16], $0x4000  }
0xbf: {  	[sflag:s16] =	ssyncset.done $0x0  }
0xc0: {  	[sflag:s16] =	ssyncadd.s32 $0xFFFFC000  }
0xc1: {  	[tilespmem:s20], [sflag:$0x2] =	stream.indirect.gather [hbm4b:s6+s18], $0x80, s10, s18, $0xb8;
	[tilespmem:$0x1F100] =	vst v63  }
0xc2: {  	_ =	swait.ge [sflag:s21], $0x4000  }
0xc3: {  	[sflag:s21] =	ssyncset.done $0x0  }
0xc4: {  	[sflag:s21] =	ssyncadd.s32 $0xFFFFC000  }
0xc5: {  	[spmem:s3] =	stream.indirect.scatter.add.f32 [tilespmem:s19], [sflag:$0x3], $0x80, s13, s18, $0xb8;
	[tilespmem:$0x1F100] =	vst v63  }
0xc6: {  	_ =	swait.ge [sflag:s16], $0x4000  }
0xc7: {  	[sflag:s16] =	ssyncset.done $0x0  }
0xc8: {  	[sflag:s16] =	ssyncadd.s32 $0xFFFFC000  }
0xc9: {  	_ =	swait.ge [sflag:s22], $0x4000  }
0xca: {  	[sflag:s22] =	ssyncset.done $0x0  }
0xcb: {  	[sflag:s22] =	ssyncadd.s32 $0xFFFFC000  }
0xcc: {  	[spmem:s3] =	stream.indirect.scatter.add.f32 [tilespmem:s20], [sflag:$0x3], $0x80, s14, s18, $0xb8;
	[tilespmem:$0x1F100] =	vst v63  }
0xcd: {  	s9 =	simm.s32 $0x100;
	_ =	swait.ge [sflag:s16], $0x4000  }
0xce: {  	s12 =	simm.s32 $0x200;
	s15 =	rddreg [dreg:$0x6];
	[sflag:s16] =	ssyncset.done $0x0  }
.LBB2_7:
0xcf: {  	[sflag:s16] =	ssyncadd.s32 $0xFFFFC000;
	s15 =	sadd.s32 s9, s15  }
0xd0: {  	[tilespmem:s4], [sflag:$0x3] =	stream.linear.gather [hbm4b:s15+s4], $0x800, $0x38;
	[tilespmem:$0x1F100] =	vst v63  }
0xd1: {  	_ =	swait.ge [sflag:s16], $0x800  }
0xd2: {  	s15 =	rddreg [dreg:$0x5];
	[sflag:s16] =	ssyncset.done $0x0  }
0xd3: {  	[sflag:s16] =	ssyncadd.s32 $0xFFFFF800;
	s15 =	sadd.s32 s9, s15  }
0xd4: {  	[tilespmem:s17], [sflag:$0x3] =	stream.linear.gather [hbm4b:s15+s4], $0x800, $0x38;
	[tilespmem:$0x1F100] =	vst v63  }
0xd5: {  	_ =	swait.ge [sflag:s16], $0x800  }
0xd6: {  	[sflag:s16] =	ssyncset.done $0x0  }
0xd7: {  	[sflag:s16] =	ssyncadd.s32 $0xFFFFF800  }
0xd8: {  	[tilespmem:s19], [sflag:$0x1] =	stream.indirect.gather [hbm4b:s6+s18], $0x80, s4, s18, $0xb8;
	[tilespmem:$0x1F100] =	vst v63  }
0xd9: {  	_ = 	snop  }
0xda: {  	[tilespmem:s20], [sflag:$0x2] =	stream.indirect.gather [hbm4b:s6+s18], $0x80, s18, s18, $0xb8;
	[tilespmem:$0x1F100] =	vst v63  }
0xdb: {  	_ =	swait.ge [sflag:s21], $0x4000  }
0xdc: {  	[sflag:s21] =	ssyncset.done $0x0  }
0xdd: {  	[sflag:s21] =	ssyncadd.s32 $0xFFFFC000  }
0xde: {  	[spmem:s3] =	stream.indirect.scatter.add.f32 [tilespmem:s19], [sflag:$0x3], $0x80, s17, s18, $0xb8;
	[tilespmem:$0x1F100] =	vst v63  }
0xdf: {  	_ =	swait.ge [sflag:s16], $0x4000  }
0xe0: {  	[sflag:s16] =	ssyncset.done $0x0  }
0xe1: {  	s15 =	rddreg [dreg:$0x7];
	[sflag:s16] =	ssyncadd.s32 $0xFFFFC000  }
0xe2: {  	[tilespmem:s19], [sflag:$0x1] =	stream.indirect.gather [hbm4b:s6+s18], $0x80, s15, s18, $0xb8;
	[tilespmem:$0x1F100] =	vst v63  }
0xe3: {  	_ =	swait.ge [sflag:s22], $0x4000  }
0xe4: {  	[sflag:s22] =	ssyncset.done $0x0  }
0xe5: {  	s15 =	rddreg [dreg:$0x8];
	[sflag:s22] =	ssyncadd.s32 $0xFFFFC000  }
0xe6: {  	[spmem:s3] =	stream.indirect.scatter.add.f32 [tilespmem:s20], [sflag:$0x3], $0x80, s15, s18, $0xb8;
	[tilespmem:$0x1F100] =	vst v63  }
0xe7: {  	_ =	swait.ge [sflag:s16], $0x4000  }
0xe8: {  	[sflag:s16] =	ssyncset.done $0x0  }
0xe9: {  	s15 =	rddreg [dreg:$0x9];
	[sflag:s16] =	ssyncadd.s32 $0xFFFFC000  }
0xea: {  	[tilespmem:s20], [sflag:$0x2] =	stream.indirect.gather [hbm4b:s6+s18], $0x80, s15, s18, $0xb8;
	[tilespmem:$0x1F100] =	vst v63  }
0xeb: {  	_ =	swait.ge [sflag:s21], $0x4000  }
0xec: {  	[sflag:s21] =	ssyncset.done $0x0  }
0xed: {  	s15 =	rddreg [dreg:$0xa];
	[sflag:s21] =	ssyncadd.s32 $0xFFFFC000  }
0xee: {  	[spmem:s3] =	stream.indirect.scatter.add.f32 [tilespmem:s19], [sflag:$0x3], $0x80, s15, s18, $0xb8;
	[tilespmem:$0x1F100] =	vst v63  }
0xef: {  	_ =	swait.ge [sflag:s16], $0x4000  }
0xf0: {  	[sflag:s16] =	ssyncset.done $0x0  }
0xf1: {  	s15 =	rddreg [dreg:$0xb];
	[sflag:s16] =	ssyncadd.s32 $0xFFFFC000  }
0xf2: {  	[tilespmem:s19], [sflag:$0x1] =	stream.indirect.gather [hbm4b:s6+s18], $0x80, s15, s18, $0xb8;
	[tilespmem:$0x1F100] =	vst v63  }
0xf3: {  	_ =	swait.ge [sflag:s22], $0x4000  }
0xf4: {  	[sflag:s22] =	ssyncset.done $0x0  }
0xf5: {  	s15 =	rddreg [dreg:$0xc];
	[sflag:s22] =	ssyncadd.s32 $0xFFFFC000  }
0xf6: {  	[spmem:s3] =	stream.indirect.scatter.add.f32 [tilespmem:s20], [sflag:$0x3], $0x80, s15, s18, $0xb8;
	[tilespmem:$0x1F100] =	vst v63  }
0xf7: {  	_ =	swait.ge [sflag:s16], $0x4000  }
0xf8: {  	[sflag:s16] =	ssyncset.done $0x0  }
0xf9: {  	s15 =	rddreg [dreg:$0xd];
	[sflag:s16] =	ssyncadd.s32 $0xFFFFC000  }
0xfa: {  	[tilespmem:s20], [sflag:$0x2] =	stream.indirect.gather [hbm4b:s6+s18], $0x80, s15, s18, $0xb8;
	[tilespmem:$0x1F100] =	vst v63  }
0xfb: {  	_ =	swait.ge [sflag:s21], $0x4000  }
0xfc: {  	[sflag:s21] =	ssyncset.done $0x0  }
0xfd: {  	s15 =	rddreg [dreg:$0xe];
	[sflag:s21] =	ssyncadd.s32 $0xFFFFC000  }
0xfe: {  	[spmem:s3] =	stream.indirect.scatter.add.f32 [tilespmem:s19], [sflag:$0x3], $0x80, s15, s18, $0xb8;
	[tilespmem:$0x1F100] =	vst v63  }
0xff: {  	_ =	swait.ge [sflag:s16], $0x4000  }
0x100: {  	[sflag:s16] =	ssyncset.done $0x0  }
0x101: {  	s15 =	rddreg [dreg:$0xf];
	[sflag:s16] =	ssyncadd.s32 $0xFFFFC000  }
0x102: {  	[tilespmem:s19], [sflag:$0x1] =	stream.indirect.gather [hbm4b:s6+s18], $0x80, s15, s18, $0xb8;
	[tilespmem:$0x1F100] =	vst v63  }
0x103: {  	_ =	swait.ge [sflag:s22], $0x4000  }
0x104: {  	[sflag:s22] =	ssyncset.done $0x0  }
0x105: {  	s15 =	rddreg [dreg:$0x10];
	[sflag:s22] =	ssyncadd.s32 $0xFFFFC000  }
0x106: {  	[spmem:s3] =	stream.indirect.scatter.add.f32 [tilespmem:s20], [sflag:$0x3], $0x80, s15, s18, $0xb8;
	[tilespmem:$0x1F100] =	vst v63  }
0x107: {  	_ =	swait.ge [sflag:s16], $0x4000  }
0x108: {  	[sflag:s16] =	ssyncset.done $0x0  }
0x109: {  	s15 =	rddreg [dreg:$0x11];
	[sflag:s16] =	ssyncadd.s32 $0xFFFFC000  }
0x10a: {  	[tilespmem:s20], [sflag:$0x2] =	stream.indirect.gather [hbm4b:s6+s18], $0x80, s15, s18, $0xb8;
	[tilespmem:$0x1F100] =	vst v63  }
0x10b: {  	_ =	swait.ge [sflag:s21], $0x4000  }
0x10c: {  	[sflag:s21] =	ssyncset.done $0x0  }
0x10d: {  	s15 =	rddreg [dreg:$0x12];
	[sflag:s21] =	ssyncadd.s32 $0xFFFFC000  }
0x10e: {  	[spmem:s3] =	stream.indirect.scatter.add.f32 [tilespmem:s19], [sflag:$0x3], $0x80, s15, s18, $0xb8;
	[tilespmem:$0x1F100] =	vst v63  }
0x10f: {  	_ =	swait.ge [sflag:s16], $0x4000  }
0x110: {  	s23 =	smov.u32 s12;
	[sflag:s16] =	ssyncset.done $0x0  }
0x111: {  	s9 =	smov.u32 s23;
	s23 =	simm.s32 $0x400;
	[sflag:s16] =	ssyncadd.s32 $0xFFFFC000  }
0x112: {  	[tilespmem:s19], [sflag:$0x1] =	stream.indirect.gather [hbm4b:s6+s18], $0x80, s23, s18, $0xb8;
	[tilespmem:$0x1F100] =	vst v63  }
0x113: {  	_ =	swait.ge [sflag:s22], $0x4000  }
0x114: {  	[sflag:s22] =	ssyncset.done $0x0  }
0x115: {  	[sflag:s22] =	ssyncadd.s32 $0xFFFFC000  }
0x116: {  	[spmem:s3] =	stream.indirect.scatter.add.f32 [tilespmem:s20], [sflag:$0x3], $0x80, s24, s18, $0xb8;
	[tilespmem:$0x1F100] =	vst v63  }
0x117: {  	_ =	swait.ge [sflag:s16], $0x4000  }
0x118: {  	[sflag:s16] =	ssyncset.done $0x0  }
0x119: {  	[sflag:s16] =	ssyncadd.s32 $0xFFFFC000  }
0x11a: {  	[tilespmem:s20], [sflag:$0x2] =	stream.indirect.gather [hbm4b:s6+s18], $0x80, s25, s18, $0xb8;
	[tilespmem:$0x1F100] =	vst v63  }
0x11b: {  	_ =	swait.ge [sflag:s21], $0x4000  }
0x11c: {  	[sflag:s21] =	ssyncset.done $0x0  }
0x11d: {  	[sflag:s21] =	ssyncadd.s32 $0xFFFFC000  }
0x11e: {  	[spmem:s3] =	stream.indirect.scatter.add.f32 [tilespmem:s19], [sflag:$0x3], $0x80, s26, s18, $0xb8;
	[tilespmem:$0x1F100] =	vst v63  }
0x11f: {  	_ =	swait.ge [sflag:s16], $0x4000  }
0x120: {  	[sflag:s16] =	ssyncset.done $0x0  }
0x121: {  	[sflag:s16] =	ssyncadd.s32 $0xFFFFC000  }
0x122: {  	[tilespmem:s19], [sflag:$0x1] =	stream.indirect.gather [hbm4b:s6+s18], $0x80, s28, s18, $0xb8;
	[tilespmem:$0x1F100] =	vst v63  }
0x123: {  	_ =	swait.ge [sflag:s22], $0x4000  }
0x124: {  	[sflag:s22] =	ssyncset.done $0x0  }
0x125: {  	[sflag:s22] =	ssyncadd.s32 $0xFFFFC000  }
0x126: {  	[spmem:s3] =	stream.indirect.scatter.add.f32 [tilespmem:s20], [sflag:$0x3], $0x80, s29, s18, $0xb8;
	[tilespmem:$0x1F100] =	vst v63  }
0x127: {  	_ =	swait.ge [sflag:s16], $0x4000  }
0x128: {  	[sflag:s16] =	ssyncset.done $0x0  }
0x129: {  	[sflag:s16] =	ssyncadd.s32 $0xFFFFC000  }
0x12a: {  	[tilespmem:s20], [sflag:$0x2] =	stream.indirect.gather [hbm4b:s6+s18], $0x80, s30, s18, $0xb8;
	[tilespmem:$0x1F100] =	vst v63  }
0x12b: {  	_ =	swait.ge [sflag:s21], $0x4000  }
0x12c: {  	[sflag:s21] =	ssyncset.done $0x0  }
0x12d: {  	[sflag:s21] =	ssyncadd.s32 $0xFFFFC000  }
0x12e: {  	[spmem:s3] =	stream.indirect.scatter.add.f32 [tilespmem:s19], [sflag:$0x3], $0x80, s31, s18, $0xb8;
	[tilespmem:$0x1F100] =	vst v63  }
0x12f: {  	_ =	swait.ge [sflag:s16], $0x4000  }
0x130: {  	[sflag:s16] =	ssyncset.done $0x0  }
0x131: {  	[sflag:s16] =	ssyncadd.s32 $0xFFFFC000  }
0x132: {  	[tilespmem:s19], [sflag:$0x1] =	stream.indirect.gather [hbm4b:s6+s18], $0x80, s0, s18, $0xb8;
	[tilespmem:$0x1F100] =	vst v63  }
0x133: {  	_ =	swait.ge [sflag:s22], $0x4000  }
0x134: {  	[sflag:s22] =	ssyncset.done $0x0  }
0x135: {  	[sflag:s22] =	ssyncadd.s32 $0xFFFFC000  }
0x136: {  	[spmem:s3] =	stream.indirect.scatter.add.f32 [tilespmem:s20], [sflag:$0x3], $0x80, s11, s18, $0xb8;
	[tilespmem:$0x1F100] =	vst v63  }
0x137: {  	_ =	swait.ge [sflag:s16], $0x4000  }
0x138: {  	[sflag:s16] =	ssyncset.done $0x0  }
0x139: {  	[sflag:s16] =	ssyncadd.s32 $0xFFFFC000  }
0x13a: {  	[tilespmem:s20], [sflag:$0x2] =	stream.indirect.gather [hbm4b:s6+s18], $0x80, s1, s18, $0xb8;
	[tilespmem:$0x1F100] =	vst v63  }
0x13b: {  	_ =	swait.ge [sflag:s21], $0x4000  }
0x13c: {  	[sflag:s21] =	ssyncset.done $0x0  }
0x13d: {  	[sflag:s21] =	ssyncadd.s32 $0xFFFFC000  }
0x13e: {  	[spmem:s3] =	stream.indirect.scatter.add.f32 [tilespmem:s19], [sflag:$0x3], $0x80, s2, s18, $0xb8;
	[tilespmem:$0x1F100] =	vst v63  }
0x13f: {  	_ =	swait.ge [sflag:s16], $0x4000  }
0x140: {  	[sflag:s16] =	ssyncset.done $0x0  }
0x141: {  	[sflag:s16] =	ssyncadd.s32 $0xFFFFC000  }
0x142: {  	[tilespmem:s19], [sflag:$0x1] =	stream.indirect.gather [hbm4b:s6+s18], $0x80, s5, s18, $0xb8;
	[tilespmem:$0x1F100] =	vst v63  }
0x143: {  	_ =	swait.ge [sflag:s22], $0x4000  }
0x144: {  	[sflag:s22] =	ssyncset.done $0x0  }
0x145: {  	[sflag:s22] =	ssyncadd.s32 $0xFFFFC000  }
0x146: {  	[spmem:s3] =	stream.indirect.scatter.add.f32 [tilespmem:s20], [sflag:$0x3], $0x80, s7, s18, $0xb8;
	[tilespmem:$0x1F100] =	vst v63  }
0x147: {  	_ =	swait.ge [sflag:s16], $0x4000  }
0x148: {  	[sflag:s16] =	ssyncset.done $0x0  }
0x149: {  	[sflag:s16] =	ssyncadd.s32 $0xFFFFC000  }
0x14a: {  	[tilespmem:s20], [sflag:$0x2] =	stream.indirect.gather [hbm4b:s6+s18], $0x80, s10, s18, $0xb8;
	[tilespmem:$0x1F100] =	vst v63  }
0x14b: {  	_ =	swait.ge [sflag:s21], $0x4000  }
0x14c: {  	[sflag:s21] =	ssyncset.done $0x0  }
0x14d: {  	[sflag:s21] =	ssyncadd.s32 $0xFFFFC000  }
0x14e: {  	[spmem:s3] =	stream.indirect.scatter.add.f32 [tilespmem:s19], [sflag:$0x3], $0x80, s13, s18, $0xb8;
	[tilespmem:$0x1F100] =	vst v63  }
0x14f: {  	_ =	swait.ge [sflag:s16], $0x4000  }
0x150: {  	[sflag:s16] =	ssyncset.done $0x0  }
0x151: {  	[sflag:s16] =	ssyncadd.s32 $0xFFFFC000  }
0x152: {  	p3 =	sne.s32 s12, $0x900;
	_ =	swait.ge [sflag:s22], $0x4000  }
.Ltmp3:
0x153: {  	[sflag:s22] =	ssyncset.done $0x0;
	(pc) =	sbr.rel @p3 .LBB2_7-.Ltmp3, $4  }
0x154: {  	[sflag:s22] =	ssyncadd.s32 $0xFFFFC000  }
0x155: {  	[spmem:s3] =	stream.indirect.scatter.add.f32 [tilespmem:s20], [sflag:$0x3], $0x80, s14, s18, $0xb8;
	[tilespmem:$0x1F100] =	vst v63  }
0x156: {  	_ =	swait.ge [sflag:s16], $0x4000  }
0x157: {  	s12 =	sadd.s32 $0x100, s12;
	s15 =	rddreg [dreg:$0x6];
	[sflag:s16] =	ssyncset.done $0x0  }
0x158: {  	[sflag:s16] =	ssyncadd.s32 $0xFFFFC000;
	s12 =	sadd.s32 s9, s15  }
0x159: {  	[tilespmem:s4], [sflag:$0x3] =	stream.linear.gather [hbm4b:s12+s4], $0x800, $0x38;
	[tilespmem:$0x1F100] =	vst v63  }
0x15a: {  	_ =	swait.ge [sflag:s16], $0x800  }
0x15b: {  	s15 =	rddreg [dreg:$0x5];
	[sflag:s16] =	ssyncset.done $0x0  }
0x15c: {  	[sflag:s16] =	ssyncadd.s32 $0xFFFFF800;
	s12 =	sadd.s32 s9, s15  }
0x15d: {  	[tilespmem:s17], [sflag:$0x3] =	stream.linear.gather [hbm4b:s12+s4], $0x800, $0x38;
	[tilespmem:$0x1F100] =	vst v63  }
0x15e: {  	_ =	swait.ge [sflag:s16], $0x800  }
0x15f: {  	[sflag:s16] =	ssyncset.done $0x0  }
0x160: {  	[sflag:s16] =	ssyncadd.s32 $0xFFFFF800  }
0x161: {  	[tilespmem:s19], [sflag:$0x1] =	stream.indirect.gather [hbm4b:s6+s18], $0x80, s4, s18, $0xb8;
	[tilespmem:$0x1F100] =	vst v63  }
0x162: {  	_ = 	snop  }
0x163: {  	[tilespmem:s20], [sflag:$0x2] =	stream.indirect.gather [hbm4b:s6+s18], $0x80, s18, s18, $0xb8;
	[tilespmem:$0x1F100] =	vst v63  }
0x164: {  	_ =	swait.ge [sflag:s21], $0x4000  }
0x165: {  	[sflag:s21] =	ssyncset.done $0x0  }
0x166: {  	[sflag:s21] =	ssyncadd.s32 $0xFFFFC000  }
0x167: {  	[spmem:s3] =	stream.indirect.scatter.add.f32 [tilespmem:s19], [sflag:$0x3], $0x80, s17, s18, $0xb8;
	[tilespmem:$0x1F100] =	vst v63  }
0x168: {  	_ =	swait.ge [sflag:s16], $0x4000  }
0x169: {  	[sflag:s16] =	ssyncset.done $0x0  }
0x16a: {  	s15 =	rddreg [dreg:$0x7];
	[sflag:s16] =	ssyncadd.s32 $0xFFFFC000  }
0x16b: {  	[tilespmem:s19], [sflag:$0x1] =	stream.indirect.gather [hbm4b:s6+s18], $0x80, s15, s18, $0xb8;
	[tilespmem:$0x1F100] =	vst v63  }
0x16c: {  	_ =	swait.ge [sflag:s22], $0x4000  }
0x16d: {  	[sflag:s22] =	ssyncset.done $0x0  }
0x16e: {  	s12 =	rddreg [dreg:$0x8];
	[sflag:s22] =	ssyncadd.s32 $0xFFFFC000  }
0x16f: {  	[spmem:s3] =	stream.indirect.scatter.add.f32 [tilespmem:s20], [sflag:$0x3], $0x80, s12, s18, $0xb8;
	[tilespmem:$0x1F100] =	vst v63  }
0x170: {  	_ =	swait.ge [sflag:s16], $0x4000  }
0x171: {  	[sflag:s16] =	ssyncset.done $0x0  }
0x172: {  	s15 =	rddreg [dreg:$0x9];
	[sflag:s16] =	ssyncadd.s32 $0xFFFFC000  }
0x173: {  	[tilespmem:s20], [sflag:$0x2] =	stream.indirect.gather [hbm4b:s6+s18], $0x80, s15, s18, $0xb8;
	[tilespmem:$0x1F100] =	vst v63  }
0x174: {  	_ =	swait.ge [sflag:s21], $0x4000  }
0x175: {  	[sflag:s21] =	ssyncset.done $0x0  }
0x176: {  	s12 =	rddreg [dreg:$0xa];
	[sflag:s21] =	ssyncadd.s32 $0xFFFFC000  }
0x177: {  	[spmem:s3] =	stream.indirect.scatter.add.f32 [tilespmem:s19], [sflag:$0x3], $0x80, s12, s18, $0xb8;
	[tilespmem:$0x1F100] =	vst v63  }
0x178: {  	_ =	swait.ge [sflag:s16], $0x4000  }
0x179: {  	[sflag:s16] =	ssyncset.done $0x0  }
0x17a: {  	s15 =	rddreg [dreg:$0xb];
	[sflag:s16] =	ssyncadd.s32 $0xFFFFC000  }
0x17b: {  	[tilespmem:s19], [sflag:$0x1] =	stream.indirect.gather [hbm4b:s6+s18], $0x80, s15, s18, $0xb8;
	[tilespmem:$0x1F100] =	vst v63  }
0x17c: {  	_ =	swait.ge [sflag:s22], $0x4000  }
0x17d: {  	[sflag:s22] =	ssyncset.done $0x0  }
0x17e: {  	s12 =	rddreg [dreg:$0xc];
	[sflag:s22] =	ssyncadd.s32 $0xFFFFC000  }
0x17f: {  	[spmem:s3] =	stream.indirect.scatter.add.f32 [tilespmem:s20], [sflag:$0x3], $0x80, s12, s18, $0xb8;
	[tilespmem:$0x1F100] =	vst v63  }
0x180: {  	_ =	swait.ge [sflag:s16], $0x4000  }
0x181: {  	[sflag:s16] =	ssyncset.done $0x0  }
0x182: {  	s15 =	rddreg [dreg:$0xd];
	[sflag:s16] =	ssyncadd.s32 $0xFFFFC000  }
0x183: {  	[tilespmem:s20], [sflag:$0x2] =	stream.indirect.gather [hbm4b:s6+s18], $0x80, s15, s18, $0xb8;
	[tilespmem:$0x1F100] =	vst v63  }
0x184: {  	_ =	swait.ge [sflag:s21], $0x4000  }
0x185: {  	[sflag:s21] =	ssyncset.done $0x0  }
0x186: {  	s12 =	rddreg [dreg:$0xe];
	[sflag:s21] =	ssyncadd.s32 $0xFFFFC000  }
0x187: {  	[spmem:s3] =	stream.indirect.scatter.add.f32 [tilespmem:s19], [sflag:$0x3], $0x80, s12, s18, $0xb8;
	[tilespmem:$0x1F100] =	vst v63  }
0x188: {  	_ =	swait.ge [sflag:s16], $0x4000  }
0x189: {  	[sflag:s16] =	ssyncset.done $0x0  }
0x18a: {  	s15 =	rddreg [dreg:$0xf];
	[sflag:s16] =	ssyncadd.s32 $0xFFFFC000  }
0x18b: {  	[tilespmem:s19], [sflag:$0x1] =	stream.indirect.gather [hbm4b:s6+s18], $0x80, s15, s18, $0xb8;
	[tilespmem:$0x1F100] =	vst v63  }
0x18c: {  	_ =	swait.ge [sflag:s22], $0x4000  }
0x18d: {  	[sflag:s22] =	ssyncset.done $0x0  }
0x18e: {  	s12 =	rddreg [dreg:$0x10];
	[sflag:s22] =	ssyncadd.s32 $0xFFFFC000  }
0x18f: {  	[spmem:s3] =	stream.indirect.scatter.add.f32 [tilespmem:s20], [sflag:$0x3], $0x80, s12, s18, $0xb8;
	[tilespmem:$0x1F100] =	vst v63  }
0x190: {  	_ =	swait.ge [sflag:s16], $0x4000  }
0x191: {  	[sflag:s16] =	ssyncset.done $0x0  }
0x192: {  	s15 =	rddreg [dreg:$0x11];
	[sflag:s16] =	ssyncadd.s32 $0xFFFFC000  }
0x193: {  	[tilespmem:s20], [sflag:$0x2] =	stream.indirect.gather [hbm4b:s6+s18], $0x80, s15, s18, $0xb8;
	[tilespmem:$0x1F100] =	vst v63  }
0x194: {  	_ =	swait.ge [sflag:s21], $0x4000  }
0x195: {  	[sflag:s21] =	ssyncset.done $0x0  }
0x196: {  	s12 =	rddreg [dreg:$0x12];
	[sflag:s21] =	ssyncadd.s32 $0xFFFFC000  }
0x197: {  	[spmem:s3] =	stream.indirect.scatter.add.f32 [tilespmem:s19], [sflag:$0x3], $0x80, s12, s18, $0xb8;
	[tilespmem:$0x1F100] =	vst v63  }
0x198: {  	_ =	swait.ge [sflag:s16], $0x4000  }
0x199: {  	[sflag:s16] =	ssyncset.done $0x0  }
0x19a: {  	[sflag:s16] =	ssyncadd.s32 $0xFFFFC000  }
0x19b: {  	[tilespmem:s19], [sflag:$0x1] =	stream.indirect.gather [hbm4b:s6+s18], $0x80, s23, s18, $0xb8;
	[tilespmem:$0x1F100] =	vst v63  }
0x19c: {  	_ =	swait.ge [sflag:s22], $0x4000  }
0x19d: {  	[sflag:s22] =	ssyncset.done $0x0  }
0x19e: {  	[sflag:s22] =	ssyncadd.s32 $0xFFFFC000  }
0x19f: {  	[spmem:s3] =	stream.indirect.scatter.add.f32 [tilespmem:s20], [sflag:$0x3], $0x80, s24, s18, $0xb8;
	[tilespmem:$0x1F100] =	vst v63  }
0x1a0: {  	_ =	swait.ge [sflag:s16], $0x4000  }
0x1a1: {  	[sflag:s16] =	ssyncset.done $0x0  }
0x1a2: {  	[sflag:s16] =	ssyncadd.s32 $0xFFFFC000  }
0x1a3: {  	[tilespmem:s20], [sflag:$0x2] =	stream.indirect.gather [hbm4b:s6+s18], $0x80, s25, s18, $0xb8;
	[tilespmem:$0x1F100] =	vst v63  }
0x1a4: {  	_ =	swait.ge [sflag:s21], $0x4000  }
0x1a5: {  	[sflag:s21] =	ssyncset.done $0x0  }
0x1a6: {  	[sflag:s21] =	ssyncadd.s32 $0xFFFFC000  }
0x1a7: {  	[spmem:s3] =	stream.indirect.scatter.add.f32 [tilespmem:s19], [sflag:$0x3], $0x80, s26, s18, $0xb8;
	[tilespmem:$0x1F100] =	vst v63  }
0x1a8: {  	_ =	swait.ge [sflag:s16], $0x4000  }
0x1a9: {  	[sflag:s16] =	ssyncset.done $0x0  }
0x1aa: {  	[sflag:s16] =	ssyncadd.s32 $0xFFFFC000  }
0x1ab: {  	[tilespmem:s19], [sflag:$0x1] =	stream.indirect.gather [hbm4b:s6+s18], $0x80, s28, s18, $0xb8;
	[tilespmem:$0x1F100] =	vst v63  }
0x1ac: {  	_ =	swait.ge [sflag:s22], $0x4000  }
0x1ad: {  	[sflag:s22] =	ssyncset.done $0x0  }
0x1ae: {  	[sflag:s22] =	ssyncadd.s32 $0xFFFFC000  }
0x1af: {  	[spmem:s3] =	stream.indirect.scatter.add.f32 [tilespmem:s20], [sflag:$0x3], $0x80, s29, s18, $0xb8;
	[tilespmem:$0x1F100] =	vst v63  }
0x1b0: {  	_ =	swait.ge [sflag:s16], $0x4000  }
0x1b1: {  	[sflag:s16] =	ssyncset.done $0x0  }
0x1b2: {  	[sflag:s16] =	ssyncadd.s32 $0xFFFFC000  }
0x1b3: {  	[tilespmem:s20], [sflag:$0x2] =	stream.indirect.gather [hbm4b:s6+s18], $0x80, s30, s18, $0xb8;
	[tilespmem:$0x1F100] =	vst v63  }
0x1b4: {  	_ =	swait.ge [sflag:s21], $0x4000  }
0x1b5: {  	[sflag:s21] =	ssyncset.done $0x0  }
0x1b6: {  	[sflag:s21] =	ssyncadd.s32 $0xFFFFC000  }
0x1b7: {  	[spmem:s3] =	stream.indirect.scatter.add.f32 [tilespmem:s19], [sflag:$0x3], $0x80, s31, s18, $0xb8;
	[tilespmem:$0x1F100] =	vst v63  }
0x1b8: {  	_ =	swait.ge [sflag:s16], $0x4000  }
0x1b9: {  	[sflag:s16] =	ssyncset.done $0x0  }
0x1ba: {  	[sflag:s16] =	ssyncadd.s32 $0xFFFFC000  }
0x1bb: {  	[tilespmem:s19], [sflag:$0x1] =	stream.indirect.gather [hbm4b:s6+s18], $0x80, s0, s18, $0xb8;
	[tilespmem:$0x1F100] =	vst v63  }
0x1bc: {  	_ =	swait.ge [sflag:s22], $0x4000  }
0x1bd: {  	[sflag:s22] =	ssyncset.done $0x0  }
0x1be: {  	[sflag:s22] =	ssyncadd.s32 $0xFFFFC000  }
0x1bf: {  	[spmem:s3] =	stream.indirect.scatter.add.f32 [tilespmem:s20], [sflag:$0x3], $0x80, s11, s18, $0xb8;
	[tilespmem:$0x1F100] =	vst v63  }
0x1c0: {  	_ =	swait.ge [sflag:s16], $0x4000  }
0x1c1: {  	[sflag:s16] =	ssyncset.done $0x0  }
0x1c2: {  	[sflag:s16] =	ssyncadd.s32 $0xFFFFC000  }
0x1c3: {  	[tilespmem:s20], [sflag:$0x2] =	stream.indirect.gather [hbm4b:s6+s18], $0x80, s1, s18, $0xb8;
	[tilespmem:$0x1F100] =	vst v63  }
0x1c4: {  	_ =	swait.ge [sflag:s21], $0x4000  }
0x1c5: {  	[sflag:s21] =	ssyncset.done $0x0  }
0x1c6: {  	[sflag:s21] =	ssyncadd.s32 $0xFFFFC000  }
0x1c7: {  	[spmem:s3] =	stream.indirect.scatter.add.f32 [tilespmem:s19], [sflag:$0x3], $0x80, s2, s18, $0xb8;
	[tilespmem:$0x1F100] =	vst v63  }
0x1c8: {  	_ =	swait.ge [sflag:s16], $0x4000  }
0x1c9: {  	[sflag:s16] =	ssyncset.done $0x0  }
0x1ca: {  	[sflag:s16] =	ssyncadd.s32 $0xFFFFC000  }
0x1cb: {  	[tilespmem:s19], [sflag:$0x1] =	stream.indirect.gather [hbm4b:s6+s18], $0x80, s5, s18, $0xb8;
	[tilespmem:$0x1F100] =	vst v63  }
0x1cc: {  	_ =	swait.ge [sflag:s22], $0x4000  }
0x1cd: {  	[sflag:s22] =	ssyncset.done $0x0  }
0x1ce: {  	[sflag:s22] =	ssyncadd.s32 $0xFFFFC000  }
0x1cf: {  	[spmem:s3] =	stream.indirect.scatter.add.f32 [tilespmem:s20], [sflag:$0x3], $0x80, s7, s18, $0xb8;
	[tilespmem:$0x1F100] =	vst v63  }
0x1d0: {  	_ =	swait.ge [sflag:s16], $0x4000  }
0x1d1: {  	[sflag:s16] =	ssyncset.done $0x0  }
0x1d2: {  	[sflag:s16] =	ssyncadd.s32 $0xFFFFC000  }
0x1d3: {  	[tilespmem:s20], [sflag:$0x2] =	stream.indirect.gather [hbm4b:s6+s18], $0x80, s10, s18, $0xb8;
	[tilespmem:$0x1F100] =	vst v63  }
0x1d4: {  	_ =	swait.ge [sflag:s21], $0x4000  }
0x1d5: {  	[sflag:s21] =	ssyncset.done $0x0  }
0x1d6: {  	[sflag:s21] =	ssyncadd.s32 $0xFFFFC000  }
0x1d7: {  	[spmem:s3] =	stream.indirect.scatter.add.f32 [tilespmem:s19], [sflag:$0x3], $0x80, s13, s18, $0xb8;
	[tilespmem:$0x1F100] =	vst v63  }
0x1d8: {  	_ =	swait.ge [sflag:s16], $0x4000  }
0x1d9: {  	[sflag:s16] =	ssyncset.done $0x0  }
0x1da: {  	[sflag:s16] =	ssyncadd.s32 $0xFFFFC000  }
0x1db: {  	_ =	swait.ge [sflag:s22], $0x4000  }
0x1dc: {  	[sflag:s22] =	ssyncset.done $0x0  }
0x1dd: {  	[sflag:s22] =	ssyncadd.s32 $0xFFFFC000  }
0x1de: {  	[spmem:s3] =	stream.indirect.scatter.add.f32 [tilespmem:s20], [sflag:$0x3], $0x80, s14, s18, $0xb8;
	[tilespmem:$0x1F100] =	vst v63  }
0x1df: {  	_ =	swait.ge [sflag:s16], $0x4000  }
0x1e0: {  	s15 =	rddreg [dreg:$0x1b]  }
0x1e1: {  	[sflag:s16] =	ssyncset.done $0x0;
	s9 =	smul.u32 $0x138800, s15  }
0x1e2: {  	s24 =	stileid.u32;
	s23 =	rddreg [dreg:$0x19];
	[sflag:s16] =	ssyncadd.s32 $0xFFFFC000  }
0x1e3: {  	[bflag:$0x0] =	sbarrier.arrive $0xFFFF;
	s15 =	sadd.s32 s9, s23;
	s9 =	sshll.u32 s24, $0x6  }
.Ltmp4:
0x1e4: {  	s24 =	rddreg [dreg:$0x17];
	s12 =	sshrl.u32 s15, $0x3;
	(pc) =	sbr.rel @!p2 .LBB2_10-.Ltmp4, $4  }
0x1e5: {  	s25 =	sshrl.u32 s24, $0x3;
	s9 =	sor.u32 $0x1C03, s9;
	s12 =	sadd.s32 s8, s12  }
0x1e6: {  	[hbm:s12], [sflag:s9] =	dma.local [spmem:s25], $0x500  }
0x1e7: {  	s12 =	rddreg [dreg:$0x14]  }
0x1e8: {  	s15 =	sadd.s32 $0x2800, s15;
	s23 =	smov.u32 s24;
	s12 =	sadd.s32 $0xFFFFFFFF, s12  }
.LBB2_9:
0x1e9: {  	_ =	swait.ge [sflag:s16], $0x500  }
0x1ea: {  	s23 =	sadd.s32 $0x2800, s23;
	s24 =	sshrl.u32 s15, $0x3;
	p2 =	sne.s32 s12, $0x1  }
.Ltmp5:
0x1eb: {  	s25 =	sshrl.u32 s23, $0x3;
	[sflag:s16] =	ssyncset.done $0x0;
	(pc) =	sbr.rel @p2 .LBB2_9-.Ltmp5, $4  }
0x1ec: {  	s24 =	sadd.s32 s8, s24;
	[sflag:s16] =	ssyncadd.s32 $0xFFFFFB00  }
0x1ed: {  	[hbm:s24], [sflag:s9] =	dma.local [spmem:s25], $0x500  }
0x1ee: {  	s12 =	sadd.s32 $0xFFFFFFFF, s12  }
0x1ef: {  	s15 =	sadd.s32 $0x2800, s15  }
.LBB2_10:
0x1f0: {  	_ =	swait.ge [sflag:s16], $0x500  }
.Ltmp6:
0x1f1: {  	[sflag:s16] =	ssyncset.done $0x0;
	(pc) =	sbr.rel @p1 .LBB2_4-.Ltmp6, $4  }
0x1f2: {  	[sflag:s16] =	ssyncadd.s32 $0xFFFFFB00  }
0x1f3: {  	[bflag:$0x0] =	sbarrier.arrive $0xFFFF  }
0x1f4: {  	s9 =	simm.s32 $0x2;
	s15 =	rddreg [dreg:$0x14]  }
0x1f5: {  	p3 =	por $0x0, $0x0;
	s23 =	simm.s32 $0x9000;
	s24 =	rddreg [dreg:$0x17]  }
0x1f6: {  	s12 =	rddreg [dreg:$0x1a]  }
0x1f7: {  	s9 =	rddreg [dreg:$0x16];
	s12 =	sadd.s32 $0x1, s12  }
0x1f8: {  	p1 =	sne.s32 s12, s9  }
.Ltmp7:
0x1f9: {  	_ = 	snop;
	(pc) =	sbr.rel @p1 .LBB2_1-.Ltmp7, $1  }
0x1fa: {  	_ =	sdelay $0x3  }
0x1fb: {  	_ =	sfence.sel $0x180000  }
0x1fc: {  	[bflag:$0x0] =	sbarrier.arrive $0xFFFF  }
0x1fd: {  	_ =	strace $0x9000004A  }
0x1fe: {  	s0 =	stileid.u32;
	[bflag:$0x2] =	sbarrier.arrive $0xFFFF  }
0x1ff: {  	p0 =	sne.s32 s0, $0x0;
	s0 =	rddreg [dreg:$0x4]  }
0x200: {  	s0 =	sadd.s32 @!p0 $0x100000, s0  }
0x201: {  	[sflag:s0] =	ssyncadd.tile.s32 @!p0 $0x1;
	_ =	shalt  }
.Lfunc_end2:
_tile_overlayer_lowered:
.L_overlay_start_2:
0x202: {  	(tag) =	ssettag $0x2  }
0x203: {  	s0 =	rddreg [dreg:$0x0];
	s2 =	stileid.u32  }
0x204: {  	s1 =	rddreg [dreg:$0x1];
	p0 =	sne.s32 s2, $0x0  }
0x205: {  	s3 =	rddreg [dreg:$0x2];
	[bflag:$0x3] =	sbarrier.arrive $0xFFFF;
	s2 =	simm.s32 @!p0 $0x1C03  }
0x206: {  	[timem:s3], [sflag:s2] =	dma.local @!p0 [hbm:s0], s1  }
0x207: {  	s0 =	simm.s32 @!p0 $0x3  }
0x208: {  	_ =	swait.ge @!p0 [sflag:s0], s1  }
0x209: {  	s1 =	ssub.s32 @!p0 $0x0, s1;
	[sflag:s0] =	ssyncset.done @!p0 $0x0  }
0x20a: {  	[sflag:s0] =	ssyncadd.s32 @!p0 s1  }
0x20b: {  	[bflag:$0x3] =	sbarrier.arrive $0xFFFF  }
0x20c: {  	_ =	shalt  }

// kernel: kernel.9.cloned.1.call-start
scs
__scs_entry_jumppad:
0x0: {  	(pc) =	sbr.rel $0x88, $3  }
0x1: {  	(tag) =	ssettag $0x0;
	lr =	simm.s32 $0x1  }
0x2: {  	[smem:$0x3F96] =	sst lr;
	_ =	strace $0xD0000000  }
0x3: {  	_ = 	snop  }
0x4: {  	_ = 	snop  }
0x5: {  	_ = 	snop  }
0x6: {  	_ = 	snop  }
0x7: {  	_ = 	snop  }
__scs_overlays_trampoline_lowered:
0x8: {  	[smem:$0x3FA5] =	sst s0  }
0x9: {  	[smem:$0x3FA6] =	sst s1  }
0xa: {  	[smem:$0x3FA7] =	sst s2  }
0xb: {  	[smem:$0x3FA8] =	sst s3  }
0xc: {  	[smem:$0x3FA9] =	sst s4  }
0xd: {  	[smem:$0x3FAA] =	sst s5  }
0xe: {  	[smem:$0x3FAB] =	sst s6  }
0xf: {  	[smem:$0x3FAC] =	sst s7  }
0x10: {  	[smem:$0x3FAD] =	sst s8  }
0x11: {  	[smem:$0x3FAE] =	sst s9;
	s0 =	simm.s32 @!p0 $0x0  }
0x12: {  	s1 =	sld [smem:$0x3F94];
	s0 =	simm.s32 @p0 $0x1  }
0x13: {  	[smem:$0x3FAF] =	sst s0;
	s0 =	simm.s32 @!p1 $0x0  }
0x14: {  	s2 =	sld [smem:$0x3F93];
	s0 =	simm.s32 @p1 $0x1  }
0x15: {  	[smem:$0x3FB0] =	sst s0;
	s0 =	simm.s32 @!p2 $0x0  }
0x16: {  	s3 =	sld [smem:$0x3FDB];
	s0 =	simm.s32 @p2 $0x1  }
0x17: {  	s4 =	simm.s32 $0x1BF5;
	[smem:$0x3FB2] =	sst s0  }
0x18: {  	s0 =	sld [smem:$0x3F95];
	_ =	swait.ge [sflag:s4], $0x0  }
0x19: {  	s7 =	sld [smem:$0x3F96]  }
0x1a: {  	s8 =	sadd.s32 $0xFFFFE003, lr  }
0x1b: {  	s9 =	sadd.s32 $0xFFFFFEF7, lr;
	s5 =	simm.s32 $0xFFFFFFFF;
	p2 =	slt.u32 s8, $0xFFFFF086  }
0x1c: {  	p1 =	slt.u32 s9, $0xF7A;
	s5 =	simm.s32 @!p2 $0x0  }
0x1d: {  	s5 =	simm.s32 @p1 $0x1;
	p0 =	seq.s32 s7, s2  }
0x1e: {  	s7 =	smul.u32 @!p0 $0xF7A, s2;
	p2 =	seq.s32 @!p0 s5, $0x0  }
0x1f: {  	s9 =	smul.u32 $0xF7A, s1;
	s8 =	simm.s32 @!p0 $0x1BF5;
	p2 =	por !p2, p0  }
0x20: {  	[sflag:s8] =	ssyncset.s32 @!p0 $0xFFFFF086;
	s6 =	sadd.s32 @!p0 s3, s7;
	s7 =	simm.s32 @!p0 $0x108  }
0x21: {  	s3 =	sadd.s32 s3, s9;
	s6 =	sadd.s32 @!p0 $0x88, s6;
	s7 =	simm.s32 @p2 $0x1082  }
0x22: {  	[simem:s7], [sflag:s8] =	dma.local @!p0 [hbm:s6], $0xF7A  }
0x23: {  	s9 =	sor.u32 $0xD0000000, s2;
	s6 =	simm.s32 $0x108;
	_ =	swait.ge @!p0 [sflag:s8], $0x0  }
0x24: {  	s3 =	sadd.s32 $0x88, s3;
	s6 =	simm.s32 @!p1 $0x1082;
	[sflag:s4] =	ssyncset.s32 $0xFFFFF086  }
0x25: {  	[simem:s6], [sflag:s4] =	dma.local [hbm:s3], $0xF7A  }
0x26: {  	[smem:$0x3F96] =	sst s1;
	(tag) =	ssettag s2;
	_ =	strace s9  }
0x27: {  	s1 =	sld [smem:$0x3FA6]  }
0x28: {  	s2 =	sld [smem:$0x3FA7]  }
0x29: {  	s4 =	sld [smem:$0x3FA9]  }
0x2a: {  	p0 =	seq.s32 s5, $0x0;
	s5 =	sld [smem:$0x3FAA]  }
0x2b: {  	s6 =	sld [smem:$0x3FAB]  }
0x2c: {  	s7 =	sld [smem:$0x3FAC]  }
0x2d: {  	s3 =	simm.s32 $0x108;
	s8 =	sld [smem:$0x3FAD]  }
0x2e: {  	s3 =	simm.s32 @!p0 $0x1082;
	s9 =	sld [smem:$0x3FAE]  }
0x2f: {  	lr =	sadd.s32 s0, s3;
	s0 =	sld [smem:$0x3FA5]  }
0x30: {  	s3 =	sld [smem:$0x3FA8]  }
0x31: {  	[smem:$0x3FB1] =	sst s10  }
0x32: {  	s10 =	sld [smem:$0x3FAF];
	_ =	sdelay $0x3  }
0x33: {  	p0 =	seq.s32 s10, $0x1;
	s10 =	sld [smem:$0x3FB1];
	_ =	sdelay $0x3  }
0x34: {  	[smem:$0x3FB1] =	sst s10  }
0x35: {  	s10 =	sld [smem:$0x3FB0];
	_ =	sdelay $0x3  }
0x36: {  	p1 =	seq.s32 s10, $0x1;
	s10 =	sld [smem:$0x3FB1];
	_ =	sdelay $0x3  }
0x37: {  	[smem:$0x3FB1] =	sst s10  }
0x38: {  	s10 =	sld [smem:$0x3FB2]  }
0x39: {  	_ = 	snop;
	(pc) =	sbr.ind lr, $3  }
0x3a: {  	_ = 	snop  }
0x3b: {  	_ = 	snop  }
0x3c: {  	p2 =	seq.s32 s10, $0x1;
	s10 =	sld [smem:$0x3FB1]  }
0x3d: {  	_ =	shalt  }
0x3e: {  	_ =	shalt  }
0x3f: {  	_ =	shalt  }
0x40: {  	_ =	shalt  }
0x41: {  	_ =	shalt  }
0x42: {  	_ =	shalt  }
0x43: {  	_ =	shalt  }
0x44: {  	_ =	shalt  }
0x45: {  	_ =	shalt  }
0x46: {  	_ =	shalt  }
0x47: {  	_ =	shalt  }
0x48: {  	_ =	shalt  }
0x49: {  	_ =	shalt  }
0x4a: {  	_ =	shalt  }
0x4b: {  	_ =	shalt  }
0x4c: {  	_ =	shalt  }
0x4d: {  	_ =	shalt  }
0x4e: {  	_ =	shalt  }
0x4f: {  	_ =	shalt  }
0x50: {  	_ =	shalt  }
0x51: {  	_ =	shalt  }
0x52: {  	_ =	shalt  }
0x53: {  	_ =	shalt  }
0x54: {  	_ =	shalt  }
0x55: {  	_ =	shalt  }
0x56: {  	_ =	shalt  }
0x57: {  	_ =	shalt  }
0x58: {  	_ =	shalt  }
0x59: {  	_ =	shalt  }
0x5a: {  	_ =	shalt  }
0x5b: {  	_ =	shalt  }
0x5c: {  	_ =	shalt  }
0x5d: {  	_ =	shalt  }
0x5e: {  	_ =	shalt  }
0x5f: {  	_ =	shalt  }
0x60: {  	_ =	shalt  }
0x61: {  	_ =	shalt  }
0x62: {  	_ =	shalt  }
0x63: {  	_ =	shalt  }
0x64: {  	_ =	shalt  }
0x65: {  	_ =	shalt  }
0x66: {  	_ =	shalt  }
0x67: {  	_ =	shalt  }
0x68: {  	_ =	shalt  }
0x69: {  	_ =	shalt  }
0x6a: {  	_ =	shalt  }
0x6b: {  	_ =	shalt  }
0x6c: {  	_ =	shalt  }
0x6d: {  	_ =	shalt  }
0x6e: {  	_ =	shalt  }
0x6f: {  	_ =	shalt  }
0x70: {  	_ =	shalt  }
0x71: {  	_ =	shalt  }
0x72: {  	_ =	shalt  }
0x73: {  	_ =	shalt  }
0x74: {  	_ =	shalt  }
0x75: {  	_ =	shalt  }
0x76: {  	_ =	shalt  }
0x77: {  	_ =	shalt  }
0x78: {  	_ =	shalt  }
0x79: {  	_ =	shalt  }
0x7a: {  	_ =	shalt  }
0x7b: {  	_ =	shalt  }
0x7c: {  	_ =	shalt  }
0x7d: {  	_ =	shalt  }
0x7e: {  	_ =	shalt  }
0x7f: {  	_ =	shalt  }
0x80: {  	_ =	shalt  }
0x81: {  	_ =	shalt  }
0x82: {  	_ =	shalt  }
0x83: {  	_ =	shalt  }
0x84: {  	_ =	shalt  }
0x85: {  	_ =	shalt  }
0x86: {  	_ =	shalt  }
0x87: {  	_ =	shalt  }
.Lfunc_end0:
.L_simem_size_0:
called_computation_lowered:
.L_overlay_start_0:
0x88: {  	s2 =	sld [smem:$0x3FD9]  }
0x89: {  	s3 =	sld [smem:$0x3FFE];
	_ =	sdelay $0x1  }
0x8a: {  	s1 =	srdreg.scid  }
0x8b: {  	s0 =	sand.u32 $0x1, s1  }
0x8c: {  	s14 =	sshll.u32 s0, $0xA;
	s2 =	sadd.s32 s3, s2  }
0x8d: {  	s2 =	sadd.s32 s2, s14  }
0x8e: {  	[smem:$0x3FBD] =	sst s2  }
0x8f: {  	_ = 	snop  }
0x90: {  	s2 =	sld [smem:$0x3FD0];
	_ =	sdelay $0x2  }
0x91: {  	s15 =	simm.s32 $0xA;
	s4 =	simm.s32 $0x10  }
0x92: {  	[smem:s4], [sflag:s15] =	dma.local [hbm:s2], $0x1  }
0x93: {  	_ =	swait.eq [sflag:s15], $0x1  }
0x94: {  	[sflag:s15] =	ssyncset.done $0x0  }
0x95: {  	s16 =	sld [smem:$0x12];
	[sflag:s15] =	ssyncadd.s32 $0xFFFFFFFF  }
0x96: {  	s17 =	sld [smem:$0x13];
	(tm) =	ssettm $0x1  }
0x97: {  	s18 =	sld [smem:$0x3FFB];
	_ =	sdelay $0x3  }
0x98: {  	_ =	strace s18  }
0x99: {  	s4 =	sld [smem:$0x3FFC];
	_ =	sdelay $0x3  }
0x9a: {  	_ =	strace s4  }
0x9b: {  	s4 =	sld [smem:$0x3FFD];
	_ =	sdelay $0x3  }
0x9c: {  	_ =	strace s4  }
0x9d: {  	_ =	strace $0x8FFFFFFF  }
0x9e: {  	s19 =	sld [smem:$0x3FDB];
	_ =	sdelay $0x1  }
0x9f: {  	s5 =	simm.s32 $_scs_section_size  }
0xa0: {  	s6 =	simm.s32 $_size__tile_overlayer_lowered;
	s7 =	simm.s32 $_tile_overlayer_lowered  }
0xa1: {  	s22 =	simm.s32 $0x1BFF;
	s21 =	sshll.u32 s7, $0x1;
	s4 =	sadd.s32 s5, s19  }
0xa2: {  	s8 =	simm.s32 $0x0;
	s20 =	sshll.u32 s6, $0x1;
	s6 =	sadd.s32 s21, s4  }
0xa3: {  	[timem:s8], [sflag:s22] =	dma.local [hbm:s6], s20  }
0xa4: {  	_ =	swait.ge [sflag:s22], s20  }
0xa5: {  	s5 =	ssub.s32 $0x0, s20;
	[sflag:s22] =	ssyncset.done $0x0  }
0xa6: {  	[sflag:s22] =	ssyncadd.s32 s5;
	_ =	sdelay $0x1  }
0xa7: {  	s23 =	simm.s32 $0x1B8B  }
0xa8: {  	_ =	swait.ge [sflag:s23], $0x1  }
0xa9: {  	[sflag:s23] =	ssyncset.done $0x0  }
0xaa: {  	s25 =	simm.s32 $0x1B8E;
	s24 =	sld [smem:$0x3FFE];
	[sflag:s23] =	ssyncadd.s32 $0xFFFFFFFF  }
0xab: {  	s26 =	simm.s32 $execute0_lowered;
	[smem:$0x3FD2] =	sst s25  }
0xac: {  	s6 =	sshll.u32 s26, $0x1;
	_ =	strace $0x80000046;
	[dreg:$0x1] =	wrdreg $0xFFFFFFFF  }
0xad: {  	s28 =	simm.s32 $_size_execute0_lowered;
	s4 =	sadd.s32 s4, s6;
	[dreg:$0x0] =	wrdreg $0x0  }
0xae: {  	s6 =	sshll.u32 s28, $0x1;
	[dreg:$0x2] =	wrdreg s4  }
0xaf: {  	[dreg:$0x3] =	wrdreg s6  }
0xb0: {  	[dreg:$0x4] =	wrdreg $0xC0  }
0xb1: {  	_ =	task [dreg:s8], $0x5FFFF  }
0xb2: {  	[dreg:$0x1] =	wrdreg $0xFFFFFFFF  }
0xb3: {  	[dreg:$0x0] =	wrdreg $0x60  }
0xb4: {  	[dreg:$0x2] =	wrdreg s24  }
0xb5: {  	[dreg:$0x3] =	wrdreg s17  }
0xb6: {  	[dreg:$0x4] =	wrdreg s16  }
0xb7: {  	[dreg:$0x5] =	wrdreg $0x68800  }
0xb8: {  	[dreg:$0x6] =	wrdreg $0x9  }
0xb9: {  	_ =	task.clear_ibuf [dreg:s8], $0x7FFFF;
	_ =	strace $0x90000046  }
0xba: {  	s29 =	simm.s32 $0x9;
	_ =	strace $0x80000048  }
0xbb: {  	_ =	swait.ge [sflag:s29], $0x1  }
0xbc: {  	[sflag:s29] =	ssyncadd.s32 $0xFFFFFFFF  }
0xbd: {  	_ =	strace $0x90000048  }
0xbe: {  	_ =	sfence  }
0xbf: {  	s30 =	sld [smem:$0x0];
	_ =	sdelay $0x2  }
0xc0: {  	s31 =	sshll.u32 s1, $0xD;
	s1 =	sshrl.u32 s1, $0x2  }
0xc1: {  	s3 =	sand.u32 $0x4000, s31;
	s1 =	sadd.s32 s1, s30  }
0xc2: {  	s0 =	sor.u32 s3, s0;
	s1 =	sshll.u32 s1, $0x11  }
0xc3: {  	s0 =	sor.u32 s1, s0  }
0xc4: {  	s0 =	sadd.s32 $0x8F2B, s0  }
0xc5: {  	[sflag:s0] =	ssyncadd.remote.s32 $0x1  }
0xc6: {  	_ =	sfence.sel $0xFFFF  }
0xc7: {  	[dreg:$0x0] =	wrdreg $0xFFFFFFFF;
	(pc) =	sbr.abs _section_cstart, $3  }
0xc8: {  	[dreg:$0x1] =	wrdreg $0xFFFFFFFF  }
0xc9: {  	_ =	task.clear_ibuf [dreg:s8], $0x2FFFF;
	_ =	strace $0x9FFFFFFF  }
0xca: {  	(tm) =	ssettm $0x7FFFFFFF  }
0xcb: {  	_ =	shalt  }
tec
execute0_lowered:
.L_overlay_start_1:
0x0: {  	(tag) =	ssettag $0x1  }
0x1: {  	s0 =	rddreg [dreg:$0x0]  }
0x2: {  	s4 =	rddreg [dreg:$0x3];
	s1 =	srdreg.scid  }
0x3: {  	s5 =	simm.s32 $0x0;
	s3 =	stileid.u32;
	s19 =	simm.s32 $0x80  }
0x4: {  	s20 =	simm.s32 $0x1;
	s29 =	simm.s32 $0x4080;
	s21 =	simm.s32 $0x5080  }
0x5: {  	s22 =	simm.s32 $0x6080;
	s23 =	simm.s32 $0x0;
	s1 =	sand.u32 $0x1, s1  }
0x6: {  	[smem:$0x7FF] =	sst s5;
	s2 =	smul.u32 $0x2800, s3;
	s7 =	sshll.u32 s3, $0x4  }
0x7: {  	p0 =	seq.s32 s3, $0xF;
	s28 =	smul.u32 $0x50000, s3;
	p1 =	sne.s32 s3, $0xF  }
0x8: {  	s6 =	ssub.s32 $0x2, s1;
	_ =	strace $0x80000047;
	s10 =	sadd.s32 s7, s0  }
0x9: {  	s7 =	simm.s32 $0x9D;
	s8 =	sshrl.u32 s6, $0x1;
	s0 =	sadd.s32 s2, s0  }
0xa: {  	s30 =	sshrl.u32 s28, $0x2;
	s11 =	sadd.s32 $0x1FE00, s10;
	s13 =	sadd.s32 $0xC200, s10  }
0xb: {  	s15 =	sadd.s32 $0x16000, s10;
	s17 =	sadd.s32 $0x2400, s10;
	s2 =	simm.s32 $0x4880  }
.Ltmp0:
0xc: {  	s26 =	ssub.s32 s6, s8;
	s6 =	simm.s32 $0x5;
	(pc) =	sbr.rel .LBB2_1-.Ltmp0, $4  }
0xd: {  	s8 =	sadd.s32 $0x138800, s4;
	s31 =	sadd.s32 s30, s4;
	s12 =	sadd.s32 $0x29C00, s0  }
0xe: {  	s14 =	sadd.s32 $0x78000, s0;
	s16 =	sadd.s32 $0x50E00, s0;
	s18 =	sadd.s32 $0x9F200, s0  }
0xf: {  	s6 =	simm.s32 @!p0 $0x8;
	p0 =	slt.u32 s3, $0x4;
	s9 =	smax.u32 s26, $0x1  }
0x10: {  	s7 =	simm.s32 @!p0 $0x9C;
	p0 =	seq.s32 s1, $0x1;
	s1 =	simm.s32 $0x4480  }
.LBB2_14:
0x11: {  	[sflag:s20] =	ssyncadd.s32 $0xFFFFFB00  }
.LBB2_28:
0x12: {  	s23 =	sadd.s32 $0x1, s23  }
0x13: {  	p2 =	sne.s32 s23, s9  }
.Ltmp1:
0x14: {  	_ = 	snop;
	(pc) =	sbr.rel @!p2 .LBB2_29-.Ltmp1, $2  }
0x15: {  	_ =	sdelay $0x1  }
0x16: {  	[bflag:$0x0] =	sbarrier.arrive $0xFFFF;
	_ =	sdelay $0x1  }
.LBB2_1:
0x17: {  	s0 =	rddreg [dreg:$0x1]  }
0x18: {  	[tilespmem:s19], [sflag:$0x1] =	stream.linear.gather [hbm4b:s0+s5], $0x80, $0x38;
	[tilespmem:$0x8FA0] =	vst v63  }
0x19: {  	_ =	swait.ge [sflag:s20], $0x80  }
0x1a: {  	[sflag:s20] =	ssyncset.done $0x0  }
0x1b: {  	[sflag:s20] =	ssyncadd.s32 $0xFFFFFF80  }
0x1c: {  	[spmem:s4] =	stream.linear.scatter [tilespmem:s19], [sflag:$0x1], $0x80, $0x38;
	[tilespmem:$0x8FA0] =	vst v63  }
0x1d: {  	_ =	swait.ge [sflag:s20], $0x80  }
0x1e: {  	[sflag:s20] =	ssyncset.done $0x0  }
0x1f: {  	s24 =	simm.s32 $0x100;
	[sflag:s20] =	ssyncadd.s32 $0xFFFFFF80  }
0x20: {  	[tilespmem:s24], [sflag:$0x1] =	stream.linear.gather [spmem:s4], $0x80, $0x38;
	[tilespmem:$0x8FA0] =	vst v63  }
0x21: {  	_ =	swait.ge [sflag:s20], $0x80  }
0x22: {  	[sflag:s20] =	ssyncset.done $0x0  }
0x23: {  	[sflag:s20] =	ssyncadd.s32 $0xFFFFFF80  }
0x24: {  	[spmem:s4] =	stream.linear.scatter [tilespmem:s19], [sflag:$0x1], $0x100, $0x38;
	[tilespmem:$0x8FA0] =	vst v63  }
0x25: {  	_ =	swait.ge [sflag:s20], $0x100  }
0x26: {  	[sflag:s20] =	ssyncset.done $0x0  }
0x27: {  	s25 =	simm.s32 $0x180;
	[sflag:s20] =	ssyncadd.s32 $0xFFFFFF00  }
0x28: {  	[tilespmem:s25], [sflag:$0x1] =	stream.linear.gather [spmem:s4], $0x100, $0x38;
	[tilespmem:$0x8FA0] =	vst v63  }
0x29: {  	_ =	swait.ge [sflag:s20], $0x100  }
0x2a: {  	[sflag:s20] =	ssyncset.done $0x0  }
0x2b: {  	[sflag:s20] =	ssyncadd.s32 $0xFFFFFF00  }
0x2c: {  	[spmem:s4] =	stream.linear.scatter [tilespmem:s19], [sflag:$0x1], $0x200, $0x38;
	[tilespmem:$0x8FA0] =	vst v63  }
0x2d: {  	_ =	swait.ge [sflag:s20], $0x200  }
0x2e: {  	[sflag:s20] =	ssyncset.done $0x0  }
0x2f: {  	s26 =	simm.s32 $0x280;
	[sflag:s20] =	ssyncadd.s32 $0xFFFFFE00  }
0x30: {  	[tilespmem:s26], [sflag:$0x1] =	stream.linear.gather [spmem:s4], $0x200, $0x38;
	[tilespmem:$0x8FA0] =	vst v63  }
0x31: {  	_ =	swait.ge [sflag:s20], $0x200  }
0x32: {  	[sflag:s20] =	ssyncset.done $0x0  }
0x33: {  	[sflag:s20] =	ssyncadd.s32 $0xFFFFFE00  }
0x34: {  	[spmem:s4] =	stream.linear.scatter [tilespmem:s19], [sflag:$0x1], $0x400, $0x38;
	[tilespmem:$0x8FA0] =	vst v63  }
0x35: {  	_ =	swait.ge [sflag:s20], $0x400  }
0x36: {  	[sflag:s20] =	ssyncset.done $0x0  }
0x37: {  	s28 =	simm.s32 $0x480;
	[sflag:s20] =	ssyncadd.s32 $0xFFFFFC00  }
0x38: {  	[tilespmem:s28], [sflag:$0x1] =	stream.linear.gather [spmem:s4], $0x400, $0x38;
	[tilespmem:$0x8FA0] =	vst v63  }
0x39: {  	_ =	swait.ge [sflag:s20], $0x400  }
0x3a: {  	[sflag:s20] =	ssyncset.done $0x0  }
0x3b: {  	[sflag:s20] =	ssyncadd.s32 $0xFFFFFC00  }
0x3c: {  	[spmem:s4] =	stream.linear.scatter [tilespmem:s19], [sflag:$0x1], $0x800, $0x38;
	[tilespmem:$0x8FA0] =	vst v63  }
0x3d: {  	_ =	swait.ge [sflag:s20], $0x800  }
0x3e: {  	[sflag:s20] =	ssyncset.done $0x0  }
0x3f: {  	s30 =	simm.s32 $0x880;
	[sflag:s20] =	ssyncadd.s32 $0xFFFFF800  }
0x40: {  	[tilespmem:s30], [sflag:$0x1] =	stream.linear.gather [spmem:s4], $0x800, $0x38;
	[tilespmem:$0x8FA0] =	vst v63  }
0x41: {  	_ =	swait.ge [sflag:s20], $0x800  }
0x42: {  	[sflag:s20] =	ssyncset.done $0x0  }
0x43: {  	[sflag:s20] =	ssyncadd.s32 $0xFFFFF800  }
0x44: {  	[spmem:s4] =	stream.linear.scatter [tilespmem:s19], [sflag:$0x1], $0x1000, $0x38;
	[tilespmem:$0x8FA0] =	vst v63  }
0x45: {  	_ =	swait.ge [sflag:s20], $0x1000  }
0x46: {  	[sflag:s20] =	ssyncset.done $0x0  }
0x47: {  	s10 =	simm.s32 $0x1080;
	[sflag:s20] =	ssyncadd.s32 $0xFFFFF000  }
0x48: {  	[tilespmem:s10], [sflag:$0x1] =	stream.linear.gather [spmem:s4], $0x1000, $0x38;
	[tilespmem:$0x8FA0] =	vst v63  }
0x49: {  	_ =	swait.ge [sflag:s20], $0x1000  }
0x4a: {  	[sflag:s20] =	ssyncset.done $0x0  }
0x4b: {  	[sflag:s20] =	ssyncadd.s32 $0xFFFFF000  }
0x4c: {  	[spmem:s4] =	stream.linear.scatter [tilespmem:s19], [sflag:$0x1], $0x2000, $0x38;
	[tilespmem:$0x8FA0] =	vst v63  }
0x4d: {  	_ =	swait.ge [sflag:s20], $0x2000  }
0x4e: {  	[sflag:s20] =	ssyncset.done $0x0  }
0x4f: {  	s24 =	simm.s32 $0x2080;
	[sflag:s20] =	ssyncadd.s32 $0xFFFFE000  }
0x50: {  	[tilespmem:s24], [sflag:$0x1] =	stream.linear.gather [spmem:s4], $0x2000, $0x38;
	[tilespmem:$0x8FA0] =	vst v63  }
0x51: {  	_ =	swait.ge [sflag:s20], $0x2000  }
0x52: {  	[sflag:s20] =	ssyncset.done $0x0  }
0x53: {  	[sflag:s20] =	ssyncadd.s32 $0xFFFFE000  }
0x54: {  	[bflag:$0x0] =	sbarrier.arrive $0xFFFF  }
0x55: {  	s25 =	rddreg [dreg:$0x2]  }
0x56: {  	[tilespmem:s29], [sflag:$0x1] =	stream.linear.gather [hbm4b:s25+s5], $0x80, $0x38;
	[tilespmem:$0x8FA0] =	vst v63  }
0x57: {  	_ =	swait.ge [sflag:s20], $0x80  }
0x58: {  	[sflag:s20] =	ssyncset.done $0x0  }
0x59: {  	[sflag:s20] =	ssyncadd.s32 $0xFFFFFF80  }
0x5a: {  	[spmem:s4] =	stream.linear.scatter [tilespmem:s29], [sflag:$0x1], $0x80, $0x38;
	[tilespmem:$0x8FA0] =	vst v63  }
0x5b: {  	_ =	swait.ge [sflag:s20], $0x80  }
0x5c: {  	[sflag:s20] =	ssyncset.done $0x0  }
0x5d: {  	s26 =	simm.s32 $0x4100;
	[sflag:s20] =	ssyncadd.s32 $0xFFFFFF80  }
0x5e: {  	[tilespmem:s26], [sflag:$0x1] =	stream.linear.gather [spmem:s4], $0x80, $0x38;
	[tilespmem:$0x8FA0] =	vst v63  }
0x5f: {  	_ =	swait.ge [sflag:s20], $0x80  }
0x60: {  	[sflag:s20] =	ssyncset.done $0x0  }
0x61: {  	[sflag:s20] =	ssyncadd.s32 $0xFFFFFF80  }
0x62: {  	[spmem:s4] =	stream.linear.scatter [tilespmem:s29], [sflag:$0x1], $0x100, $0x38;
	[tilespmem:$0x8FA0] =	vst v63  }
0x63: {  	_ =	swait.ge [sflag:s20], $0x100  }
0x64: {  	[sflag:s20] =	ssyncset.done $0x0  }
0x65: {  	s28 =	simm.s32 $0x4180;
	[sflag:s20] =	ssyncadd.s32 $0xFFFFFF00  }
0x66: {  	[tilespmem:s28], [sflag:$0x1] =	stream.linear.gather [spmem:s4], $0x100, $0x38;
	[tilespmem:$0x8FA0] =	vst v63  }
0x67: {  	_ =	swait.ge [sflag:s20], $0x100  }
0x68: {  	[sflag:s20] =	ssyncset.done $0x0  }
0x69: {  	[sflag:s20] =	ssyncadd.s32 $0xFFFFFF00  }
0x6a: {  	[spmem:s4] =	stream.linear.scatter [tilespmem:s29], [sflag:$0x1], $0x200, $0x38;
	[tilespmem:$0x8FA0] =	vst v63  }
0x6b: {  	_ =	swait.ge [sflag:s20], $0x200  }
0x6c: {  	[sflag:s20] =	ssyncset.done $0x0  }
0x6d: {  	s30 =	simm.s32 $0x4280;
	[sflag:s20] =	ssyncadd.s32 $0xFFFFFE00  }
0x6e: {  	[tilespmem:s30], [sflag:$0x1] =	stream.linear.gather [spmem:s4], $0x200, $0x38;
	[tilespmem:$0x8FA0] =	vst v63  }
0x6f: {  	_ =	swait.ge [sflag:s20], $0x200  }
0x70: {  	[sflag:s20] =	ssyncset.done $0x0  }
0x71: {  	[sflag:s20] =	ssyncadd.s32 $0xFFFFFE00  }
0x72: {  	[spmem:s4] =	stream.linear.scatter [tilespmem:s29], [sflag:$0x1], $0x400, $0x38;
	[tilespmem:$0x8FA0] =	vst v63  }
0x73: {  	_ =	swait.ge [sflag:s20], $0x400  }
0x74: {  	[sflag:s20] =	ssyncset.done $0x0  }
0x75: {  	[sflag:s20] =	ssyncadd.s32 $0xFFFFFC00  }
0x76: {  	[tilespmem:s1], [sflag:$0x1] =	stream.linear.gather [spmem:s4], $0x400, $0x38;
	[tilespmem:$0x8FA0] =	vst v63  }
0x77: {  	_ =	swait.ge [sflag:s20], $0x400  }
0x78: {  	[sflag:s20] =	ssyncset.done $0x0  }
0x79: {  	[sflag:s20] =	ssyncadd.s32 $0xFFFFFC00  }
0x7a: {  	[spmem:s4] =	stream.linear.scatter [tilespmem:s29], [sflag:$0x1], $0x800, $0x38;
	[tilespmem:$0x8FA0] =	vst v63  }
0x7b: {  	_ =	swait.ge [sflag:s20], $0x800  }
0x7c: {  	[sflag:s20] =	ssyncset.done $0x0  }
0x7d: {  	[sflag:s20] =	ssyncadd.s32 $0xFFFFF800  }
0x7e: {  	[tilespmem:s2], [sflag:$0x1] =	stream.linear.gather [spmem:s4], $0x800, $0x38;
	[tilespmem:$0x8FA0] =	vst v63  }
0x7f: {  	_ =	swait.ge [sflag:s20], $0x800  }
0x80: {  	[sflag:s20] =	ssyncset.done $0x0  }
0x81: {  	[sflag:s20] =	ssyncadd.s32 $0xFFFFF800  }
0x82: {  	[spmem:s4] =	stream.linear.scatter [tilespmem:s29], [sflag:$0x1], $0x1000, $0x38;
	[tilespmem:$0x8FA0] =	vst v63  }
0x83: {  	_ =	swait.ge [sflag:s20], $0x1000  }
0x84: {  	[sflag:s20] =	ssyncset.done $0x0  }
0x85: {  	[sflag:s20] =	ssyncadd.s32 $0xFFFFF000  }
0x86: {  	[tilespmem:s21], [sflag:$0x1] =	stream.linear.gather [spmem:s4], $0x1000, $0x38;
	[tilespmem:$0x8FA0] =	vst v63  }
0x87: {  	_ =	swait.ge [sflag:s20], $0x1000  }
0x88: {  	[sflag:s20] =	ssyncset.done $0x0  }
0x89: {  	[sflag:s20] =	ssyncadd.s32 $0xFFFFF000  }
0x8a: {  	[spmem:s4] =	stream.linear.scatter [tilespmem:s29], [sflag:$0x1], $0x800, $0x38;
	[tilespmem:$0x8FA0] =	vst v63  }
0x8b: {  	_ =	swait.ge [sflag:s20], $0x800  }
0x8c: {  	[sflag:s20] =	ssyncset.done $0x0  }
0x8d: {  	[sflag:s20] =	ssyncadd.s32 $0xFFFFF800  }
0x8e: {  	[tilespmem:s22], [sflag:$0x1] =	stream.linear.gather [spmem:s4], $0x800, $0x38;
	[tilespmem:$0x8FA0] =	vst v63  }
.Ltmp2:
0x8f: {  	_ =	swait.ge [sflag:s20], $0x800;
	(pc) =	sbr.rel @!p0 .LBB2_2-.Ltmp2, $3  }
0x90: {  	[sflag:s20] =	ssyncset.done $0x0  }
0x91: {  	[sflag:s20] =	ssyncadd.s32 $0xFFFFF800  }
0x92: {  	[bflag:$0x0] =	sbarrier.arrive $0xFFFF;
	_ =	sdelay $0x1  }
0x93: {  	p2 =	sne.s32 s6, $0x1  }
.Ltmp3:
0x94: {  	_ = 	snop;
	(pc) =	sbr.rel @!p2 .LBB2_17-.Ltmp3, $4  }
0x95: {  	_ = 	snop  }
0x96: {  	[spmem:s31] =	stream.linear.scatter [tilespmem:s29], [sflag:$0x1], $0x2800, $0x38;
	[tilespmem:$0x8FA0] =	vst v63  }
0x97: {  	_ =	swait.ge [sflag:s20], $0x2800  }
0x98: {  	s10 =	sadd.s32 $0xFFFFFFFF, s6;
	s24 =	smov.u32 s31;
	[sflag:s20] =	ssyncset.done $0x0  }
.LBB2_16:
0x99: {  	p2 =	sne.s32 s10, $0x1;
	[sflag:s20] =	ssyncadd.s32 $0xFFFFD800;
	s24 =	sadd.s32 $0x2800, s24  }
.Ltmp4:
0x9a: {  	s10 =	sadd.s32 $0xFFFFFFFF, s10;
	(pc) =	sbr.rel @p2 .LBB2_16-.Ltmp4, $4  }
0x9b: {  	_ = 	snop  }
0x9c: {  	[spmem:s24] =	stream.linear.scatter [tilespmem:s29], [sflag:$0x1], $0x2800, $0x38;
	[tilespmem:$0x8FA0] =	vst v63  }
0x9d: {  	_ =	swait.ge [sflag:s20], $0x2800  }
0x9e: {  	[sflag:s20] =	ssyncset.done $0x0  }
.LBB2_17:
0x9f: {  	[sflag:s20] =	ssyncadd.s32 $0xFFFFD800;
	s0 =	simm.s32 @!p1 $0x4080  }
0xa0: {  	[spmem:s8] =	stream.linear.scatter @!p1 [tilespmem:s0], [sflag:$0x1], $0x800, $0x38;
	[tilespmem:$0x8FA0] =	vst v63  }
0xa1: {  	s0 =	simm.s32 @!p1 $0x1  }
0xa2: {  	_ =	swait.ge @!p1 [sflag:s0], $0x800  }
0xa3: {  	[sflag:s0] =	ssyncset.done @!p1 $0x0  }
0xa4: {  	[sflag:s0] =	ssyncadd.s32 @!p1 $0xFFFFF800  }
0xa5: {  	[bflag:$0x0] =	sbarrier.arrive $0xFFFF  }
0xa6: {  	[tilespmem:s5], [sflag:$0x1] =	stream.linear.gather [hbm4b:s15+s5], $0x80, $0x38;
	[tilespmem:$0x8FA0] =	vst v63  }
0xa7: {  	p2 =	sne.s32 s7, $0x1;
	_ =	swait.ge [sflag:s20], $0x80  }
.Ltmp5:
0xa8: {  	[sflag:s20] =	ssyncset.done $0x0;
	(pc) =	sbr.rel @!p2 .LBB2_19-.Ltmp5, $4  }
0xa9: {  	[sflag:s20] =	ssyncadd.s32 $0xFFFFFF80  }
0xaa: {  	[spmem:s4] =	stream.indirect.scatter.add.f32 [tilespmem:s19], [sflag:$0x1], $0x10, s5, s19, $0xb8;
	[tilespmem:$0x8FA0] =	vst v63  }
0xab: {  	_ =	swait.ge [sflag:s20], $0x800  }
0xac: {  	s24 =	sadd.s32 $0xFFFFFFFF, s7;
	s25 =	smov.u32 s15;
	[sflag:s20] =	ssyncset.done $0x0  }
.LBB2_18:
0xad: {  	p3 =	sne.s32 s24, $0x1;
	[sflag:s20] =	ssyncadd.s32 $0xFFFFF800;
	s25 =	sadd.s32 $0x100, s25  }
0xae: {  	[tilespmem:s5], [sflag:$0x1] =	stream.linear.gather [hbm4b:s25+s5], $0x80, $0x38;
	[tilespmem:$0x8FA0] =	vst v63  }
0xaf: {  	s24 =	sadd.s32 $0xFFFFFFFF, s24;
	_ =	swait.ge [sflag:s20], $0x80  }
.Ltmp6:
0xb0: {  	[sflag:s20] =	ssyncset.done $0x0;
	(pc) =	sbr.rel @p3 .LBB2_18-.Ltmp6, $4  }
0xb1: {  	[sflag:s20] =	ssyncadd.s32 $0xFFFFFF80  }
0xb2: {  	[spmem:s4] =	stream.indirect.scatter.add.f32 [tilespmem:s19], [sflag:$0x1], $0x10, s5, s19, $0xb8;
	[tilespmem:$0x8FA0] =	vst v63  }
0xb3: {  	_ =	swait.ge [sflag:s20], $0x800  }
0xb4: {  	[sflag:s20] =	ssyncset.done $0x0  }
.LBB2_19:
0xb5: {  	p3 =	sne.s32 s6, $0x1  }
.Ltmp7:
0xb6: {  	_ = 	snop;
	(pc) =	sbr.rel @!p3 .LBB2_21-.Ltmp7, $4  }
0xb7: {  	[sflag:s20] =	ssyncadd.s32 $0xFFFFF800;
	s26 =	sshll.u32 s3, $0x6;
	s25 =	sshrl.u32 s31, $0x3  }
0xb8: {  	s28 =	sadd.s32 $0xFFFFFFFF, s6;
	[bflag:$0x0] =	sbarrier.arrive $0xFFFF;
	s24 =	sor.u32 $0x1C01, s26  }
0xb9: {  	[hbm:s16], [sflag:s24] =	dma.local [spmem:s25], $0x500  }
0xba: {  	s30 =	sadd.s32 $0x500, s16;
	s10 =	smov.u32 s31;
	_ =	swait.ge [sflag:s20], $0x500  }
.LBB2_20:
0xbb: {  	[sflag:s20] =	ssyncset.done $0x0  }
0xbc: {  	s10 =	sadd.s32 $0x2800, s10;
	s24 =	sor.u32 $0x1C01, s26;
	p4 =	sne.s32 s28, $0x1  }
.Ltmp8:
0xbd: {  	s0 =	sshrl.u32 s10, $0x3;
	[sflag:s20] =	ssyncadd.s32 $0xFFFFFB00;
	(pc) =	sbr.rel @p4 .LBB2_20-.Ltmp8, $3  }
0xbe: {  	[hbm:s30], [sflag:s24] =	dma.local [spmem:s0], $0x500  }
0xbf: {  	s28 =	sadd.s32 $0xFFFFFFFF, s28;
	_ =	sdelay $0x1  }
0xc0: {  	s30 =	sadd.s32 $0x500, s30;
	_ =	swait.ge [sflag:s20], $0x500  }
.LBB2_21:
0xc1: {  	[sflag:s20] =	ssyncset.done $0x0  }
.Ltmp9:
0xc2: {  	[sflag:s20] =	ssyncadd.s32 $0xFFFFFB00;
	(pc) =	sbr.rel @!p3 .LBB2_23-.Ltmp9, $4  }
0xc3: {  	[bflag:$0x0] =	sbarrier.arrive $0xFFFF  }
0xc4: {  	[spmem:s31] =	stream.linear.scatter [tilespmem:s29], [sflag:$0x1], $0x2800, $0x38;
	[tilespmem:$0x8FA0] =	vst v63  }
0xc5: {  	_ =	swait.ge [sflag:s20], $0x2800  }
0xc6: {  	s10 =	sadd.s32 $0xFFFFFFFF, s6;
	s26 =	smov.u32 s31;
	[sflag:s20] =	ssyncset.done $0x0  }
.LBB2_22:
0xc7: {  	p4 =	sne.s32 s10, $0x1;
	[sflag:s20] =	ssyncadd.s32 $0xFFFFD800;
	s26 =	sadd.s32 $0x2800, s26  }
.Ltmp10:
0xc8: {  	s10 =	sadd.s32 $0xFFFFFFFF, s10;
	(pc) =	sbr.rel @p4 .LBB2_22-.Ltmp10, $4  }
0xc9: {  	_ = 	snop  }
0xca: {  	[spmem:s26] =	stream.linear.scatter [tilespmem:s29], [sflag:$0x1], $0x2800, $0x38;
	[tilespmem:$0x8FA0] =	vst v63  }
0xcb: {  	_ =	swait.ge [sflag:s20], $0x2800  }
0xcc: {  	[sflag:s20] =	ssyncset.done $0x0  }
.LBB2_23:
0xcd: {  	[sflag:s20] =	ssyncadd.s32 $0xFFFFD800;
	s0 =	simm.s32 @!p1 $0x4080  }
0xce: {  	[spmem:s8] =	stream.linear.scatter @!p1 [tilespmem:s0], [sflag:$0x1], $0x800, $0x38;
	[tilespmem:$0x8FA0] =	vst v63  }
0xcf: {  	s0 =	simm.s32 @!p1 $0x1  }
0xd0: {  	_ =	swait.ge @!p1 [sflag:s0], $0x800  }
0xd1: {  	[sflag:s0] =	ssyncset.done @!p1 $0x0  }
0xd2: {  	[sflag:s0] =	ssyncadd.s32 @!p1 $0xFFFFF800  }
0xd3: {  	[bflag:$0x0] =	sbarrier.arrive $0xFFFF  }
0xd4: {  	[tilespmem:s5], [sflag:$0x1] =	stream.linear.gather [hbm4b:s17+s5], $0x80, $0x38;
	[tilespmem:$0x8FA0] =	vst v63  }
0xd5: {  	_ =	swait.ge [sflag:s20], $0x80  }
.Ltmp11:
0xd6: {  	[sflag:s20] =	ssyncset.done $0x0;
	(pc) =	sbr.rel @!p2 .LBB2_25-.Ltmp11, $4  }
0xd7: {  	[sflag:s20] =	ssyncadd.s32 $0xFFFFFF80  }
0xd8: {  	[spmem:s4] =	stream.indirect.scatter.add.f32 [tilespmem:s19], [sflag:$0x1], $0x10, s5, s19, $0xb8;
	[tilespmem:$0x8FA0] =	vst v63  }
0xd9: {  	_ =	swait.ge [sflag:s20], $0x800  }
0xda: {  	s26 =	sadd.s32 $0xFFFFFFFF, s7;
	s28 =	smov.u32 s17;
	[sflag:s20] =	ssyncset.done $0x0  }
.LBB2_24:
0xdb: {  	p2 =	sne.s32 s26, $0x1;
	[sflag:s20] =	ssyncadd.s32 $0xFFFFF800;
	s28 =	sadd.s32 $0x100, s28  }
0xdc: {  	[tilespmem:s5], [sflag:$0x1] =	stream.linear.gather [hbm4b:s28+s5], $0x80, $0x38;
	[tilespmem:$0x8FA0] =	vst v63  }
0xdd: {  	s26 =	sadd.s32 $0xFFFFFFFF, s26;
	_ =	swait.ge [sflag:s20], $0x80  }
.Ltmp12:
0xde: {  	[sflag:s20] =	ssyncset.done $0x0;
	(pc) =	sbr.rel @p2 .LBB2_24-.Ltmp12, $4  }
0xdf: {  	[sflag:s20] =	ssyncadd.s32 $0xFFFFFF80  }
0xe0: {  	[spmem:s4] =	stream.indirect.scatter.add.f32 [tilespmem:s19], [sflag:$0x1], $0x10, s5, s19, $0xb8;
	[tilespmem:$0x8FA0] =	vst v63  }
0xe1: {  	_ =	swait.ge [sflag:s20], $0x800  }
0xe2: {  	[sflag:s20] =	ssyncset.done $0x0  }
.LBB2_25:
.Ltmp13:
0xe3: {  	[sflag:s20] =	ssyncadd.s32 $0xFFFFF800;
	(pc) =	sbr.rel @!p3 .LBB2_27-.Ltmp13, $4  }
0xe4: {  	[bflag:$0x0] =	sbarrier.arrive $0xFFFF  }
0xe5: {  	[hbm:s18], [sflag:s24] =	dma.local [spmem:s25], $0x500  }
0xe6: {  	s10 =	sadd.s32 $0x2800, s31;
	_ =	swait.ge [sflag:s20], $0x500  }
0xe7: {  	s26 =	smov.u32 s18;
	s25 =	sadd.s32 $0xFFFFFFFF, s6;
	[sflag:s20] =	ssyncset.done $0x0  }
.LBB2_26:
0xe8: {  	s0 =	sshrl.u32 s10, $0x3  }
0xe9: {  	[sflag:s20] =	ssyncadd.s32 $0xFFFFFB00;
	s26 =	sadd.s32 $0x500, s26;
	p2 =	sne.s32 s25, $0x1  }
0xea: {  	[hbm:s26], [sflag:s24] =	dma.local [spmem:s0], $0x500  }
.Ltmp14:
0xeb: {  	_ = 	snop;
	(pc) =	sbr.rel @p2 .LBB2_26-.Ltmp14, $4  }
0xec: {  	_ = 	snop  }
0xed: {  	s25 =	sadd.s32 $0xFFFFFFFF, s25  }
0xee: {  	_ =	swait.ge [sflag:s20], $0x500  }
0xef: {  	s10 =	sadd.s32 $0x2800, s10;
	[sflag:s20] =	ssyncset.done $0x0  }
.LBB2_27:
.Ltmp15:
0xf0: {  	(pc) =	sbr.rel .LBB2_28-.Ltmp15, $2  }
0xf1: {  	_ =	sdelay $0x2  }
0xf2: {  	[sflag:s20] =	ssyncadd.s32 $0xFFFFFB00  }
.LBB2_2:
0xf3: {  	p2 =	sne.s32 s6, $0x1  }
.Ltmp16:
0xf4: {  	_ = 	snop;
	(pc) =	sbr.rel @!p2 .LBB2_4-.Ltmp16, $4  }
0xf5: {  	_ = 	snop  }
0xf6: {  	[spmem:s31] =	stream.linear.scatter [tilespmem:s29], [sflag:$0x1], $0x2800, $0x38;
	[tilespmem:$0x8FA0] =	vst v63  }
0xf7: {  	_ =	swait.ge [sflag:s20], $0x2800  }
0xf8: {  	s10 =	sadd.s32 $0xFFFFFFFF, s6;
	s24 =	smov.u32 s31;
	[sflag:s20] =	ssyncset.done $0x0  }
.LBB2_3:
0xf9: {  	p2 =	sne.s32 s10, $0x1;
	[sflag:s20] =	ssyncadd.s32 $0xFFFFD800;
	s24 =	sadd.s32 $0x2800, s24  }
.Ltmp17:
0xfa: {  	s10 =	sadd.s32 $0xFFFFFFFF, s10;
	(pc) =	sbr.rel @p2 .LBB2_3-.Ltmp17, $4  }
0xfb: {  	_ = 	snop  }
0xfc: {  	[spmem:s24] =	stream.linear.scatter [tilespmem:s29], [sflag:$0x1], $0x2800, $0x38;
	[tilespmem:$0x8FA0] =	vst v63  }
0xfd: {  	_ =	swait.ge [sflag:s20], $0x2800  }
0xfe: {  	[sflag:s20] =	ssyncset.done $0x0  }
.LBB2_4:
0xff: {  	[sflag:s20] =	ssyncadd.s32 $0xFFFFD800;
	s10 =	simm.s32 @!p1 $0x4080  }
0x100: {  	[spmem:s8] =	stream.linear.scatter @!p1 [tilespmem:s10], [sflag:$0x1], $0x800, $0x38;
	[tilespmem:$0x8FA0] =	vst v63  }
0x101: {  	s10 =	simm.s32 @!p1 $0x1  }
0x102: {  	_ =	swait.ge @!p1 [sflag:s10], $0x800  }
0x103: {  	[sflag:s10] =	ssyncset.done @!p1 $0x0  }
0x104: {  	[sflag:s10] =	ssyncadd.s32 @!p1 $0xFFFFF800  }
0x105: {  	[bflag:$0x0] =	sbarrier.arrive $0xFFFF  }
0x106: {  	[tilespmem:s5], [sflag:$0x1] =	stream.linear.gather [hbm4b:s11+s5], $0x80, $0x38;
	[tilespmem:$0x8FA0] =	vst v63  }
0x107: {  	p2 =	sne.s32 s7, $0x1;
	_ =	swait.ge [sflag:s20], $0x80  }
.Ltmp18:
0x108: {  	[sflag:s20] =	ssyncset.done $0x0;
	(pc) =	sbr.rel @!p2 .LBB2_6-.Ltmp18, $4  }
0x109: {  	[sflag:s20] =	ssyncadd.s32 $0xFFFFFF80  }
0x10a: {  	[spmem:s4] =	stream.indirect.scatter.add.f32 [tilespmem:s19], [sflag:$0x1], $0x10, s5, s19, $0xb8;
	[tilespmem:$0x8FA0] =	vst v63  }
0x10b: {  	_ =	swait.ge [sflag:s20], $0x800  }
0x10c: {  	s24 =	sadd.s32 $0xFFFFFFFF, s7;
	s25 =	smov.u32 s11;
	[sflag:s20] =	ssyncset.done $0x0  }
.LBB2_5:
0x10d: {  	p3 =	sne.s32 s24, $0x1;
	[sflag:s20] =	ssyncadd.s32 $0xFFFFF800;
	s25 =	sadd.s32 $0x100, s25  }
0x10e: {  	[tilespmem:s5], [sflag:$0x1] =	stream.linear.gather [hbm4b:s25+s5], $0x80, $0x38;
	[tilespmem:$0x8FA0] =	vst v63  }
0x10f: {  	s24 =	sadd.s32 $0xFFFFFFFF, s24;
	_ =	swait.ge [sflag:s20], $0x80  }
.Ltmp19:
0x110: {  	[sflag:s20] =	ssyncset.done $0x0;
	(pc) =	sbr.rel @p3 .LBB2_5-.Ltmp19, $4  }
0x111: {  	[sflag:s20] =	ssyncadd.s32 $0xFFFFFF80  }
0x112: {  	[spmem:s4] =	stream.indirect.scatter.add.f32 [tilespmem:s19], [sflag:$0x1], $0x10, s5, s19, $0xb8;
	[tilespmem:$0x8FA0] =	vst v63  }
0x113: {  	_ =	swait.ge [sflag:s20], $0x800  }
0x114: {  	[sflag:s20] =	ssyncset.done $0x0  }
.LBB2_6:
0x115: {  	p3 =	sne.s32 s6, $0x1  }
.Ltmp20:
0x116: {  	_ = 	snop;
	(pc) =	sbr.rel @!p3 .LBB2_8-.Ltmp20, $4  }
0x117: {  	[sflag:s20] =	ssyncadd.s32 $0xFFFFF800;
	s26 =	sshll.u32 s3, $0x6;
	s25 =	sshrl.u32 s31, $0x3  }
0x118: {  	s28 =	sadd.s32 $0xFFFFFFFF, s6;
	[bflag:$0x0] =	sbarrier.arrive $0xFFFF;
	s24 =	sor.u32 $0x1C01, s26  }
0x119: {  	[hbm:s12], [sflag:s24] =	dma.local [spmem:s25], $0x500  }
0x11a: {  	s30 =	sadd.s32 $0x500, s12;
	s10 =	smov.u32 s31;
	_ =	swait.ge [sflag:s20], $0x500  }
.LBB2_7:
0x11b: {  	[sflag:s20] =	ssyncset.done $0x0  }
0x11c: {  	s10 =	sadd.s32 $0x2800, s10;
	s24 =	sor.u32 $0x1C01, s26;
	p4 =	sne.s32 s28, $0x1  }
.Ltmp21:
0x11d: {  	s0 =	sshrl.u32 s10, $0x3;
	[sflag:s20] =	ssyncadd.s32 $0xFFFFFB00;
	(pc) =	sbr.rel @p4 .LBB2_7-.Ltmp21, $3  }
0x11e: {  	[hbm:s30], [sflag:s24] =	dma.local [spmem:s0], $0x500  }
0x11f: {  	s28 =	sadd.s32 $0xFFFFFFFF, s28;
	_ =	sdelay $0x1  }
0x120: {  	s30 =	sadd.s32 $0x500, s30;
	_ =	swait.ge [sflag:s20], $0x500  }
.LBB2_8:
0x121: {  	[sflag:s20] =	ssyncset.done $0x0  }
.Ltmp22:
0x122: {  	[sflag:s20] =	ssyncadd.s32 $0xFFFFFB00;
	(pc) =	sbr.rel @!p3 .LBB2_10-.Ltmp22, $4  }
0x123: {  	[bflag:$0x0] =	sbarrier.arrive $0xFFFF  }
0x124: {  	[spmem:s31] =	stream.linear.scatter [tilespmem:s29], [sflag:$0x1], $0x2800, $0x38;
	[tilespmem:$0x8FA0] =	vst v63  }
0x125: {  	_ =	swait.ge [sflag:s20], $0x2800  }
0x126: {  	s10 =	sadd.s32 $0xFFFFFFFF, s6;
	s26 =	smov.u32 s31;
	[sflag:s20] =	ssyncset.done $0x0  }
.LBB2_9:
0x127: {  	p3 =	sne.s32 s10, $0x1;
	[sflag:s20] =	ssyncadd.s32 $0xFFFFD800;
	s26 =	sadd.s32 $0x2800, s26  }
.Ltmp23:
0x128: {  	s10 =	sadd.s32 $0xFFFFFFFF, s10;
	(pc) =	sbr.rel @p3 .LBB2_9-.Ltmp23, $4  }
0x129: {  	_ = 	snop  }
0x12a: {  	[spmem:s26] =	stream.linear.scatter [tilespmem:s29], [sflag:$0x1], $0x2800, $0x38;
	[tilespmem:$0x8FA0] =	vst v63  }
0x12b: {  	_ =	swait.ge [sflag:s20], $0x2800  }
0x12c: {  	[sflag:s20] =	ssyncset.done $0x0  }
.LBB2_10:
0x12d: {  	[sflag:s20] =	ssyncadd.s32 $0xFFFFD800;
	s0 =	simm.s32 @!p1 $0x4080  }
0x12e: {  	[spmem:s8] =	stream.linear.scatter @!p1 [tilespmem:s0], [sflag:$0x1], $0x800, $0x38;
	[tilespmem:$0x8FA0] =	vst v63  }
0x12f: {  	s0 =	simm.s32 @!p1 $0x1  }
0x130: {  	_ =	swait.ge @!p1 [sflag:s0], $0x800  }
0x131: {  	[sflag:s0] =	ssyncset.done @!p1 $0x0  }
0x132: {  	[sflag:s0] =	ssyncadd.s32 @!p1 $0xFFFFF800  }
0x133: {  	[bflag:$0x0] =	sbarrier.arrive $0xFFFF  }
0x134: {  	[tilespmem:s5], [sflag:$0x1] =	stream.linear.gather [hbm4b:s13+s5], $0x80, $0x38;
	[tilespmem:$0x8FA0] =	vst v63  }
0x135: {  	_ =	swait.ge [sflag:s20], $0x80  }
.Ltmp24:
0x136: {  	[sflag:s20] =	ssyncset.done $0x0;
	(pc) =	sbr.rel @!p2 .LBB2_12-.Ltmp24, $4  }
0x137: {  	[sflag:s20] =	ssyncadd.s32 $0xFFFFFF80  }
0x138: {  	[spmem:s4] =	stream.indirect.scatter.add.f32 [tilespmem:s19], [sflag:$0x1], $0x10, s5, s19, $0xb8;
	[tilespmem:$0x8FA0] =	vst v63  }
0x139: {  	_ =	swait.ge [sflag:s20], $0x800  }
0x13a: {  	s26 =	sadd.s32 $0xFFFFFFFF, s7;
	s28 =	smov.u32 s13;
	[sflag:s20] =	ssyncset.done $0x0  }
.LBB2_11:
0x13b: {  	p2 =	sne.s32 s26, $0x1;
	[sflag:s20] =	ssyncadd.s32 $0xFFFFF800;
	s28 =	sadd.s32 $0x100, s28  }
0x13c: {  	[tilespmem:s5], [sflag:$0x1] =	stream.linear.gather [hbm4b:s28+s5], $0x80, $0x38;
	[tilespmem:$0x8FA0] =	vst v63  }
0x13d: {  	s26 =	sadd.s32 $0xFFFFFFFF, s26;
	_ =	swait.ge [sflag:s20], $0x80  }
.Ltmp25:
0x13e: {  	[sflag:s20] =	ssyncset.done $0x0;
	(pc) =	sbr.rel @p2 .LBB2_11-.Ltmp25, $4  }
0x13f: {  	[sflag:s20] =	ssyncadd.s32 $0xFFFFFF80  }
0x140: {  	[spmem:s4] =	stream.indirect.scatter.add.f32 [tilespmem:s19], [sflag:$0x1], $0x10, s5, s19, $0xb8;
	[tilespmem:$0x8FA0] =	vst v63  }
0x141: {  	_ =	swait.ge [sflag:s20], $0x800  }
0x142: {  	[sflag:s20] =	ssyncset.done $0x0  }
.LBB2_12:
0x143: {  	p2 =	seq.s32 s6, $0x1  }
.Ltmp26:
0x144: {  	[sflag:s20] =	ssyncadd.s32 $0xFFFFF800;
	(pc) =	sbr.rel @p2 .LBB2_14-.Ltmp26, $4  }
0x145: {  	[bflag:$0x0] =	sbarrier.arrive $0xFFFF  }
0x146: {  	[hbm:s14], [sflag:s24] =	dma.local [spmem:s25], $0x500  }
0x147: {  	s10 =	sadd.s32 $0x2800, s31;
	_ =	swait.ge [sflag:s20], $0x500  }
0x148: {  	s26 =	smov.u32 s14;
	s25 =	sadd.s32 $0xFFFFFFFF, s6;
	[sflag:s20] =	ssyncset.done $0x0  }
.LBB2_13:
0x149: {  	s0 =	sshrl.u32 s10, $0x3  }
0x14a: {  	[sflag:s20] =	ssyncadd.s32 $0xFFFFFB00;
	s26 =	sadd.s32 $0x500, s26;
	p2 =	seq.s32 s25, $0x1  }
0x14b: {  	[hbm:s26], [sflag:s24] =	dma.local [spmem:s0], $0x500  }
.Ltmp27:
0x14c: {  	_ = 	snop;
	(pc) =	sbr.rel @!p2 .LBB2_13-.Ltmp27, $4  }
0x14d: {  	_ = 	snop  }
0x14e: {  	s25 =	sadd.s32 $0xFFFFFFFF, s25  }
0x14f: {  	_ =	swait.ge [sflag:s20], $0x500  }
0x150: {  	s10 =	sadd.s32 $0x2800, s10;
	[sflag:s20] =	ssyncset.done $0x0  }
.Ltmp28:
0x151: {  	_ = 	snop;
	(pc) =	sbr.rel .LBB2_14-.Ltmp28, $1  }
0x152: {  	_ =	sdelay $0x3  }
.LBB2_29:
0x153: {  	_ =	sfence.sel $0x180000  }
0x154: {  	[bflag:$0x0] =	sbarrier.arrive $0xFFFF  }
0x155: {  	_ =	strace $0x90000047  }
0x156: {  	[bflag:$0x2] =	sbarrier.arrive $0xFFFF  }
0x157: {  	p0 =	sne.s32 s3, $0x0;
	s0 =	rddreg [dreg:$0x4]  }
0x158: {  	s0 =	sadd.s32 @!p0 $0x100000, s0  }
0x159: {  	[sflag:s0] =	ssyncadd.tile.s32 @!p0 $0x1;
	_ =	shalt  }
.Lfunc_end2:
_tile_overlayer_lowered:
.L_overlay_start_2:
0x15a: {  	(tag) =	ssettag $0x2  }
0x15b: {  	s0 =	rddreg [dreg:$0x0];
	s2 =	stileid.u32  }
0x15c: {  	s1 =	rddreg [dreg:$0x1];
	p0 =	sne.s32 s2, $0x0  }
0x15d: {  	s3 =	rddreg [dreg:$0x2];
	[bflag:$0x3] =	sbarrier.arrive $0xFFFF;
	s2 =	simm.s32 @!p0 $0x1C01  }
0x15e: {  	[timem:s3], [sflag:s2] =	dma.local @!p0 [hbm:s0], s1  }
0x15f: {  	s0 =	simm.s32 @!p0 $0x1  }
0x160: {  	_ =	swait.ge @!p0 [sflag:s0], s1  }
0x161: {  	s1 =	ssub.s32 @!p0 $0x0, s1;
	[sflag:s0] =	ssyncset.done @!p0 $0x0  }
0x162: {  	[sflag:s0] =	ssyncadd.s32 @!p0 s1  }
0x163: {  	[bflag:$0x3] =	sbarrier.arrive $0xFFFF  }
0x164: {  	_ =	shalt  }

</sc_bundles>
